<compile_context>
chip_gen: v7x
topology: tpu7x:2x2x1
jax: 0.10.2.dev20260603
libtpu: 0.0.44.dev20260713+nightly
codegen_flags: <defaults>
</compile_context>

<pallas_src>
import functools

import numpy as np
import jax
import jax.numpy as jnp
from jax import lax
from jax.experimental import pallas as pl
from jax.experimental.pallas import tpu as pltpu
from jax.experimental.pallas import tpu_sc as plsc

N_T = 4
N_F = 3
POOL_RATIO = 0.5

NC = 2
NS = 16
NW = NC * NS
CHUNK = 128
_IP = False


def _cdiv(a, b):
    return (a + b - 1) // b



def _sc_segsum(table, gidx, sidx, NP, CH_W, C):
    NPT = NP // NS
    mesh = plsc.VectorSubcoreMesh(core_axis_name="c", subcore_axis_name="s",
                                  num_cores=NC, num_subcores=NS)

    @functools.partial(
        pl.kernel,
        interpret=_IP,
        compiler_params=pltpu.CompilerParams(use_tc_tiling_on_sc=False),
        out_type=jax.ShapeDtypeStruct((NC, NP, C), jnp.float32),
        mesh=mesh,
        scratch_types=[
            pltpu.VMEM((CH_W, CHUNK), jnp.int32),
            pltpu.VMEM((CH_W, CHUNK), jnp.int32),
            pltpu.VMEM((CHUNK, C), jnp.float32),
            pltpu.VMEM((CHUNK, C), jnp.float32),
            pltpu.VMEM((NPT, C), jnp.float32),
            pltpu.VMEM_SHARED((NP, C), jnp.float32),
            pltpu.SemaphoreType.DMA,
            pltpu.SemaphoreType.DMA,
        ],
    )
    def kfn(table_hbm, gidx_hbm, sidx_hbm, zeros_hbm, out_hbm,
            gp, sp, rows0, rows1, obuf, acc, sem0, sem1):
        cid = lax.axis_index("c")
        sid = lax.axis_index("s")
        wid = cid * NS + sid
        pltpu.sync_copy(zeros_hbm.at[pl.ds(sid * NPT, NPT)],
                        acc.at[pl.ds(sid * NPT, NPT)])
        pltpu.sync_copy(gidx_hbm.at[wid], gp)
        pltpu.sync_copy(sidx_hbm.at[wid], sp)
        plsc.subcore_barrier()
        pltpu.async_copy(table_hbm.at[gp.at[0]], rows0, sem0)

        def body(i, carry):
            j0 = 2 * i
            j1 = 2 * i + 1
            pltpu.make_async_copy(table_hbm.at[gp.at[j0]], rows0, sem0).wait()
            pltpu.async_copy(table_hbm.at[gp.at[j1]], rows1, sem1)
            pass
            pltpu.make_async_copy(table_hbm.at[gp.at[j1]], rows1, sem1).wait()

            @pl.when(j1 + 1 < CH_W)
            def _():
                pltpu.async_copy(table_hbm.at[gp.at[j1 + 1]], rows0, sem0)

            pass
            return carry

        lax.fori_loop(0, CH_W // 2, body, 0)
        plsc.subcore_barrier()
        pltpu.sync_copy(acc.at[pl.ds(sid * NPT, NPT)], obuf)
        pltpu.sync_copy(obuf, out_hbm.at[cid, pl.ds(sid * NPT, NPT)])

    zeros = jnp.zeros((NP, C), jnp.float32)
    return kfn(table, gidx, sidx, zeros)


def _sc_degd2(scolp, growp, rcnt8, NP, CH_W):
    NPT = NP // NS
    C = 8
    mesh = plsc.VectorSubcoreMesh(core_axis_name="c", subcore_axis_name="s",
                                  num_cores=NC, num_subcores=NS)

    @functools.partial(
        pl.kernel,
        interpret=_IP,
        compiler_params=pltpu.CompilerParams(use_tc_tiling_on_sc=False),
        out_type=jax.ShapeDtypeStruct((NC, NP, C), jnp.float32),
        mesh=mesh,
        scratch_types=[
            pltpu.VMEM((CH_W, CHUNK), jnp.int32),
            pltpu.VMEM((CH_W, CHUNK), jnp.int32),
            pltpu.VMEM((CH_W, CHUNK, C), jnp.float32),
            pltpu.VMEM((CHUNK, C), jnp.float32),
            pltpu.VMEM((NPT, C), jnp.float32),
            pltpu.VMEM_SHARED((NP, C), jnp.float32),
        ],
    )
    def kfn(scolp_hbm, growp_hbm, rcnt_hbm, ones_hbm, zeros_hbm, out_hbm,
            sp, gp, rp, ones_v, obuf, acc):
        cid = lax.axis_index("c")
        sid = lax.axis_index("s")
        wid = cid * NS + sid
        pltpu.sync_copy(zeros_hbm.at[pl.ds(sid * NPT, NPT)],
                        acc.at[pl.ds(sid * NPT, NPT)])
        pltpu.sync_copy(scolp_hbm.at[wid], sp)
        pltpu.sync_copy(growp_hbm.at[wid], gp)
        pltpu.sync_copy(rcnt_hbm.at[wid], rp)
        pltpu.sync_copy(ones_hbm, ones_v)
        plsc.subcore_barrier()

        def body(j, carry):
            pltpu.sync_copy(ones_v, acc.at[sp.at[j]], add=True)
            pltpu.sync_copy(rp.at[j], acc.at[gp.at[j]], add=True)
            return carry

        lax.fori_loop(0, CH_W, body, 0)
        plsc.subcore_barrier()
        pltpu.sync_copy(acc.at[pl.ds(sid * NPT, NPT)], obuf)
        pltpu.sync_copy(obuf, out_hbm.at[cid, pl.ds(sid * NPT, NPT)])

    ones = jnp.concatenate(
        [jnp.ones((CHUNK, 1), jnp.float32),
         jnp.zeros((CHUNK, C - 1), jnp.float32)], 1)
    zeros = jnp.zeros((NP, C), jnp.float32)
    return kfn(scolp, growp, rcnt8, ones, zeros)



def _tc_call(fn, out_shape):
    return pl.pallas_call(fn, out_shape=out_shape, interpret=_IP)


def _tca(meshfield_p, W0, parts, N, NP):
    def fn(mesh_ref, w0_ref, parts_ref, h0_ref, h0s_ref, pk0_ref):
        h0 = jnp.dot(mesh_ref[...], w0_ref[...],
                     preferred_element_type=jnp.float32)
        indeg = parts_ref[0, :, 0:1] + parts_ref[1, :, 0:1]
        dinv0 = lax.rsqrt(indeg + 2.0)
        d2 = parts_ref[0, :, 1:2] + parts_ref[1, :, 1:2]
        h0_ref[...] = h0
        h0s_ref[...] = h0 * dinv0
        pk0_ref[...] = jnp.concatenate(
            [dinv0, d2, jnp.zeros((NP, 6), jnp.float32)], axis=1)

    H = W0.shape[1]
    return _tc_call(fn, [
        jax.ShapeDtypeStruct((NP, H), jnp.float32),
        jax.ShapeDtypeStruct((NP, H), jnp.float32),
        jax.ShapeDtypeStruct((NP, 8), jnp.float32),
    ])(meshfield_p, W0, parts)


def _tcc(m0p, h0, pk0, b0r, pwc, N, NP):
    def fn(m0p_ref, h0_ref, pk0_ref, b0_ref, pw_ref, x0_ref, score_ref):
        m0 = m0p_ref[0] + m0p_ref[1]
        dinv0 = pk0_ref[:, 0:1]
        h0 = h0_ref[...]
        pre = dinv0 * m0 + 2.0 * dinv0 * dinv0 * h0 + b0_ref[...]
        mask = lax.broadcasted_iota(jnp.int32, pre.shape, 0) < N
        x0 = jnp.where(mask, jnp.maximum(pre, 0.0), 0.0)
        pw = pw_ref[...]
        pwn = pw * lax.rsqrt(jnp.sum(pw * pw))
        score = jnp.tanh(jnp.dot(x0, pwn, preferred_element_type=jnp.float32))
        x0_ref[...] = x0
        score_ref[...] = score

    H = h0.shape[1]
    return _tc_call(fn, [
        jax.ShapeDtypeStruct((NP, H), jnp.float32),
        jax.ShapeDtypeStruct((NP, 1), jnp.float32),
    ])(m0p, h0, pk0, b0r, pwc)


def _tck(score2d, k):
    R = score2d.shape[0]

    def fn(s_ref, sel_ref):
        s = s_ref[...]
        sb = lax.bitcast_convert_type(s, jnp.int32)
        u = lax.bitcast_convert_type(s, jnp.uint32)
        ukey = jnp.where(sb < 0, ~u, u | jnp.uint32(0x80000000))
        T = jnp.uint32(0)
        for bit in range(31, -1, -1):
            cand = T | jnp.uint32(1 << bit)
            cnt = jnp.sum((ukey >= cand).astype(jnp.float32))
            T = jnp.where(cnt >= k, cand, T)
        n_gt = jnp.sum((ukey > T).astype(jnp.float32))
        need = jnp.float32(k) - n_gt
        tie = ukey == T
        idx = (lax.broadcasted_iota(jnp.int32, s.shape, 0) * 128
               + lax.broadcasted_iota(jnp.int32, s.shape, 1))
        X = jnp.int32(0)
        for bit in range(14, -1, -1):
            cand = X | jnp.int32(1 << bit)
            g = jnp.sum((tie & (idx < cand)).astype(jnp.float32))
            X = jnp.where(g < need, cand, X)
        sel = (ukey > T) | (tie & (idx <= X) & (need > 0))
        sel_ref[...] = sel.astype(jnp.float32)

    return _tc_call(fn, jax.ShapeDtypeStruct((R, 128), jnp.float32))(score2d)


def _tcy(x0, score, sel, W1, N, NP):
    def fn(x0_ref, sc_ref, sel_ref, w1_ref, h1n_ref, sel8_ref):
        y0 = x0_ref[...] * (sc_ref[...] * sel_ref[...])
        h1n_ref[...] = jnp.dot(y0, w1_ref[...],
                               preferred_element_type=jnp.float32)
        sel8_ref[...] = jnp.concatenate(
            [sel_ref[...], jnp.zeros((NP, 7), jnp.float32)], axis=1)

    H = W1.shape[1]
    return _tc_call(fn, [
        jax.ShapeDtypeStruct((NP, H), jnp.float32),
        jax.ShapeDtypeStruct((NP, 8), jnp.float32),
    ])(x0, score, sel, W1)


def _tcu1(sel, u1p, N, NP):
    def fn(sel_ref, u1p_ref, u18_ref):
        u1 = sel_ref[...] + u1p_ref[0, :, 0:1] + u1p_ref[1, :, 0:1]
        mask = lax.broadcasted_iota(jnp.int32, (NP, 1), 0) < N
        u1 = jnp.where(mask, u1, 0.0)
        u18_ref[...] = jnp.concatenate(
            [u1, jnp.zeros((NP, 7), jnp.float32)], axis=1)

    return _tc_call(fn, jax.ShapeDtypeStruct((NP, 8), jnp.float32))(sel, u1p)


def _tcu2(u18, u2p, pk0, sel, h1n, N, NP):
    def fn(u18_ref, u2p_ref, pk0_ref, sel_ref, h1n_ref, z_ref, pk1_ref):
        u2 = u18_ref[:, 0:1] + u2p_ref[0, :, 0:1] + u2p_ref[1, :, 0:1]
        sel = sel_ref[...]
        d2 = pk0_ref[:, 1:2]
        degp = u2 - (1.0 + d2) * sel + 2.0
        dinvp = lax.rsqrt(degp)
        z_ref[...] = sel * dinvp * h1n_ref[...]
        pk1_ref[...] = jnp.concatenate(
            [dinvp, sel, jnp.zeros((NP, 6), jnp.float32)], axis=1)

    H = h1n.shape[1]
    return _tc_call(fn, [
        jax.ShapeDtypeStruct((NP, H), jnp.float32),
        jax.ShapeDtypeStruct((NP, 8), jnp.float32),
    ])(u18, u2p, pk0, sel, h1n)


def _tcw(Z, wp, N, NP):
    def fn(z_ref, wp_ref, w_ref):
        w = z_ref[...] + wp_ref[0] + wp_ref[1]
        mask = lax.broadcasted_iota(jnp.int32, w.shape, 0) < N
        w_ref[...] = jnp.where(mask, w, 0.0)

    return _tc_call(fn, jax.ShapeDtypeStruct(Z.shape, jnp.float32))(Z, wp)


def _tcm(Wf, up, Z, pk0, N, NP):
    def fn(wf_ref, up_ref, z_ref, pk0_ref, msg_ref):
        U = wf_ref[...] + up_ref[0] + up_ref[1]
        d2 = pk0_ref[:, 1:2]
        msg_ref[...] = U - (1.0 + d2) * z_ref[...]

    return _tc_call(fn, jax.ShapeDtypeStruct(Z.shape, jnp.float32))(
        Wf, up, Z, pk0)


def _tcx(msg, pk1, h1n, x0, b1r, N, NP):
    def fn(msg_ref, pk1_ref, h1n_ref, x0_ref, b1_ref, xs_ref):
        dinvp = pk1_ref[:, 0:1]
        sel = pk1_ref[:, 1:2]
        h1n = h1n_ref[...]
        x1n = jnp.maximum(
            dinvp * msg_ref[...] + 2.0 * dinvp * dinvp * h1n + b1_ref[...],
            0.0)
        xs_ref[...] = x0_ref[...] + sel * x1n

    return _tc_call(fn, jax.ShapeDtypeStruct(msg.shape, jnp.float32))(
        msg, pk1, h1n, x0, b1r)


def _tce2(xs, W2p, pk0, N, NP):
    def fn(xs_ref, w2_ref, pk0_ref, h2_ref, h2s_ref):
        h2 = jnp.dot(xs_ref[...], w2_ref[...],
                     preferred_element_type=jnp.float32)
        h2_ref[...] = h2
        h2s_ref[...] = h2 * pk0_ref[:, 0:1]

    C2 = W2p.shape[1]
    return _tc_call(fn, [
        jax.ShapeDtypeStruct((NP, C2), jnp.float32),
        jax.ShapeDtypeStruct((NP, C2), jnp.float32),
    ])(xs, W2p, pk0)


def _tcf(m2p, h2, pk0, b2r, N, NP):
    def fn(m2p_ref, h2_ref, pk0_ref, b2_ref, out_ref):
        m2 = m2p_ref[0] + m2p_ref[1]
        dinv0 = pk0_ref[:, 0:1]
        out_ref[...] = (dinv0 * m2 + 2.0 * dinv0 * dinv0 * h2_ref[...]
                        + b2_ref[...])

    return _tc_call(fn, jax.ShapeDtypeStruct(h2.shape, jnp.float32))(
        m2p, h2, pk0, b2r)



def kernel(edge_index, meshfield, W0, b0, p_w, W1, b1, W2, b2):
    N, IN_CH = meshfield.shape
    E = edge_index.shape[1]
    HID = W0.shape[1]
    OUT_CH = W2.shape[1]
    k = int(np.ceil(POOL_RATIO * N))
    NP = _cdiv(N + 1, NS * 8) * NS * 8
    DUMMY = N
    CH_W = 2 * _cdiv(E, NW * CHUNK * 2)
    E_pad = NW * CH_W * CHUNK

    row = edge_index[0].astype(jnp.int32)
    col = edge_index[1].astype(jnp.int32)
    nz = row != col

    key = row * N + col
    BIG = jnp.int32(N * N)
    skeys = jnp.sort(jnp.where(nz, key, BIG))
    rkey = col * N + row
    lo = jnp.searchsorted(skeys, rkey, side='left')
    hi = jnp.searchsorted(skeys, rkey, side='right')
    rcount = (hi - lo).astype(jnp.float32) * nz.astype(jnp.float32)

    colm = jnp.where(nz, col, DUMMY)

    def _plane(x, fill):
        xp = jnp.concatenate(
            [x, jnp.full((E_pad - E,), fill, x.dtype)])
        return xp.reshape(NW, CH_W, CHUNK)

    growp = _plane(row, DUMMY)
    scolp = _plane(colm, DUMMY)
    rcnt8 = jnp.pad(
        jnp.concatenate([rcount, jnp.zeros((E_pad - E,), jnp.float32)])[:, None],
        ((0, 0), (1, 6))).reshape(NW, CH_W, CHUNK, 8)

    meshfield_p = jnp.pad(meshfield, ((0, NP - N), (0, 0)))
    b0r = b0[None, :]
    b1r = b1[None, :]
    W2p = jnp.pad(W2, ((0, 0), (0, 16 - OUT_CH)))
    b2r = jnp.pad(b2, (0, 16 - OUT_CH))[None, :]
    pwc = p_w[:, None]

    parts = _sc_degd2(scolp, growp, rcnt8, NP, CH_W)
    h0, h0s, pk0 = _tca(meshfield_p, W0, parts, N, NP)
    m0p = _sc_segsum(h0s, growp, scolp, NP, CH_W, HID)
    x0, score = _tcc(m0p, h0, pk0, b0r, pwc, N, NP)
    NPAD2 = _cdiv(N, 1024) * 1024
    sflat = score[:N, 0]
    s2d = jnp.concatenate(
        [sflat, jnp.full((NPAD2 - N,), -jnp.inf, jnp.float32)]).reshape(-1, 128)
    sel2d = _tck(s2d, k)
    sel = sel2d.reshape(-1)[:N][:, None]
    sel = jnp.pad(sel, ((0, NP - N), (0, 0)))
    h1n, sel8 = _tcy(x0, score, sel, W1, N, NP)
    u1p = _sc_segsum(sel8, growp, scolp, NP, CH_W, 8)
    u18 = _tcu1(sel, u1p, N, NP)
    u2p = _sc_segsum(u18, growp, scolp, NP, CH_W, 8)
    Z, pk1 = _tcu2(u18, u2p, pk0, sel, h1n, N, NP)
    wp = _sc_segsum(Z, growp, scolp, NP, CH_W, HID)
    Wf = _tcw(Z, wp, N, NP)
    up = _sc_segsum(Wf, growp, scolp, NP, CH_W, HID)
    msg = _tcm(Wf, up, Z, pk0, N, NP)
    xs = _tcx(msg, pk1, h1n, x0, b1r, N, NP)
    h2, h2s = _tce2(xs, W2p, pk0, N, NP)
    m2p = _sc_segsum(h2s, growp, scolp, NP, CH_W, 16)
    out16 = _tcf(m2p, h2, pk0, b2r, N, NP)
    return out16[:N, :OUT_CH].reshape(N, N_T, N_F)

# --- scband reference (transcript-rebuilt; emitter-appended) ---
"""Pipeline reference for scband-graph-net-21784074126004 (READ-ONLY COPY).

The authoritative reference and input builder live on the scoring server;
editing this copy changes nothing except your own understanding.
"""

import jax
import jax.numpy as jnp
import numpy as np

N_NODES = 10000
N_EDGES = 160000
IN_CH = 128
HID = 64
N_T = 4
N_F = 3
OUT_CH = N_T * N_F
POOL_RATIO = 0.5


def _spspmm_aug(edge_index_np, num_nodes):
    # GraphUNet.augment_adj: remove self loops, add self loops (weight 1), A @ A, remove self loops
    row = edge_index_np[0].astype(np.int64)
    col = edge_index_np[1].astype(np.int64)
    m = row != col
    row, col = row[m], col[m]
    w = np.ones(row.shape[0], dtype=np.float64)
    loops = np.arange(num_nodes, dtype=np.int64)
    row = np.concatenate([row, loops])
    col = np.concatenate([col, loops])
    w = np.concatenate([w, np.ones(num_nodes, dtype=np.float64)])
    order = np.lexsort((col, row))
    row, col, w = row[order], col[order], w[order]
    indptr = np.zeros(num_nodes + 1, dtype=np.int64)
    np.add.at(indptr, row + 1, 1)
    indptr = np.cumsum(indptr)
    deg = indptr[1:] - indptr[:-1]
    rep = deg[col]
    out_i = np.repeat(row, rep)
    w1 = np.repeat(w, rep)
    starts = np.repeat(indptr[col], rep)
    total = int(rep.sum())
    grp = np.concatenate([np.zeros(1, dtype=np.int64), np.cumsum(rep)[:-1]])
    offs = np.arange(total, dtype=np.int64) - np.repeat(grp, rep)
    idx2 = starts + offs
    out_j = col[idx2]
    ww = w1 * w[idx2]
    keys = out_i * num_nodes + out_j
    uk, inv = np.unique(keys, return_inverse=True)
    wsum = np.zeros(uk.shape[0], dtype=np.float64)
    np.add.at(wsum, inv, ww)
    r2 = uk // num_nodes
    c2 = uk % num_nodes
    m2 = r2 != c2
    return r2[m2], c2[m2], wsum[m2].astype(np.float32)


def _gcn_norm_const(edge_index_np, num_nodes):
    # gcn_norm with improved=True (fill 2.0) on a constant graph with unit edge weights
    row = edge_index_np[0].astype(np.int64)
    col = edge_index_np[1].astype(np.int64)
    m = row != col
    loops = np.arange(num_nodes, dtype=np.int64)
    rows = np.concatenate([row[m], loops])
    cols = np.concatenate([col[m], loops])
    ew = np.concatenate([np.ones(int(m.sum()), dtype=np.float64), 2.0 * np.ones(num_nodes, dtype=np.float64)])
    deg = np.zeros(num_nodes, dtype=np.float64)
    np.add.at(deg, cols, ew)
    dinv = np.where(deg > 0, deg ** -0.5, 0.0)
    norm = dinv[rows] * ew * dinv[cols]
    return rows, cols, norm.astype(np.float32)


def _gcn(x, W, b, rows, cols, norm, num_nodes):
    h = x @ W
    msg = norm[:, None] * h[rows]
    return jax.ops.segment_sum(msg, cols, num_segments=num_nodes) + b


def setup_inputs(seed: int = 0):
    key = jax.random.key(seed)
    ks = jax.random.split(key, 9)
    edge_index = jax.random.randint(ks[0], (2, N_EDGES), 0, N_NODES, dtype=jnp.int32)
    meshfield = jax.random.normal(ks[1], (N_NODES, IN_CH), dtype=jnp.float32)
    W0 = jax.random.normal(ks[2], (IN_CH, HID), dtype=jnp.float32) / np.sqrt(IN_CH)
    b0 = jnp.zeros((HID,), dtype=jnp.float32)
    p_w = jax.random.normal(ks[3], (HID,), dtype=jnp.float32) / np.sqrt(HID)
    W1 = jax.random.normal(ks[4], (HID, HID), dtype=jnp.float32) / np.sqrt(HID)
    b1 = jnp.zeros((HID,), dtype=jnp.float32)
    W2 = jax.random.normal(ks[5], (HID, OUT_CH), dtype=jnp.float32) / np.sqrt(HID)
    b2 = jnp.zeros((OUT_CH,), dtype=jnp.float32)
    return {'edge_index': edge_index, 'meshfield': meshfield, 'W0': W0, 'b0': b0, 'p_w': p_w, 'W1': W1, 'b1': b1, 'W2': W2, 'b2': b2}


def reference(edge_index, meshfield, W0, b0, p_w, W1, b1, W2, b2):
    N = meshfield.shape[0]
    k = int(np.ceil(POOL_RATIO * N))
    row = edge_index[0].astype(jnp.int32)
    col = edge_index[1].astype(jnp.int32)
    loops = jnp.arange(N, dtype=jnp.int32)
    nz = row != col
    # gcn_norm with improved=True (fill 2.0): self-loop input edges masked to weight 0
    rows0 = jnp.concatenate([row, loops])
    cols0 = jnp.concatenate([col, loops])
    ew0 = jnp.concatenate([jnp.where(nz, 1.0, 0.0).astype(jnp.float32),
                           jnp.full((N,), 2.0, dtype=jnp.float32)])
    deg0 = jax.ops.segment_sum(ew0, cols0, num_segments=N)
    dinv0 = jnp.where(deg0 > 0, deg0 ** -0.5, 0.0)
    norm0 = dinv0[rows0] * ew0 * dinv0[cols0]
    # augment_adj: dense (A + I) @ (A + I) with diagonal removed; all weights are
    # exact small integers so float32 accumulation at highest precision is exact
    A = jnp.zeros((N, N), dtype=jnp.float32).at[row, col].add(jnp.where(nz, 1.0, 0.0).astype(jnp.float32))
    A = A.at[loops, loops].add(1.0)
    A2 = jnp.matmul(A, A, precision=jax.lax.Precision.HIGHEST)
    A2 = A2.at[loops, loops].set(0.0)

    # down conv 0 (GCNConv improved=True) + relu
    x0 = jax.nn.relu(_gcn(meshfield, W0, b0, rows0, cols0, norm0, N))
    # TopKPooling(ratio=0.5, nonlinearity=tanh) on augmented (A+I)^2 graph
    score = jnp.tanh((x0 * p_w).sum(axis=-1) / jnp.linalg.norm(p_w))
    vals, perm = jax.lax.top_k(score, k)
    xp = x0[perm] * vals[:, None]
    # filter_adj: dense k x k submatrix of the augmented adjacency
    kidx = jnp.arange(k, dtype=jnp.int32)
    Ap = A2[perm][:, perm]
    Ap = Ap.at[kidx, kidx].set(0.0)
    # gcn_norm (improved): self loops with weight 2.0 on the pooled graph
    degp = Ap.sum(axis=0) + 2.0
    dinvp = jnp.where(degp > 0, degp ** -0.5, 0.0)
    Anorm = dinvp[:, None] * Ap * dinvp[None, :]
    Anorm = Anorm.at[kidx, kidx].add(2.0 * dinvp * dinvp)
    h1 = xp @ W1
    x1 = jax.nn.relu(Anorm.T @ h1 + b1)
    # up: unpool (scatter into zeros), sum_res residual, final GCNConv (no act)
    up = jnp.zeros_like(x0).at[perm].set(x1)
    xs = x0 + up
    out = _gcn(xs, W2, b2, rows0, cols0, norm0, N)
    return out.reshape(-1, N_T, N_F)

if __name__ == "__main__":
    import jax
    _d = setup_inputs()
    print(jax.jit(kernel)(*tuple(_d.values())))

</pallas_src>

<mosaic_0001>
#map = affine_map<(d0, d1) -> (0, 0)>
#map1 = affine_map<(d0, d1) -> (0, 0, 0)>
module attributes {stable_mosaic.version = 14 : i64} {
  func.func @kfn(%arg0: i32, %arg1: i32, %arg2: memref<10112x64xf32, #tpu.memory_space<hbm>>, %arg3: memref<32x40x128xi32, #tpu.memory_space<hbm>>, %arg4: memref<32x40x128xi32, #tpu.memory_space<hbm>>, %arg5: memref<10112x64xf32, #tpu.memory_space<hbm>>, %arg6: memref<2x10112x64xf32, #tpu.memory_space<hbm>>, %arg7: memref<40x128xi32, #tpu.memory_space<vmem>>, %arg8: memref<40x128xi32, #tpu.memory_space<vmem>>, %arg9: memref<128x64xf32, #tpu.memory_space<vmem>>, %arg10: memref<128x64xf32, #tpu.memory_space<vmem>>, %arg11: memref<632x64xf32, #tpu.memory_space<vmem>>, %arg12: memref<10112x64xf32, #tpu.memory_space<vmem_shared>>, %arg13: memref<!tpu.dma_semaphore, #tpu.memory_space<semaphore_mem>>, %arg14: memref<!tpu.dma_semaphore, #tpu.memory_space<semaphore_mem>>) attributes {dimension_semantics = [#tpu.dimension_semantics<core_parallel>, #tpu.dimension_semantics<subcore_parallel>], iteration_bounds = array<i64: 2, 16>, scalar_prefetch = 0 : i64, scratch_operands = 8 : i64, tpu.core_type = #tpu.core_type<sc_vector_subcore>, window_params = [{transform_indices = #map}, {transform_indices = #map1}, {transform_indices = #map1}, {transform_indices = #map}, {transform_indices = #map1}]} {
    %mul3A = arith.constant 16 : i32
    %mul3A_0 = arith.muli %arg0, %mul3A : i32
    %add3A = arith.addi %mul3A_0, %arg1 : i32
    %mul3A_1 = arith.constant 632 : i32
    %mul3A_2 = arith.muli %arg1, %mul3A_1 : i32
    %mul3A_3 = arith.constant 632 : i32
    %mul3A_4 = arith.muli %arg1, %mul3A_3 : i32
    "tpu.region"() ({
      %run_scoped3A = tpu.sem_alloc : memref<!tpu.dma_semaphore, #tpu.memory_space<semaphore_mem>>
      %dma_start3A_21 = arith.constant 0 : i32
      %dma_start3A_22 = tpu.memref_slice %arg12[%mul3A_4, %dma_start3A_21] : memref<10112x64xf32, #tpu.memory_space<vmem_shared>> -> memref<632x64xf32, #tpu.memory_space<vmem_shared>>
      %dma_start3A_23 = arith.constant 0 : i32
      %dma_start3A_24 = tpu.memref_slice %arg5[%mul3A_2, %dma_start3A_23] : memref<10112x64xf32, #tpu.memory_space<hbm>> -> memref<632x64xf32, #tpu.memory_space<hbm>>
      tpu.enqueue_dma source(%dma_start3A_24 : memref<632x64xf32, #tpu.memory_space<hbm>>) target(%dma_start3A_22 : memref<632x64xf32, #tpu.memory_space<vmem_shared>>) target_semaphore(%run_scoped3A : memref<!tpu.dma_semaphore, #tpu.memory_space<semaphore_mem>>)
      %dma_wait3A = arith.constant 0 : i32
      %dma_wait3A_25 = tpu.memref_slice %arg12[%mul3A_4, %dma_wait3A] : memref<10112x64xf32, #tpu.memory_space<vmem_shared>> -> memref<632x64xf32, #tpu.memory_space<vmem_shared>>
      %dma_wait3A_26 = arith.constant 0 : i32
      %dma_wait3A_27 = tpu.memref_slice %arg5[%mul3A_2, %dma_wait3A_26] : memref<10112x64xf32, #tpu.memory_space<hbm>> -> memref<632x64xf32, #tpu.memory_space<hbm>>
      tpu.wait_dma2 semaphore(%run_scoped3A : memref<!tpu.dma_semaphore, #tpu.memory_space<semaphore_mem>>) src(%dma_wait3A_27 : memref<632x64xf32, #tpu.memory_space<hbm>>) dst(%dma_wait3A_25 : memref<632x64xf32, #tpu.memory_space<vmem_shared>>)
      tpu.yield
    }) : () -> ()
    "tpu.region"() ({
      %run_scoped3A = tpu.sem_alloc : memref<!tpu.dma_semaphore, #tpu.memory_space<semaphore_mem>>
      %dma_start3A_21 = arith.constant 0 : i32
      %dma_start3A_22 = arith.constant 0 : i32
      %dma_start3A_23 = tpu.memref_slice %arg3[%add3A, %dma_start3A_21, %dma_start3A_22] : memref<32x40x128xi32, #tpu.memory_space<hbm>> -> memref<1x40x128xi32, #tpu.memory_space<hbm>>
      %dma_start3A_24 = tpu.memref_squeeze %dma_start3A_23 : memref<1x40x128xi32, #tpu.memory_space<hbm>> -> memref<40x128xi32, #tpu.memory_space<hbm>>
      %dma_start3A_25 = arith.constant 0 : i32
      %dma_start3A_26 = arith.constant 0 : i32
      %dma_start3A_27 = tpu.memref_slice %arg3[%add3A, %dma_start3A_25, %dma_start3A_26] : memref<32x40x128xi32, #tpu.memory_space<hbm>> -> memref<1x40x128xi32, #tpu.memory_space<hbm>>
      %dma_start3A_28 = tpu.memref_squeeze %dma_start3A_27 : memref<1x40x128xi32, #tpu.memory_space<hbm>> -> memref<40x128xi32, #tpu.memory_space<hbm>>
      tpu.enqueue_dma source(%dma_start3A_28 : memref<40x128xi32, #tpu.memory_space<hbm>>) target(%arg7 : memref<40x128xi32, #tpu.memory_space<vmem>>) target_semaphore(%run_scoped3A : memref<!tpu.dma_semaphore, #tpu.memory_space<semaphore_mem>>)
      %dma_wait3A = arith.constant 0 : i32
      %dma_wait3A_29 = arith.constant 0 : i32
      %dma_wait3A_30 = tpu.memref_slice %arg3[%add3A, %dma_wait3A, %dma_wait3A_29] : memref<32x40x128xi32, #tpu.memory_space<hbm>> -> memref<1x40x128xi32, #tpu.memory_space<hbm>>
      %dma_wait3A_31 = tpu.memref_squeeze %dma_wait3A_30 : memref<1x40x128xi32, #tpu.memory_space<hbm>> -> memref<40x128xi32, #tpu.memory_space<hbm>>
      %dma_wait3A_32 = arith.constant 0 : i32
      %dma_wait3A_33 = arith.constant 0 : i32
      %dma_wait3A_34 = tpu.memref_slice %arg3[%add3A, %dma_wait3A_32, %dma_wait3A_33] : memref<32x40x128xi32, #tpu.memory_space<hbm>> -> memref<1x40x128xi32, #tpu.memory_space<hbm>>
      %dma_wait3A_35 = tpu.memref_squeeze %dma_wait3A_34 : memref<1x40x128xi32, #tpu.memory_space<hbm>> -> memref<40x128xi32, #tpu.memory_space<hbm>>
      tpu.wait_dma2 semaphore(%run_scoped3A : memref<!tpu.dma_semaphore, #tpu.memory_space<semaphore_mem>>) src(%dma_wait3A_35 : memref<40x128xi32, #tpu.memory_space<hbm>>) dst(%arg7 : memref<40x128xi32, #tpu.memory_space<vmem>>)
      tpu.yield
    }) : () -> ()
    "tpu.region"() ({
      %run_scoped3A = tpu.sem_alloc : memref<!tpu.dma_semaphore, #tpu.memory_space<semaphore_mem>>
      %dma_start3A_21 = arith.constant 0 : i32
      %dma_start3A_22 = arith.constant 0 : i32
      %dma_start3A_23 = tpu.memref_slice %arg4[%add3A, %dma_start3A_21, %dma_start3A_22] : memref<32x40x128xi32, #tpu.memory_space<hbm>> -> memref<1x40x128xi32, #tpu.memory_space<hbm>>
      %dma_start3A_24 = tpu.memref_squeeze %dma_start3A_23 : memref<1x40x128xi32, #tpu.memory_space<hbm>> -> memref<40x128xi32, #tpu.memory_space<hbm>>
      %dma_start3A_25 = arith.constant 0 : i32
      %dma_start3A_26 = arith.constant 0 : i32
      %dma_start3A_27 = tpu.memref_slice %arg4[%add3A, %dma_start3A_25, %dma_start3A_26] : memref<32x40x128xi32, #tpu.memory_space<hbm>> -> memref<1x40x128xi32, #tpu.memory_space<hbm>>
      %dma_start3A_28 = tpu.memref_squeeze %dma_start3A_27 : memref<1x40x128xi32, #tpu.memory_space<hbm>> -> memref<40x128xi32, #tpu.memory_space<hbm>>
      tpu.enqueue_dma source(%dma_start3A_28 : memref<40x128xi32, #tpu.memory_space<hbm>>) target(%arg8 : memref<40x128xi32, #tpu.memory_space<vmem>>) target_semaphore(%run_scoped3A : memref<!tpu.dma_semaphore, #tpu.memory_space<semaphore_mem>>)
      %dma_wait3A = arith.constant 0 : i32
      %dma_wait3A_29 = arith.constant 0 : i32
      %dma_wait3A_30 = tpu.memref_slice %arg4[%add3A, %dma_wait3A, %dma_wait3A_29] : memref<32x40x128xi32, #tpu.memory_space<hbm>> -> memref<1x40x128xi32, #tpu.memory_space<hbm>>
      %dma_wait3A_31 = tpu.memref_squeeze %dma_wait3A_30 : memref<1x40x128xi32, #tpu.memory_space<hbm>> -> memref<40x128xi32, #tpu.memory_space<hbm>>
      %dma_wait3A_32 = arith.constant 0 : i32
      %dma_wait3A_33 = arith.constant 0 : i32
      %dma_wait3A_34 = tpu.memref_slice %arg4[%add3A, %dma_wait3A_32, %dma_wait3A_33] : memref<32x40x128xi32, #tpu.memory_space<hbm>> -> memref<1x40x128xi32, #tpu.memory_space<hbm>>
      %dma_wait3A_35 = tpu.memref_squeeze %dma_wait3A_34 : memref<1x40x128xi32, #tpu.memory_space<hbm>> -> memref<40x128xi32, #tpu.memory_space<hbm>>
      tpu.wait_dma2 semaphore(%run_scoped3A : memref<!tpu.dma_semaphore, #tpu.memory_space<semaphore_mem>>) src(%dma_wait3A_35 : memref<40x128xi32, #tpu.memory_space<hbm>>) dst(%arg8 : memref<40x128xi32, #tpu.memory_space<vmem>>)
      tpu.yield
    }) : () -> ()
    %barrier3A = arith.constant 0 : index
    tpu.barrier barrier_id(%barrier3A)
    %dma_start3A = arith.constant 0 : i32
    %dma_start3A_5 = arith.constant 0 : i32
    %dma_start3A_6 = tpu.memref_slice %arg7[%dma_start3A, %dma_start3A_5] : memref<40x128xi32, #tpu.memory_space<vmem>> -> memref<1x128xi32, #tpu.memory_space<vmem>>
    %dma_start3A_7 = tpu.memref_squeeze %dma_start3A_6 : memref<1x128xi32, #tpu.memory_space<vmem>> -> memref<128xi32, #tpu.memory_space<vmem>>
    %dma_start3A_8 = arith.constant 0 : i32
    %dma_start3A_9 = arith.constant 0 : i32
    %dma_start3A_10 = tpu.memref_slice %arg2[%dma_start3A_8, %dma_start3A_9] : memref<10112x64xf32, #tpu.memory_space<hbm>> -> memref<10112x64xf32, #tpu.memory_space<hbm>>
    tpu.enqueue_indirect_dma source(%dma_start3A_10 : memref<10112x64xf32, #tpu.memory_space<hbm>>) target(%arg9 : memref<128x64xf32, #tpu.memory_space<vmem>>) offsets(%dma_start3A_7 : memref<128xi32, #tpu.memory_space<vmem>>) semaphore(%arg13 : memref<!tpu.dma_semaphore, #tpu.memory_space<semaphore_mem>>)
    %scan3A = arith.constant 0 : i32
    %scan3A_11 = arith.constant 0 : i32
    %scan3A_12 = arith.constant 20 : i32
    %scan3A_13 = arith.addi %scan3A_11, %scan3A_12 : i32
    %scan3A_14 = arith.constant 1 : i32
    scf.for %scan3A_21 = %scan3A_11 to %scan3A_13 step %scan3A_14  : i32 {
      %mul3A_22 = arith.constant 2 : i32
      %mul3A_23 = arith.muli %mul3A_22, %scan3A_21 : i32
      %mul3A_24 = arith.constant 2 : i32
      %mul3A_25 = arith.muli %mul3A_24, %scan3A_21 : i32
      %add3A_26 = arith.constant 1 : i32
      %add3A_27 = arith.addi %mul3A_25, %add3A_26 : i32
      %dma_wait3A = arith.constant 0 : i32
      %dma_wait3A_28 = tpu.memref_slice %arg7[%mul3A_23, %dma_wait3A] : memref<40x128xi32, #tpu.memory_space<vmem>> -> memref<1x128xi32, #tpu.memory_space<vmem>>
      %dma_wait3A_29 = tpu.memref_squeeze %dma_wait3A_28 : memref<1x128xi32, #tpu.memory_space<vmem>> -> memref<128xi32, #tpu.memory_space<vmem>>
      %dma_wait3A_30 = arith.constant 0 : i32
      %dma_wait3A_31 = arith.constant 0 : i32
      %dma_wait3A_32 = tpu.memref_slice %arg2[%dma_wait3A_30, %dma_wait3A_31] : memref<10112x64xf32, #tpu.memory_space<hbm>> -> memref<10112x64xf32, #tpu.memory_space<hbm>>
      tpu.wait_indirect_dma semaphore(%arg13 : memref<!tpu.dma_semaphore, #tpu.memory_space<semaphore_mem>>) src(%dma_wait3A_32 : memref<10112x64xf32, #tpu.memory_space<hbm>>) dst(%arg9 : memref<128x64xf32, #tpu.memory_space<vmem>>)
      %dma_start3A_33 = arith.constant 0 : i32
      %dma_start3A_34 = tpu.memref_slice %arg7[%add3A_27, %dma_start3A_33] : memref<40x128xi32, #tpu.memory_space<vmem>> -> memref<1x128xi32, #tpu.memory_space<vmem>>
      %dma_start3A_35 = tpu.memref_squeeze %dma_start3A_34 : memref<1x128xi32, #tpu.memory_space<vmem>> -> memref<128xi32, #tpu.memory_space<vmem>>
      %dma_start3A_36 = arith.constant 0 : i32
      %dma_start3A_37 = arith.constant 0 : i32
      %dma_start3A_38 = tpu.memref_slice %arg2[%dma_start3A_36, %dma_start3A_37] : memref<10112x64xf32, #tpu.memory_space<hbm>> -> memref<10112x64xf32, #tpu.memory_space<hbm>>
      tpu.enqueue_indirect_dma source(%dma_start3A_38 : memref<10112x64xf32, #tpu.memory_space<hbm>>) target(%arg10 : memref<128x64xf32, #tpu.memory_space<vmem>>) offsets(%dma_start3A_35 : memref<128xi32, #tpu.memory_space<vmem>>) semaphore(%arg14 : memref<!tpu.dma_semaphore, #tpu.memory_space<semaphore_mem>>)
      %dma_wait3A_39 = arith.constant 0 : i32
      %dma_wait3A_40 = tpu.memref_slice %arg7[%add3A_27, %dma_wait3A_39] : memref<40x128xi32, #tpu.memory_space<vmem>> -> memref<1x128xi32, #tpu.memory_space<vmem>>
      %dma_wait3A_41 = tpu.memref_squeeze %dma_wait3A_40 : memref<1x128xi32, #tpu.memory_space<vmem>> -> memref<128xi32, #tpu.memory_space<vmem>>
      %dma_wait3A_42 = arith.constant 0 : i32
      %dma_wait3A_43 = arith.constant 0 : i32
      %dma_wait3A_44 = tpu.memref_slice %arg2[%dma_wait3A_42, %dma_wait3A_43] : memref<10112x64xf32, #tpu.memory_space<hbm>> -> memref<10112x64xf32, #tpu.memory_space<hbm>>
      tpu.wait_indirect_dma semaphore(%arg14 : memref<!tpu.dma_semaphore, #tpu.memory_space<semaphore_mem>>) src(%dma_wait3A_44 : memref<10112x64xf32, #tpu.memory_space<hbm>>) dst(%arg10 : memref<128x64xf32, #tpu.memory_space<vmem>>)
      %add3A_45 = arith.constant 1 : i32
      %add3A_46 = arith.addi %add3A_27, %add3A_45 : i32
      %lt3A = arith.constant 40 : i32
      %lt3A_47 = arith.cmpi slt, %add3A_46, %lt3A : i32
      %convert_element_type3A = arith.extui %lt3A_47 : i1 to i32
      %cond3A = arith.constant 0 : i32
      %cond3A_48 = arith.cmpi ne, %convert_element_type3A, %cond3A : i32
      scf.if %cond3A_48 {
        %add3A_49 = arith.constant 1 : i32
        %add3A_50 = arith.addi %add3A_27, %add3A_49 : i32
        %dma_start3A_51 = arith.constant 0 : i32
        %dma_start3A_52 = tpu.memref_slice %arg7[%add3A_50, %dma_start3A_51] : memref<40x128xi32, #tpu.memory_space<vmem>> -> memref<1x128xi32, #tpu.memory_space<vmem>>
        %dma_start3A_53 = tpu.memref_squeeze %dma_start3A_52 : memref<1x128xi32, #tpu.memory_space<vmem>> -> memref<128xi32, #tpu.memory_space<vmem>>
        %dma_start3A_54 = arith.constant 0 : i32
        %dma_start3A_55 = arith.constant 0 : i32
        %dma_start3A_56 = tpu.memref_slice %arg2[%dma_start3A_54, %dma_start3A_55] : memref<10112x64xf32, #tpu.memory_space<hbm>> -> memref<10112x64xf32, #tpu.memory_space<hbm>>
        tpu.enqueue_indirect_dma source(%dma_start3A_56 : memref<10112x64xf32, #tpu.memory_space<hbm>>) target(%arg9 : memref<128x64xf32, #tpu.memory_space<vmem>>) offsets(%dma_start3A_53 : memref<128xi32, #tpu.memory_space<vmem>>) semaphore(%arg13 : memref<!tpu.dma_semaphore, #tpu.memory_space<semaphore_mem>>)
      } else {
      }
    }
    %scan3A_15 = arith.constant 20 : i32
    %barrier3A_16 = arith.constant 0 : index
    tpu.barrier barrier_id(%barrier3A_16)
    %mul3A_17 = arith.constant 632 : i32
    %mul3A_18 = arith.muli %arg1, %mul3A_17 : i32
    "tpu.region"() ({
      %run_scoped3A = tpu.sem_alloc : memref<!tpu.dma_semaphore, #tpu.memory_space<semaphore_mem>>
      %dma_start3A_21 = arith.constant 0 : i32
      %dma_start3A_22 = tpu.memref_slice %arg12[%mul3A_18, %dma_start3A_21] : memref<10112x64xf32, #tpu.memory_space<vmem_shared>> -> memref<632x64xf32, #tpu.memory_space<vmem_shared>>
      %dma_start3A_23 = arith.constant 0 : i32
      %dma_start3A_24 = tpu.memref_slice %arg12[%mul3A_18, %dma_start3A_23] : memref<10112x64xf32, #tpu.memory_space<vmem_shared>> -> memref<632x64xf32, #tpu.memory_space<vmem_shared>>
      tpu.enqueue_dma source(%dma_start3A_24 : memref<632x64xf32, #tpu.memory_space<vmem_shared>>) target(%arg11 : memref<632x64xf32, #tpu.memory_space<vmem>>) target_semaphore(%run_scoped3A : memref<!tpu.dma_semaphore, #tpu.memory_space<semaphore_mem>>)
      %dma_wait3A = arith.constant 0 : i32
      %dma_wait3A_25 = tpu.memref_slice %arg12[%mul3A_18, %dma_wait3A] : memref<10112x64xf32, #tpu.memory_space<vmem_shared>> -> memref<632x64xf32, #tpu.memory_space<vmem_shared>>
      %dma_wait3A_26 = arith.constant 0 : i32
      %dma_wait3A_27 = tpu.memref_slice %arg12[%mul3A_18, %dma_wait3A_26] : memref<10112x64xf32, #tpu.memory_space<vmem_shared>> -> memref<632x64xf32, #tpu.memory_space<vmem_shared>>
      tpu.wait_dma2 semaphore(%run_scoped3A : memref<!tpu.dma_semaphore, #tpu.memory_space<semaphore_mem>>) src(%dma_wait3A_27 : memref<632x64xf32, #tpu.memory_space<vmem_shared>>) dst(%arg11 : memref<632x64xf32, #tpu.memory_space<vmem>>)
      tpu.yield
    }) : () -> ()
    %mul3A_19 = arith.constant 632 : i32
    %mul3A_20 = arith.muli %arg1, %mul3A_19 : i32
    "tpu.region"() ({
      %run_scoped3A = tpu.sem_alloc : memref<!tpu.dma_semaphore, #tpu.memory_space<semaphore_mem>>
      %dma_start3A_21 = arith.constant 0 : i32
      %dma_start3A_22 = tpu.memref_slice %arg6[%arg0, %mul3A_20, %dma_start3A_21] : memref<2x10112x64xf32, #tpu.memory_space<hbm>> -> memref<1x632x64xf32, #tpu.memory_space<hbm>>
      %dma_start3A_23 = tpu.memref_squeeze %dma_start3A_22 : memref<1x632x64xf32, #tpu.memory_space<hbm>> -> memref<632x64xf32, #tpu.memory_space<hbm>>
      %dma_start3A_24 = arith.constant 0 : i32
      %dma_start3A_25 = tpu.memref_slice %arg6[%arg0, %mul3A_20, %dma_start3A_24] : memref<2x10112x64xf32, #tpu.memory_space<hbm>> -> memref<1x632x64xf32, #tpu.memory_space<hbm>>
      %dma_start3A_26 = tpu.memref_squeeze %dma_start3A_25 : memref<1x632x64xf32, #tpu.memory_space<hbm>> -> memref<632x64xf32, #tpu.memory_space<hbm>>
      tpu.enqueue_dma source(%arg11 : memref<632x64xf32, #tpu.memory_space<vmem>>) target(%dma_start3A_26 : memref<632x64xf32, #tpu.memory_space<hbm>>) target_semaphore(%run_scoped3A : memref<!tpu.dma_semaphore, #tpu.memory_space<semaphore_mem>>)
      %dma_wait3A = arith.constant 0 : i32
      %dma_wait3A_27 = tpu.memref_slice %arg6[%arg0, %mul3A_20, %dma_wait3A] : memref<2x10112x64xf32, #tpu.memory_space<hbm>> -> memref<1x632x64xf32, #tpu.memory_space<hbm>>
      %dma_wait3A_28 = tpu.memref_squeeze %dma_wait3A_27 : memref<1x632x64xf32, #tpu.memory_space<hbm>> -> memref<632x64xf32, #tpu.memory_space<hbm>>
      %dma_wait3A_29 = arith.constant 0 : i32
      %dma_wait3A_30 = tpu.memref_slice %arg6[%arg0, %mul3A_20, %dma_wait3A_29] : memref<2x10112x64xf32, #tpu.memory_space<hbm>> -> memref<1x632x64xf32, #tpu.memory_space<hbm>>
      %dma_wait3A_31 = tpu.memref_squeeze %dma_wait3A_30 : memref<1x632x64xf32, #tpu.memory_space<hbm>> -> memref<632x64xf32, #tpu.memory_space<hbm>>
      tpu.wait_dma2 semaphore(%run_scoped3A : memref<!tpu.dma_semaphore, #tpu.memory_space<semaphore_mem>>) src(%arg11 : memref<632x64xf32, #tpu.memory_space<vmem>>) dst(%dma_wait3A_31 : memref<632x64xf32, #tpu.memory_space<hbm>>)
      tpu.yield
    }) : () -> ()
    return
  }
}

#map = affine_map<(d0, d1) -> (0, 0)>
#map1 = affine_map<(d0, d1) -> (0, 0, 0)>
module attributes {stable_mosaic.version = 14 : i64} {
  func.func @kfn(%arg0: i32, %arg1: i32, %arg2: memref<10112x8xf32, #tpu.memory_space<hbm>>, %arg3: memref<32x40x128xi32, #tpu.memory_space<hbm>>, %arg4: memref<32x40x128xi32, #tpu.memory_space<hbm>>, %arg5: memref<10112x8xf32, #tpu.memory_space<hbm>>, %arg6: memref<2x10112x8xf32, #tpu.memory_space<hbm>>, %arg7: memref<40x128xi32, #tpu.memory_space<vmem>>, %arg8: memref<40x128xi32, #tpu.memory_space<vmem>>, %arg9: memref<128x8xf32, #tpu.memory_space<vmem>>, %arg10: memref<128x8xf32, #tpu.memory_space<vmem>>, %arg11: memref<632x8xf32, #tpu.memory_space<vmem>>, %arg12: memref<10112x8xf32, #tpu.memory_space<vmem_shared>>, %arg13: memref<!tpu.dma_semaphore, #tpu.memory_space<semaphore_mem>>, %arg14: memref<!tpu.dma_semaphore, #tpu.memory_space<semaphore_mem>>) attributes {dimension_semantics = [#tpu.dimension_semantics<core_parallel>, #tpu.dimension_semantics<subcore_parallel>], iteration_bounds = array<i64: 2, 16>, scalar_prefetch = 0 : i64, scratch_operands = 8 : i64, tpu.core_type = #tpu.core_type<sc_vector_subcore>, window_params = [{transform_indices = #map}, {transform_indices = #map1}, {transform_indices = #map1}, {transform_indices = #map}, {transform_indices = #map1}]} {
    %mul3A = arith.constant 16 : i32
    %mul3A_0 = arith.muli %arg0, %mul3A : i32
    %add3A = arith.addi %mul3A_0, %arg1 : i32
    %mul3A_1 = arith.constant 632 : i32
    %mul3A_2 = arith.muli %arg1, %mul3A_1 : i32
    %mul3A_3 = arith.constant 632 : i32
    %mul3A_4 = arith.muli %arg1, %mul3A_3 : i32
    "tpu.region"() ({
      %run_scoped3A = tpu.sem_alloc : memref<!tpu.dma_semaphore, #tpu.memory_space<semaphore_mem>>
      %dma_start3A_21 = arith.constant 0 : i32
      %dma_start3A_22 = tpu.memref_slice %arg12[%mul3A_4, %dma_start3A_21] : memref<10112x8xf32, #tpu.memory_space<vmem_shared>> -> memref<632x8xf32, #tpu.memory_space<vmem_shared>>
      %dma_start3A_23 = arith.constant 0 : i32
      %dma_start3A_24 = tpu.memref_slice %arg5[%mul3A_2, %dma_start3A_23] : memref<10112x8xf32, #tpu.memory_space<hbm>> -> memref<632x8xf32, #tpu.memory_space<hbm>>
      tpu.enqueue_dma source(%dma_start3A_24 : memref<632x8xf32, #tpu.memory_space<hbm>>) target(%dma_start3A_22 : memref<632x8xf32, #tpu.memory_space<vmem_shared>>) target_semaphore(%run_scoped3A : memref<!tpu.dma_semaphore, #tpu.memory_space<semaphore_mem>>)
      %dma_wait3A = arith.constant 0 : i32
      %dma_wait3A_25 = tpu.memref_slice %arg12[%mul3A_4, %dma_wait3A] : memref<10112x8xf32, #tpu.memory_space<vmem_shared>> -> memref<632x8xf32, #tpu.memory_space<vmem_shared>>
      %dma_wait3A_26 = arith.constant 0 : i32
      %dma_wait3A_27 = tpu.memref_slice %arg5[%mul3A_2, %dma_wait3A_26] : memref<10112x8xf32, #tpu.memory_space<hbm>> -> memref<632x8xf32, #tpu.memory_space<hbm>>
      tpu.wait_dma2 semaphore(%run_scoped3A : memref<!tpu.dma_semaphore, #tpu.memory_space<semaphore_mem>>) src(%dma_wait3A_27 : memref<632x8xf32, #tpu.memory_space<hbm>>) dst(%dma_wait3A_25 : memref<632x8xf32, #tpu.memory_space<vmem_shared>>)
      tpu.yield
    }) : () -> ()
    "tpu.region"() ({
      %run_scoped3A = tpu.sem_alloc : memref<!tpu.dma_semaphore, #tpu.memory_space<semaphore_mem>>
      %dma_start3A_21 = arith.constant 0 : i32
      %dma_start3A_22 = arith.constant 0 : i32
      %dma_start3A_23 = tpu.memref_slice %arg3[%add3A, %dma_start3A_21, %dma_start3A_22] : memref<32x40x128xi32, #tpu.memory_space<hbm>> -> memref<1x40x128xi32, #tpu.memory_space<hbm>>
      %dma_start3A_24 = tpu.memref_squeeze %dma_start3A_23 : memref<1x40x128xi32, #tpu.memory_space<hbm>> -> memref<40x128xi32, #tpu.memory_space<hbm>>
      %dma_start3A_25 = arith.constant 0 : i32
      %dma_start3A_26 = arith.constant 0 : i32
      %dma_start3A_27 = tpu.memref_slice %arg3[%add3A, %dma_start3A_25, %dma_start3A_26] : memref<32x40x128xi32, #tpu.memory_space<hbm>> -> memref<1x40x128xi32, #tpu.memory_space<hbm>>
      %dma_start3A_28 = tpu.memref_squeeze %dma_start3A_27 : memref<1x40x128xi32, #tpu.memory_space<hbm>> -> memref<40x128xi32, #tpu.memory_space<hbm>>
      tpu.enqueue_dma source(%dma_start3A_28 : memref<40x128xi32, #tpu.memory_space<hbm>>) target(%arg7 : memref<40x128xi32, #tpu.memory_space<vmem>>) target_semaphore(%run_scoped3A : memref<!tpu.dma_semaphore, #tpu.memory_space<semaphore_mem>>)
      %dma_wait3A = arith.constant 0 : i32
      %dma_wait3A_29 = arith.constant 0 : i32
      %dma_wait3A_30 = tpu.memref_slice %arg3[%add3A, %dma_wait3A, %dma_wait3A_29] : memref<32x40x128xi32, #tpu.memory_space<hbm>> -> memref<1x40x128xi32, #tpu.memory_space<hbm>>
      %dma_wait3A_31 = tpu.memref_squeeze %dma_wait3A_30 : memref<1x40x128xi32, #tpu.memory_space<hbm>> -> memref<40x128xi32, #tpu.memory_space<hbm>>
      %dma_wait3A_32 = arith.constant 0 : i32
      %dma_wait3A_33 = arith.constant 0 : i32
      %dma_wait3A_34 = tpu.memref_slice %arg3[%add3A, %dma_wait3A_32, %dma_wait3A_33] : memref<32x40x128xi32, #tpu.memory_space<hbm>> -> memref<1x40x128xi32, #tpu.memory_space<hbm>>
      %dma_wait3A_35 = tpu.memref_squeeze %dma_wait3A_34 : memref<1x40x128xi32, #tpu.memory_space<hbm>> -> memref<40x128xi32, #tpu.memory_space<hbm>>
      tpu.wait_dma2 semaphore(%run_scoped3A : memref<!tpu.dma_semaphore, #tpu.memory_space<semaphore_mem>>) src(%dma_wait3A_35 : memref<40x128xi32, #tpu.memory_space<hbm>>) dst(%arg7 : memref<40x128xi32, #tpu.memory_space<vmem>>)
      tpu.yield
    }) : () -> ()
    "tpu.region"() ({
      %run_scoped3A = tpu.sem_alloc : memref<!tpu.dma_semaphore, #tpu.memory_space<semaphore_mem>>
      %dma_start3A_21 = arith.constant 0 : i32
      %dma_start3A_22 = arith.constant 0 : i32
      %dma_start3A_23 = tpu.memref_slice %arg4[%add3A, %dma_start3A_21, %dma_start3A_22] : memref<32x40x128xi32, #tpu.memory_space<hbm>> -> memref<1x40x128xi32, #tpu.memory_space<hbm>>
      %dma_start3A_24 = tpu.memref_squeeze %dma_start3A_23 : memref<1x40x128xi32, #tpu.memory_space<hbm>> -> memref<40x128xi32, #tpu.memory_space<hbm>>
      %dma_start3A_25 = arith.constant 0 : i32
      %dma_start3A_26 = arith.constant 0 : i32
      %dma_start3A_27 = tpu.memref_slice %arg4[%add3A, %dma_start3A_25, %dma_start3A_26] : memref<32x40x128xi32, #tpu.memory_space<hbm>> -> memref<1x40x128xi32, #tpu.memory_space<hbm>>
      %dma_start3A_28 = tpu.memref_squeeze %dma_start3A_27 : memref<1x40x128xi32, #tpu.memory_space<hbm>> -> memref<40x128xi32, #tpu.memory_space<hbm>>
      tpu.enqueue_dma source(%dma_start3A_28 : memref<40x128xi32, #tpu.memory_space<hbm>>) target(%arg8 : memref<40x128xi32, #tpu.memory_space<vmem>>) target_semaphore(%run_scoped3A : memref<!tpu.dma_semaphore, #tpu.memory_space<semaphore_mem>>)
      %dma_wait3A = arith.constant 0 : i32
      %dma_wait3A_29 = arith.constant 0 : i32
      %dma_wait3A_30 = tpu.memref_slice %arg4[%add3A, %dma_wait3A, %dma_wait3A_29] : memref<32x40x128xi32, #tpu.memory_space<hbm>> -> memref<1x40x128xi32, #tpu.memory_space<hbm>>
      %dma_wait3A_31 = tpu.memref_squeeze %dma_wait3A_30 : memref<1x40x128xi32, #tpu.memory_space<hbm>> -> memref<40x128xi32, #tpu.memory_space<hbm>>
      %dma_wait3A_32 = arith.constant 0 : i32
      %dma_wait3A_33 = arith.constant 0 : i32
      %dma_wait3A_34 = tpu.memref_slice %arg4[%add3A, %dma_wait3A_32, %dma_wait3A_33] : memref<32x40x128xi32, #tpu.memory_space<hbm>> -> memref<1x40x128xi32, #tpu.memory_space<hbm>>
      %dma_wait3A_35 = tpu.memref_squeeze %dma_wait3A_34 : memref<1x40x128xi32, #tpu.memory_space<hbm>> -> memref<40x128xi32, #tpu.memory_space<hbm>>
      tpu.wait_dma2 semaphore(%run_scoped3A : memref<!tpu.dma_semaphore, #tpu.memory_space<semaphore_mem>>) src(%dma_wait3A_35 : memref<40x128xi32, #tpu.memory_space<hbm>>) dst(%arg8 : memref<40x128xi32, #tpu.memory_space<vmem>>)
      tpu.yield
    }) : () -> ()
    %barrier3A = arith.constant 0 : index
    tpu.barrier barrier_id(%barrier3A)
    %dma_start3A = arith.constant 0 : i32
    %dma_start3A_5 = arith.constant 0 : i32
    %dma_start3A_6 = tpu.memref_slice %arg7[%dma_start3A, %dma_start3A_5] : memref<40x128xi32, #tpu.memory_space<vmem>> -> memref<1x128xi32, #tpu.memory_space<vmem>>
    %dma_start3A_7 = tpu.memref_squeeze %dma_start3A_6 : memref<1x128xi32, #tpu.memory_space<vmem>> -> memref<128xi32, #tpu.memory_space<vmem>>
    %dma_start3A_8 = arith.constant 0 : i32
    %dma_start3A_9 = arith.constant 0 : i32
    %dma_start3A_10 = tpu.memref_slice %arg2[%dma_start3A_8, %dma_start3A_9] : memref<10112x8xf32, #tpu.memory_space<hbm>> -> memref<10112x8xf32, #tpu.memory_space<hbm>>
    tpu.enqueue_indirect_dma source(%dma_start3A_10 : memref<10112x8xf32, #tpu.memory_space<hbm>>) target(%arg9 : memref<128x8xf32, #tpu.memory_space<vmem>>) offsets(%dma_start3A_7 : memref<128xi32, #tpu.memory_space<vmem>>) semaphore(%arg13 : memref<!tpu.dma_semaphore, #tpu.memory_space<semaphore_mem>>)
    %scan3A = arith.constant 0 : i32
    %scan3A_11 = arith.constant 0 : i32
    %scan3A_12 = arith.constant 20 : i32
    %scan3A_13 = arith.addi %scan3A_11, %scan3A_12 : i32
    %scan3A_14 = arith.constant 1 : i32
    scf.for %scan3A_21 = %scan3A_11 to %scan3A_13 step %scan3A_14  : i32 {
      %mul3A_22 = arith.constant 2 : i32
      %mul3A_23 = arith.muli %mul3A_22, %scan3A_21 : i32
      %mul3A_24 = arith.constant 2 : i32
      %mul3A_25 = arith.muli %mul3A_24, %scan3A_21 : i32
      %add3A_26 = arith.constant 1 : i32
      %add3A_27 = arith.addi %mul3A_25, %add3A_26 : i32
      %dma_wait3A = arith.constant 0 : i32
      %dma_wait3A_28 = tpu.memref_slice %arg7[%mul3A_23, %dma_wait3A] : memref<40x128xi32, #tpu.memory_space<vmem>> -> memref<1x128xi32, #tpu.memory_space<vmem>>
      %dma_wait3A_29 = tpu.memref_squeeze %dma_wait3A_28 : memref<1x128xi32, #tpu.memory_space<vmem>> -> memref<128xi32, #tpu.memory_space<vmem>>
      %dma_wait3A_30 = arith.constant 0 : i32
      %dma_wait3A_31 = arith.constant 0 : i32
      %dma_wait3A_32 = tpu.memref_slice %arg2[%dma_wait3A_30, %dma_wait3A_31] : memref<10112x8xf32, #tpu.memory_space<hbm>> -> memref<10112x8xf32, #tpu.memory_space<hbm>>
      tpu.wait_indirect_dma semaphore(%arg13 : memref<!tpu.dma_semaphore, #tpu.memory_space<semaphore_mem>>) src(%dma_wait3A_32 : memref<10112x8xf32, #tpu.memory_space<hbm>>) dst(%arg9 : memref<128x8xf32, #tpu.memory_space<vmem>>)
      %dma_start3A_33 = arith.constant 0 : i32
      %dma_start3A_34 = tpu.memref_slice %arg7[%add3A_27, %dma_start3A_33] : memref<40x128xi32, #tpu.memory_space<vmem>> -> memref<1x128xi32, #tpu.memory_space<vmem>>
      %dma_start3A_35 = tpu.memref_squeeze %dma_start3A_34 : memref<1x128xi32, #tpu.memory_space<vmem>> -> memref<128xi32, #tpu.memory_space<vmem>>
      %dma_start3A_36 = arith.constant 0 : i32
      %dma_start3A_37 = arith.constant 0 : i32
      %dma_start3A_38 = tpu.memref_slice %arg2[%dma_start3A_36, %dma_start3A_37] : memref<10112x8xf32, #tpu.memory_space<hbm>> -> memref<10112x8xf32, #tpu.memory_space<hbm>>
      tpu.enqueue_indirect_dma source(%dma_start3A_38 : memref<10112x8xf32, #tpu.memory_space<hbm>>) target(%arg10 : memref<128x8xf32, #tpu.memory_space<vmem>>) offsets(%dma_start3A_35 : memref<128xi32, #tpu.memory_space<vmem>>) semaphore(%arg14 : memref<!tpu.dma_semaphore, #tpu.memory_space<semaphore_mem>>)
      %dma_wait3A_39 = arith.constant 0 : i32
      %dma_wait3A_40 = tpu.memref_slice %arg7[%add3A_27, %dma_wait3A_39] : memref<40x128xi32, #tpu.memory_space<vmem>> -> memref<1x128xi32, #tpu.memory_space<vmem>>
      %dma_wait3A_41 = tpu.memref_squeeze %dma_wait3A_40 : memref<1x128xi32, #tpu.memory_space<vmem>> -> memref<128xi32, #tpu.memory_space<vmem>>
      %dma_wait3A_42 = arith.constant 0 : i32
      %dma_wait3A_43 = arith.constant 0 : i32
      %dma_wait3A_44 = tpu.memref_slice %arg2[%dma_wait3A_42, %dma_wait3A_43] : memref<10112x8xf32, #tpu.memory_space<hbm>> -> memref<10112x8xf32, #tpu.memory_space<hbm>>
      tpu.wait_indirect_dma semaphore(%arg14 : memref<!tpu.dma_semaphore, #tpu.memory_space<semaphore_mem>>) src(%dma_wait3A_44 : memref<10112x8xf32, #tpu.memory_space<hbm>>) dst(%arg10 : memref<128x8xf32, #tpu.memory_space<vmem>>)
      %add3A_45 = arith.constant 1 : i32
      %add3A_46 = arith.addi %add3A_27, %add3A_45 : i32
      %lt3A = arith.constant 40 : i32
      %lt3A_47 = arith.cmpi slt, %add3A_46, %lt3A : i32
      %convert_element_type3A = arith.extui %lt3A_47 : i1 to i32
      %cond3A = arith.constant 0 : i32
      %cond3A_48 = arith.cmpi ne, %convert_element_type3A, %cond3A : i32
      scf.if %cond3A_48 {
        %add3A_49 = arith.constant 1 : i32
        %add3A_50 = arith.addi %add3A_27, %add3A_49 : i32
        %dma_start3A_51 = arith.constant 0 : i32
        %dma_start3A_52 = tpu.memref_slice %arg7[%add3A_50, %dma_start3A_51] : memref<40x128xi32, #tpu.memory_space<vmem>> -> memref<1x128xi32, #tpu.memory_space<vmem>>
        %dma_start3A_53 = tpu.memref_squeeze %dma_start3A_52 : memref<1x128xi32, #tpu.memory_space<vmem>> -> memref<128xi32, #tpu.memory_space<vmem>>
        %dma_start3A_54 = arith.constant 0 : i32
        %dma_start3A_55 = arith.constant 0 : i32
        %dma_start3A_56 = tpu.memref_slice %arg2[%dma_start3A_54, %dma_start3A_55] : memref<10112x8xf32, #tpu.memory_space<hbm>> -> memref<10112x8xf32, #tpu.memory_space<hbm>>
        tpu.enqueue_indirect_dma source(%dma_start3A_56 : memref<10112x8xf32, #tpu.memory_space<hbm>>) target(%arg9 : memref<128x8xf32, #tpu.memory_space<vmem>>) offsets(%dma_start3A_53 : memref<128xi32, #tpu.memory_space<vmem>>) semaphore(%arg13 : memref<!tpu.dma_semaphore, #tpu.memory_space<semaphore_mem>>)
      } else {
      }
    }
    %scan3A_15 = arith.constant 20 : i32
    %barrier3A_16 = arith.constant 0 : index
    tpu.barrier barrier_id(%barrier3A_16)
    %mul3A_17 = arith.constant 632 : i32
    %mul3A_18 = arith.muli %arg1, %mul3A_17 : i32
    "tpu.region"() ({
      %run_scoped3A = tpu.sem_alloc : memref<!tpu.dma_semaphore, #tpu.memory_space<semaphore_mem>>
      %dma_start3A_21 = arith.constant 0 : i32
      %dma_start3A_22 = tpu.memref_slice %arg12[%mul3A_18, %dma_start3A_21] : memref<10112x8xf32, #tpu.memory_space<vmem_shared>> -> memref<632x8xf32, #tpu.memory_space<vmem_shared>>
      %dma_start3A_23 = arith.constant 0 : i32
      %dma_start3A_24 = tpu.memref_slice %arg12[%mul3A_18, %dma_start3A_23] : memref<10112x8xf32, #tpu.memory_space<vmem_shared>> -> memref<632x8xf32, #tpu.memory_space<vmem_shared>>
      tpu.enqueue_dma source(%dma_start3A_24 : memref<632x8xf32, #tpu.memory_space<vmem_shared>>) target(%arg11 : memref<632x8xf32, #tpu.memory_space<vmem>>) target_semaphore(%run_scoped3A : memref<!tpu.dma_semaphore, #tpu.memory_space<semaphore_mem>>)
      %dma_wait3A = arith.constant 0 : i32
      %dma_wait3A_25 = tpu.memref_slice %arg12[%mul3A_18, %dma_wait3A] : memref<10112x8xf32, #tpu.memory_space<vmem_shared>> -> memref<632x8xf32, #tpu.memory_space<vmem_shared>>
      %dma_wait3A_26 = arith.constant 0 : i32
      %dma_wait3A_27 = tpu.memref_slice %arg12[%mul3A_18, %dma_wait3A_26] : memref<10112x8xf32, #tpu.memory_space<vmem_shared>> -> memref<632x8xf32, #tpu.memory_space<vmem_shared>>
      tpu.wait_dma2 semaphore(%run_scoped3A : memref<!tpu.dma_semaphore, #tpu.memory_space<semaphore_mem>>) src(%dma_wait3A_27 : memref<632x8xf32, #tpu.memory_space<vmem_shared>>) dst(%arg11 : memref<632x8xf32, #tpu.memory_space<vmem>>)
      tpu.yield
    }) : () -> ()
    %mul3A_19 = arith.constant 632 : i32
    %mul3A_20 = arith.muli %arg1, %mul3A_19 : i32
    "tpu.region"() ({
      %run_scoped3A = tpu.sem_alloc : memref<!tpu.dma_semaphore, #tpu.memory_space<semaphore_mem>>
      %dma_start3A_21 = arith.constant 0 : i32
      %dma_start3A_22 = tpu.memref_slice %arg6[%arg0, %mul3A_20, %dma_start3A_21] : memref<2x10112x8xf32, #tpu.memory_space<hbm>> -> memref<1x632x8xf32, #tpu.memory_space<hbm>>
      %dma_start3A_23 = tpu.memref_squeeze %dma_start3A_22 : memref<1x632x8xf32, #tpu.memory_space<hbm>> -> memref<632x8xf32, #tpu.memory_space<hbm>>
      %dma_start3A_24 = arith.constant 0 : i32
      %dma_start3A_25 = tpu.memref_slice %arg6[%arg0, %mul3A_20, %dma_start3A_24] : memref<2x10112x8xf32, #tpu.memory_space<hbm>> -> memref<1x632x8xf32, #tpu.memory_space<hbm>>
      %dma_start3A_26 = tpu.memref_squeeze %dma_start3A_25 : memref<1x632x8xf32, #tpu.memory_space<hbm>> -> memref<632x8xf32, #tpu.memory_space<hbm>>
      tpu.enqueue_dma source(%arg11 : memref<632x8xf32, #tpu.memory_space<vmem>>) target(%dma_start3A_26 : memref<632x8xf32, #tpu.memory_space<hbm>>) target_semaphore(%run_scoped3A : memref<!tpu.dma_semaphore, #tpu.memory_space<semaphore_mem>>)
      %dma_wait3A = arith.constant 0 : i32
      %dma_wait3A_27 = tpu.memref_slice %arg6[%arg0, %mul3A_20, %dma_wait3A] : memref<2x10112x8xf32, #tpu.memory_space<hbm>> -> memref<1x632x8xf32, #tpu.memory_space<hbm>>
      %dma_wait3A_28 = tpu.memref_squeeze %dma_wait3A_27 : memref<1x632x8xf32, #tpu.memory_space<hbm>> -> memref<632x8xf32, #tpu.memory_space<hbm>>
      %dma_wait3A_29 = arith.constant 0 : i32
      %dma_wait3A_30 = tpu.memref_slice %arg6[%arg0, %mul3A_20, %dma_wait3A_29] : memref<2x10112x8xf32, #tpu.memory_space<hbm>> -> memref<1x632x8xf32, #tpu.memory_space<hbm>>
      %dma_wait3A_31 = tpu.memref_squeeze %dma_wait3A_30 : memref<1x632x8xf32, #tpu.memory_space<hbm>> -> memref<632x8xf32, #tpu.memory_space<hbm>>
      tpu.wait_dma2 semaphore(%run_scoped3A : memref<!tpu.dma_semaphore, #tpu.memory_space<semaphore_mem>>) src(%arg11 : memref<632x8xf32, #tpu.memory_space<vmem>>) dst(%dma_wait3A_31 : memref<632x8xf32, #tpu.memory_space<hbm>>)
      tpu.yield
    }) : () -> ()
    return
  }
}

#map = affine_map<(d0, d1) -> (0, 0, 0)>
#map1 = affine_map<(d0, d1) -> (0, 0, 0, 0)>
#map2 = affine_map<(d0, d1) -> (0, 0)>
module attributes {stable_mosaic.version = 14 : i64} {
  func.func @kfn(%arg0: i32, %arg1: i32, %arg2: memref<32x40x128xi32, #tpu.memory_space<hbm>>, %arg3: memref<32x40x128xi32, #tpu.memory_space<hbm>>, %arg4: memref<32x40x128x8xf32, #tpu.memory_space<hbm>>, %arg5: memref<128x8xf32, #tpu.memory_space<hbm>>, %arg6: memref<10112x8xf32, #tpu.memory_space<hbm>>, %arg7: memref<2x10112x8xf32, #tpu.memory_space<hbm>>, %arg8: memref<40x128xi32, #tpu.memory_space<vmem>>, %arg9: memref<40x128xi32, #tpu.memory_space<vmem>>, %arg10: memref<40x128x8xf32, #tpu.memory_space<vmem>>, %arg11: memref<128x8xf32, #tpu.memory_space<vmem>>, %arg12: memref<632x8xf32, #tpu.memory_space<vmem>>, %arg13: memref<10112x8xf32, #tpu.memory_space<vmem_shared>>) attributes {dimension_semantics = [#tpu.dimension_semantics<core_parallel>, #tpu.dimension_semantics<subcore_parallel>], iteration_bounds = array<i64: 2, 16>, scalar_prefetch = 0 : i64, scratch_operands = 6 : i64, tpu.core_type = #tpu.core_type<sc_vector_subcore>, window_params = [{transform_indices = #map}, {transform_indices = #map}, {transform_indices = #map1}, {transform_indices = #map2}, {transform_indices = #map2}, {transform_indices = #map}]} {
    %mul3A = arith.constant 16 : i32
    %mul3A_0 = arith.muli %arg0, %mul3A : i32
    %add3A = arith.addi %mul3A_0, %arg1 : i32
    %mul3A_1 = arith.constant 632 : i32
    %mul3A_2 = arith.muli %arg1, %mul3A_1 : i32
    %mul3A_3 = arith.constant 632 : i32
    %mul3A_4 = arith.muli %arg1, %mul3A_3 : i32
    "tpu.region"() ({
      %run_scoped3A = tpu.sem_alloc : memref<!tpu.dma_semaphore, #tpu.memory_space<semaphore_mem>>
      %dma_start3A = arith.constant 0 : i32
      %dma_start3A_15 = tpu.memref_slice %arg13[%mul3A_4, %dma_start3A] : memref<10112x8xf32, #tpu.memory_space<vmem_shared>> -> memref<632x8xf32, #tpu.memory_space<vmem_shared>>
      %dma_start3A_16 = arith.constant 0 : i32
      %dma_start3A_17 = tpu.memref_slice %arg6[%mul3A_2, %dma_start3A_16] : memref<10112x8xf32, #tpu.memory_space<hbm>> -> memref<632x8xf32, #tpu.memory_space<hbm>>
      tpu.enqueue_dma source(%dma_start3A_17 : memref<632x8xf32, #tpu.memory_space<hbm>>) target(%dma_start3A_15 : memref<632x8xf32, #tpu.memory_space<vmem_shared>>) target_semaphore(%run_scoped3A : memref<!tpu.dma_semaphore, #tpu.memory_space<semaphore_mem>>)
      %dma_wait3A = arith.constant 0 : i32
      %dma_wait3A_18 = tpu.memref_slice %arg13[%mul3A_4, %dma_wait3A] : memref<10112x8xf32, #tpu.memory_space<vmem_shared>> -> memref<632x8xf32, #tpu.memory_space<vmem_shared>>
      %dma_wait3A_19 = arith.constant 0 : i32
      %dma_wait3A_20 = tpu.memref_slice %arg6[%mul3A_2, %dma_wait3A_19] : memref<10112x8xf32, #tpu.memory_space<hbm>> -> memref<632x8xf32, #tpu.memory_space<hbm>>
      tpu.wait_dma2 semaphore(%run_scoped3A : memref<!tpu.dma_semaphore, #tpu.memory_space<semaphore_mem>>) src(%dma_wait3A_20 : memref<632x8xf32, #tpu.memory_space<hbm>>) dst(%dma_wait3A_18 : memref<632x8xf32, #tpu.memory_space<vmem_shared>>)
      tpu.yield
    }) : () -> ()
    "tpu.region"() ({
      %run_scoped3A = tpu.sem_alloc : memref<!tpu.dma_semaphore, #tpu.memory_space<semaphore_mem>>
      %dma_start3A = arith.constant 0 : i32
      %dma_start3A_15 = arith.constant 0 : i32
      %dma_start3A_16 = tpu.memref_slice %arg2[%add3A, %dma_start3A, %dma_start3A_15] : memref<32x40x128xi32, #tpu.memory_space<hbm>> -> memref<1x40x128xi32, #tpu.memory_space<hbm>>
      %dma_start3A_17 = tpu.memref_squeeze %dma_start3A_16 : memref<1x40x128xi32, #tpu.memory_space<hbm>> -> memref<40x128xi32, #tpu.memory_space<hbm>>
      %dma_start3A_18 = arith.constant 0 : i32
      %dma_start3A_19 = arith.constant 0 : i32
      %dma_start3A_20 = tpu.memref_slice %arg2[%add3A, %dma_start3A_18, %dma_start3A_19] : memref<32x40x128xi32, #tpu.memory_space<hbm>> -> memref<1x40x128xi32, #tpu.memory_space<hbm>>
      %dma_start3A_21 = tpu.memref_squeeze %dma_start3A_20 : memref<1x40x128xi32, #tpu.memory_space<hbm>> -> memref<40x128xi32, #tpu.memory_space<hbm>>
      tpu.enqueue_dma source(%dma_start3A_21 : memref<40x128xi32, #tpu.memory_space<hbm>>) target(%arg8 : memref<40x128xi32, #tpu.memory_space<vmem>>) target_semaphore(%run_scoped3A : memref<!tpu.dma_semaphore, #tpu.memory_space<semaphore_mem>>)
      %dma_wait3A = arith.constant 0 : i32
      %dma_wait3A_22 = arith.constant 0 : i32
      %dma_wait3A_23 = tpu.memref_slice %arg2[%add3A, %dma_wait3A, %dma_wait3A_22] : memref<32x40x128xi32, #tpu.memory_space<hbm>> -> memref<1x40x128xi32, #tpu.memory_space<hbm>>
      %dma_wait3A_24 = tpu.memref_squeeze %dma_wait3A_23 : memref<1x40x128xi32, #tpu.memory_space<hbm>> -> memref<40x128xi32, #tpu.memory_space<hbm>>
      %dma_wait3A_25 = arith.constant 0 : i32
      %dma_wait3A_26 = arith.constant 0 : i32
      %dma_wait3A_27 = tpu.memref_slice %arg2[%add3A, %dma_wait3A_25, %dma_wait3A_26] : memref<32x40x128xi32, #tpu.memory_space<hbm>> -> memref<1x40x128xi32, #tpu.memory_space<hbm>>
      %dma_wait3A_28 = tpu.memref_squeeze %dma_wait3A_27 : memref<1x40x128xi32, #tpu.memory_space<hbm>> -> memref<40x128xi32, #tpu.memory_space<hbm>>
      tpu.wait_dma2 semaphore(%run_scoped3A : memref<!tpu.dma_semaphore, #tpu.memory_space<semaphore_mem>>) src(%dma_wait3A_28 : memref<40x128xi32, #tpu.memory_space<hbm>>) dst(%arg8 : memref<40x128xi32, #tpu.memory_space<vmem>>)
      tpu.yield
    }) : () -> ()
    "tpu.region"() ({
      %run_scoped3A = tpu.sem_alloc : memref<!tpu.dma_semaphore, #tpu.memory_space<semaphore_mem>>
      %dma_start3A = arith.constant 0 : i32
      %dma_start3A_15 = arith.constant 0 : i32
      %dma_start3A_16 = tpu.memref_slice %arg3[%add3A, %dma_start3A, %dma_start3A_15] : memref<32x40x128xi32, #tpu.memory_space<hbm>> -> memref<1x40x128xi32, #tpu.memory_space<hbm>>
      %dma_start3A_17 = tpu.memref_squeeze %dma_start3A_16 : memref<1x40x128xi32, #tpu.memory_space<hbm>> -> memref<40x128xi32, #tpu.memory_space<hbm>>
      %dma_start3A_18 = arith.constant 0 : i32
      %dma_start3A_19 = arith.constant 0 : i32
      %dma_start3A_20 = tpu.memref_slice %arg3[%add3A, %dma_start3A_18, %dma_start3A_19] : memref<32x40x128xi32, #tpu.memory_space<hbm>> -> memref<1x40x128xi32, #tpu.memory_space<hbm>>
      %dma_start3A_21 = tpu.memref_squeeze %dma_start3A_20 : memref<1x40x128xi32, #tpu.memory_space<hbm>> -> memref<40x128xi32, #tpu.memory_space<hbm>>
      tpu.enqueue_dma source(%dma_start3A_21 : memref<40x128xi32, #tpu.memory_space<hbm>>) target(%arg9 : memref<40x128xi32, #tpu.memory_space<vmem>>) target_semaphore(%run_scoped3A : memref<!tpu.dma_semaphore, #tpu.memory_space<semaphore_mem>>)
      %dma_wait3A = arith.constant 0 : i32
      %dma_wait3A_22 = arith.constant 0 : i32
      %dma_wait3A_23 = tpu.memref_slice %arg3[%add3A, %dma_wait3A, %dma_wait3A_22] : memref<32x40x128xi32, #tpu.memory_space<hbm>> -> memref<1x40x128xi32, #tpu.memory_space<hbm>>
      %dma_wait3A_24 = tpu.memref_squeeze %dma_wait3A_23 : memref<1x40x128xi32, #tpu.memory_space<hbm>> -> memref<40x128xi32, #tpu.memory_space<hbm>>
      %dma_wait3A_25 = arith.constant 0 : i32
      %dma_wait3A_26 = arith.constant 0 : i32
      %dma_wait3A_27 = tpu.memref_slice %arg3[%add3A, %dma_wait3A_25, %dma_wait3A_26] : memref<32x40x128xi32, #tpu.memory_space<hbm>> -> memref<1x40x128xi32, #tpu.memory_space<hbm>>
      %dma_wait3A_28 = tpu.memref_squeeze %dma_wait3A_27 : memref<1x40x128xi32, #tpu.memory_space<hbm>> -> memref<40x128xi32, #tpu.memory_space<hbm>>
      tpu.wait_dma2 semaphore(%run_scoped3A : memref<!tpu.dma_semaphore, #tpu.memory_space<semaphore_mem>>) src(%dma_wait3A_28 : memref<40x128xi32, #tpu.memory_space<hbm>>) dst(%arg9 : memref<40x128xi32, #tpu.memory_space<vmem>>)
      tpu.yield
    }) : () -> ()
    "tpu.region"() ({
      %run_scoped3A = tpu.sem_alloc : memref<!tpu.dma_semaphore, #tpu.memory_space<semaphore_mem>>
      %dma_start3A = arith.constant 0 : i32
      %dma_start3A_15 = arith.constant 0 : i32
      %dma_start3A_16 = arith.constant 0 : i32
      %dma_start3A_17 = tpu.memref_slice %arg4[%add3A, %dma_start3A, %dma_start3A_15, %dma_start3A_16] : memref<32x40x128x8xf32, #tpu.memory_space<hbm>> -> memref<1x40x128x8xf32, #tpu.memory_space<hbm>>
      %dma_start3A_18 = tpu.memref_squeeze %dma_start3A_17 : memref<1x40x128x8xf32, #tpu.memory_space<hbm>> -> memref<40x128x8xf32, #tpu.memory_space<hbm>>
      %dma_start3A_19 = arith.constant 0 : i32
      %dma_start3A_20 = arith.constant 0 : i32
      %dma_start3A_21 = arith.constant 0 : i32
      %dma_start3A_22 = tpu.memref_slice %arg4[%add3A, %dma_start3A_19, %dma_start3A_20, %dma_start3A_21] : memref<32x40x128x8xf32, #tpu.memory_space<hbm>> -> memref<1x40x128x8xf32, #tpu.memory_space<hbm>>
      %dma_start3A_23 = tpu.memref_squeeze %dma_start3A_22 : memref<1x40x128x8xf32, #tpu.memory_space<hbm>> -> memref<40x128x8xf32, #tpu.memory_space<hbm>>
      tpu.enqueue_dma source(%dma_start3A_23 : memref<40x128x8xf32, #tpu.memory_space<hbm>>) target(%arg10 : memref<40x128x8xf32, #tpu.memory_space<vmem>>) target_semaphore(%run_scoped3A : memref<!tpu.dma_semaphore, #tpu.memory_space<semaphore_mem>>)
      %dma_wait3A = arith.constant 0 : i32
      %dma_wait3A_24 = arith.constant 0 : i32
      %dma_wait3A_25 = arith.constant 0 : i32
      %dma_wait3A_26 = tpu.memref_slice %arg4[%add3A, %dma_wait3A, %dma_wait3A_24, %dma_wait3A_25] : memref<32x40x128x8xf32, #tpu.memory_space<hbm>> -> memref<1x40x128x8xf32, #tpu.memory_space<hbm>>
      %dma_wait3A_27 = tpu.memref_squeeze %dma_wait3A_26 : memref<1x40x128x8xf32, #tpu.memory_space<hbm>> -> memref<40x128x8xf32, #tpu.memory_space<hbm>>
      %dma_wait3A_28 = arith.constant 0 : i32
      %dma_wait3A_29 = arith.constant 0 : i32
      %dma_wait3A_30 = arith.constant 0 : i32
      %dma_wait3A_31 = tpu.memref_slice %arg4[%add3A, %dma_wait3A_28, %dma_wait3A_29, %dma_wait3A_30] : memref<32x40x128x8xf32, #tpu.memory_space<hbm>> -> memref<1x40x128x8xf32, #tpu.memory_space<hbm>>
      %dma_wait3A_32 = tpu.memref_squeeze %dma_wait3A_31 : memref<1x40x128x8xf32, #tpu.memory_space<hbm>> -> memref<40x128x8xf32, #tpu.memory_space<hbm>>
      tpu.wait_dma2 semaphore(%run_scoped3A : memref<!tpu.dma_semaphore, #tpu.memory_space<semaphore_mem>>) src(%dma_wait3A_32 : memref<40x128x8xf32, #tpu.memory_space<hbm>>) dst(%arg10 : memref<40x128x8xf32, #tpu.memory_space<vmem>>)
      tpu.yield
    }) : () -> ()
    "tpu.region"() ({
      %run_scoped3A = tpu.sem_alloc : memref<!tpu.dma_semaphore, #tpu.memory_space<semaphore_mem>>
      tpu.enqueue_dma source(%arg5 : memref<128x8xf32, #tpu.memory_space<hbm>>) target(%arg11 : memref<128x8xf32, #tpu.memory_space<vmem>>) target_semaphore(%run_scoped3A : memref<!tpu.dma_semaphore, #tpu.memory_space<semaphore_mem>>)
      tpu.wait_dma2 semaphore(%run_scoped3A : memref<!tpu.dma_semaphore, #tpu.memory_space<semaphore_mem>>) src(%arg5 : memref<128x8xf32, #tpu.memory_space<hbm>>) dst(%arg11 : memref<128x8xf32, #tpu.memory_space<vmem>>)
      tpu.yield
    }) : () -> ()
    %barrier3A = arith.constant 0 : index
    tpu.barrier barrier_id(%barrier3A)
    %scan3A = arith.constant 0 : i32
    %scan3A_5 = arith.constant 0 : i32
    %scan3A_6 = arith.constant 40 : i32
    %scan3A_7 = arith.addi %scan3A_5, %scan3A_6 : i32
    %scan3A_8 = arith.constant 1 : i32
    scf.for %scan3A_15 = %scan3A_5 to %scan3A_7 step %scan3A_8  : i32 {
      "tpu.region"() ({
        %run_scoped3A = tpu.sem_alloc : memref<!tpu.dma_semaphore, #tpu.memory_space<semaphore_mem>>
        %dma_start3A = arith.constant 0 : i32
        %dma_start3A_16 = tpu.memref_slice %arg8[%scan3A_15, %dma_start3A] : memref<40x128xi32, #tpu.memory_space<vmem>> -> memref<1x128xi32, #tpu.memory_space<vmem>>
        %dma_start3A_17 = tpu.memref_squeeze %dma_start3A_16 : memref<1x128xi32, #tpu.memory_space<vmem>> -> memref<128xi32, #tpu.memory_space<vmem>>
        %dma_start3A_18 = arith.constant 0 : i32
        %dma_start3A_19 = arith.constant 0 : i32
        %dma_start3A_20 = tpu.memref_slice %arg13[%dma_start3A_18, %dma_start3A_19] : memref<10112x8xf32, #tpu.memory_space<vmem_shared>> -> memref<10112x8xf32, #tpu.memory_space<vmem_shared>>
        tpu.enqueue_indirect_dma source(%arg11 : memref<128x8xf32, #tpu.memory_space<vmem>>) target(%dma_start3A_20 : memref<10112x8xf32, #tpu.memory_space<vmem_shared>>) offsets(%dma_start3A_17 : memref<128xi32, #tpu.memory_space<vmem>>) semaphore(%run_scoped3A : memref<!tpu.dma_semaphore, #tpu.memory_space<semaphore_mem>>) {add = true}
        %dma_wait3A = arith.constant 0 : i32
        %dma_wait3A_21 = tpu.memref_slice %arg8[%scan3A_15, %dma_wait3A] : memref<40x128xi32, #tpu.memory_space<vmem>> -> memref<1x128xi32, #tpu.memory_space<vmem>>
        %dma_wait3A_22 = tpu.memref_squeeze %dma_wait3A_21 : memref<1x128xi32, #tpu.memory_space<vmem>> -> memref<128xi32, #tpu.memory_space<vmem>>
        %dma_wait3A_23 = arith.constant 0 : i32
        %dma_wait3A_24 = arith.constant 0 : i32
        %dma_wait3A_25 = tpu.memref_slice %arg13[%dma_wait3A_23, %dma_wait3A_24] : memref<10112x8xf32, #tpu.memory_space<vmem_shared>> -> memref<10112x8xf32, #tpu.memory_space<vmem_shared>>
        tpu.wait_indirect_dma semaphore(%run_scoped3A : memref<!tpu.dma_semaphore, #tpu.memory_space<semaphore_mem>>) src(%arg11 : memref<128x8xf32, #tpu.memory_space<vmem>>) dst(%dma_wait3A_25 : memref<10112x8xf32, #tpu.memory_space<vmem_shared>>)
        tpu.yield
      }) : () -> ()
      "tpu.region"() ({
        %run_scoped3A = tpu.sem_alloc : memref<!tpu.dma_semaphore, #tpu.memory_space<semaphore_mem>>
        %dma_start3A = arith.constant 0 : i32
        %dma_start3A_16 = arith.constant 0 : i32
        %dma_start3A_17 = tpu.memref_slice %arg10[%scan3A_15, %dma_start3A, %dma_start3A_16] : memref<40x128x8xf32, #tpu.memory_space<vmem>> -> memref<1x128x8xf32, #tpu.memory_space<vmem>>
        %dma_start3A_18 = tpu.memref_squeeze %dma_start3A_17 : memref<1x128x8xf32, #tpu.memory_space<vmem>> -> memref<128x8xf32, #tpu.memory_space<vmem>>
        %dma_start3A_19 = arith.constant 0 : i32
        %dma_start3A_20 = tpu.memref_slice %arg9[%scan3A_15, %dma_start3A_19] : memref<40x128xi32, #tpu.memory_space<vmem>> -> memref<1x128xi32, #tpu.memory_space<vmem>>
        %dma_start3A_21 = tpu.memref_squeeze %dma_start3A_20 : memref<1x128xi32, #tpu.memory_space<vmem>> -> memref<128xi32, #tpu.memory_space<vmem>>
        %dma_start3A_22 = arith.constant 0 : i32
        %dma_start3A_23 = arith.constant 0 : i32
        %dma_start3A_24 = tpu.memref_slice %arg13[%dma_start3A_22, %dma_start3A_23] : memref<10112x8xf32, #tpu.memory_space<vmem_shared>> -> memref<10112x8xf32, #tpu.memory_space<vmem_shared>>
        tpu.enqueue_indirect_dma source(%dma_start3A_18 : memref<128x8xf32, #tpu.memory_space<vmem>>) target(%dma_start3A_24 : memref<10112x8xf32, #tpu.memory_space<vmem_shared>>) offsets(%dma_start3A_21 : memref<128xi32, #tpu.memory_space<vmem>>) semaphore(%run_scoped3A : memref<!tpu.dma_semaphore, #tpu.memory_space<semaphore_mem>>) {add = true}
        %dma_wait3A = arith.constant 0 : i32
        %dma_wait3A_25 = arith.constant 0 : i32
        %dma_wait3A_26 = tpu.memref_slice %arg10[%scan3A_15, %dma_wait3A, %dma_wait3A_25] : memref<40x128x8xf32, #tpu.memory_space<vmem>> -> memref<1x128x8xf32, #tpu.memory_space<vmem>>
        %dma_wait3A_27 = tpu.memref_squeeze %dma_wait3A_26 : memref<1x128x8xf32, #tpu.memory_space<vmem>> -> memref<128x8xf32, #tpu.memory_space<vmem>>
        %dma_wait3A_28 = arith.constant 0 : i32
        %dma_wait3A_29 = tpu.memref_slice %arg9[%scan3A_15, %dma_wait3A_28] : memref<40x128xi32, #tpu.memory_space<vmem>> -> memref<1x128xi32, #tpu.memory_space<vmem>>
        %dma_wait3A_30 = tpu.memref_squeeze %dma_wait3A_29 : memref<1x128xi32, #tpu.memory_space<vmem>> -> memref<128xi32, #tpu.memory_space<vmem>>
        %dma_wait3A_31 = arith.constant 0 : i32
        %dma_wait3A_32 = arith.constant 0 : i32
        %dma_wait3A_33 = tpu.memref_slice %arg13[%dma_wait3A_31, %dma_wait3A_32] : memref<10112x8xf32, #tpu.memory_space<vmem_shared>> -> memref<10112x8xf32, #tpu.memory_space<vmem_shared>>
        tpu.wait_indirect_dma semaphore(%run_scoped3A : memref<!tpu.dma_semaphore, #tpu.memory_space<semaphore_mem>>) src(%dma_wait3A_27 : memref<128x8xf32, #tpu.memory_space<vmem>>) dst(%dma_wait3A_33 : memref<10112x8xf32, #tpu.memory_space<vmem_shared>>)
        tpu.yield
      }) : () -> ()
    }
    %scan3A_9 = arith.constant 40 : i32
    %barrier3A_10 = arith.constant 0 : index
    tpu.barrier barrier_id(%barrier3A_10)
    %mul3A_11 = arith.constant 632 : i32
    %mul3A_12 = arith.muli %arg1, %mul3A_11 : i32
    "tpu.region"() ({
      %run_scoped3A = tpu.sem_alloc : memref<!tpu.dma_semaphore, #tpu.memory_space<semaphore_mem>>
      %dma_start3A = arith.constant 0 : i32
      %dma_start3A_15 = tpu.memref_slice %arg13[%mul3A_12, %dma_start3A] : memref<10112x8xf32, #tpu.memory_space<vmem_shared>> -> memref<632x8xf32, #tpu.memory_space<vmem_shared>>
      %dma_start3A_16 = arith.constant 0 : i32
      %dma_start3A_17 = tpu.memref_slice %arg13[%mul3A_12, %dma_start3A_16] : memref<10112x8xf32, #tpu.memory_space<vmem_shared>> -> memref<632x8xf32, #tpu.memory_space<vmem_shared>>
      tpu.enqueue_dma source(%dma_start3A_17 : memref<632x8xf32, #tpu.memory_space<vmem_shared>>) target(%arg12 : memref<632x8xf32, #tpu.memory_space<vmem>>) target_semaphore(%run_scoped3A : memref<!tpu.dma_semaphore, #tpu.memory_space<semaphore_mem>>)
      %dma_wait3A = arith.constant 0 : i32
      %dma_wait3A_18 = tpu.memref_slice %arg13[%mul3A_12, %dma_wait3A] : memref<10112x8xf32, #tpu.memory_space<vmem_shared>> -> memref<632x8xf32, #tpu.memory_space<vmem_shared>>
      %dma_wait3A_19 = arith.constant 0 : i32
      %dma_wait3A_20 = tpu.memref_slice %arg13[%mul3A_12, %dma_wait3A_19] : memref<10112x8xf32, #tpu.memory_space<vmem_shared>> -> memref<632x8xf32, #tpu.memory_space<vmem_shared>>
      tpu.wait_dma2 semaphore(%run_scoped3A : memref<!tpu.dma_semaphore, #tpu.memory_space<semaphore_mem>>) src(%dma_wait3A_20 : memref<632x8xf32, #tpu.memory_space<vmem_shared>>) dst(%arg12 : memref<632x8xf32, #tpu.memory_space<vmem>>)
      tpu.yield
    }) : () -> ()
    %mul3A_13 = arith.constant 632 : i32
    %mul3A_14 = arith.muli %arg1, %mul3A_13 : i32
    "tpu.region"() ({
      %run_scoped3A = tpu.sem_alloc : memref<!tpu.dma_semaphore, #tpu.memory_space<semaphore_mem>>
      %dma_start3A = arith.constant 0 : i32
      %dma_start3A_15 = tpu.memref_slice %arg7[%arg0, %mul3A_14, %dma_start3A] : memref<2x10112x8xf32, #tpu.memory_space<hbm>> -> memref<1x632x8xf32, #tpu.memory_space<hbm>>
      %dma_start3A_16 = tpu.memref_squeeze %dma_start3A_15 : memref<1x632x8xf32, #tpu.memory_space<hbm>> -> memref<632x8xf32, #tpu.memory_space<hbm>>
      %dma_start3A_17 = arith.constant 0 : i32
      %dma_start3A_18 = tpu.memref_slice %arg7[%arg0, %mul3A_14, %dma_start3A_17] : memref<2x10112x8xf32, #tpu.memory_space<hbm>> -> memref<1x632x8xf32, #tpu.memory_space<hbm>>
      %dma_start3A_19 = tpu.memref_squeeze %dma_start3A_18 : memref<1x632x8xf32, #tpu.memory_space<hbm>> -> memref<632x8xf32, #tpu.memory_space<hbm>>
      tpu.enqueue_dma source(%arg12 : memref<632x8xf32, #tpu.memory_space<vmem>>) target(%dma_start3A_19 : memref<632x8xf32, #tpu.memory_space<hbm>>) target_semaphore(%run_scoped3A : memref<!tpu.dma_semaphore, #tpu.memory_space<semaphore_mem>>)
      %dma_wait3A = arith.constant 0 : i32
      %dma_wait3A_20 = tpu.memref_slice %arg7[%arg0, %mul3A_14, %dma_wait3A] : memref<2x10112x8xf32, #tpu.memory_space<hbm>> -> memref<1x632x8xf32, #tpu.memory_space<hbm>>
      %dma_wait3A_21 = tpu.memref_squeeze %dma_wait3A_20 : memref<1x632x8xf32, #tpu.memory_space<hbm>> -> memref<632x8xf32, #tpu.memory_space<hbm>>
      %dma_wait3A_22 = arith.constant 0 : i32
      %dma_wait3A_23 = tpu.memref_slice %arg7[%arg0, %mul3A_14, %dma_wait3A_22] : memref<2x10112x8xf32, #tpu.memory_space<hbm>> -> memref<1x632x8xf32, #tpu.memory_space<hbm>>
      %dma_wait3A_24 = tpu.memref_squeeze %dma_wait3A_23 : memref<1x632x8xf32, #tpu.memory_space<hbm>> -> memref<632x8xf32, #tpu.memory_space<hbm>>
      tpu.wait_dma2 semaphore(%run_scoped3A : memref<!tpu.dma_semaphore, #tpu.memory_space<semaphore_mem>>) src(%arg12 : memref<632x8xf32, #tpu.memory_space<vmem>>) dst(%dma_wait3A_24 : memref<632x8xf32, #tpu.memory_space<hbm>>)
      tpu.yield
    }) : () -> ()
    return
  }
}

#map = affine_map<(d0, d1) -> (0, 0)>
#map1 = affine_map<(d0, d1) -> (0, 0, 0)>
module attributes {stable_mosaic.version = 14 : i64} {
  func.func @kfn(%arg0: i32, %arg1: i32, %arg2: memref<10112x8xf32, #tpu.memory_space<hbm>>, %arg3: memref<32x40x128xi32, #tpu.memory_space<hbm>>, %arg4: memref<32x40x128xi32, #tpu.memory_space<hbm>>, %arg5: memref<10112x8xf32, #tpu.memory_space<hbm>>, %arg6: memref<2x10112x8xf32, #tpu.memory_space<hbm>>, %arg7: memref<40x128xi32, #tpu.memory_space<vmem>>, %arg8: memref<40x128xi32, #tpu.memory_space<vmem>>, %arg9: memref<128x8xf32, #tpu.memory_space<vmem>>, %arg10: memref<128x8xf32, #tpu.memory_space<vmem>>, %arg11: memref<632x8xf32, #tpu.memory_space<vmem>>, %arg12: memref<10112x8xf32, #tpu.memory_space<vmem_shared>>, %arg13: memref<!tpu.dma_semaphore, #tpu.memory_space<semaphore_mem>>, %arg14: memref<!tpu.dma_semaphore, #tpu.memory_space<semaphore_mem>>) attributes {dimension_semantics = [#tpu.dimension_semantics<core_parallel>, #tpu.dimension_semantics<subcore_parallel>], iteration_bounds = array<i64: 2, 16>, scalar_prefetch = 0 : i64, scratch_operands = 8 : i64, tpu.core_type = #tpu.core_type<sc_vector_subcore>, window_params = [{transform_indices = #map}, {transform_indices = #map1}, {transform_indices = #map1}, {transform_indices = #map}, {transform_indices = #map1}]} {
    %mul3A = arith.constant 16 : i32
    %mul3A_0 = arith.muli %arg0, %mul3A : i32
    %add3A = arith.addi %mul3A_0, %arg1 : i32
    %mul3A_1 = arith.constant 632 : i32
    %mul3A_2 = arith.muli %arg1, %mul3A_1 : i32
    %mul3A_3 = arith.constant 632 : i32
    %mul3A_4 = arith.muli %arg1, %mul3A_3 : i32
    "tpu.region"() ({
      %run_scoped3A = tpu.sem_alloc : memref<!tpu.dma_semaphore, #tpu.memory_space<semaphore_mem>>
      %dma_start3A_21 = arith.constant 0 : i32
      %dma_start3A_22 = tpu.memref_slice %arg12[%mul3A_4, %dma_start3A_21] : memref<10112x8xf32, #tpu.memory_space<vmem_shared>> -> memref<632x8xf32, #tpu.memory_space<vmem_shared>>
      %dma_start3A_23 = arith.constant 0 : i32
      %dma_start3A_24 = tpu.memref_slice %arg5[%mul3A_2, %dma_start3A_23] : memref<10112x8xf32, #tpu.memory_space<hbm>> -> memref<632x8xf32, #tpu.memory_space<hbm>>
      tpu.enqueue_dma source(%dma_start3A_24 : memref<632x8xf32, #tpu.memory_space<hbm>>) target(%dma_start3A_22 : memref<632x8xf32, #tpu.memory_space<vmem_shared>>) target_semaphore(%run_scoped3A : memref<!tpu.dma_semaphore, #tpu.memory_space<semaphore_mem>>)
      %dma_wait3A = arith.constant 0 : i32
      %dma_wait3A_25 = tpu.memref_slice %arg12[%mul3A_4, %dma_wait3A] : memref<10112x8xf32, #tpu.memory_space<vmem_shared>> -> memref<632x8xf32, #tpu.memory_space<vmem_shared>>
      %dma_wait3A_26 = arith.constant 0 : i32
      %dma_wait3A_27 = tpu.memref_slice %arg5[%mul3A_2, %dma_wait3A_26] : memref<10112x8xf32, #tpu.memory_space<hbm>> -> memref<632x8xf32, #tpu.memory_space<hbm>>
      tpu.wait_dma2 semaphore(%run_scoped3A : memref<!tpu.dma_semaphore, #tpu.memory_space<semaphore_mem>>) src(%dma_wait3A_27 : memref<632x8xf32, #tpu.memory_space<hbm>>) dst(%dma_wait3A_25 : memref<632x8xf32, #tpu.memory_space<vmem_shared>>)
      tpu.yield
    }) : () -> ()
    "tpu.region"() ({
      %run_scoped3A = tpu.sem_alloc : memref<!tpu.dma_semaphore, #tpu.memory_space<semaphore_mem>>
      %dma_start3A_21 = arith.constant 0 : i32
      %dma_start3A_22 = arith.constant 0 : i32
      %dma_start3A_23 = tpu.memref_slice %arg3[%add3A, %dma_start3A_21, %dma_start3A_22] : memref<32x40x128xi32, #tpu.memory_space<hbm>> -> memref<1x40x128xi32, #tpu.memory_space<hbm>>
      %dma_start3A_24 = tpu.memref_squeeze %dma_start3A_23 : memref<1x40x128xi32, #tpu.memory_space<hbm>> -> memref<40x128xi32, #tpu.memory_space<hbm>>
      %dma_start3A_25 = arith.constant 0 : i32
      %dma_start3A_26 = arith.constant 0 : i32
      %dma_start3A_27 = tpu.memref_slice %arg3[%add3A, %dma_start3A_25, %dma_start3A_26] : memref<32x40x128xi32, #tpu.memory_space<hbm>> -> memref<1x40x128xi32, #tpu.memory_space<hbm>>
      %dma_start3A_28 = tpu.memref_squeeze %dma_start3A_27 : memref<1x40x128xi32, #tpu.memory_space<hbm>> -> memref<40x128xi32, #tpu.memory_space<hbm>>
      tpu.enqueue_dma source(%dma_start3A_28 : memref<40x128xi32, #tpu.memory_space<hbm>>) target(%arg7 : memref<40x128xi32, #tpu.memory_space<vmem>>) target_semaphore(%run_scoped3A : memref<!tpu.dma_semaphore, #tpu.memory_space<semaphore_mem>>)
      %dma_wait3A = arith.constant 0 : i32
      %dma_wait3A_29 = arith.constant 0 : i32
      %dma_wait3A_30 = tpu.memref_slice %arg3[%add3A, %dma_wait3A, %dma_wait3A_29] : memref<32x40x128xi32, #tpu.memory_space<hbm>> -> memref<1x40x128xi32, #tpu.memory_space<hbm>>
      %dma_wait3A_31 = tpu.memref_squeeze %dma_wait3A_30 : memref<1x40x128xi32, #tpu.memory_space<hbm>> -> memref<40x128xi32, #tpu.memory_space<hbm>>
      %dma_wait3A_32 = arith.constant 0 : i32
      %dma_wait3A_33 = arith.constant 0 : i32
      %dma_wait3A_34 = tpu.memref_slice %arg3[%add3A, %dma_wait3A_32, %dma_wait3A_33] : memref<32x40x128xi32, #tpu.memory_space<hbm>> -> memref<1x40x128xi32, #tpu.memory_space<hbm>>
      %dma_wait3A_35 = tpu.memref_squeeze %dma_wait3A_34 : memref<1x40x128xi32, #tpu.memory_space<hbm>> -> memref<40x128xi32, #tpu.memory_space<hbm>>
      tpu.wait_dma2 semaphore(%run_scoped3A : memref<!tpu.dma_semaphore, #tpu.memory_space<semaphore_mem>>) src(%dma_wait3A_35 : memref<40x128xi32, #tpu.memory_space<hbm>>) dst(%arg7 : memref<40x128xi32, #tpu.memory_space<vmem>>)
      tpu.yield
    }) : () -> ()
    "tpu.region"() ({
      %run_scoped3A = tpu.sem_alloc : memref<!tpu.dma_semaphore, #tpu.memory_space<semaphore_mem>>
      %dma_start3A_21 = arith.constant 0 : i32
      %dma_start3A_22 = arith.constant 0 : i32
      %dma_start3A_23 = tpu.memref_slice %arg4[%add3A, %dma_start3A_21, %dma_start3A_22] : memref<32x40x128xi32, #tpu.memory_space<hbm>> -> memref<1x40x128xi32, #tpu.memory_space<hbm>>
      %dma_start3A_24 = tpu.memref_squeeze %dma_start3A_23 : memref<1x40x128xi32, #tpu.memory_space<hbm>> -> memref<40x128xi32, #tpu.memory_space<hbm>>
      %dma_start3A_25 = arith.constant 0 : i32
      %dma_start3A_26 = arith.constant 0 : i32
      %dma_start3A_27 = tpu.memref_slice %arg4[%add3A, %dma_start3A_25, %dma_start3A_26] : memref<32x40x128xi32, #tpu.memory_space<hbm>> -> memref<1x40x128xi32, #tpu.memory_space<hbm>>
      %dma_start3A_28 = tpu.memref_squeeze %dma_start3A_27 : memref<1x40x128xi32, #tpu.memory_space<hbm>> -> memref<40x128xi32, #tpu.memory_space<hbm>>
      tpu.enqueue_dma source(%dma_start3A_28 : memref<40x128xi32, #tpu.memory_space<hbm>>) target(%arg8 : memref<40x128xi32, #tpu.memory_space<vmem>>) target_semaphore(%run_scoped3A : memref<!tpu.dma_semaphore, #tpu.memory_space<semaphore_mem>>)
      %dma_wait3A = arith.constant 0 : i32
      %dma_wait3A_29 = arith.constant 0 : i32
      %dma_wait3A_30 = tpu.memref_slice %arg4[%add3A, %dma_wait3A, %dma_wait3A_29] : memref<32x40x128xi32, #tpu.memory_space<hbm>> -> memref<1x40x128xi32, #tpu.memory_space<hbm>>
      %dma_wait3A_31 = tpu.memref_squeeze %dma_wait3A_30 : memref<1x40x128xi32, #tpu.memory_space<hbm>> -> memref<40x128xi32, #tpu.memory_space<hbm>>
      %dma_wait3A_32 = arith.constant 0 : i32
      %dma_wait3A_33 = arith.constant 0 : i32
      %dma_wait3A_34 = tpu.memref_slice %arg4[%add3A, %dma_wait3A_32, %dma_wait3A_33] : memref<32x40x128xi32, #tpu.memory_space<hbm>> -> memref<1x40x128xi32, #tpu.memory_space<hbm>>
      %dma_wait3A_35 = tpu.memref_squeeze %dma_wait3A_34 : memref<1x40x128xi32, #tpu.memory_space<hbm>> -> memref<40x128xi32, #tpu.memory_space<hbm>>
      tpu.wait_dma2 semaphore(%run_scoped3A : memref<!tpu.dma_semaphore, #tpu.memory_space<semaphore_mem>>) src(%dma_wait3A_35 : memref<40x128xi32, #tpu.memory_space<hbm>>) dst(%arg8 : memref<40x128xi32, #tpu.memory_space<vmem>>)
      tpu.yield
    }) : () -> ()
    %barrier3A = arith.constant 0 : index
    tpu.barrier barrier_id(%barrier3A)
    %dma_start3A = arith.constant 0 : i32
    %dma_start3A_5 = arith.constant 0 : i32
    %dma_start3A_6 = tpu.memref_slice %arg7[%dma_start3A, %dma_start3A_5] : memref<40x128xi32, #tpu.memory_space<vmem>> -> memref<1x128xi32, #tpu.memory_space<vmem>>
    %dma_start3A_7 = tpu.memref_squeeze %dma_start3A_6 : memref<1x128xi32, #tpu.memory_space<vmem>> -> memref<128xi32, #tpu.memory_space<vmem>>
    %dma_start3A_8 = arith.constant 0 : i32
    %dma_start3A_9 = arith.constant 0 : i32
    %dma_start3A_10 = tpu.memref_slice %arg2[%dma_start3A_8, %dma_start3A_9] : memref<10112x8xf32, #tpu.memory_space<hbm>> -> memref<10112x8xf32, #tpu.memory_space<hbm>>
    tpu.enqueue_indirect_dma source(%dma_start3A_10 : memref<10112x8xf32, #tpu.memory_space<hbm>>) target(%arg9 : memref<128x8xf32, #tpu.memory_space<vmem>>) offsets(%dma_start3A_7 : memref<128xi32, #tpu.memory_space<vmem>>) semaphore(%arg13 : memref<!tpu.dma_semaphore, #tpu.memory_space<semaphore_mem>>)
    %scan3A = arith.constant 0 : i32
    %scan3A_11 = arith.constant 0 : i32
    %scan3A_12 = arith.constant 20 : i32
    %scan3A_13 = arith.addi %scan3A_11, %scan3A_12 : i32
    %scan3A_14 = arith.constant 1 : i32
    scf.for %scan3A_21 = %scan3A_11 to %scan3A_13 step %scan3A_14  : i32 {
      %mul3A_22 = arith.constant 2 : i32
      %mul3A_23 = arith.muli %mul3A_22, %scan3A_21 : i32
      %mul3A_24 = arith.constant 2 : i32
      %mul3A_25 = arith.muli %mul3A_24, %scan3A_21 : i32
      %add3A_26 = arith.constant 1 : i32
      %add3A_27 = arith.addi %mul3A_25, %add3A_26 : i32
      %dma_wait3A = arith.constant 0 : i32
      %dma_wait3A_28 = tpu.memref_slice %arg7[%mul3A_23, %dma_wait3A] : memref<40x128xi32, #tpu.memory_space<vmem>> -> memref<1x128xi32, #tpu.memory_space<vmem>>
      %dma_wait3A_29 = tpu.memref_squeeze %dma_wait3A_28 : memref<1x128xi32, #tpu.memory_space<vmem>> -> memref<128xi32, #tpu.memory_space<vmem>>
      %dma_wait3A_30 = arith.constant 0 : i32
      %dma_wait3A_31 = arith.constant 0 : i32
      %dma_wait3A_32 = tpu.memref_slice %arg2[%dma_wait3A_30, %dma_wait3A_31] : memref<10112x8xf32, #tpu.memory_space<hbm>> -> memref<10112x8xf32, #tpu.memory_space<hbm>>
      tpu.wait_indirect_dma semaphore(%arg13 : memref<!tpu.dma_semaphore, #tpu.memory_space<semaphore_mem>>) src(%dma_wait3A_32 : memref<10112x8xf32, #tpu.memory_space<hbm>>) dst(%arg9 : memref<128x8xf32, #tpu.memory_space<vmem>>)
      %dma_start3A_33 = arith.constant 0 : i32
      %dma_start3A_34 = tpu.memref_slice %arg7[%add3A_27, %dma_start3A_33] : memref<40x128xi32, #tpu.memory_space<vmem>> -> memref<1x128xi32, #tpu.memory_space<vmem>>
      %dma_start3A_35 = tpu.memref_squeeze %dma_start3A_34 : memref<1x128xi32, #tpu.memory_space<vmem>> -> memref<128xi32, #tpu.memory_space<vmem>>
      %dma_start3A_36 = arith.constant 0 : i32
      %dma_start3A_37 = arith.constant 0 : i32
      %dma_start3A_38 = tpu.memref_slice %arg2[%dma_start3A_36, %dma_start3A_37] : memref<10112x8xf32, #tpu.memory_space<hbm>> -> memref<10112x8xf32, #tpu.memory_space<hbm>>
      tpu.enqueue_indirect_dma source(%dma_start3A_38 : memref<10112x8xf32, #tpu.memory_space<hbm>>) target(%arg10 : memref<128x8xf32, #tpu.memory_space<vmem>>) offsets(%dma_start3A_35 : memref<128xi32, #tpu.memory_space<vmem>>) semaphore(%arg14 : memref<!tpu.dma_semaphore, #tpu.memory_space<semaphore_mem>>)
      %dma_wait3A_39 = arith.constant 0 : i32
      %dma_wait3A_40 = tpu.memref_slice %arg7[%add3A_27, %dma_wait3A_39] : memref<40x128xi32, #tpu.memory_space<vmem>> -> memref<1x128xi32, #tpu.memory_space<vmem>>
      %dma_wait3A_41 = tpu.memref_squeeze %dma_wait3A_40 : memref<1x128xi32, #tpu.memory_space<vmem>> -> memref<128xi32, #tpu.memory_space<vmem>>
      %dma_wait3A_42 = arith.constant 0 : i32
      %dma_wait3A_43 = arith.constant 0 : i32
      %dma_wait3A_44 = tpu.memref_slice %arg2[%dma_wait3A_42, %dma_wait3A_43] : memref<10112x8xf32, #tpu.memory_space<hbm>> -> memref<10112x8xf32, #tpu.memory_space<hbm>>
      tpu.wait_indirect_dma semaphore(%arg14 : memref<!tpu.dma_semaphore, #tpu.memory_space<semaphore_mem>>) src(%dma_wait3A_44 : memref<10112x8xf32, #tpu.memory_space<hbm>>) dst(%arg10 : memref<128x8xf32, #tpu.memory_space<vmem>>)
      %add3A_45 = arith.constant 1 : i32
      %add3A_46 = arith.addi %add3A_27, %add3A_45 : i32
      %lt3A = arith.constant 40 : i32
      %lt3A_47 = arith.cmpi slt, %add3A_46, %lt3A : i32
      %convert_element_type3A = arith.extui %lt3A_47 : i1 to i32
      %cond3A = arith.constant 0 : i32
      %cond3A_48 = arith.cmpi ne, %convert_element_type3A, %cond3A : i32
      scf.if %cond3A_48 {
        %add3A_49 = arith.constant 1 : i32
        %add3A_50 = arith.addi %add3A_27, %add3A_49 : i32
        %dma_start3A_51 = arith.constant 0 : i32
        %dma_start3A_52 = tpu.memref_slice %arg7[%add3A_50, %dma_start3A_51] : memref<40x128xi32, #tpu.memory_space<vmem>> -> memref<1x128xi32, #tpu.memory_space<vmem>>
        %dma_start3A_53 = tpu.memref_squeeze %dma_start3A_52 : memref<1x128xi32, #tpu.memory_space<vmem>> -> memref<128xi32, #tpu.memory_space<vmem>>
        %dma_start3A_54 = arith.constant 0 : i32
        %dma_start3A_55 = arith.constant 0 : i32
        %dma_start3A_56 = tpu.memref_slice %arg2[%dma_start3A_54, %dma_start3A_55] : memref<10112x8xf32, #tpu.memory_space<hbm>> -> memref<10112x8xf32, #tpu.memory_space<hbm>>
        tpu.enqueue_indirect_dma source(%dma_start3A_56 : memref<10112x8xf32, #tpu.memory_space<hbm>>) target(%arg9 : memref<128x8xf32, #tpu.memory_space<vmem>>) offsets(%dma_start3A_53 : memref<128xi32, #tpu.memory_space<vmem>>) semaphore(%arg13 : memref<!tpu.dma_semaphore, #tpu.memory_space<semaphore_mem>>)
      } else {
      }
    }
    %scan3A_15 = arith.constant 20 : i32
    %barrier3A_16 = arith.constant 0 : index
    tpu.barrier barrier_id(%barrier3A_16)
    %mul3A_17 = arith.constant 632 : i32
    %mul3A_18 = arith.muli %arg1, %mul3A_17 : i32
    "tpu.region"() ({
      %run_scoped3A = tpu.sem_alloc : memref<!tpu.dma_semaphore, #tpu.memory_space<semaphore_mem>>
      %dma_start3A_21 = arith.constant 0 : i32
      %dma_start3A_22 = tpu.memref_slice %arg12[%mul3A_18, %dma_start3A_21] : memref<10112x8xf32, #tpu.memory_space<vmem_shared>> -> memref<632x8xf32, #tpu.memory_space<vmem_shared>>
      %dma_start3A_23 = arith.constant 0 : i32
      %dma_start3A_24 = tpu.memref_slice %arg12[%mul3A_18, %dma_start3A_23] : memref<10112x8xf32, #tpu.memory_space<vmem_shared>> -> memref<632x8xf32, #tpu.memory_space<vmem_shared>>
      tpu.enqueue_dma source(%dma_start3A_24 : memref<632x8xf32, #tpu.memory_space<vmem_shared>>) target(%arg11 : memref<632x8xf32, #tpu.memory_space<vmem>>) target_semaphore(%run_scoped3A : memref<!tpu.dma_semaphore, #tpu.memory_space<semaphore_mem>>)
      %dma_wait3A = arith.constant 0 : i32
      %dma_wait3A_25 = tpu.memref_slice %arg12[%mul3A_18, %dma_wait3A] : memref<10112x8xf32, #tpu.memory_space<vmem_shared>> -> memref<632x8xf32, #tpu.memory_space<vmem_shared>>
      %dma_wait3A_26 = arith.constant 0 : i32
      %dma_wait3A_27 = tpu.memref_slice %arg12[%mul3A_18, %dma_wait3A_26] : memref<10112x8xf32, #tpu.memory_space<vmem_shared>> -> memref<632x8xf32, #tpu.memory_space<vmem_shared>>
      tpu.wait_dma2 semaphore(%run_scoped3A : memref<!tpu.dma_semaphore, #tpu.memory_space<semaphore_mem>>) src(%dma_wait3A_27 : memref<632x8xf32, #tpu.memory_space<vmem_shared>>) dst(%arg11 : memref<632x8xf32, #tpu.memory_space<vmem>>)
      tpu.yield
    }) : () -> ()
    %mul3A_19 = arith.constant 632 : i32
    %mul3A_20 = arith.muli %arg1, %mul3A_19 : i32
    "tpu.region"() ({
      %run_scoped3A = tpu.sem_alloc : memref<!tpu.dma_semaphore, #tpu.memory_space<semaphore_mem>>
      %dma_start3A_21 = arith.constant 0 : i32
      %dma_start3A_22 = tpu.memref_slice %arg6[%arg0, %mul3A_20, %dma_start3A_21] : memref<2x10112x8xf32, #tpu.memory_space<hbm>> -> memref<1x632x8xf32, #tpu.memory_space<hbm>>
      %dma_start3A_23 = tpu.memref_squeeze %dma_start3A_22 : memref<1x632x8xf32, #tpu.memory_space<hbm>> -> memref<632x8xf32, #tpu.memory_space<hbm>>
      %dma_start3A_24 = arith.constant 0 : i32
      %dma_start3A_25 = tpu.memref_slice %arg6[%arg0, %mul3A_20, %dma_start3A_24] : memref<2x10112x8xf32, #tpu.memory_space<hbm>> -> memref<1x632x8xf32, #tpu.memory_space<hbm>>
      %dma_start3A_26 = tpu.memref_squeeze %dma_start3A_25 : memref<1x632x8xf32, #tpu.memory_space<hbm>> -> memref<632x8xf32, #tpu.memory_space<hbm>>
      tpu.enqueue_dma source(%arg11 : memref<632x8xf32, #tpu.memory_space<vmem>>) target(%dma_start3A_26 : memref<632x8xf32, #tpu.memory_space<hbm>>) target_semaphore(%run_scoped3A : memref<!tpu.dma_semaphore, #tpu.memory_space<semaphore_mem>>)
      %dma_wait3A = arith.constant 0 : i32
      %dma_wait3A_27 = tpu.memref_slice %arg6[%arg0, %mul3A_20, %dma_wait3A] : memref<2x10112x8xf32, #tpu.memory_space<hbm>> -> memref<1x632x8xf32, #tpu.memory_space<hbm>>
      %dma_wait3A_28 = tpu.memref_squeeze %dma_wait3A_27 : memref<1x632x8xf32, #tpu.memory_space<hbm>> -> memref<632x8xf32, #tpu.memory_space<hbm>>
      %dma_wait3A_29 = arith.constant 0 : i32
      %dma_wait3A_30 = tpu.memref_slice %arg6[%arg0, %mul3A_20, %dma_wait3A_29] : memref<2x10112x8xf32, #tpu.memory_space<hbm>> -> memref<1x632x8xf32, #tpu.memory_space<hbm>>
      %dma_wait3A_31 = tpu.memref_squeeze %dma_wait3A_30 : memref<1x632x8xf32, #tpu.memory_space<hbm>> -> memref<632x8xf32, #tpu.memory_space<hbm>>
      tpu.wait_dma2 semaphore(%run_scoped3A : memref<!tpu.dma_semaphore, #tpu.memory_space<semaphore_mem>>) src(%arg11 : memref<632x8xf32, #tpu.memory_space<vmem>>) dst(%dma_wait3A_31 : memref<632x8xf32, #tpu.memory_space<hbm>>)
      tpu.yield
    }) : () -> ()
    return
  }
}

#map = affine_map<(d0, d1) -> (0, 0)>
#map1 = affine_map<(d0, d1) -> (0, 0, 0)>
module attributes {stable_mosaic.version = 14 : i64} {
  func.func @kfn(%arg0: i32, %arg1: i32, %arg2: memref<10112x64xf32, #tpu.memory_space<hbm>>, %arg3: memref<32x40x128xi32, #tpu.memory_space<hbm>>, %arg4: memref<32x40x128xi32, #tpu.memory_space<hbm>>, %arg5: memref<10112x64xf32, #tpu.memory_space<hbm>>, %arg6: memref<2x10112x64xf32, #tpu.memory_space<hbm>>, %arg7: memref<40x128xi32, #tpu.memory_space<vmem>>, %arg8: memref<40x128xi32, #tpu.memory_space<vmem>>, %arg9: memref<128x64xf32, #tpu.memory_space<vmem>>, %arg10: memref<128x64xf32, #tpu.memory_space<vmem>>, %arg11: memref<632x64xf32, #tpu.memory_space<vmem>>, %arg12: memref<10112x64xf32, #tpu.memory_space<vmem_shared>>, %arg13: memref<!tpu.dma_semaphore, #tpu.memory_space<semaphore_mem>>, %arg14: memref<!tpu.dma_semaphore, #tpu.memory_space<semaphore_mem>>) attributes {dimension_semantics = [#tpu.dimension_semantics<core_parallel>, #tpu.dimension_semantics<subcore_parallel>], iteration_bounds = array<i64: 2, 16>, scalar_prefetch = 0 : i64, scratch_operands = 8 : i64, tpu.core_type = #tpu.core_type<sc_vector_subcore>, window_params = [{transform_indices = #map}, {transform_indices = #map1}, {transform_indices = #map1}, {transform_indices = #map}, {transform_indices = #map1}]} {
    %mul3A = arith.constant 16 : i32
    %mul3A_0 = arith.muli %arg0, %mul3A : i32
    %add3A = arith.addi %mul3A_0, %arg1 : i32
    %mul3A_1 = arith.constant 632 : i32
    %mul3A_2 = arith.muli %arg1, %mul3A_1 : i32
    %mul3A_3 = arith.constant 632 : i32
    %mul3A_4 = arith.muli %arg1, %mul3A_3 : i32
    "tpu.region"() ({
      %run_scoped3A = tpu.sem_alloc : memref<!tpu.dma_semaphore, #tpu.memory_space<semaphore_mem>>
      %dma_start3A_21 = arith.constant 0 : i32
      %dma_start3A_22 = tpu.memref_slice %arg12[%mul3A_4, %dma_start3A_21] : memref<10112x64xf32, #tpu.memory_space<vmem_shared>> -> memref<632x64xf32, #tpu.memory_space<vmem_shared>>
      %dma_start3A_23 = arith.constant 0 : i32
      %dma_start3A_24 = tpu.memref_slice %arg5[%mul3A_2, %dma_start3A_23] : memref<10112x64xf32, #tpu.memory_space<hbm>> -> memref<632x64xf32, #tpu.memory_space<hbm>>
      tpu.enqueue_dma source(%dma_start3A_24 : memref<632x64xf32, #tpu.memory_space<hbm>>) target(%dma_start3A_22 : memref<632x64xf32, #tpu.memory_space<vmem_shared>>) target_semaphore(%run_scoped3A : memref<!tpu.dma_semaphore, #tpu.memory_space<semaphore_mem>>)
      %dma_wait3A = arith.constant 0 : i32
      %dma_wait3A_25 = tpu.memref_slice %arg12[%mul3A_4, %dma_wait3A] : memref<10112x64xf32, #tpu.memory_space<vmem_shared>> -> memref<632x64xf32, #tpu.memory_space<vmem_shared>>
      %dma_wait3A_26 = arith.constant 0 : i32
      %dma_wait3A_27 = tpu.memref_slice %arg5[%mul3A_2, %dma_wait3A_26] : memref<10112x64xf32, #tpu.memory_space<hbm>> -> memref<632x64xf32, #tpu.memory_space<hbm>>
      tpu.wait_dma2 semaphore(%run_scoped3A : memref<!tpu.dma_semaphore, #tpu.memory_space<semaphore_mem>>) src(%dma_wait3A_27 : memref<632x64xf32, #tpu.memory_space<hbm>>) dst(%dma_wait3A_25 : memref<632x64xf32, #tpu.memory_space<vmem_shared>>)
      tpu.yield
    }) : () -> ()
    "tpu.region"() ({
      %run_scoped3A = tpu.sem_alloc : memref<!tpu.dma_semaphore, #tpu.memory_space<semaphore_mem>>
      %dma_start3A_21 = arith.constant 0 : i32
      %dma_start3A_22 = arith.constant 0 : i32
      %dma_start3A_23 = tpu.memref_slice %arg3[%add3A, %dma_start3A_21, %dma_start3A_22] : memref<32x40x128xi32, #tpu.memory_space<hbm>> -> memref<1x40x128xi32, #tpu.memory_space<hbm>>
      %dma_start3A_24 = tpu.memref_squeeze %dma_start3A_23 : memref<1x40x128xi32, #tpu.memory_space<hbm>> -> memref<40x128xi32, #tpu.memory_space<hbm>>
      %dma_start3A_25 = arith.constant 0 : i32
      %dma_start3A_26 = arith.constant 0 : i32
      %dma_start3A_27 = tpu.memref_slice %arg3[%add3A, %dma_start3A_25, %dma_start3A_26] : memref<32x40x128xi32, #tpu.memory_space<hbm>> -> memref<1x40x128xi32, #tpu.memory_space<hbm>>
      %dma_start3A_28 = tpu.memref_squeeze %dma_start3A_27 : memref<1x40x128xi32, #tpu.memory_space<hbm>> -> memref<40x128xi32, #tpu.memory_space<hbm>>
      tpu.enqueue_dma source(%dma_start3A_28 : memref<40x128xi32, #tpu.memory_space<hbm>>) target(%arg7 : memref<40x128xi32, #tpu.memory_space<vmem>>) target_semaphore(%run_scoped3A : memref<!tpu.dma_semaphore, #tpu.memory_space<semaphore_mem>>)
      %dma_wait3A = arith.constant 0 : i32
      %dma_wait3A_29 = arith.constant 0 : i32
      %dma_wait3A_30 = tpu.memref_slice %arg3[%add3A, %dma_wait3A, %dma_wait3A_29] : memref<32x40x128xi32, #tpu.memory_space<hbm>> -> memref<1x40x128xi32, #tpu.memory_space<hbm>>
      %dma_wait3A_31 = tpu.memref_squeeze %dma_wait3A_30 : memref<1x40x128xi32, #tpu.memory_space<hbm>> -> memref<40x128xi32, #tpu.memory_space<hbm>>
      %dma_wait3A_32 = arith.constant 0 : i32
      %dma_wait3A_33 = arith.constant 0 : i32
      %dma_wait3A_34 = tpu.memref_slice %arg3[%add3A, %dma_wait3A_32, %dma_wait3A_33] : memref<32x40x128xi32, #tpu.memory_space<hbm>> -> memref<1x40x128xi32, #tpu.memory_space<hbm>>
      %dma_wait3A_35 = tpu.memref_squeeze %dma_wait3A_34 : memref<1x40x128xi32, #tpu.memory_space<hbm>> -> memref<40x128xi32, #tpu.memory_space<hbm>>
      tpu.wait_dma2 semaphore(%run_scoped3A : memref<!tpu.dma_semaphore, #tpu.memory_space<semaphore_mem>>) src(%dma_wait3A_35 : memref<40x128xi32, #tpu.memory_space<hbm>>) dst(%arg7 : memref<40x128xi32, #tpu.memory_space<vmem>>)
      tpu.yield
    }) : () -> ()
    "tpu.region"() ({
      %run_scoped3A = tpu.sem_alloc : memref<!tpu.dma_semaphore, #tpu.memory_space<semaphore_mem>>
      %dma_start3A_21 = arith.constant 0 : i32
      %dma_start3A_22 = arith.constant 0 : i32
      %dma_start3A_23 = tpu.memref_slice %arg4[%add3A, %dma_start3A_21, %dma_start3A_22] : memref<32x40x128xi32, #tpu.memory_space<hbm>> -> memref<1x40x128xi32, #tpu.memory_space<hbm>>
      %dma_start3A_24 = tpu.memref_squeeze %dma_start3A_23 : memref<1x40x128xi32, #tpu.memory_space<hbm>> -> memref<40x128xi32, #tpu.memory_space<hbm>>
      %dma_start3A_25 = arith.constant 0 : i32
      %dma_start3A_26 = arith.constant 0 : i32
      %dma_start3A_27 = tpu.memref_slice %arg4[%add3A, %dma_start3A_25, %dma_start3A_26] : memref<32x40x128xi32, #tpu.memory_space<hbm>> -> memref<1x40x128xi32, #tpu.memory_space<hbm>>
      %dma_start3A_28 = tpu.memref_squeeze %dma_start3A_27 : memref<1x40x128xi32, #tpu.memory_space<hbm>> -> memref<40x128xi32, #tpu.memory_space<hbm>>
      tpu.enqueue_dma source(%dma_start3A_28 : memref<40x128xi32, #tpu.memory_space<hbm>>) target(%arg8 : memref<40x128xi32, #tpu.memory_space<vmem>>) target_semaphore(%run_scoped3A : memref<!tpu.dma_semaphore, #tpu.memory_space<semaphore_mem>>)
      %dma_wait3A = arith.constant 0 : i32
      %dma_wait3A_29 = arith.constant 0 : i32
      %dma_wait3A_30 = tpu.memref_slice %arg4[%add3A, %dma_wait3A, %dma_wait3A_29] : memref<32x40x128xi32, #tpu.memory_space<hbm>> -> memref<1x40x128xi32, #tpu.memory_space<hbm>>
      %dma_wait3A_31 = tpu.memref_squeeze %dma_wait3A_30 : memref<1x40x128xi32, #tpu.memory_space<hbm>> -> memref<40x128xi32, #tpu.memory_space<hbm>>
      %dma_wait3A_32 = arith.constant 0 : i32
      %dma_wait3A_33 = arith.constant 0 : i32
      %dma_wait3A_34 = tpu.memref_slice %arg4[%add3A, %dma_wait3A_32, %dma_wait3A_33] : memref<32x40x128xi32, #tpu.memory_space<hbm>> -> memref<1x40x128xi32, #tpu.memory_space<hbm>>
      %dma_wait3A_35 = tpu.memref_squeeze %dma_wait3A_34 : memref<1x40x128xi32, #tpu.memory_space<hbm>> -> memref<40x128xi32, #tpu.memory_space<hbm>>
      tpu.wait_dma2 semaphore(%run_scoped3A : memref<!tpu.dma_semaphore, #tpu.memory_space<semaphore_mem>>) src(%dma_wait3A_35 : memref<40x128xi32, #tpu.memory_space<hbm>>) dst(%arg8 : memref<40x128xi32, #tpu.memory_space<vmem>>)
      tpu.yield
    }) : () -> ()
    %barrier3A = arith.constant 0 : index
    tpu.barrier barrier_id(%barrier3A)
    %dma_start3A = arith.constant 0 : i32
    %dma_start3A_5 = arith.constant 0 : i32
    %dma_start3A_6 = tpu.memref_slice %arg7[%dma_start3A, %dma_start3A_5] : memref<40x128xi32, #tpu.memory_space<vmem>> -> memref<1x128xi32, #tpu.memory_space<vmem>>
    %dma_start3A_7 = tpu.memref_squeeze %dma_start3A_6 : memref<1x128xi32, #tpu.memory_space<vmem>> -> memref<128xi32, #tpu.memory_space<vmem>>
    %dma_start3A_8 = arith.constant 0 : i32
    %dma_start3A_9 = arith.constant 0 : i32
    %dma_start3A_10 = tpu.memref_slice %arg2[%dma_start3A_8, %dma_start3A_9] : memref<10112x64xf32, #tpu.memory_space<hbm>> -> memref<10112x64xf32, #tpu.memory_space<hbm>>
    tpu.enqueue_indirect_dma source(%dma_start3A_10 : memref<10112x64xf32, #tpu.memory_space<hbm>>) target(%arg9 : memref<128x64xf32, #tpu.memory_space<vmem>>) offsets(%dma_start3A_7 : memref<128xi32, #tpu.memory_space<vmem>>) semaphore(%arg13 : memref<!tpu.dma_semaphore, #tpu.memory_space<semaphore_mem>>)
    %scan3A = arith.constant 0 : i32
    %scan3A_11 = arith.constant 0 : i32
    %scan3A_12 = arith.constant 20 : i32
    %scan3A_13 = arith.addi %scan3A_11, %scan3A_12 : i32
    %scan3A_14 = arith.constant 1 : i32
    scf.for %scan3A_21 = %scan3A_11 to %scan3A_13 step %scan3A_14  : i32 {
      %mul3A_22 = arith.constant 2 : i32
      %mul3A_23 = arith.muli %mul3A_22, %scan3A_21 : i32
      %mul3A_24 = arith.constant 2 : i32
      %mul3A_25 = arith.muli %mul3A_24, %scan3A_21 : i32
      %add3A_26 = arith.constant 1 : i32
      %add3A_27 = arith.addi %mul3A_25, %add3A_26 : i32
      %dma_wait3A = arith.constant 0 : i32
      %dma_wait3A_28 = tpu.memref_slice %arg7[%mul3A_23, %dma_wait3A] : memref<40x128xi32, #tpu.memory_space<vmem>> -> memref<1x128xi32, #tpu.memory_space<vmem>>
      %dma_wait3A_29 = tpu.memref_squeeze %dma_wait3A_28 : memref<1x128xi32, #tpu.memory_space<vmem>> -> memref<128xi32, #tpu.memory_space<vmem>>
      %dma_wait3A_30 = arith.constant 0 : i32
      %dma_wait3A_31 = arith.constant 0 : i32
      %dma_wait3A_32 = tpu.memref_slice %arg2[%dma_wait3A_30, %dma_wait3A_31] : memref<10112x64xf32, #tpu.memory_space<hbm>> -> memref<10112x64xf32, #tpu.memory_space<hbm>>
      tpu.wait_indirect_dma semaphore(%arg13 : memref<!tpu.dma_semaphore, #tpu.memory_space<semaphore_mem>>) src(%dma_wait3A_32 : memref<10112x64xf32, #tpu.memory_space<hbm>>) dst(%arg9 : memref<128x64xf32, #tpu.memory_space<vmem>>)
      %dma_start3A_33 = arith.constant 0 : i32
      %dma_start3A_34 = tpu.memref_slice %arg7[%add3A_27, %dma_start3A_33] : memref<40x128xi32, #tpu.memory_space<vmem>> -> memref<1x128xi32, #tpu.memory_space<vmem>>
      %dma_start3A_35 = tpu.memref_squeeze %dma_start3A_34 : memref<1x128xi32, #tpu.memory_space<vmem>> -> memref<128xi32, #tpu.memory_space<vmem>>
      %dma_start3A_36 = arith.constant 0 : i32
      %dma_start3A_37 = arith.constant 0 : i32
      %dma_start3A_38 = tpu.memref_slice %arg2[%dma_start3A_36, %dma_start3A_37] : memref<10112x64xf32, #tpu.memory_space<hbm>> -> memref<10112x64xf32, #tpu.memory_space<hbm>>
      tpu.enqueue_indirect_dma source(%dma_start3A_38 : memref<10112x64xf32, #tpu.memory_space<hbm>>) target(%arg10 : memref<128x64xf32, #tpu.memory_space<vmem>>) offsets(%dma_start3A_35 : memref<128xi32, #tpu.memory_space<vmem>>) semaphore(%arg14 : memref<!tpu.dma_semaphore, #tpu.memory_space<semaphore_mem>>)
      %dma_wait3A_39 = arith.constant 0 : i32
      %dma_wait3A_40 = tpu.memref_slice %arg7[%add3A_27, %dma_wait3A_39] : memref<40x128xi32, #tpu.memory_space<vmem>> -> memref<1x128xi32, #tpu.memory_space<vmem>>
      %dma_wait3A_41 = tpu.memref_squeeze %dma_wait3A_40 : memref<1x128xi32, #tpu.memory_space<vmem>> -> memref<128xi32, #tpu.memory_space<vmem>>
      %dma_wait3A_42 = arith.constant 0 : i32
      %dma_wait3A_43 = arith.constant 0 : i32
      %dma_wait3A_44 = tpu.memref_slice %arg2[%dma_wait3A_42, %dma_wait3A_43] : memref<10112x64xf32, #tpu.memory_space<hbm>> -> memref<10112x64xf32, #tpu.memory_space<hbm>>
      tpu.wait_indirect_dma semaphore(%arg14 : memref<!tpu.dma_semaphore, #tpu.memory_space<semaphore_mem>>) src(%dma_wait3A_44 : memref<10112x64xf32, #tpu.memory_space<hbm>>) dst(%arg10 : memref<128x64xf32, #tpu.memory_space<vmem>>)
      %add3A_45 = arith.constant 1 : i32
      %add3A_46 = arith.addi %add3A_27, %add3A_45 : i32
      %lt3A = arith.constant 40 : i32
      %lt3A_47 = arith.cmpi slt, %add3A_46, %lt3A : i32
      %convert_element_type3A = arith.extui %lt3A_47 : i1 to i32
      %cond3A = arith.constant 0 : i32
      %cond3A_48 = arith.cmpi ne, %convert_element_type3A, %cond3A : i32
      scf.if %cond3A_48 {
        %add3A_49 = arith.constant 1 : i32
        %add3A_50 = arith.addi %add3A_27, %add3A_49 : i32
        %dma_start3A_51 = arith.constant 0 : i32
        %dma_start3A_52 = tpu.memref_slice %arg7[%add3A_50, %dma_start3A_51] : memref<40x128xi32, #tpu.memory_space<vmem>> -> memref<1x128xi32, #tpu.memory_space<vmem>>
        %dma_start3A_53 = tpu.memref_squeeze %dma_start3A_52 : memref<1x128xi32, #tpu.memory_space<vmem>> -> memref<128xi32, #tpu.memory_space<vmem>>
        %dma_start3A_54 = arith.constant 0 : i32
        %dma_start3A_55 = arith.constant 0 : i32
        %dma_start3A_56 = tpu.memref_slice %arg2[%dma_start3A_54, %dma_start3A_55] : memref<10112x64xf32, #tpu.memory_space<hbm>> -> memref<10112x64xf32, #tpu.memory_space<hbm>>
        tpu.enqueue_indirect_dma source(%dma_start3A_56 : memref<10112x64xf32, #tpu.memory_space<hbm>>) target(%arg9 : memref<128x64xf32, #tpu.memory_space<vmem>>) offsets(%dma_start3A_53 : memref<128xi32, #tpu.memory_space<vmem>>) semaphore(%arg13 : memref<!tpu.dma_semaphore, #tpu.memory_space<semaphore_mem>>)
      } else {
      }
    }
    %scan3A_15 = arith.constant 20 : i32
    %barrier3A_16 = arith.constant 0 : index
    tpu.barrier barrier_id(%barrier3A_16)
    %mul3A_17 = arith.constant 632 : i32
    %mul3A_18 = arith.muli %arg1, %mul3A_17 : i32
    "tpu.region"() ({
      %run_scoped3A = tpu.sem_alloc : memref<!tpu.dma_semaphore, #tpu.memory_space<semaphore_mem>>
      %dma_start3A_21 = arith.constant 0 : i32
      %dma_start3A_22 = tpu.memref_slice %arg12[%mul3A_18, %dma_start3A_21] : memref<10112x64xf32, #tpu.memory_space<vmem_shared>> -> memref<632x64xf32, #tpu.memory_space<vmem_shared>>
      %dma_start3A_23 = arith.constant 0 : i32
      %dma_start3A_24 = tpu.memref_slice %arg12[%mul3A_18, %dma_start3A_23] : memref<10112x64xf32, #tpu.memory_space<vmem_shared>> -> memref<632x64xf32, #tpu.memory_space<vmem_shared>>
      tpu.enqueue_dma source(%dma_start3A_24 : memref<632x64xf32, #tpu.memory_space<vmem_shared>>) target(%arg11 : memref<632x64xf32, #tpu.memory_space<vmem>>) target_semaphore(%run_scoped3A : memref<!tpu.dma_semaphore, #tpu.memory_space<semaphore_mem>>)
      %dma_wait3A = arith.constant 0 : i32
      %dma_wait3A_25 = tpu.memref_slice %arg12[%mul3A_18, %dma_wait3A] : memref<10112x64xf32, #tpu.memory_space<vmem_shared>> -> memref<632x64xf32, #tpu.memory_space<vmem_shared>>
      %dma_wait3A_26 = arith.constant 0 : i32
      %dma_wait3A_27 = tpu.memref_slice %arg12[%mul3A_18, %dma_wait3A_26] : memref<10112x64xf32, #tpu.memory_space<vmem_shared>> -> memref<632x64xf32, #tpu.memory_space<vmem_shared>>
      tpu.wait_dma2 semaphore(%run_scoped3A : memref<!tpu.dma_semaphore, #tpu.memory_space<semaphore_mem>>) src(%dma_wait3A_27 : memref<632x64xf32, #tpu.memory_space<vmem_shared>>) dst(%arg11 : memref<632x64xf32, #tpu.memory_space<vmem>>)
      tpu.yield
    }) : () -> ()
    %mul3A_19 = arith.constant 632 : i32
    %mul3A_20 = arith.muli %arg1, %mul3A_19 : i32
    "tpu.region"() ({
      %run_scoped3A = tpu.sem_alloc : memref<!tpu.dma_semaphore, #tpu.memory_space<semaphore_mem>>
      %dma_start3A_21 = arith.constant 0 : i32
      %dma_start3A_22 = tpu.memref_slice %arg6[%arg0, %mul3A_20, %dma_start3A_21] : memref<2x10112x64xf32, #tpu.memory_space<hbm>> -> memref<1x632x64xf32, #tpu.memory_space<hbm>>
      %dma_start3A_23 = tpu.memref_squeeze %dma_start3A_22 : memref<1x632x64xf32, #tpu.memory_space<hbm>> -> memref<632x64xf32, #tpu.memory_space<hbm>>
      %dma_start3A_24 = arith.constant 0 : i32
      %dma_start3A_25 = tpu.memref_slice %arg6[%arg0, %mul3A_20, %dma_start3A_24] : memref<2x10112x64xf32, #tpu.memory_space<hbm>> -> memref<1x632x64xf32, #tpu.memory_space<hbm>>
      %dma_start3A_26 = tpu.memref_squeeze %dma_start3A_25 : memref<1x632x64xf32, #tpu.memory_space<hbm>> -> memref<632x64xf32, #tpu.memory_space<hbm>>
      tpu.enqueue_dma source(%arg11 : memref<632x64xf32, #tpu.memory_space<vmem>>) target(%dma_start3A_26 : memref<632x64xf32, #tpu.memory_space<hbm>>) target_semaphore(%run_scoped3A : memref<!tpu.dma_semaphore, #tpu.memory_space<semaphore_mem>>)
      %dma_wait3A = arith.constant 0 : i32
      %dma_wait3A_27 = tpu.memref_slice %arg6[%arg0, %mul3A_20, %dma_wait3A] : memref<2x10112x64xf32, #tpu.memory_space<hbm>> -> memref<1x632x64xf32, #tpu.memory_space<hbm>>
      %dma_wait3A_28 = tpu.memref_squeeze %dma_wait3A_27 : memref<1x632x64xf32, #tpu.memory_space<hbm>> -> memref<632x64xf32, #tpu.memory_space<hbm>>
      %dma_wait3A_29 = arith.constant 0 : i32
      %dma_wait3A_30 = tpu.memref_slice %arg6[%arg0, %mul3A_20, %dma_wait3A_29] : memref<2x10112x64xf32, #tpu.memory_space<hbm>> -> memref<1x632x64xf32, #tpu.memory_space<hbm>>
      %dma_wait3A_31 = tpu.memref_squeeze %dma_wait3A_30 : memref<1x632x64xf32, #tpu.memory_space<hbm>> -> memref<632x64xf32, #tpu.memory_space<hbm>>
      tpu.wait_dma2 semaphore(%run_scoped3A : memref<!tpu.dma_semaphore, #tpu.memory_space<semaphore_mem>>) src(%arg11 : memref<632x64xf32, #tpu.memory_space<vmem>>) dst(%dma_wait3A_31 : memref<632x64xf32, #tpu.memory_space<hbm>>)
      tpu.yield
    }) : () -> ()
    return
  }
}

#map = affine_map<(d0, d1) -> (0, 0)>
#map1 = affine_map<(d0, d1) -> (0, 0, 0)>
module attributes {stable_mosaic.version = 14 : i64} {
  func.func @kfn(%arg0: i32, %arg1: i32, %arg2: memref<10112x64xf32, #tpu.memory_space<hbm>>, %arg3: memref<32x40x128xi32, #tpu.memory_space<hbm>>, %arg4: memref<32x40x128xi32, #tpu.memory_space<hbm>>, %arg5: memref<10112x64xf32, #tpu.memory_space<hbm>>, %arg6: memref<2x10112x64xf32, #tpu.memory_space<hbm>>, %arg7: memref<40x128xi32, #tpu.memory_space<vmem>>, %arg8: memref<40x128xi32, #tpu.memory_space<vmem>>, %arg9: memref<128x64xf32, #tpu.memory_space<vmem>>, %arg10: memref<128x64xf32, #tpu.memory_space<vmem>>, %arg11: memref<632x64xf32, #tpu.memory_space<vmem>>, %arg12: memref<10112x64xf32, #tpu.memory_space<vmem_shared>>, %arg13: memref<!tpu.dma_semaphore, #tpu.memory_space<semaphore_mem>>, %arg14: memref<!tpu.dma_semaphore, #tpu.memory_space<semaphore_mem>>) attributes {dimension_semantics = [#tpu.dimension_semantics<core_parallel>, #tpu.dimension_semantics<subcore_parallel>], iteration_bounds = array<i64: 2, 16>, scalar_prefetch = 0 : i64, scratch_operands = 8 : i64, tpu.core_type = #tpu.core_type<sc_vector_subcore>, window_params = [{transform_indices = #map}, {transform_indices = #map1}, {transform_indices = #map1}, {transform_indices = #map}, {transform_indices = #map1}]} {
    %mul3A = arith.constant 16 : i32
    %mul3A_0 = arith.muli %arg0, %mul3A : i32
    %add3A = arith.addi %mul3A_0, %arg1 : i32
    %mul3A_1 = arith.constant 632 : i32
    %mul3A_2 = arith.muli %arg1, %mul3A_1 : i32
    %mul3A_3 = arith.constant 632 : i32
    %mul3A_4 = arith.muli %arg1, %mul3A_3 : i32
    "tpu.region"() ({
      %run_scoped3A = tpu.sem_alloc : memref<!tpu.dma_semaphore, #tpu.memory_space<semaphore_mem>>
      %dma_start3A_21 = arith.constant 0 : i32
      %dma_start3A_22 = tpu.memref_slice %arg12[%mul3A_4, %dma_start3A_21] : memref<10112x64xf32, #tpu.memory_space<vmem_shared>> -> memref<632x64xf32, #tpu.memory_space<vmem_shared>>
      %dma_start3A_23 = arith.constant 0 : i32
      %dma_start3A_24 = tpu.memref_slice %arg5[%mul3A_2, %dma_start3A_23] : memref<10112x64xf32, #tpu.memory_space<hbm>> -> memref<632x64xf32, #tpu.memory_space<hbm>>
      tpu.enqueue_dma source(%dma_start3A_24 : memref<632x64xf32, #tpu.memory_space<hbm>>) target(%dma_start3A_22 : memref<632x64xf32, #tpu.memory_space<vmem_shared>>) target_semaphore(%run_scoped3A : memref<!tpu.dma_semaphore, #tpu.memory_space<semaphore_mem>>)
      %dma_wait3A = arith.constant 0 : i32
      %dma_wait3A_25 = tpu.memref_slice %arg12[%mul3A_4, %dma_wait3A] : memref<10112x64xf32, #tpu.memory_space<vmem_shared>> -> memref<632x64xf32, #tpu.memory_space<vmem_shared>>
      %dma_wait3A_26 = arith.constant 0 : i32
      %dma_wait3A_27 = tpu.memref_slice %arg5[%mul3A_2, %dma_wait3A_26] : memref<10112x64xf32, #tpu.memory_space<hbm>> -> memref<632x64xf32, #tpu.memory_space<hbm>>
      tpu.wait_dma2 semaphore(%run_scoped3A : memref<!tpu.dma_semaphore, #tpu.memory_space<semaphore_mem>>) src(%dma_wait3A_27 : memref<632x64xf32, #tpu.memory_space<hbm>>) dst(%dma_wait3A_25 : memref<632x64xf32, #tpu.memory_space<vmem_shared>>)
      tpu.yield
    }) : () -> ()
    "tpu.region"() ({
      %run_scoped3A = tpu.sem_alloc : memref<!tpu.dma_semaphore, #tpu.memory_space<semaphore_mem>>
      %dma_start3A_21 = arith.constant 0 : i32
      %dma_start3A_22 = arith.constant 0 : i32
      %dma_start3A_23 = tpu.memref_slice %arg3[%add3A, %dma_start3A_21, %dma_start3A_22] : memref<32x40x128xi32, #tpu.memory_space<hbm>> -> memref<1x40x128xi32, #tpu.memory_space<hbm>>
      %dma_start3A_24 = tpu.memref_squeeze %dma_start3A_23 : memref<1x40x128xi32, #tpu.memory_space<hbm>> -> memref<40x128xi32, #tpu.memory_space<hbm>>
      %dma_start3A_25 = arith.constant 0 : i32
      %dma_start3A_26 = arith.constant 0 : i32
      %dma_start3A_27 = tpu.memref_slice %arg3[%add3A, %dma_start3A_25, %dma_start3A_26] : memref<32x40x128xi32, #tpu.memory_space<hbm>> -> memref<1x40x128xi32, #tpu.memory_space<hbm>>
      %dma_start3A_28 = tpu.memref_squeeze %dma_start3A_27 : memref<1x40x128xi32, #tpu.memory_space<hbm>> -> memref<40x128xi32, #tpu.memory_space<hbm>>
      tpu.enqueue_dma source(%dma_start3A_28 : memref<40x128xi32, #tpu.memory_space<hbm>>) target(%arg7 : memref<40x128xi32, #tpu.memory_space<vmem>>) target_semaphore(%run_scoped3A : memref<!tpu.dma_semaphore, #tpu.memory_space<semaphore_mem>>)
      %dma_wait3A = arith.constant 0 : i32
      %dma_wait3A_29 = arith.constant 0 : i32
      %dma_wait3A_30 = tpu.memref_slice %arg3[%add3A, %dma_wait3A, %dma_wait3A_29] : memref<32x40x128xi32, #tpu.memory_space<hbm>> -> memref<1x40x128xi32, #tpu.memory_space<hbm>>
      %dma_wait3A_31 = tpu.memref_squeeze %dma_wait3A_30 : memref<1x40x128xi32, #tpu.memory_space<hbm>> -> memref<40x128xi32, #tpu.memory_space<hbm>>
      %dma_wait3A_32 = arith.constant 0 : i32
      %dma_wait3A_33 = arith.constant 0 : i32
      %dma_wait3A_34 = tpu.memref_slice %arg3[%add3A, %dma_wait3A_32, %dma_wait3A_33] : memref<32x40x128xi32, #tpu.memory_space<hbm>> -> memref<1x40x128xi32, #tpu.memory_space<hbm>>
      %dma_wait3A_35 = tpu.memref_squeeze %dma_wait3A_34 : memref<1x40x128xi32, #tpu.memory_space<hbm>> -> memref<40x128xi32, #tpu.memory_space<hbm>>
      tpu.wait_dma2 semaphore(%run_scoped3A : memref<!tpu.dma_semaphore, #tpu.memory_space<semaphore_mem>>) src(%dma_wait3A_35 : memref<40x128xi32, #tpu.memory_space<hbm>>) dst(%arg7 : memref<40x128xi32, #tpu.memory_space<vmem>>)
      tpu.yield
    }) : () -> ()
    "tpu.region"() ({
      %run_scoped3A = tpu.sem_alloc : memref<!tpu.dma_semaphore, #tpu.memory_space<semaphore_mem>>
      %dma_start3A_21 = arith.constant 0 : i32
      %dma_start3A_22 = arith.constant 0 : i32
      %dma_start3A_23 = tpu.memref_slice %arg4[%add3A, %dma_start3A_21, %dma_start3A_22] : memref<32x40x128xi32, #tpu.memory_space<hbm>> -> memref<1x40x128xi32, #tpu.memory_space<hbm>>
      %dma_start3A_24 = tpu.memref_squeeze %dma_start3A_23 : memref<1x40x128xi32, #tpu.memory_space<hbm>> -> memref<40x128xi32, #tpu.memory_space<hbm>>
      %dma_start3A_25 = arith.constant 0 : i32
      %dma_start3A_26 = arith.constant 0 : i32
      %dma_start3A_27 = tpu.memref_slice %arg4[%add3A, %dma_start3A_25, %dma_start3A_26] : memref<32x40x128xi32, #tpu.memory_space<hbm>> -> memref<1x40x128xi32, #tpu.memory_space<hbm>>
      %dma_start3A_28 = tpu.memref_squeeze %dma_start3A_27 : memref<1x40x128xi32, #tpu.memory_space<hbm>> -> memref<40x128xi32, #tpu.memory_space<hbm>>
      tpu.enqueue_dma source(%dma_start3A_28 : memref<40x128xi32, #tpu.memory_space<hbm>>) target(%arg8 : memref<40x128xi32, #tpu.memory_space<vmem>>) target_semaphore(%run_scoped3A : memref<!tpu.dma_semaphore, #tpu.memory_space<semaphore_mem>>)
      %dma_wait3A = arith.constant 0 : i32
      %dma_wait3A_29 = arith.constant 0 : i32
      %dma_wait3A_30 = tpu.memref_slice %arg4[%add3A, %dma_wait3A, %dma_wait3A_29] : memref<32x40x128xi32, #tpu.memory_space<hbm>> -> memref<1x40x128xi32, #tpu.memory_space<hbm>>
      %dma_wait3A_31 = tpu.memref_squeeze %dma_wait3A_30 : memref<1x40x128xi32, #tpu.memory_space<hbm>> -> memref<40x128xi32, #tpu.memory_space<hbm>>
      %dma_wait3A_32 = arith.constant 0 : i32
      %dma_wait3A_33 = arith.constant 0 : i32
      %dma_wait3A_34 = tpu.memref_slice %arg4[%add3A, %dma_wait3A_32, %dma_wait3A_33] : memref<32x40x128xi32, #tpu.memory_space<hbm>> -> memref<1x40x128xi32, #tpu.memory_space<hbm>>
      %dma_wait3A_35 = tpu.memref_squeeze %dma_wait3A_34 : memref<1x40x128xi32, #tpu.memory_space<hbm>> -> memref<40x128xi32, #tpu.memory_space<hbm>>
      tpu.wait_dma2 semaphore(%run_scoped3A : memref<!tpu.dma_semaphore, #tpu.memory_space<semaphore_mem>>) src(%dma_wait3A_35 : memref<40x128xi32, #tpu.memory_space<hbm>>) dst(%arg8 : memref<40x128xi32, #tpu.memory_space<vmem>>)
      tpu.yield
    }) : () -> ()
    %barrier3A = arith.constant 0 : index
    tpu.barrier barrier_id(%barrier3A)
    %dma_start3A = arith.constant 0 : i32
    %dma_start3A_5 = arith.constant 0 : i32
    %dma_start3A_6 = tpu.memref_slice %arg7[%dma_start3A, %dma_start3A_5] : memref<40x128xi32, #tpu.memory_space<vmem>> -> memref<1x128xi32, #tpu.memory_space<vmem>>
    %dma_start3A_7 = tpu.memref_squeeze %dma_start3A_6 : memref<1x128xi32, #tpu.memory_space<vmem>> -> memref<128xi32, #tpu.memory_space<vmem>>
    %dma_start3A_8 = arith.constant 0 : i32
    %dma_start3A_9 = arith.constant 0 : i32
    %dma_start3A_10 = tpu.memref_slice %arg2[%dma_start3A_8, %dma_start3A_9] : memref<10112x64xf32, #tpu.memory_space<hbm>> -> memref<10112x64xf32, #tpu.memory_space<hbm>>
    tpu.enqueue_indirect_dma source(%dma_start3A_10 : memref<10112x64xf32, #tpu.memory_space<hbm>>) target(%arg9 : memref<128x64xf32, #tpu.memory_space<vmem>>) offsets(%dma_start3A_7 : memref<128xi32, #tpu.memory_space<vmem>>) semaphore(%arg13 : memref<!tpu.dma_semaphore, #tpu.memory_space<semaphore_mem>>)
    %scan3A = arith.constant 0 : i32
    %scan3A_11 = arith.constant 0 : i32
    %scan3A_12 = arith.constant 20 : i32
    %scan3A_13 = arith.addi %scan3A_11, %scan3A_12 : i32
    %scan3A_14 = arith.constant 1 : i32
    scf.for %scan3A_21 = %scan3A_11 to %scan3A_13 step %scan3A_14  : i32 {
      %mul3A_22 = arith.constant 2 : i32
      %mul3A_23 = arith.muli %mul3A_22, %scan3A_21 : i32
      %mul3A_24 = arith.constant 2 : i32
      %mul3A_25 = arith.muli %mul3A_24, %scan3A_21 : i32
      %add3A_26 = arith.constant 1 : i32
      %add3A_27 = arith.addi %mul3A_25, %add3A_26 : i32
      %dma_wait3A = arith.constant 0 : i32
      %dma_wait3A_28 = tpu.memref_slice %arg7[%mul3A_23, %dma_wait3A] : memref<40x128xi32, #tpu.memory_space<vmem>> -> memref<1x128xi32, #tpu.memory_space<vmem>>
      %dma_wait3A_29 = tpu.memref_squeeze %dma_wait3A_28 : memref<1x128xi32, #tpu.memory_space<vmem>> -> memref<128xi32, #tpu.memory_space<vmem>>
      %dma_wait3A_30 = arith.constant 0 : i32
      %dma_wait3A_31 = arith.constant 0 : i32
      %dma_wait3A_32 = tpu.memref_slice %arg2[%dma_wait3A_30, %dma_wait3A_31] : memref<10112x64xf32, #tpu.memory_space<hbm>> -> memref<10112x64xf32, #tpu.memory_space<hbm>>
      tpu.wait_indirect_dma semaphore(%arg13 : memref<!tpu.dma_semaphore, #tpu.memory_space<semaphore_mem>>) src(%dma_wait3A_32 : memref<10112x64xf32, #tpu.memory_space<hbm>>) dst(%arg9 : memref<128x64xf32, #tpu.memory_space<vmem>>)
      %dma_start3A_33 = arith.constant 0 : i32
      %dma_start3A_34 = tpu.memref_slice %arg7[%add3A_27, %dma_start3A_33] : memref<40x128xi32, #tpu.memory_space<vmem>> -> memref<1x128xi32, #tpu.memory_space<vmem>>
      %dma_start3A_35 = tpu.memref_squeeze %dma_start3A_34 : memref<1x128xi32, #tpu.memory_space<vmem>> -> memref<128xi32, #tpu.memory_space<vmem>>
      %dma_start3A_36 = arith.constant 0 : i32
      %dma_start3A_37 = arith.constant 0 : i32
      %dma_start3A_38 = tpu.memref_slice %arg2[%dma_start3A_36, %dma_start3A_37] : memref<10112x64xf32, #tpu.memory_space<hbm>> -> memref<10112x64xf32, #tpu.memory_space<hbm>>
      tpu.enqueue_indirect_dma source(%dma_start3A_38 : memref<10112x64xf32, #tpu.memory_space<hbm>>) target(%arg10 : memref<128x64xf32, #tpu.memory_space<vmem>>) offsets(%dma_start3A_35 : memref<128xi32, #tpu.memory_space<vmem>>) semaphore(%arg14 : memref<!tpu.dma_semaphore, #tpu.memory_space<semaphore_mem>>)
      %dma_wait3A_39 = arith.constant 0 : i32
      %dma_wait3A_40 = tpu.memref_slice %arg7[%add3A_27, %dma_wait3A_39] : memref<40x128xi32, #tpu.memory_space<vmem>> -> memref<1x128xi32, #tpu.memory_space<vmem>>
      %dma_wait3A_41 = tpu.memref_squeeze %dma_wait3A_40 : memref<1x128xi32, #tpu.memory_space<vmem>> -> memref<128xi32, #tpu.memory_space<vmem>>
      %dma_wait3A_42 = arith.constant 0 : i32
      %dma_wait3A_43 = arith.constant 0 : i32
      %dma_wait3A_44 = tpu.memref_slice %arg2[%dma_wait3A_42, %dma_wait3A_43] : memref<10112x64xf32, #tpu.memory_space<hbm>> -> memref<10112x64xf32, #tpu.memory_space<hbm>>
      tpu.wait_indirect_dma semaphore(%arg14 : memref<!tpu.dma_semaphore, #tpu.memory_space<semaphore_mem>>) src(%dma_wait3A_44 : memref<10112x64xf32, #tpu.memory_space<hbm>>) dst(%arg10 : memref<128x64xf32, #tpu.memory_space<vmem>>)
      %add3A_45 = arith.constant 1 : i32
      %add3A_46 = arith.addi %add3A_27, %add3A_45 : i32
      %lt3A = arith.constant 40 : i32
      %lt3A_47 = arith.cmpi slt, %add3A_46, %lt3A : i32
      %convert_element_type3A = arith.extui %lt3A_47 : i1 to i32
      %cond3A = arith.constant 0 : i32
      %cond3A_48 = arith.cmpi ne, %convert_element_type3A, %cond3A : i32
      scf.if %cond3A_48 {
        %add3A_49 = arith.constant 1 : i32
        %add3A_50 = arith.addi %add3A_27, %add3A_49 : i32
        %dma_start3A_51 = arith.constant 0 : i32
        %dma_start3A_52 = tpu.memref_slice %arg7[%add3A_50, %dma_start3A_51] : memref<40x128xi32, #tpu.memory_space<vmem>> -> memref<1x128xi32, #tpu.memory_space<vmem>>
        %dma_start3A_53 = tpu.memref_squeeze %dma_start3A_52 : memref<1x128xi32, #tpu.memory_space<vmem>> -> memref<128xi32, #tpu.memory_space<vmem>>
        %dma_start3A_54 = arith.constant 0 : i32
        %dma_start3A_55 = arith.constant 0 : i32
        %dma_start3A_56 = tpu.memref_slice %arg2[%dma_start3A_54, %dma_start3A_55] : memref<10112x64xf32, #tpu.memory_space<hbm>> -> memref<10112x64xf32, #tpu.memory_space<hbm>>
        tpu.enqueue_indirect_dma source(%dma_start3A_56 : memref<10112x64xf32, #tpu.memory_space<hbm>>) target(%arg9 : memref<128x64xf32, #tpu.memory_space<vmem>>) offsets(%dma_start3A_53 : memref<128xi32, #tpu.memory_space<vmem>>) semaphore(%arg13 : memref<!tpu.dma_semaphore, #tpu.memory_space<semaphore_mem>>)
      } else {
      }
    }
    %scan3A_15 = arith.constant 20 : i32
    %barrier3A_16 = arith.constant 0 : index
    tpu.barrier barrier_id(%barrier3A_16)
    %mul3A_17 = arith.constant 632 : i32
    %mul3A_18 = arith.muli %arg1, %mul3A_17 : i32
    "tpu.region"() ({
      %run_scoped3A = tpu.sem_alloc : memref<!tpu.dma_semaphore, #tpu.memory_space<semaphore_mem>>
      %dma_start3A_21 = arith.constant 0 : i32
      %dma_start3A_22 = tpu.memref_slice %arg12[%mul3A_18, %dma_start3A_21] : memref<10112x64xf32, #tpu.memory_space<vmem_shared>> -> memref<632x64xf32, #tpu.memory_space<vmem_shared>>
      %dma_start3A_23 = arith.constant 0 : i32
      %dma_start3A_24 = tpu.memref_slice %arg12[%mul3A_18, %dma_start3A_23] : memref<10112x64xf32, #tpu.memory_space<vmem_shared>> -> memref<632x64xf32, #tpu.memory_space<vmem_shared>>
      tpu.enqueue_dma source(%dma_start3A_24 : memref<632x64xf32, #tpu.memory_space<vmem_shared>>) target(%arg11 : memref<632x64xf32, #tpu.memory_space<vmem>>) target_semaphore(%run_scoped3A : memref<!tpu.dma_semaphore, #tpu.memory_space<semaphore_mem>>)
      %dma_wait3A = arith.constant 0 : i32
      %dma_wait3A_25 = tpu.memref_slice %arg12[%mul3A_18, %dma_wait3A] : memref<10112x64xf32, #tpu.memory_space<vmem_shared>> -> memref<632x64xf32, #tpu.memory_space<vmem_shared>>
      %dma_wait3A_26 = arith.constant 0 : i32
      %dma_wait3A_27 = tpu.memref_slice %arg12[%mul3A_18, %dma_wait3A_26] : memref<10112x64xf32, #tpu.memory_space<vmem_shared>> -> memref<632x64xf32, #tpu.memory_space<vmem_shared>>
      tpu.wait_dma2 semaphore(%run_scoped3A : memref<!tpu.dma_semaphore, #tpu.memory_space<semaphore_mem>>) src(%dma_wait3A_27 : memref<632x64xf32, #tpu.memory_space<vmem_shared>>) dst(%arg11 : memref<632x64xf32, #tpu.memory_space<vmem>>)
      tpu.yield
    }) : () -> ()
    %mul3A_19 = arith.constant 632 : i32
    %mul3A_20 = arith.muli %arg1, %mul3A_19 : i32
    "tpu.region"() ({
      %run_scoped3A = tpu.sem_alloc : memref<!tpu.dma_semaphore, #tpu.memory_space<semaphore_mem>>
      %dma_start3A_21 = arith.constant 0 : i32
      %dma_start3A_22 = tpu.memref_slice %arg6[%arg0, %mul3A_20, %dma_start3A_21] : memref<2x10112x64xf32, #tpu.memory_space<hbm>> -> memref<1x632x64xf32, #tpu.memory_space<hbm>>
      %dma_start3A_23 = tpu.memref_squeeze %dma_start3A_22 : memref<1x632x64xf32, #tpu.memory_space<hbm>> -> memref<632x64xf32, #tpu.memory_space<hbm>>
      %dma_start3A_24 = arith.constant 0 : i32
      %dma_start3A_25 = tpu.memref_slice %arg6[%arg0, %mul3A_20, %dma_start3A_24] : memref<2x10112x64xf32, #tpu.memory_space<hbm>> -> memref<1x632x64xf32, #tpu.memory_space<hbm>>
      %dma_start3A_26 = tpu.memref_squeeze %dma_start3A_25 : memref<1x632x64xf32, #tpu.memory_space<hbm>> -> memref<632x64xf32, #tpu.memory_space<hbm>>
      tpu.enqueue_dma source(%arg11 : memref<632x64xf32, #tpu.memory_space<vmem>>) target(%dma_start3A_26 : memref<632x64xf32, #tpu.memory_space<hbm>>) target_semaphore(%run_scoped3A : memref<!tpu.dma_semaphore, #tpu.memory_space<semaphore_mem>>)
      %dma_wait3A = arith.constant 0 : i32
      %dma_wait3A_27 = tpu.memref_slice %arg6[%arg0, %mul3A_20, %dma_wait3A] : memref<2x10112x64xf32, #tpu.memory_space<hbm>> -> memref<1x632x64xf32, #tpu.memory_space<hbm>>
      %dma_wait3A_28 = tpu.memref_squeeze %dma_wait3A_27 : memref<1x632x64xf32, #tpu.memory_space<hbm>> -> memref<632x64xf32, #tpu.memory_space<hbm>>
      %dma_wait3A_29 = arith.constant 0 : i32
      %dma_wait3A_30 = tpu.memref_slice %arg6[%arg0, %mul3A_20, %dma_wait3A_29] : memref<2x10112x64xf32, #tpu.memory_space<hbm>> -> memref<1x632x64xf32, #tpu.memory_space<hbm>>
      %dma_wait3A_31 = tpu.memref_squeeze %dma_wait3A_30 : memref<1x632x64xf32, #tpu.memory_space<hbm>> -> memref<632x64xf32, #tpu.memory_space<hbm>>
      tpu.wait_dma2 semaphore(%run_scoped3A : memref<!tpu.dma_semaphore, #tpu.memory_space<semaphore_mem>>) src(%arg11 : memref<632x64xf32, #tpu.memory_space<vmem>>) dst(%dma_wait3A_31 : memref<632x64xf32, #tpu.memory_space<hbm>>)
      tpu.yield
    }) : () -> ()
    return
  }
}

#map = affine_map<(d0, d1) -> (0, 0)>
#map1 = affine_map<(d0, d1) -> (0, 0, 0)>
module attributes {stable_mosaic.version = 14 : i64} {
  func.func @kfn(%arg0: i32, %arg1: i32, %arg2: memref<10112x16xf32, #tpu.memory_space<hbm>>, %arg3: memref<32x40x128xi32, #tpu.memory_space<hbm>>, %arg4: memref<32x40x128xi32, #tpu.memory_space<hbm>>, %arg5: memref<10112x16xf32, #tpu.memory_space<hbm>>, %arg6: memref<2x10112x16xf32, #tpu.memory_space<hbm>>, %arg7: memref<40x128xi32, #tpu.memory_space<vmem>>, %arg8: memref<40x128xi32, #tpu.memory_space<vmem>>, %arg9: memref<128x16xf32, #tpu.memory_space<vmem>>, %arg10: memref<128x16xf32, #tpu.memory_space<vmem>>, %arg11: memref<632x16xf32, #tpu.memory_space<vmem>>, %arg12: memref<10112x16xf32, #tpu.memory_space<vmem_shared>>, %arg13: memref<!tpu.dma_semaphore, #tpu.memory_space<semaphore_mem>>, %arg14: memref<!tpu.dma_semaphore, #tpu.memory_space<semaphore_mem>>) attributes {dimension_semantics = [#tpu.dimension_semantics<core_parallel>, #tpu.dimension_semantics<subcore_parallel>], iteration_bounds = array<i64: 2, 16>, scalar_prefetch = 0 : i64, scratch_operands = 8 : i64, tpu.core_type = #tpu.core_type<sc_vector_subcore>, window_params = [{transform_indices = #map}, {transform_indices = #map1}, {transform_indices = #map1}, {transform_indices = #map}, {transform_indices = #map1}]} {
    %mul3A = arith.constant 16 : i32
    %mul3A_0 = arith.muli %arg0, %mul3A : i32
    %add3A = arith.addi %mul3A_0, %arg1 : i32
    %mul3A_1 = arith.constant 632 : i32
    %mul3A_2 = arith.muli %arg1, %mul3A_1 : i32
    %mul3A_3 = arith.constant 632 : i32
    %mul3A_4 = arith.muli %arg1, %mul3A_3 : i32
    "tpu.region"() ({
      %run_scoped3A = tpu.sem_alloc : memref<!tpu.dma_semaphore, #tpu.memory_space<semaphore_mem>>
      %dma_start3A_21 = arith.constant 0 : i32
      %dma_start3A_22 = tpu.memref_slice %arg12[%mul3A_4, %dma_start3A_21] : memref<10112x16xf32, #tpu.memory_space<vmem_shared>> -> memref<632x16xf32, #tpu.memory_space<vmem_shared>>
      %dma_start3A_23 = arith.constant 0 : i32
      %dma_start3A_24 = tpu.memref_slice %arg5[%mul3A_2, %dma_start3A_23] : memref<10112x16xf32, #tpu.memory_space<hbm>> -> memref<632x16xf32, #tpu.memory_space<hbm>>
      tpu.enqueue_dma source(%dma_start3A_24 : memref<632x16xf32, #tpu.memory_space<hbm>>) target(%dma_start3A_22 : memref<632x16xf32, #tpu.memory_space<vmem_shared>>) target_semaphore(%run_scoped3A : memref<!tpu.dma_semaphore, #tpu.memory_space<semaphore_mem>>)
      %dma_wait3A = arith.constant 0 : i32
      %dma_wait3A_25 = tpu.memref_slice %arg12[%mul3A_4, %dma_wait3A] : memref<10112x16xf32, #tpu.memory_space<vmem_shared>> -> memref<632x16xf32, #tpu.memory_space<vmem_shared>>
      %dma_wait3A_26 = arith.constant 0 : i32
      %dma_wait3A_27 = tpu.memref_slice %arg5[%mul3A_2, %dma_wait3A_26] : memref<10112x16xf32, #tpu.memory_space<hbm>> -> memref<632x16xf32, #tpu.memory_space<hbm>>
      tpu.wait_dma2 semaphore(%run_scoped3A : memref<!tpu.dma_semaphore, #tpu.memory_space<semaphore_mem>>) src(%dma_wait3A_27 : memref<632x16xf32, #tpu.memory_space<hbm>>) dst(%dma_wait3A_25 : memref<632x16xf32, #tpu.memory_space<vmem_shared>>)
      tpu.yield
    }) : () -> ()
    "tpu.region"() ({
      %run_scoped3A = tpu.sem_alloc : memref<!tpu.dma_semaphore, #tpu.memory_space<semaphore_mem>>
      %dma_start3A_21 = arith.constant 0 : i32
      %dma_start3A_22 = arith.constant 0 : i32
      %dma_start3A_23 = tpu.memref_slice %arg3[%add3A, %dma_start3A_21, %dma_start3A_22] : memref<32x40x128xi32, #tpu.memory_space<hbm>> -> memref<1x40x128xi32, #tpu.memory_space<hbm>>
      %dma_start3A_24 = tpu.memref_squeeze %dma_start3A_23 : memref<1x40x128xi32, #tpu.memory_space<hbm>> -> memref<40x128xi32, #tpu.memory_space<hbm>>
      %dma_start3A_25 = arith.constant 0 : i32
      %dma_start3A_26 = arith.constant 0 : i32
      %dma_start3A_27 = tpu.memref_slice %arg3[%add3A, %dma_start3A_25, %dma_start3A_26] : memref<32x40x128xi32, #tpu.memory_space<hbm>> -> memref<1x40x128xi32, #tpu.memory_space<hbm>>
      %dma_start3A_28 = tpu.memref_squeeze %dma_start3A_27 : memref<1x40x128xi32, #tpu.memory_space<hbm>> -> memref<40x128xi32, #tpu.memory_space<hbm>>
      tpu.enqueue_dma source(%dma_start3A_28 : memref<40x128xi32, #tpu.memory_space<hbm>>) target(%arg7 : memref<40x128xi32, #tpu.memory_space<vmem>>) target_semaphore(%run_scoped3A : memref<!tpu.dma_semaphore, #tpu.memory_space<semaphore_mem>>)
      %dma_wait3A = arith.constant 0 : i32
      %dma_wait3A_29 = arith.constant 0 : i32
      %dma_wait3A_30 = tpu.memref_slice %arg3[%add3A, %dma_wait3A, %dma_wait3A_29] : memref<32x40x128xi32, #tpu.memory_space<hbm>> -> memref<1x40x128xi32, #tpu.memory_space<hbm>>
      %dma_wait3A_31 = tpu.memref_squeeze %dma_wait3A_30 : memref<1x40x128xi32, #tpu.memory_space<hbm>> -> memref<40x128xi32, #tpu.memory_space<hbm>>
      %dma_wait3A_32 = arith.constant 0 : i32
      %dma_wait3A_33 = arith.constant 0 : i32
      %dma_wait3A_34 = tpu.memref_slice %arg3[%add3A, %dma_wait3A_32, %dma_wait3A_33] : memref<32x40x128xi32, #tpu.memory_space<hbm>> -> memref<1x40x128xi32, #tpu.memory_space<hbm>>
      %dma_wait3A_35 = tpu.memref_squeeze %dma_wait3A_34 : memref<1x40x128xi32, #tpu.memory_space<hbm>> -> memref<40x128xi32, #tpu.memory_space<hbm>>
      tpu.wait_dma2 semaphore(%run_scoped3A : memref<!tpu.dma_semaphore, #tpu.memory_space<semaphore_mem>>) src(%dma_wait3A_35 : memref<40x128xi32, #tpu.memory_space<hbm>>) dst(%arg7 : memref<40x128xi32, #tpu.memory_space<vmem>>)
      tpu.yield
    }) : () -> ()
    "tpu.region"() ({
      %run_scoped3A = tpu.sem_alloc : memref<!tpu.dma_semaphore, #tpu.memory_space<semaphore_mem>>
      %dma_start3A_21 = arith.constant 0 : i32
      %dma_start3A_22 = arith.constant 0 : i32
      %dma_start3A_23 = tpu.memref_slice %arg4[%add3A, %dma_start3A_21, %dma_start3A_22] : memref<32x40x128xi32, #tpu.memory_space<hbm>> -> memref<1x40x128xi32, #tpu.memory_space<hbm>>
      %dma_start3A_24 = tpu.memref_squeeze %dma_start3A_23 : memref<1x40x128xi32, #tpu.memory_space<hbm>> -> memref<40x128xi32, #tpu.memory_space<hbm>>
      %dma_start3A_25 = arith.constant 0 : i32
      %dma_start3A_26 = arith.constant 0 : i32
      %dma_start3A_27 = tpu.memref_slice %arg4[%add3A, %dma_start3A_25, %dma_start3A_26] : memref<32x40x128xi32, #tpu.memory_space<hbm>> -> memref<1x40x128xi32, #tpu.memory_space<hbm>>
      %dma_start3A_28 = tpu.memref_squeeze %dma_start3A_27 : memref<1x40x128xi32, #tpu.memory_space<hbm>> -> memref<40x128xi32, #tpu.memory_space<hbm>>
      tpu.enqueue_dma source(%dma_start3A_28 : memref<40x128xi32, #tpu.memory_space<hbm>>) target(%arg8 : memref<40x128xi32, #tpu.memory_space<vmem>>) target_semaphore(%run_scoped3A : memref<!tpu.dma_semaphore, #tpu.memory_space<semaphore_mem>>)
      %dma_wait3A = arith.constant 0 : i32
      %dma_wait3A_29 = arith.constant 0 : i32
      %dma_wait3A_30 = tpu.memref_slice %arg4[%add3A, %dma_wait3A, %dma_wait3A_29] : memref<32x40x128xi32, #tpu.memory_space<hbm>> -> memref<1x40x128xi32, #tpu.memory_space<hbm>>
      %dma_wait3A_31 = tpu.memref_squeeze %dma_wait3A_30 : memref<1x40x128xi32, #tpu.memory_space<hbm>> -> memref<40x128xi32, #tpu.memory_space<hbm>>
      %dma_wait3A_32 = arith.constant 0 : i32
      %dma_wait3A_33 = arith.constant 0 : i32
      %dma_wait3A_34 = tpu.memref_slice %arg4[%add3A, %dma_wait3A_32, %dma_wait3A_33] : memref<32x40x128xi32, #tpu.memory_space<hbm>> -> memref<1x40x128xi32, #tpu.memory_space<hbm>>
      %dma_wait3A_35 = tpu.memref_squeeze %dma_wait3A_34 : memref<1x40x128xi32, #tpu.memory_space<hbm>> -> memref<40x128xi32, #tpu.memory_space<hbm>>
      tpu.wait_dma2 semaphore(%run_scoped3A : memref<!tpu.dma_semaphore, #tpu.memory_space<semaphore_mem>>) src(%dma_wait3A_35 : memref<40x128xi32, #tpu.memory_space<hbm>>) dst(%arg8 : memref<40x128xi32, #tpu.memory_space<vmem>>)
      tpu.yield
    }) : () -> ()
    %barrier3A = arith.constant 0 : index
    tpu.barrier barrier_id(%barrier3A)
    %dma_start3A = arith.constant 0 : i32
    %dma_start3A_5 = arith.constant 0 : i32
    %dma_start3A_6 = tpu.memref_slice %arg7[%dma_start3A, %dma_start3A_5] : memref<40x128xi32, #tpu.memory_space<vmem>> -> memref<1x128xi32, #tpu.memory_space<vmem>>
    %dma_start3A_7 = tpu.memref_squeeze %dma_start3A_6 : memref<1x128xi32, #tpu.memory_space<vmem>> -> memref<128xi32, #tpu.memory_space<vmem>>
    %dma_start3A_8 = arith.constant 0 : i32
    %dma_start3A_9 = arith.constant 0 : i32
    %dma_start3A_10 = tpu.memref_slice %arg2[%dma_start3A_8, %dma_start3A_9] : memref<10112x16xf32, #tpu.memory_space<hbm>> -> memref<10112x16xf32, #tpu.memory_space<hbm>>
    tpu.enqueue_indirect_dma source(%dma_start3A_10 : memref<10112x16xf32, #tpu.memory_space<hbm>>) target(%arg9 : memref<128x16xf32, #tpu.memory_space<vmem>>) offsets(%dma_start3A_7 : memref<128xi32, #tpu.memory_space<vmem>>) semaphore(%arg13 : memref<!tpu.dma_semaphore, #tpu.memory_space<semaphore_mem>>)
    %scan3A = arith.constant 0 : i32
    %scan3A_11 = arith.constant 0 : i32
    %scan3A_12 = arith.constant 20 : i32
    %scan3A_13 = arith.addi %scan3A_11, %scan3A_12 : i32
    %scan3A_14 = arith.constant 1 : i32
    scf.for %scan3A_21 = %scan3A_11 to %scan3A_13 step %scan3A_14  : i32 {
      %mul3A_22 = arith.constant 2 : i32
      %mul3A_23 = arith.muli %mul3A_22, %scan3A_21 : i32
      %mul3A_24 = arith.constant 2 : i32
      %mul3A_25 = arith.muli %mul3A_24, %scan3A_21 : i32
      %add3A_26 = arith.constant 1 : i32
      %add3A_27 = arith.addi %mul3A_25, %add3A_26 : i32
      %dma_wait3A = arith.constant 0 : i32
      %dma_wait3A_28 = tpu.memref_slice %arg7[%mul3A_23, %dma_wait3A] : memref<40x128xi32, #tpu.memory_space<vmem>> -> memref<1x128xi32, #tpu.memory_space<vmem>>
      %dma_wait3A_29 = tpu.memref_squeeze %dma_wait3A_28 : memref<1x128xi32, #tpu.memory_space<vmem>> -> memref<128xi32, #tpu.memory_space<vmem>>
      %dma_wait3A_30 = arith.constant 0 : i32
      %dma_wait3A_31 = arith.constant 0 : i32
      %dma_wait3A_32 = tpu.memref_slice %arg2[%dma_wait3A_30, %dma_wait3A_31] : memref<10112x16xf32, #tpu.memory_space<hbm>> -> memref<10112x16xf32, #tpu.memory_space<hbm>>
      tpu.wait_indirect_dma semaphore(%arg13 : memref<!tpu.dma_semaphore, #tpu.memory_space<semaphore_mem>>) src(%dma_wait3A_32 : memref<10112x16xf32, #tpu.memory_space<hbm>>) dst(%arg9 : memref<128x16xf32, #tpu.memory_space<vmem>>)
      %dma_start3A_33 = arith.constant 0 : i32
      %dma_start3A_34 = tpu.memref_slice %arg7[%add3A_27, %dma_start3A_33] : memref<40x128xi32, #tpu.memory_space<vmem>> -> memref<1x128xi32, #tpu.memory_space<vmem>>
      %dma_start3A_35 = tpu.memref_squeeze %dma_start3A_34 : memref<1x128xi32, #tpu.memory_space<vmem>> -> memref<128xi32, #tpu.memory_space<vmem>>
      %dma_start3A_36 = arith.constant 0 : i32
      %dma_start3A_37 = arith.constant 0 : i32
      %dma_start3A_38 = tpu.memref_slice %arg2[%dma_start3A_36, %dma_start3A_37] : memref<10112x16xf32, #tpu.memory_space<hbm>> -> memref<10112x16xf32, #tpu.memory_space<hbm>>
      tpu.enqueue_indirect_dma source(%dma_start3A_38 : memref<10112x16xf32, #tpu.memory_space<hbm>>) target(%arg10 : memref<128x16xf32, #tpu.memory_space<vmem>>) offsets(%dma_start3A_35 : memref<128xi32, #tpu.memory_space<vmem>>) semaphore(%arg14 : memref<!tpu.dma_semaphore, #tpu.memory_space<semaphore_mem>>)
      %dma_wait3A_39 = arith.constant 0 : i32
      %dma_wait3A_40 = tpu.memref_slice %arg7[%add3A_27, %dma_wait3A_39] : memref<40x128xi32, #tpu.memory_space<vmem>> -> memref<1x128xi32, #tpu.memory_space<vmem>>
      %dma_wait3A_41 = tpu.memref_squeeze %dma_wait3A_40 : memref<1x128xi32, #tpu.memory_space<vmem>> -> memref<128xi32, #tpu.memory_space<vmem>>
      %dma_wait3A_42 = arith.constant 0 : i32
      %dma_wait3A_43 = arith.constant 0 : i32
      %dma_wait3A_44 = tpu.memref_slice %arg2[%dma_wait3A_42, %dma_wait3A_43] : memref<10112x16xf32, #tpu.memory_space<hbm>> -> memref<10112x16xf32, #tpu.memory_space<hbm>>
      tpu.wait_indirect_dma semaphore(%arg14 : memref<!tpu.dma_semaphore, #tpu.memory_space<semaphore_mem>>) src(%dma_wait3A_44 : memref<10112x16xf32, #tpu.memory_space<hbm>>) dst(%arg10 : memref<128x16xf32, #tpu.memory_space<vmem>>)
      %add3A_45 = arith.constant 1 : i32
      %add3A_46 = arith.addi %add3A_27, %add3A_45 : i32
      %lt3A = arith.constant 40 : i32
      %lt3A_47 = arith.cmpi slt, %add3A_46, %lt3A : i32
      %convert_element_type3A = arith.extui %lt3A_47 : i1 to i32
      %cond3A = arith.constant 0 : i32
      %cond3A_48 = arith.cmpi ne, %convert_element_type3A, %cond3A : i32
      scf.if %cond3A_48 {
        %add3A_49 = arith.constant 1 : i32
        %add3A_50 = arith.addi %add3A_27, %add3A_49 : i32
        %dma_start3A_51 = arith.constant 0 : i32
        %dma_start3A_52 = tpu.memref_slice %arg7[%add3A_50, %dma_start3A_51] : memref<40x128xi32, #tpu.memory_space<vmem>> -> memref<1x128xi32, #tpu.memory_space<vmem>>
        %dma_start3A_53 = tpu.memref_squeeze %dma_start3A_52 : memref<1x128xi32, #tpu.memory_space<vmem>> -> memref<128xi32, #tpu.memory_space<vmem>>
        %dma_start3A_54 = arith.constant 0 : i32
        %dma_start3A_55 = arith.constant 0 : i32
        %dma_start3A_56 = tpu.memref_slice %arg2[%dma_start3A_54, %dma_start3A_55] : memref<10112x16xf32, #tpu.memory_space<hbm>> -> memref<10112x16xf32, #tpu.memory_space<hbm>>
        tpu.enqueue_indirect_dma source(%dma_start3A_56 : memref<10112x16xf32, #tpu.memory_space<hbm>>) target(%arg9 : memref<128x16xf32, #tpu.memory_space<vmem>>) offsets(%dma_start3A_53 : memref<128xi32, #tpu.memory_space<vmem>>) semaphore(%arg13 : memref<!tpu.dma_semaphore, #tpu.memory_space<semaphore_mem>>)
      } else {
      }
    }
    %scan3A_15 = arith.constant 20 : i32
    %barrier3A_16 = arith.constant 0 : index
    tpu.barrier barrier_id(%barrier3A_16)
    %mul3A_17 = arith.constant 632 : i32
    %mul3A_18 = arith.muli %arg1, %mul3A_17 : i32
    "tpu.region"() ({
      %run_scoped3A = tpu.sem_alloc : memref<!tpu.dma_semaphore, #tpu.memory_space<semaphore_mem>>
      %dma_start3A_21 = arith.constant 0 : i32
      %dma_start3A_22 = tpu.memref_slice %arg12[%mul3A_18, %dma_start3A_21] : memref<10112x16xf32, #tpu.memory_space<vmem_shared>> -> memref<632x16xf32, #tpu.memory_space<vmem_shared>>
      %dma_start3A_23 = arith.constant 0 : i32
      %dma_start3A_24 = tpu.memref_slice %arg12[%mul3A_18, %dma_start3A_23] : memref<10112x16xf32, #tpu.memory_space<vmem_shared>> -> memref<632x16xf32, #tpu.memory_space<vmem_shared>>
      tpu.enqueue_dma source(%dma_start3A_24 : memref<632x16xf32, #tpu.memory_space<vmem_shared>>) target(%arg11 : memref<632x16xf32, #tpu.memory_space<vmem>>) target_semaphore(%run_scoped3A : memref<!tpu.dma_semaphore, #tpu.memory_space<semaphore_mem>>)
      %dma_wait3A = arith.constant 0 : i32
      %dma_wait3A_25 = tpu.memref_slice %arg12[%mul3A_18, %dma_wait3A] : memref<10112x16xf32, #tpu.memory_space<vmem_shared>> -> memref<632x16xf32, #tpu.memory_space<vmem_shared>>
      %dma_wait3A_26 = arith.constant 0 : i32
      %dma_wait3A_27 = tpu.memref_slice %arg12[%mul3A_18, %dma_wait3A_26] : memref<10112x16xf32, #tpu.memory_space<vmem_shared>> -> memref<632x16xf32, #tpu.memory_space<vmem_shared>>
      tpu.wait_dma2 semaphore(%run_scoped3A : memref<!tpu.dma_semaphore, #tpu.memory_space<semaphore_mem>>) src(%dma_wait3A_27 : memref<632x16xf32, #tpu.memory_space<vmem_shared>>) dst(%arg11 : memref<632x16xf32, #tpu.memory_space<vmem>>)
      tpu.yield
    }) : () -> ()
    %mul3A_19 = arith.constant 632 : i32
    %mul3A_20 = arith.muli %arg1, %mul3A_19 : i32
    "tpu.region"() ({
      %run_scoped3A = tpu.sem_alloc : memref<!tpu.dma_semaphore, #tpu.memory_space<semaphore_mem>>
      %dma_start3A_21 = arith.constant 0 : i32
      %dma_start3A_22 = tpu.memref_slice %arg6[%arg0, %mul3A_20, %dma_start3A_21] : memref<2x10112x16xf32, #tpu.memory_space<hbm>> -> memref<1x632x16xf32, #tpu.memory_space<hbm>>
      %dma_start3A_23 = tpu.memref_squeeze %dma_start3A_22 : memref<1x632x16xf32, #tpu.memory_space<hbm>> -> memref<632x16xf32, #tpu.memory_space<hbm>>
      %dma_start3A_24 = arith.constant 0 : i32
      %dma_start3A_25 = tpu.memref_slice %arg6[%arg0, %mul3A_20, %dma_start3A_24] : memref<2x10112x16xf32, #tpu.memory_space<hbm>> -> memref<1x632x16xf32, #tpu.memory_space<hbm>>
      %dma_start3A_26 = tpu.memref_squeeze %dma_start3A_25 : memref<1x632x16xf32, #tpu.memory_space<hbm>> -> memref<632x16xf32, #tpu.memory_space<hbm>>
      tpu.enqueue_dma source(%arg11 : memref<632x16xf32, #tpu.memory_space<vmem>>) target(%dma_start3A_26 : memref<632x16xf32, #tpu.memory_space<hbm>>) target_semaphore(%run_scoped3A : memref<!tpu.dma_semaphore, #tpu.memory_space<semaphore_mem>>)
      %dma_wait3A = arith.constant 0 : i32
      %dma_wait3A_27 = tpu.memref_slice %arg6[%arg0, %mul3A_20, %dma_wait3A] : memref<2x10112x16xf32, #tpu.memory_space<hbm>> -> memref<1x632x16xf32, #tpu.memory_space<hbm>>
      %dma_wait3A_28 = tpu.memref_squeeze %dma_wait3A_27 : memref<1x632x16xf32, #tpu.memory_space<hbm>> -> memref<632x16xf32, #tpu.memory_space<hbm>>
      %dma_wait3A_29 = arith.constant 0 : i32
      %dma_wait3A_30 = tpu.memref_slice %arg6[%arg0, %mul3A_20, %dma_wait3A_29] : memref<2x10112x16xf32, #tpu.memory_space<hbm>> -> memref<1x632x16xf32, #tpu.memory_space<hbm>>
      %dma_wait3A_31 = tpu.memref_squeeze %dma_wait3A_30 : memref<1x632x16xf32, #tpu.memory_space<hbm>> -> memref<632x16xf32, #tpu.memory_space<hbm>>
      tpu.wait_dma2 semaphore(%run_scoped3A : memref<!tpu.dma_semaphore, #tpu.memory_space<semaphore_mem>>) src(%arg11 : memref<632x16xf32, #tpu.memory_space<vmem>>) dst(%dma_wait3A_31 : memref<632x16xf32, #tpu.memory_space<hbm>>)
      tpu.yield
    }) : () -> ()
    return
  }
}

module attributes {stable_mosaic.version = 14 : i64} {
  func.func @fn(%arg0: memref<10112x128xf32, #tpu.memory_space<vmem>>, %arg1: memref<128x64xf32, #tpu.memory_space<vmem>>, %arg2: memref<2x10112x8xf32, #tpu.memory_space<vmem>>, %arg3: memref<10112x64xf32, #tpu.memory_space<vmem>>, %arg4: memref<10112x64xf32, #tpu.memory_space<vmem>>, %arg5: memref<10112x8xf32, #tpu.memory_space<vmem>>) attributes {dimension_semantics = [], scalar_prefetch = 0 : i64, scratch_operands = 0 : i64, tpu.core_type = #tpu.core_type<tc>} {
    %get3A = arith.constant 0 : index
    %get3A_0 = arith.constant 0 : index
    %get3A_1 = vector.load %arg0[%get3A, %get3A_0] : memref<10112x128xf32, #tpu.memory_space<vmem>>, vector<10112x128xf32>
    %get3A_2 = arith.constant 0 : index
    %get3A_3 = arith.constant 0 : index
    %get3A_4 = vector.load %arg1[%get3A_2, %get3A_3] : memref<128x64xf32, #tpu.memory_space<vmem>>, vector<128x64xf32>
    %dot_general3A = arith.constant dense<0.000000e+00> : vector<10112x64xf32>
    %dot_general3A_5 = tpu.matmul %get3A_1, %get3A_4, %dot_general3A {dimension_numbers = #tpu.dot_dimension_numbers<[1], [0], [0], [1], [0, 0, 1, 1], [], []>, transpose_lhs_hint = false} : vector<10112x128xf32>, vector<128x64xf32>, vector<10112x64xf32> -> vector<10112x64xf32>
    %get3A_6 = arith.constant 0 : index
    %get3A_7 = arith.constant 0 : index
    %get3A_8 = arith.constant 0 : index
    %get3A_9 = vector.load %arg2[%get3A_6, %get3A_7, %get3A_8] : memref<2x10112x8xf32, #tpu.memory_space<vmem>>, vector<1x10112x1xf32>
    %get3A_10 = vector.shape_cast %get3A_9 : vector<1x10112x1xf32> to vector<10112x1xf32>
    %get3A_11 = arith.constant 1 : index
    %get3A_12 = arith.constant 0 : index
    %get3A_13 = arith.constant 0 : index
    %get3A_14 = vector.load %arg2[%get3A_11, %get3A_12, %get3A_13] : memref<2x10112x8xf32, #tpu.memory_space<vmem>>, vector<1x10112x1xf32>
    %get3A_15 = vector.shape_cast %get3A_14 : vector<1x10112x1xf32> to vector<10112x1xf32>
    %add3A = arith.addf %get3A_10, %get3A_15 : vector<10112x1xf32>
    %add3A_16 = arith.constant 2.000000e+00 : f32
    %add3A_17 = vector.broadcast %add3A_16 : f32 to vector<10112x1xf32>
    %add3A_18 = arith.addf %add3A, %add3A_17 : vector<10112x1xf32>
    %rsqrt3A = math.rsqrt %add3A_18 : vector<10112x1xf32>
    %get3A_19 = arith.constant 0 : index
    %get3A_20 = arith.constant 0 : index
    %get3A_21 = arith.constant 1 : index
    %get3A_22 = vector.load %arg2[%get3A_19, %get3A_20, %get3A_21] : memref<2x10112x8xf32, #tpu.memory_space<vmem>>, vector<1x10112x1xf32>
    %get3A_23 = vector.shape_cast %get3A_22 : vector<1x10112x1xf32> to vector<10112x1xf32>
    %get3A_24 = arith.constant 1 : index
    %get3A_25 = arith.constant 0 : index
    %get3A_26 = arith.constant 1 : index
    %get3A_27 = vector.load %arg2[%get3A_24, %get3A_25, %get3A_26] : memref<2x10112x8xf32, #tpu.memory_space<vmem>>, vector<1x10112x1xf32>
    %get3A_28 = vector.shape_cast %get3A_27 : vector<1x10112x1xf32> to vector<10112x1xf32>
    %add3A_29 = arith.addf %get3A_23, %get3A_28 : vector<10112x1xf32>
    %swap3A = arith.constant 0 : index
    %swap3A_30 = arith.constant 0 : index
    %swap3A_31 = vector.load %arg3[%swap3A, %swap3A_30] : memref<10112x64xf32, #tpu.memory_space<vmem>>, vector<10112x64xf32>
    tpu.vector_store %arg3[%swap3A, %swap3A_30], %dot_general3A_5 {strides = array<i32>} : memref<10112x64xf32, #tpu.memory_space<vmem>>, vector<10112x64xf32>,
    %mul3A = vector.broadcast %rsqrt3A : vector<10112x1xf32> to vector<10112x64xf32>
    %mul3A_32 = arith.mulf %dot_general3A_5, %mul3A : vector<10112x64xf32>
    %swap3A_33 = arith.constant 0 : index
    %swap3A_34 = arith.constant 0 : index
    %swap3A_35 = vector.load %arg4[%swap3A_33, %swap3A_34] : memref<10112x64xf32, #tpu.memory_space<vmem>>, vector<10112x64xf32>
    tpu.vector_store %arg4[%swap3A_33, %swap3A_34], %mul3A_32 {strides = array<i32>} : memref<10112x64xf32, #tpu.memory_space<vmem>>, vector<10112x64xf32>,
    %broadcast_in_dim3A = arith.constant 0.000000e+00 : f32
    %broadcast_in_dim3A_36 = vector.broadcast %broadcast_in_dim3A : f32 to vector<10112x6xf32>
    %concatenate3A = tpu.concatenate %rsqrt3A, %add3A_29, %broadcast_in_dim3A_36 in 1 : vector<10112x1xf32>, vector<10112x1xf32>, vector<10112x6xf32> -> vector<10112x8xf32>
    %swap3A_37 = arith.constant 0 : index
    %swap3A_38 = arith.constant 0 : index
    %swap3A_39 = vector.load %arg5[%swap3A_37, %swap3A_38] : memref<10112x8xf32, #tpu.memory_space<vmem>>, vector<10112x8xf32>
    tpu.vector_store %arg5[%swap3A_37, %swap3A_38], %concatenate3A {strides = array<i32>} : memref<10112x8xf32, #tpu.memory_space<vmem>>, vector<10112x8xf32>,
    return
  }
}

module attributes {stable_mosaic.version = 14 : i64} {
  func.func @fn(%arg0: memref<2x10112x64xf32, #tpu.memory_space<vmem>>, %arg1: memref<10112x64xf32, #tpu.memory_space<vmem>>, %arg2: memref<10112x8xf32, #tpu.memory_space<vmem>>, %arg3: memref<1x64xf32, #tpu.memory_space<vmem>>, %arg4: memref<64x1xf32, #tpu.memory_space<vmem>>, %arg5: memref<10112x64xf32, #tpu.memory_space<vmem>>, %arg6: memref<10112x1xf32, #tpu.memory_space<vmem>>) attributes {dimension_semantics = [], scalar_prefetch = 0 : i64, scratch_operands = 0 : i64, tpu.core_type = #tpu.core_type<tc>} {
    %get3A = arith.constant 0 : index
    %get3A_0 = arith.constant 0 : index
    %get3A_1 = arith.constant 0 : index
    %get3A_2 = vector.load %arg0[%get3A, %get3A_0, %get3A_1] : memref<2x10112x64xf32, #tpu.memory_space<vmem>>, vector<1x10112x64xf32>
    %get3A_3 = vector.shape_cast %get3A_2 : vector<1x10112x64xf32> to vector<10112x64xf32>
    %get3A_4 = arith.constant 1 : index
    %get3A_5 = arith.constant 0 : index
    %get3A_6 = arith.constant 0 : index
    %get3A_7 = vector.load %arg0[%get3A_4, %get3A_5, %get3A_6] : memref<2x10112x64xf32, #tpu.memory_space<vmem>>, vector<1x10112x64xf32>
    %get3A_8 = vector.shape_cast %get3A_7 : vector<1x10112x64xf32> to vector<10112x64xf32>
    %add3A = arith.addf %get3A_3, %get3A_8 : vector<10112x64xf32>
    %get3A_9 = arith.constant 0 : index
    %get3A_10 = arith.constant 0 : index
    %get3A_11 = vector.load %arg2[%get3A_9, %get3A_10] : memref<10112x8xf32, #tpu.memory_space<vmem>>, vector<10112x1xf32>
    %get3A_12 = arith.constant 0 : index
    %get3A_13 = arith.constant 0 : index
    %get3A_14 = vector.load %arg1[%get3A_12, %get3A_13] : memref<10112x64xf32, #tpu.memory_space<vmem>>, vector<10112x64xf32>
    %mul3A = vector.broadcast %get3A_11 : vector<10112x1xf32> to vector<10112x64xf32>
    %mul3A_15 = arith.mulf %mul3A, %add3A : vector<10112x64xf32>
    %mul3A_16 = arith.constant 2.000000e+00 : f32
    %mul3A_17 = vector.broadcast %mul3A_16 : f32 to vector<10112x1xf32>
    %mul3A_18 = arith.mulf %mul3A_17, %get3A_11 : vector<10112x1xf32>
    %mul3A_19 = arith.mulf %mul3A_18, %get3A_11 : vector<10112x1xf32>
    %mul3A_20 = vector.broadcast %mul3A_19 : vector<10112x1xf32> to vector<10112x64xf32>
    %mul3A_21 = arith.mulf %mul3A_20, %get3A_14 : vector<10112x64xf32>
    %add3A_22 = arith.addf %mul3A_15, %mul3A_21 : vector<10112x64xf32>
    %get3A_23 = arith.constant 0 : index
    %get3A_24 = arith.constant 0 : index
    %get3A_25 = vector.load %arg3[%get3A_23, %get3A_24] : memref<1x64xf32, #tpu.memory_space<vmem>>, vector<1x64xf32>
    %add3A_26 = vector.broadcast %get3A_25 : vector<1x64xf32> to vector<10112x64xf32>
    %add3A_27 = arith.addf %add3A_22, %add3A_26 : vector<10112x64xf32>
    %iota3A = tpu.iota {dimensions = array<i32: 0>} : vector<10112x64xi32>
    %lt3A = arith.constant 10000 : i32
    %lt3A_28 = vector.broadcast %lt3A : i32 to vector<10112x64xi32>
    %lt3A_29 = arith.cmpi slt, %iota3A, %lt3A_28 : vector<10112x64xi32>
    %max3A = arith.constant 0.000000e+00 : f32
    %max3A_30 = vector.broadcast %max3A : f32 to vector<10112x64xf32>
    %max3A_31 = arith.maximumf %add3A_27, %max3A_30 : vector<10112x64xf32>
    %jit3A = arith.constant 0.000000e+00 : f32
    %broadcast_in_dim3A = vector.broadcast %jit3A : f32 to vector<10112x64xf32>
    %select_n3A = arith.select %lt3A_29, %max3A_31, %broadcast_in_dim3A : vector<10112x64xi1>, vector<10112x64xf32>
    %get3A_32 = arith.constant 0 : index
    %get3A_33 = arith.constant 0 : index
    %get3A_34 = vector.load %arg4[%get3A_32, %get3A_33] : memref<64x1xf32, #tpu.memory_space<vmem>>, vector<64x1xf32>
    %mul3A_35 = arith.mulf %get3A_34, %get3A_34 : vector<64x1xf32>
    %reduce_sum3A = vector.shape_cast %mul3A_35 : vector<64x1xf32> to vector<1x64x1xf32>
    %reduce_sum3A_36 = arith.constant dense<0.000000e+00> : vector<1xf32>
    %reduce_sum3A_37 = vector.multi_reduction <add>, %reduce_sum3A, %reduce_sum3A_36 [1, 2] : vector<1x64x1xf32> to vector<1xf32>
    %reduce_sum3A_38 = vector.shape_cast %reduce_sum3A_37 : vector<1xf32> to vector<1x1x1xf32>
    %reduce_sum3A_39 = vector.extract %reduce_sum3A_38[0, 0, 0] : f32 from vector<1x1x1xf32>
    %rsqrt3A = math.rsqrt %reduce_sum3A_39 : f32
    %mul3A_40 = vector.broadcast %rsqrt3A : f32 to vector<64x1xf32>
    %mul3A_41 = arith.mulf %get3A_34, %mul3A_40 : vector<64x1xf32>
    %dot_general3A = arith.constant dense<0.000000e+00> : vector<10112x1xf32>
    %dot_general3A_42 = tpu.matmul %select_n3A, %mul3A_41, %dot_general3A {dimension_numbers = #tpu.dot_dimension_numbers<[1], [0], [0], [1], [0, 0, 1, 1], [], []>, transpose_lhs_hint = false} : vector<10112x64xf32>, vector<64x1xf32>, vector<10112x1xf32> -> vector<10112x1xf32>
    %tanh3A = math.tanh %dot_general3A_42 : vector<10112x1xf32>
    %swap3A = arith.constant 0 : index
    %swap3A_43 = arith.constant 0 : index
    %swap3A_44 = vector.load %arg5[%swap3A, %swap3A_43] : memref<10112x64xf32, #tpu.memory_space<vmem>>, vector<10112x64xf32>
    tpu.vector_store %arg5[%swap3A, %swap3A_43], %select_n3A {strides = array<i32>} : memref<10112x64xf32, #tpu.memory_space<vmem>>, vector<10112x64xf32>,
    %swap3A_45 = arith.constant 0 : index
    %swap3A_46 = arith.constant 0 : index
    %swap3A_47 = vector.load %arg6[%swap3A_45, %swap3A_46] : memref<10112x1xf32, #tpu.memory_space<vmem>>, vector<10112x1xf32>
    tpu.vector_store %arg6[%swap3A_45, %swap3A_46], %tanh3A {strides = array<i32>} : memref<10112x1xf32, #tpu.memory_space<vmem>>, vector<10112x1xf32>,
    return
  }
}

module attributes {stable_mosaic.version = 14 : i64} {
  func.func @fn(%arg0: memref<80x128xf32, #tpu.memory_space<vmem>>, %arg1: memref<80x128xf32, #tpu.memory_space<vmem>>) attributes {dimension_semantics = [], scalar_prefetch = 0 : i64, scratch_operands = 0 : i64, tpu.core_type = #tpu.core_type<tc>} {
    %get3A = arith.constant 0 : index
    %get3A_0 = arith.constant 0 : index
    %get3A_1 = vector.load %arg0[%get3A, %get3A_0] : memref<80x128xf32, #tpu.memory_space<vmem>>, vector<80x128xf32>
    %bitcast_convert_type3A = tpu.bitcast %get3A_1 : vector<80x128xf32> -> vector<80x128xi32>
    %bitcast_convert_type3A_2 = tpu.bitcast %get3A_1 : vector<80x128xf32> -> vector<80x128xi32>
    %lt3A = arith.constant 0 : i32
    %lt3A_3 = vector.broadcast %lt3A : i32 to vector<80x128xi32>
    %lt3A_4 = arith.cmpi slt, %bitcast_convert_type3A, %lt3A_3 : vector<80x128xi32>
    %not3A = arith.constant dense<-1> : vector<80x128xi32>
    %not3A_5 = arith.xori %bitcast_convert_type3A_2, %not3A : vector<80x128xi32>
    %or3A = arith.constant -2147483648 : i32
    %or3A_6 = vector.broadcast %or3A : i32 to vector<80x128xi32>
    %or3A_7 = arith.ori %bitcast_convert_type3A_2, %or3A_6 : vector<80x128xi32>
    %select_n3A = arith.select %lt3A_4, %not3A_5, %or3A_7 : vector<80x128xi1>, vector<80x128xi32>
    %or3A_8 = arith.constant 0 : i32
    %or3A_9 = arith.constant -2147483648 : i32
    %or3A_10 = arith.ori %or3A_8, %or3A_9 : i32
    %ge3A = vector.broadcast %or3A_10 : i32 to vector<80x128xi32>
    %ge3A_11 = arith.cmpi uge, %select_n3A, %ge3A : vector<80x128xi32>
    %convert_element_type3A = arith.extui %ge3A_11 : vector<80x128xi1> to vector<80x128xi32>
    %convert_element_type3A_12 = arith.sitofp %convert_element_type3A : vector<80x128xi32> to vector<80x128xf32>
    %reduce_sum3A = vector.shape_cast %convert_element_type3A_12 : vector<80x128xf32> to vector<1x80x128xf32>
    %reduce_sum3A_13 = arith.constant dense<0.000000e+00> : vector<1xf32>
    %reduce_sum3A_14 = vector.multi_reduction <add>, %reduce_sum3A, %reduce_sum3A_13 [1, 2] : vector<1x80x128xf32> to vector<1xf32>
    %reduce_sum3A_15 = vector.shape_cast %reduce_sum3A_14 : vector<1xf32> to vector<1x1x1xf32>
    %reduce_sum3A_16 = vector.extract %reduce_sum3A_15[0, 0, 0] : f32 from vector<1x1x1xf32>
    %ge3A_17 = arith.constant 5.000000e+03 : f32
    %ge3A_18 = arith.cmpf oge, %reduce_sum3A_16, %ge3A_17 : f32
    %jit3A = arith.constant 0 : i32
    %select_n3A_19 = arith.select %ge3A_18, %or3A_10, %jit3A : i32
    %or3A_20 = arith.constant 1073741824 : i32
    %or3A_21 = arith.ori %select_n3A_19, %or3A_20 : i32
    %ge3A_22 = vector.broadcast %or3A_21 : i32 to vector<80x128xi32>
    %ge3A_23 = arith.cmpi uge, %select_n3A, %ge3A_22 : vector<80x128xi32>
    %convert_element_type3A_24 = arith.extui %ge3A_23 : vector<80x128xi1> to vector<80x128xi32>
    %convert_element_type3A_25 = arith.sitofp %convert_element_type3A_24 : vector<80x128xi32> to vector<80x128xf32>
    %reduce_sum3A_26 = vector.shape_cast %convert_element_type3A_25 : vector<80x128xf32> to vector<1x80x128xf32>
    %reduce_sum3A_27 = arith.constant dense<0.000000e+00> : vector<1xf32>
    %reduce_sum3A_28 = vector.multi_reduction <add>, %reduce_sum3A_26, %reduce_sum3A_27 [1, 2] : vector<1x80x128xf32> to vector<1xf32>
    %reduce_sum3A_29 = vector.shape_cast %reduce_sum3A_28 : vector<1xf32> to vector<1x1x1xf32>
    %reduce_sum3A_30 = vector.extract %reduce_sum3A_29[0, 0, 0] : f32 from vector<1x1x1xf32>
    %ge3A_31 = arith.constant 5.000000e+03 : f32
    %ge3A_32 = arith.cmpf oge, %reduce_sum3A_30, %ge3A_31 : f32
    %select_n3A_33 = arith.select %ge3A_32, %or3A_21, %select_n3A_19 : i32
    %or3A_34 = arith.constant 536870912 : i32
    %or3A_35 = arith.ori %select_n3A_33, %or3A_34 : i32
    %ge3A_36 = vector.broadcast %or3A_35 : i32 to vector<80x128xi32>
    %ge3A_37 = arith.cmpi uge, %select_n3A, %ge3A_36 : vector<80x128xi32>
    %convert_element_type3A_38 = arith.extui %ge3A_37 : vector<80x128xi1> to vector<80x128xi32>
    %convert_element_type3A_39 = arith.sitofp %convert_element_type3A_38 : vector<80x128xi32> to vector<80x128xf32>
    %reduce_sum3A_40 = vector.shape_cast %convert_element_type3A_39 : vector<80x128xf32> to vector<1x80x128xf32>
    %reduce_sum3A_41 = arith.constant dense<0.000000e+00> : vector<1xf32>
    %reduce_sum3A_42 = vector.multi_reduction <add>, %reduce_sum3A_40, %reduce_sum3A_41 [1, 2] : vector<1x80x128xf32> to vector<1xf32>
    %reduce_sum3A_43 = vector.shape_cast %reduce_sum3A_42 : vector<1xf32> to vector<1x1x1xf32>
    %reduce_sum3A_44 = vector.extract %reduce_sum3A_43[0, 0, 0] : f32 from vector<1x1x1xf32>
    %ge3A_45 = arith.constant 5.000000e+03 : f32
    %ge3A_46 = arith.cmpf oge, %reduce_sum3A_44, %ge3A_45 : f32
    %select_n3A_47 = arith.select %ge3A_46, %or3A_35, %select_n3A_33 : i32
    %or3A_48 = arith.constant 268435456 : i32
    %or3A_49 = arith.ori %select_n3A_47, %or3A_48 : i32
    %ge3A_50 = vector.broadcast %or3A_49 : i32 to vector<80x128xi32>
    %ge3A_51 = arith.cmpi uge, %select_n3A, %ge3A_50 : vector<80x128xi32>
    %convert_element_type3A_52 = arith.extui %ge3A_51 : vector<80x128xi1> to vector<80x128xi32>
    %convert_element_type3A_53 = arith.sitofp %convert_element_type3A_52 : vector<80x128xi32> to vector<80x128xf32>
    %reduce_sum3A_54 = vector.shape_cast %convert_element_type3A_53 : vector<80x128xf32> to vector<1x80x128xf32>
    %reduce_sum3A_55 = arith.constant dense<0.000000e+00> : vector<1xf32>
    %reduce_sum3A_56 = vector.multi_reduction <add>, %reduce_sum3A_54, %reduce_sum3A_55 [1, 2] : vector<1x80x128xf32> to vector<1xf32>
    %reduce_sum3A_57 = vector.shape_cast %reduce_sum3A_56 : vector<1xf32> to vector<1x1x1xf32>
    %reduce_sum3A_58 = vector.extract %reduce_sum3A_57[0, 0, 0] : f32 from vector<1x1x1xf32>
    %ge3A_59 = arith.constant 5.000000e+03 : f32
    %ge3A_60 = arith.cmpf oge, %reduce_sum3A_58, %ge3A_59 : f32
    %select_n3A_61 = arith.select %ge3A_60, %or3A_49, %select_n3A_47 : i32
    %or3A_62 = arith.constant 134217728 : i32
    %or3A_63 = arith.ori %select_n3A_61, %or3A_62 : i32
    %ge3A_64 = vector.broadcast %or3A_63 : i32 to vector<80x128xi32>
    %ge3A_65 = arith.cmpi uge, %select_n3A, %ge3A_64 : vector<80x128xi32>
    %convert_element_type3A_66 = arith.extui %ge3A_65 : vector<80x128xi1> to vector<80x128xi32>
    %convert_element_type3A_67 = arith.sitofp %convert_element_type3A_66 : vector<80x128xi32> to vector<80x128xf32>
    %reduce_sum3A_68 = vector.shape_cast %convert_element_type3A_67 : vector<80x128xf32> to vector<1x80x128xf32>
    %reduce_sum3A_69 = arith.constant dense<0.000000e+00> : vector<1xf32>
    %reduce_sum3A_70 = vector.multi_reduction <add>, %reduce_sum3A_68, %reduce_sum3A_69 [1, 2] : vector<1x80x128xf32> to vector<1xf32>
    %reduce_sum3A_71 = vector.shape_cast %reduce_sum3A_70 : vector<1xf32> to vector<1x1x1xf32>
    %reduce_sum3A_72 = vector.extract %reduce_sum3A_71[0, 0, 0] : f32 from vector<1x1x1xf32>
    %ge3A_73 = arith.constant 5.000000e+03 : f32
    %ge3A_74 = arith.cmpf oge, %reduce_sum3A_72, %ge3A_73 : f32
    %select_n3A_75 = arith.select %ge3A_74, %or3A_63, %select_n3A_61 : i32
    %or3A_76 = arith.constant 67108864 : i32
    %or3A_77 = arith.ori %select_n3A_75, %or3A_76 : i32
    %ge3A_78 = vector.broadcast %or3A_77 : i32 to vector<80x128xi32>
    %ge3A_79 = arith.cmpi uge, %select_n3A, %ge3A_78 : vector<80x128xi32>
    %convert_element_type3A_80 = arith.extui %ge3A_79 : vector<80x128xi1> to vector<80x128xi32>
    %convert_element_type3A_81 = arith.sitofp %convert_element_type3A_80 : vector<80x128xi32> to vector<80x128xf32>
    %reduce_sum3A_82 = vector.shape_cast %convert_element_type3A_81 : vector<80x128xf32> to vector<1x80x128xf32>
    %reduce_sum3A_83 = arith.constant dense<0.000000e+00> : vector<1xf32>
    %reduce_sum3A_84 = vector.multi_reduction <add>, %reduce_sum3A_82, %reduce_sum3A_83 [1, 2] : vector<1x80x128xf32> to vector<1xf32>
    %reduce_sum3A_85 = vector.shape_cast %reduce_sum3A_84 : vector<1xf32> to vector<1x1x1xf32>
    %reduce_sum3A_86 = vector.extract %reduce_sum3A_85[0, 0, 0] : f32 from vector<1x1x1xf32>
    %ge3A_87 = arith.constant 5.000000e+03 : f32
    %ge3A_88 = arith.cmpf oge, %reduce_sum3A_86, %ge3A_87 : f32
    %select_n3A_89 = arith.select %ge3A_88, %or3A_77, %select_n3A_75 : i32
    %or3A_90 = arith.constant 33554432 : i32
    %or3A_91 = arith.ori %select_n3A_89, %or3A_90 : i32
    %ge3A_92 = vector.broadcast %or3A_91 : i32 to vector<80x128xi32>
    %ge3A_93 = arith.cmpi uge, %select_n3A, %ge3A_92 : vector<80x128xi32>
    %convert_element_type3A_94 = arith.extui %ge3A_93 : vector<80x128xi1> to vector<80x128xi32>
    %convert_element_type3A_95 = arith.sitofp %convert_element_type3A_94 : vector<80x128xi32> to vector<80x128xf32>
    %reduce_sum3A_96 = vector.shape_cast %convert_element_type3A_95 : vector<80x128xf32> to vector<1x80x128xf32>
    %reduce_sum3A_97 = arith.constant dense<0.000000e+00> : vector<1xf32>
    %reduce_sum3A_98 = vector.multi_reduction <add>, %reduce_sum3A_96, %reduce_sum3A_97 [1, 2] : vector<1x80x128xf32> to vector<1xf32>
    %reduce_sum3A_99 = vector.shape_cast %reduce_sum3A_98 : vector<1xf32> to vector<1x1x1xf32>
    %reduce_sum3A_100 = vector.extract %reduce_sum3A_99[0, 0, 0] : f32 from vector<1x1x1xf32>
    %ge3A_101 = arith.constant 5.000000e+03 : f32
    %ge3A_102 = arith.cmpf oge, %reduce_sum3A_100, %ge3A_101 : f32
    %select_n3A_103 = arith.select %ge3A_102, %or3A_91, %select_n3A_89 : i32
    %or3A_104 = arith.constant 16777216 : i32
    %or3A_105 = arith.ori %select_n3A_103, %or3A_104 : i32
    %ge3A_106 = vector.broadcast %or3A_105 : i32 to vector<80x128xi32>
    %ge3A_107 = arith.cmpi uge, %select_n3A, %ge3A_106 : vector<80x128xi32>
    %convert_element_type3A_108 = arith.extui %ge3A_107 : vector<80x128xi1> to vector<80x128xi32>
    %convert_element_type3A_109 = arith.sitofp %convert_element_type3A_108 : vector<80x128xi32> to vector<80x128xf32>
    %reduce_sum3A_110 = vector.shape_cast %convert_element_type3A_109 : vector<80x128xf32> to vector<1x80x128xf32>
    %reduce_sum3A_111 = arith.constant dense<0.000000e+00> : vector<1xf32>
    %reduce_sum3A_112 = vector.multi_reduction <add>, %reduce_sum3A_110, %reduce_sum3A_111 [1, 2] : vector<1x80x128xf32> to vector<1xf32>
    %reduce_sum3A_113 = vector.shape_cast %reduce_sum3A_112 : vector<1xf32> to vector<1x1x1xf32>
    %reduce_sum3A_114 = vector.extract %reduce_sum3A_113[0, 0, 0] : f32 from vector<1x1x1xf32>
    %ge3A_115 = arith.constant 5.000000e+03 : f32
    %ge3A_116 = arith.cmpf oge, %reduce_sum3A_114, %ge3A_115 : f32
    %select_n3A_117 = arith.select %ge3A_116, %or3A_105, %select_n3A_103 : i32
    %or3A_118 = arith.constant 8388608 : i32
    %or3A_119 = arith.ori %select_n3A_117, %or3A_118 : i32
    %ge3A_120 = vector.broadcast %or3A_119 : i32 to vector<80x128xi32>
    %ge3A_121 = arith.cmpi uge, %select_n3A, %ge3A_120 : vector<80x128xi32>
    %convert_element_type3A_122 = arith.extui %ge3A_121 : vector<80x128xi1> to vector<80x128xi32>
    %convert_element_type3A_123 = arith.sitofp %convert_element_type3A_122 : vector<80x128xi32> to vector<80x128xf32>
    %reduce_sum3A_124 = vector.shape_cast %convert_element_type3A_123 : vector<80x128xf32> to vector<1x80x128xf32>
    %reduce_sum3A_125 = arith.constant dense<0.000000e+00> : vector<1xf32>
    %reduce_sum3A_126 = vector.multi_reduction <add>, %reduce_sum3A_124, %reduce_sum3A_125 [1, 2] : vector<1x80x128xf32> to vector<1xf32>
    %reduce_sum3A_127 = vector.shape_cast %reduce_sum3A_126 : vector<1xf32> to vector<1x1x1xf32>
    %reduce_sum3A_128 = vector.extract %reduce_sum3A_127[0, 0, 0] : f32 from vector<1x1x1xf32>
    %ge3A_129 = arith.constant 5.000000e+03 : f32
    %ge3A_130 = arith.cmpf oge, %reduce_sum3A_128, %ge3A_129 : f32
    %select_n3A_131 = arith.select %ge3A_130, %or3A_119, %select_n3A_117 : i32
    %or3A_132 = arith.constant 4194304 : i32
    %or3A_133 = arith.ori %select_n3A_131, %or3A_132 : i32
    %ge3A_134 = vector.broadcast %or3A_133 : i32 to vector<80x128xi32>
    %ge3A_135 = arith.cmpi uge, %select_n3A, %ge3A_134 : vector<80x128xi32>
    %convert_element_type3A_136 = arith.extui %ge3A_135 : vector<80x128xi1> to vector<80x128xi32>
    %convert_element_type3A_137 = arith.sitofp %convert_element_type3A_136 : vector<80x128xi32> to vector<80x128xf32>
    %reduce_sum3A_138 = vector.shape_cast %convert_element_type3A_137 : vector<80x128xf32> to vector<1x80x128xf32>
    %reduce_sum3A_139 = arith.constant dense<0.000000e+00> : vector<1xf32>
    %reduce_sum3A_140 = vector.multi_reduction <add>, %reduce_sum3A_138, %reduce_sum3A_139 [1, 2] : vector<1x80x128xf32> to vector<1xf32>
    %reduce_sum3A_141 = vector.shape_cast %reduce_sum3A_140 : vector<1xf32> to vector<1x1x1xf32>
    %reduce_sum3A_142 = vector.extract %reduce_sum3A_141[0, 0, 0] : f32 from vector<1x1x1xf32>
    %ge3A_143 = arith.constant 5.000000e+03 : f32
    %ge3A_144 = arith.cmpf oge, %reduce_sum3A_142, %ge3A_143 : f32
    %select_n3A_145 = arith.select %ge3A_144, %or3A_133, %select_n3A_131 : i32
    %or3A_146 = arith.constant 2097152 : i32
    %or3A_147 = arith.ori %select_n3A_145, %or3A_146 : i32
    %ge3A_148 = vector.broadcast %or3A_147 : i32 to vector<80x128xi32>
    %ge3A_149 = arith.cmpi uge, %select_n3A, %ge3A_148 : vector<80x128xi32>
    %convert_element_type3A_150 = arith.extui %ge3A_149 : vector<80x128xi1> to vector<80x128xi32>
    %convert_element_type3A_151 = arith.sitofp %convert_element_type3A_150 : vector<80x128xi32> to vector<80x128xf32>
    %reduce_sum3A_152 = vector.shape_cast %convert_element_type3A_151 : vector<80x128xf32> to vector<1x80x128xf32>
    %reduce_sum3A_153 = arith.constant dense<0.000000e+00> : vector<1xf32>
    %reduce_sum3A_154 = vector.multi_reduction <add>, %reduce_sum3A_152, %reduce_sum3A_153 [1, 2] : vector<1x80x128xf32> to vector<1xf32>
    %reduce_sum3A_155 = vector.shape_cast %reduce_sum3A_154 : vector<1xf32> to vector<1x1x1xf32>
    %reduce_sum3A_156 = vector.extract %reduce_sum3A_155[0, 0, 0] : f32 from vector<1x1x1xf32>
    %ge3A_157 = arith.constant 5.000000e+03 : f32
    %ge3A_158 = arith.cmpf oge, %reduce_sum3A_156, %ge3A_157 : f32
    %select_n3A_159 = arith.select %ge3A_158, %or3A_147, %select_n3A_145 : i32
    %or3A_160 = arith.constant 1048576 : i32
    %or3A_161 = arith.ori %select_n3A_159, %or3A_160 : i32
    %ge3A_162 = vector.broadcast %or3A_161 : i32 to vector<80x128xi32>
    %ge3A_163 = arith.cmpi uge, %select_n3A, %ge3A_162 : vector<80x128xi32>
    %convert_element_type3A_164 = arith.extui %ge3A_163 : vector<80x128xi1> to vector<80x128xi32>
    %convert_element_type3A_165 = arith.sitofp %convert_element_type3A_164 : vector<80x128xi32> to vector<80x128xf32>
    %reduce_sum3A_166 = vector.shape_cast %convert_element_type3A_165 : vector<80x128xf32> to vector<1x80x128xf32>
    %reduce_sum3A_167 = arith.constant dense<0.000000e+00> : vector<1xf32>
    %reduce_sum3A_168 = vector.multi_reduction <add>, %reduce_sum3A_166, %reduce_sum3A_167 [1, 2] : vector<1x80x128xf32> to vector<1xf32>
    %reduce_sum3A_169 = vector.shape_cast %reduce_sum3A_168 : vector<1xf32> to vector<1x1x1xf32>
    %reduce_sum3A_170 = vector.extract %reduce_sum3A_169[0, 0, 0] : f32 from vector<1x1x1xf32>
    %ge3A_171 = arith.constant 5.000000e+03 : f32
    %ge3A_172 = arith.cmpf oge, %reduce_sum3A_170, %ge3A_171 : f32
    %select_n3A_173 = arith.select %ge3A_172, %or3A_161, %select_n3A_159 : i32
    %or3A_174 = arith.constant 524288 : i32
    %or3A_175 = arith.ori %select_n3A_173, %or3A_174 : i32
    %ge3A_176 = vector.broadcast %or3A_175 : i32 to vector<80x128xi32>
    %ge3A_177 = arith.cmpi uge, %select_n3A, %ge3A_176 : vector<80x128xi32>
    %convert_element_type3A_178 = arith.extui %ge3A_177 : vector<80x128xi1> to vector<80x128xi32>
    %convert_element_type3A_179 = arith.sitofp %convert_element_type3A_178 : vector<80x128xi32> to vector<80x128xf32>
    %reduce_sum3A_180 = vector.shape_cast %convert_element_type3A_179 : vector<80x128xf32> to vector<1x80x128xf32>
    %reduce_sum3A_181 = arith.constant dense<0.000000e+00> : vector<1xf32>
    %reduce_sum3A_182 = vector.multi_reduction <add>, %reduce_sum3A_180, %reduce_sum3A_181 [1, 2] : vector<1x80x128xf32> to vector<1xf32>
    %reduce_sum3A_183 = vector.shape_cast %reduce_sum3A_182 : vector<1xf32> to vector<1x1x1xf32>
    %reduce_sum3A_184 = vector.extract %reduce_sum3A_183[0, 0, 0] : f32 from vector<1x1x1xf32>
    %ge3A_185 = arith.constant 5.000000e+03 : f32
    %ge3A_186 = arith.cmpf oge, %reduce_sum3A_184, %ge3A_185 : f32
    %select_n3A_187 = arith.select %ge3A_186, %or3A_175, %select_n3A_173 : i32
    %or3A_188 = arith.constant 262144 : i32
    %or3A_189 = arith.ori %select_n3A_187, %or3A_188 : i32
    %ge3A_190 = vector.broadcast %or3A_189 : i32 to vector<80x128xi32>
    %ge3A_191 = arith.cmpi uge, %select_n3A, %ge3A_190 : vector<80x128xi32>
    %convert_element_type3A_192 = arith.extui %ge3A_191 : vector<80x128xi1> to vector<80x128xi32>
    %convert_element_type3A_193 = arith.sitofp %convert_element_type3A_192 : vector<80x128xi32> to vector<80x128xf32>
    %reduce_sum3A_194 = vector.shape_cast %convert_element_type3A_193 : vector<80x128xf32> to vector<1x80x128xf32>
    %reduce_sum3A_195 = arith.constant dense<0.000000e+00> : vector<1xf32>
    %reduce_sum3A_196 = vector.multi_reduction <add>, %reduce_sum3A_194, %reduce_sum3A_195 [1, 2] : vector<1x80x128xf32> to vector<1xf32>
    %reduce_sum3A_197 = vector.shape_cast %reduce_sum3A_196 : vector<1xf32> to vector<1x1x1xf32>
    %reduce_sum3A_198 = vector.extract %reduce_sum3A_197[0, 0, 0] : f32 from vector<1x1x1xf32>
    %ge3A_199 = arith.constant 5.000000e+03 : f32
    %ge3A_200 = arith.cmpf oge, %reduce_sum3A_198, %ge3A_199 : f32
    %select_n3A_201 = arith.select %ge3A_200, %or3A_189, %select_n3A_187 : i32
    %or3A_202 = arith.constant 131072 : i32
    %or3A_203 = arith.ori %select_n3A_201, %or3A_202 : i32
    %ge3A_204 = vector.broadcast %or3A_203 : i32 to vector<80x128xi32>
    %ge3A_205 = arith.cmpi uge, %select_n3A, %ge3A_204 : vector<80x128xi32>
    %convert_element_type3A_206 = arith.extui %ge3A_205 : vector<80x128xi1> to vector<80x128xi32>
    %convert_element_type3A_207 = arith.sitofp %convert_element_type3A_206 : vector<80x128xi32> to vector<80x128xf32>
    %reduce_sum3A_208 = vector.shape_cast %convert_element_type3A_207 : vector<80x128xf32> to vector<1x80x128xf32>
    %reduce_sum3A_209 = arith.constant dense<0.000000e+00> : vector<1xf32>
    %reduce_sum3A_210 = vector.multi_reduction <add>, %reduce_sum3A_208, %reduce_sum3A_209 [1, 2] : vector<1x80x128xf32> to vector<1xf32>
    %reduce_sum3A_211 = vector.shape_cast %reduce_sum3A_210 : vector<1xf32> to vector<1x1x1xf32>
    %reduce_sum3A_212 = vector.extract %reduce_sum3A_211[0, 0, 0] : f32 from vector<1x1x1xf32>
    %ge3A_213 = arith.constant 5.000000e+03 : f32
    %ge3A_214 = arith.cmpf oge, %reduce_sum3A_212, %ge3A_213 : f32
    %select_n3A_215 = arith.select %ge3A_214, %or3A_203, %select_n3A_201 : i32
    %or3A_216 = arith.constant 65536 : i32
    %or3A_217 = arith.ori %select_n3A_215, %or3A_216 : i32
    %ge3A_218 = vector.broadcast %or3A_217 : i32 to vector<80x128xi32>
    %ge3A_219 = arith.cmpi uge, %select_n3A, %ge3A_218 : vector<80x128xi32>
    %convert_element_type3A_220 = arith.extui %ge3A_219 : vector<80x128xi1> to vector<80x128xi32>
    %convert_element_type3A_221 = arith.sitofp %convert_element_type3A_220 : vector<80x128xi32> to vector<80x128xf32>
    %reduce_sum3A_222 = vector.shape_cast %convert_element_type3A_221 : vector<80x128xf32> to vector<1x80x128xf32>
    %reduce_sum3A_223 = arith.constant dense<0.000000e+00> : vector<1xf32>
    %reduce_sum3A_224 = vector.multi_reduction <add>, %reduce_sum3A_222, %reduce_sum3A_223 [1, 2] : vector<1x80x128xf32> to vector<1xf32>
    %reduce_sum3A_225 = vector.shape_cast %reduce_sum3A_224 : vector<1xf32> to vector<1x1x1xf32>
    %reduce_sum3A_226 = vector.extract %reduce_sum3A_225[0, 0, 0] : f32 from vector<1x1x1xf32>
    %ge3A_227 = arith.constant 5.000000e+03 : f32
    %ge3A_228 = arith.cmpf oge, %reduce_sum3A_226, %ge3A_227 : f32
    %select_n3A_229 = arith.select %ge3A_228, %or3A_217, %select_n3A_215 : i32
    %or3A_230 = arith.constant 32768 : i32
    %or3A_231 = arith.ori %select_n3A_229, %or3A_230 : i32
    %ge3A_232 = vector.broadcast %or3A_231 : i32 to vector<80x128xi32>
    %ge3A_233 = arith.cmpi uge, %select_n3A, %ge3A_232 : vector<80x128xi32>
    %convert_element_type3A_234 = arith.extui %ge3A_233 : vector<80x128xi1> to vector<80x128xi32>
    %convert_element_type3A_235 = arith.sitofp %convert_element_type3A_234 : vector<80x128xi32> to vector<80x128xf32>
    %reduce_sum3A_236 = vector.shape_cast %convert_element_type3A_235 : vector<80x128xf32> to vector<1x80x128xf32>
    %reduce_sum3A_237 = arith.constant dense<0.000000e+00> : vector<1xf32>
    %reduce_sum3A_238 = vector.multi_reduction <add>, %reduce_sum3A_236, %reduce_sum3A_237 [1, 2] : vector<1x80x128xf32> to vector<1xf32>
    %reduce_sum3A_239 = vector.shape_cast %reduce_sum3A_238 : vector<1xf32> to vector<1x1x1xf32>
    %reduce_sum3A_240 = vector.extract %reduce_sum3A_239[0, 0, 0] : f32 from vector<1x1x1xf32>
    %ge3A_241 = arith.constant 5.000000e+03 : f32
    %ge3A_242 = arith.cmpf oge, %reduce_sum3A_240, %ge3A_241 : f32
    %select_n3A_243 = arith.select %ge3A_242, %or3A_231, %select_n3A_229 : i32
    %or3A_244 = arith.constant 16384 : i32
    %or3A_245 = arith.ori %select_n3A_243, %or3A_244 : i32
    %ge3A_246 = vector.broadcast %or3A_245 : i32 to vector<80x128xi32>
    %ge3A_247 = arith.cmpi uge, %select_n3A, %ge3A_246 : vector<80x128xi32>
    %convert_element_type3A_248 = arith.extui %ge3A_247 : vector<80x128xi1> to vector<80x128xi32>
    %convert_element_type3A_249 = arith.sitofp %convert_element_type3A_248 : vector<80x128xi32> to vector<80x128xf32>
    %reduce_sum3A_250 = vector.shape_cast %convert_element_type3A_249 : vector<80x128xf32> to vector<1x80x128xf32>
    %reduce_sum3A_251 = arith.constant dense<0.000000e+00> : vector<1xf32>
    %reduce_sum3A_252 = vector.multi_reduction <add>, %reduce_sum3A_250, %reduce_sum3A_251 [1, 2] : vector<1x80x128xf32> to vector<1xf32>
    %reduce_sum3A_253 = vector.shape_cast %reduce_sum3A_252 : vector<1xf32> to vector<1x1x1xf32>
    %reduce_sum3A_254 = vector.extract %reduce_sum3A_253[0, 0, 0] : f32 from vector<1x1x1xf32>
    %ge3A_255 = arith.constant 5.000000e+03 : f32
    %ge3A_256 = arith.cmpf oge, %reduce_sum3A_254, %ge3A_255 : f32
    %select_n3A_257 = arith.select %ge3A_256, %or3A_245, %select_n3A_243 : i32
    %or3A_258 = arith.constant 8192 : i32
    %or3A_259 = arith.ori %select_n3A_257, %or3A_258 : i32
    %ge3A_260 = vector.broadcast %or3A_259 : i32 to vector<80x128xi32>
    %ge3A_261 = arith.cmpi uge, %select_n3A, %ge3A_260 : vector<80x128xi32>
    %convert_element_type3A_262 = arith.extui %ge3A_261 : vector<80x128xi1> to vector<80x128xi32>
    %convert_element_type3A_263 = arith.sitofp %convert_element_type3A_262 : vector<80x128xi32> to vector<80x128xf32>
    %reduce_sum3A_264 = vector.shape_cast %convert_element_type3A_263 : vector<80x128xf32> to vector<1x80x128xf32>
    %reduce_sum3A_265 = arith.constant dense<0.000000e+00> : vector<1xf32>
    %reduce_sum3A_266 = vector.multi_reduction <add>, %reduce_sum3A_264, %reduce_sum3A_265 [1, 2] : vector<1x80x128xf32> to vector<1xf32>
    %reduce_sum3A_267 = vector.shape_cast %reduce_sum3A_266 : vector<1xf32> to vector<1x1x1xf32>
    %reduce_sum3A_268 = vector.extract %reduce_sum3A_267[0, 0, 0] : f32 from vector<1x1x1xf32>
    %ge3A_269 = arith.constant 5.000000e+03 : f32
    %ge3A_270 = arith.cmpf oge, %reduce_sum3A_268, %ge3A_269 : f32
    %select_n3A_271 = arith.select %ge3A_270, %or3A_259, %select_n3A_257 : i32
    %or3A_272 = arith.constant 4096 : i32
    %or3A_273 = arith.ori %select_n3A_271, %or3A_272 : i32
    %ge3A_274 = vector.broadcast %or3A_273 : i32 to vector<80x128xi32>
    %ge3A_275 = arith.cmpi uge, %select_n3A, %ge3A_274 : vector<80x128xi32>
    %convert_element_type3A_276 = arith.extui %ge3A_275 : vector<80x128xi1> to vector<80x128xi32>
    %convert_element_type3A_277 = arith.sitofp %convert_element_type3A_276 : vector<80x128xi32> to vector<80x128xf32>
    %reduce_sum3A_278 = vector.shape_cast %convert_element_type3A_277 : vector<80x128xf32> to vector<1x80x128xf32>
    %reduce_sum3A_279 = arith.constant dense<0.000000e+00> : vector<1xf32>
    %reduce_sum3A_280 = vector.multi_reduction <add>, %reduce_sum3A_278, %reduce_sum3A_279 [1, 2] : vector<1x80x128xf32> to vector<1xf32>
    %reduce_sum3A_281 = vector.shape_cast %reduce_sum3A_280 : vector<1xf32> to vector<1x1x1xf32>
    %reduce_sum3A_282 = vector.extract %reduce_sum3A_281[0, 0, 0] : f32 from vector<1x1x1xf32>
    %ge3A_283 = arith.constant 5.000000e+03 : f32
    %ge3A_284 = arith.cmpf oge, %reduce_sum3A_282, %ge3A_283 : f32
    %select_n3A_285 = arith.select %ge3A_284, %or3A_273, %select_n3A_271 : i32
    %or3A_286 = arith.constant 2048 : i32
    %or3A_287 = arith.ori %select_n3A_285, %or3A_286 : i32
    %ge3A_288 = vector.broadcast %or3A_287 : i32 to vector<80x128xi32>
    %ge3A_289 = arith.cmpi uge, %select_n3A, %ge3A_288 : vector<80x128xi32>
    %convert_element_type3A_290 = arith.extui %ge3A_289 : vector<80x128xi1> to vector<80x128xi32>
    %convert_element_type3A_291 = arith.sitofp %convert_element_type3A_290 : vector<80x128xi32> to vector<80x128xf32>
    %reduce_sum3A_292 = vector.shape_cast %convert_element_type3A_291 : vector<80x128xf32> to vector<1x80x128xf32>
    %reduce_sum3A_293 = arith.constant dense<0.000000e+00> : vector<1xf32>
    %reduce_sum3A_294 = vector.multi_reduction <add>, %reduce_sum3A_292, %reduce_sum3A_293 [1, 2] : vector<1x80x128xf32> to vector<1xf32>
    %reduce_sum3A_295 = vector.shape_cast %reduce_sum3A_294 : vector<1xf32> to vector<1x1x1xf32>
    %reduce_sum3A_296 = vector.extract %reduce_sum3A_295[0, 0, 0] : f32 from vector<1x1x1xf32>
    %ge3A_297 = arith.constant 5.000000e+03 : f32
    %ge3A_298 = arith.cmpf oge, %reduce_sum3A_296, %ge3A_297 : f32
    %select_n3A_299 = arith.select %ge3A_298, %or3A_287, %select_n3A_285 : i32
    %or3A_300 = arith.constant 1024 : i32
    %or3A_301 = arith.ori %select_n3A_299, %or3A_300 : i32
    %ge3A_302 = vector.broadcast %or3A_301 : i32 to vector<80x128xi32>
    %ge3A_303 = arith.cmpi uge, %select_n3A, %ge3A_302 : vector<80x128xi32>
    %convert_element_type3A_304 = arith.extui %ge3A_303 : vector<80x128xi1> to vector<80x128xi32>
    %convert_element_type3A_305 = arith.sitofp %convert_element_type3A_304 : vector<80x128xi32> to vector<80x128xf32>
    %reduce_sum3A_306 = vector.shape_cast %convert_element_type3A_305 : vector<80x128xf32> to vector<1x80x128xf32>
    %reduce_sum3A_307 = arith.constant dense<0.000000e+00> : vector<1xf32>
    %reduce_sum3A_308 = vector.multi_reduction <add>, %reduce_sum3A_306, %reduce_sum3A_307 [1, 2] : vector<1x80x128xf32> to vector<1xf32>
    %reduce_sum3A_309 = vector.shape_cast %reduce_sum3A_308 : vector<1xf32> to vector<1x1x1xf32>
    %reduce_sum3A_310 = vector.extract %reduce_sum3A_309[0, 0, 0] : f32 from vector<1x1x1xf32>
    %ge3A_311 = arith.constant 5.000000e+03 : f32
    %ge3A_312 = arith.cmpf oge, %reduce_sum3A_310, %ge3A_311 : f32
    %select_n3A_313 = arith.select %ge3A_312, %or3A_301, %select_n3A_299 : i32
    %or3A_314 = arith.constant 512 : i32
    %or3A_315 = arith.ori %select_n3A_313, %or3A_314 : i32
    %ge3A_316 = vector.broadcast %or3A_315 : i32 to vector<80x128xi32>
    %ge3A_317 = arith.cmpi uge, %select_n3A, %ge3A_316 : vector<80x128xi32>
    %convert_element_type3A_318 = arith.extui %ge3A_317 : vector<80x128xi1> to vector<80x128xi32>
    %convert_element_type3A_319 = arith.sitofp %convert_element_type3A_318 : vector<80x128xi32> to vector<80x128xf32>
    %reduce_sum3A_320 = vector.shape_cast %convert_element_type3A_319 : vector<80x128xf32> to vector<1x80x128xf32>
    %reduce_sum3A_321 = arith.constant dense<0.000000e+00> : vector<1xf32>
    %reduce_sum3A_322 = vector.multi_reduction <add>, %reduce_sum3A_320, %reduce_sum3A_321 [1, 2] : vector<1x80x128xf32> to vector<1xf32>
    %reduce_sum3A_323 = vector.shape_cast %reduce_sum3A_322 : vector<1xf32> to vector<1x1x1xf32>
    %reduce_sum3A_324 = vector.extract %reduce_sum3A_323[0, 0, 0] : f32 from vector<1x1x1xf32>
    %ge3A_325 = arith.constant 5.000000e+03 : f32
    %ge3A_326 = arith.cmpf oge, %reduce_sum3A_324, %ge3A_325 : f32
    %select_n3A_327 = arith.select %ge3A_326, %or3A_315, %select_n3A_313 : i32
    %or3A_328 = arith.constant 256 : i32
    %or3A_329 = arith.ori %select_n3A_327, %or3A_328 : i32
    %ge3A_330 = vector.broadcast %or3A_329 : i32 to vector<80x128xi32>
    %ge3A_331 = arith.cmpi uge, %select_n3A, %ge3A_330 : vector<80x128xi32>
    %convert_element_type3A_332 = arith.extui %ge3A_331 : vector<80x128xi1> to vector<80x128xi32>
    %convert_element_type3A_333 = arith.sitofp %convert_element_type3A_332 : vector<80x128xi32> to vector<80x128xf32>
    %reduce_sum3A_334 = vector.shape_cast %convert_element_type3A_333 : vector<80x128xf32> to vector<1x80x128xf32>
    %reduce_sum3A_335 = arith.constant dense<0.000000e+00> : vector<1xf32>
    %reduce_sum3A_336 = vector.multi_reduction <add>, %reduce_sum3A_334, %reduce_sum3A_335 [1, 2] : vector<1x80x128xf32> to vector<1xf32>
    %reduce_sum3A_337 = vector.shape_cast %reduce_sum3A_336 : vector<1xf32> to vector<1x1x1xf32>
    %reduce_sum3A_338 = vector.extract %reduce_sum3A_337[0, 0, 0] : f32 from vector<1x1x1xf32>
    %ge3A_339 = arith.constant 5.000000e+03 : f32
    %ge3A_340 = arith.cmpf oge, %reduce_sum3A_338, %ge3A_339 : f32
    %select_n3A_341 = arith.select %ge3A_340, %or3A_329, %select_n3A_327 : i32
    %or3A_342 = arith.constant 128 : i32
    %or3A_343 = arith.ori %select_n3A_341, %or3A_342 : i32
    %ge3A_344 = vector.broadcast %or3A_343 : i32 to vector<80x128xi32>
    %ge3A_345 = arith.cmpi uge, %select_n3A, %ge3A_344 : vector<80x128xi32>
    %convert_element_type3A_346 = arith.extui %ge3A_345 : vector<80x128xi1> to vector<80x128xi32>
    %convert_element_type3A_347 = arith.sitofp %convert_element_type3A_346 : vector<80x128xi32> to vector<80x128xf32>
    %reduce_sum3A_348 = vector.shape_cast %convert_element_type3A_347 : vector<80x128xf32> to vector<1x80x128xf32>
    %reduce_sum3A_349 = arith.constant dense<0.000000e+00> : vector<1xf32>
    %reduce_sum3A_350 = vector.multi_reduction <add>, %reduce_sum3A_348, %reduce_sum3A_349 [1, 2] : vector<1x80x128xf32> to vector<1xf32>
    %reduce_sum3A_351 = vector.shape_cast %reduce_sum3A_350 : vector<1xf32> to vector<1x1x1xf32>
    %reduce_sum3A_352 = vector.extract %reduce_sum3A_351[0, 0, 0] : f32 from vector<1x1x1xf32>
    %ge3A_353 = arith.constant 5.000000e+03 : f32
    %ge3A_354 = arith.cmpf oge, %reduce_sum3A_352, %ge3A_353 : f32
    %select_n3A_355 = arith.select %ge3A_354, %or3A_343, %select_n3A_341 : i32
    %or3A_356 = arith.constant 64 : i32
    %or3A_357 = arith.ori %select_n3A_355, %or3A_356 : i32
    %ge3A_358 = vector.broadcast %or3A_357 : i32 to vector<80x128xi32>
    %ge3A_359 = arith.cmpi uge, %select_n3A, %ge3A_358 : vector<80x128xi32>
    %convert_element_type3A_360 = arith.extui %ge3A_359 : vector<80x128xi1> to vector<80x128xi32>
    %convert_element_type3A_361 = arith.sitofp %convert_element_type3A_360 : vector<80x128xi32> to vector<80x128xf32>
    %reduce_sum3A_362 = vector.shape_cast %convert_element_type3A_361 : vector<80x128xf32> to vector<1x80x128xf32>
    %reduce_sum3A_363 = arith.constant dense<0.000000e+00> : vector<1xf32>
    %reduce_sum3A_364 = vector.multi_reduction <add>, %reduce_sum3A_362, %reduce_sum3A_363 [1, 2] : vector<1x80x128xf32> to vector<1xf32>
    %reduce_sum3A_365 = vector.shape_cast %reduce_sum3A_364 : vector<1xf32> to vector<1x1x1xf32>
    %reduce_sum3A_366 = vector.extract %reduce_sum3A_365[0, 0, 0] : f32 from vector<1x1x1xf32>
    %ge3A_367 = arith.constant 5.000000e+03 : f32
    %ge3A_368 = arith.cmpf oge, %reduce_sum3A_366, %ge3A_367 : f32
    %select_n3A_369 = arith.select %ge3A_368, %or3A_357, %select_n3A_355 : i32
    %or3A_370 = arith.constant 32 : i32
    %or3A_371 = arith.ori %select_n3A_369, %or3A_370 : i32
    %ge3A_372 = vector.broadcast %or3A_371 : i32 to vector<80x128xi32>
    %ge3A_373 = arith.cmpi uge, %select_n3A, %ge3A_372 : vector<80x128xi32>
    %convert_element_type3A_374 = arith.extui %ge3A_373 : vector<80x128xi1> to vector<80x128xi32>
    %convert_element_type3A_375 = arith.sitofp %convert_element_type3A_374 : vector<80x128xi32> to vector<80x128xf32>
    %reduce_sum3A_376 = vector.shape_cast %convert_element_type3A_375 : vector<80x128xf32> to vector<1x80x128xf32>
    %reduce_sum3A_377 = arith.constant dense<0.000000e+00> : vector<1xf32>
    %reduce_sum3A_378 = vector.multi_reduction <add>, %reduce_sum3A_376, %reduce_sum3A_377 [1, 2] : vector<1x80x128xf32> to vector<1xf32>
    %reduce_sum3A_379 = vector.shape_cast %reduce_sum3A_378 : vector<1xf32> to vector<1x1x1xf32>
    %reduce_sum3A_380 = vector.extract %reduce_sum3A_379[0, 0, 0] : f32 from vector<1x1x1xf32>
    %ge3A_381 = arith.constant 5.000000e+03 : f32
    %ge3A_382 = arith.cmpf oge, %reduce_sum3A_380, %ge3A_381 : f32
    %select_n3A_383 = arith.select %ge3A_382, %or3A_371, %select_n3A_369 : i32
    %or3A_384 = arith.constant 16 : i32
    %or3A_385 = arith.ori %select_n3A_383, %or3A_384 : i32
    %ge3A_386 = vector.broadcast %or3A_385 : i32 to vector<80x128xi32>
    %ge3A_387 = arith.cmpi uge, %select_n3A, %ge3A_386 : vector<80x128xi32>
    %convert_element_type3A_388 = arith.extui %ge3A_387 : vector<80x128xi1> to vector<80x128xi32>
    %convert_element_type3A_389 = arith.sitofp %convert_element_type3A_388 : vector<80x128xi32> to vector<80x128xf32>
    %reduce_sum3A_390 = vector.shape_cast %convert_element_type3A_389 : vector<80x128xf32> to vector<1x80x128xf32>
    %reduce_sum3A_391 = arith.constant dense<0.000000e+00> : vector<1xf32>
    %reduce_sum3A_392 = vector.multi_reduction <add>, %reduce_sum3A_390, %reduce_sum3A_391 [1, 2] : vector<1x80x128xf32> to vector<1xf32>
    %reduce_sum3A_393 = vector.shape_cast %reduce_sum3A_392 : vector<1xf32> to vector<1x1x1xf32>
    %reduce_sum3A_394 = vector.extract %reduce_sum3A_393[0, 0, 0] : f32 from vector<1x1x1xf32>
    %ge3A_395 = arith.constant 5.000000e+03 : f32
    %ge3A_396 = arith.cmpf oge, %reduce_sum3A_394, %ge3A_395 : f32
    %select_n3A_397 = arith.select %ge3A_396, %or3A_385, %select_n3A_383 : i32
    %or3A_398 = arith.constant 8 : i32
    %or3A_399 = arith.ori %select_n3A_397, %or3A_398 : i32
    %ge3A_400 = vector.broadcast %or3A_399 : i32 to vector<80x128xi32>
    %ge3A_401 = arith.cmpi uge, %select_n3A, %ge3A_400 : vector<80x128xi32>
    %convert_element_type3A_402 = arith.extui %ge3A_401 : vector<80x128xi1> to vector<80x128xi32>
    %convert_element_type3A_403 = arith.sitofp %convert_element_type3A_402 : vector<80x128xi32> to vector<80x128xf32>
    %reduce_sum3A_404 = vector.shape_cast %convert_element_type3A_403 : vector<80x128xf32> to vector<1x80x128xf32>
    %reduce_sum3A_405 = arith.constant dense<0.000000e+00> : vector<1xf32>
    %reduce_sum3A_406 = vector.multi_reduction <add>, %reduce_sum3A_404, %reduce_sum3A_405 [1, 2] : vector<1x80x128xf32> to vector<1xf32>
    %reduce_sum3A_407 = vector.shape_cast %reduce_sum3A_406 : vector<1xf32> to vector<1x1x1xf32>
    %reduce_sum3A_408 = vector.extract %reduce_sum3A_407[0, 0, 0] : f32 from vector<1x1x1xf32>
    %ge3A_409 = arith.constant 5.000000e+03 : f32
    %ge3A_410 = arith.cmpf oge, %reduce_sum3A_408, %ge3A_409 : f32
    %select_n3A_411 = arith.select %ge3A_410, %or3A_399, %select_n3A_397 : i32
    %or3A_412 = arith.constant 4 : i32
    %or3A_413 = arith.ori %select_n3A_411, %or3A_412 : i32
    %ge3A_414 = vector.broadcast %or3A_413 : i32 to vector<80x128xi32>
    %ge3A_415 = arith.cmpi uge, %select_n3A, %ge3A_414 : vector<80x128xi32>
    %convert_element_type3A_416 = arith.extui %ge3A_415 : vector<80x128xi1> to vector<80x128xi32>
    %convert_element_type3A_417 = arith.sitofp %convert_element_type3A_416 : vector<80x128xi32> to vector<80x128xf32>
    %reduce_sum3A_418 = vector.shape_cast %convert_element_type3A_417 : vector<80x128xf32> to vector<1x80x128xf32>
    %reduce_sum3A_419 = arith.constant dense<0.000000e+00> : vector<1xf32>
    %reduce_sum3A_420 = vector.multi_reduction <add>, %reduce_sum3A_418, %reduce_sum3A_419 [1, 2] : vector<1x80x128xf32> to vector<1xf32>
    %reduce_sum3A_421 = vector.shape_cast %reduce_sum3A_420 : vector<1xf32> to vector<1x1x1xf32>
    %reduce_sum3A_422 = vector.extract %reduce_sum3A_421[0, 0, 0] : f32 from vector<1x1x1xf32>
    %ge3A_423 = arith.constant 5.000000e+03 : f32
    %ge3A_424 = arith.cmpf oge, %reduce_sum3A_422, %ge3A_423 : f32
    %select_n3A_425 = arith.select %ge3A_424, %or3A_413, %select_n3A_411 : i32
    %or3A_426 = arith.constant 2 : i32
    %or3A_427 = arith.ori %select_n3A_425, %or3A_426 : i32
    %ge3A_428 = vector.broadcast %or3A_427 : i32 to vector<80x128xi32>
    %ge3A_429 = arith.cmpi uge, %select_n3A, %ge3A_428 : vector<80x128xi32>
    %convert_element_type3A_430 = arith.extui %ge3A_429 : vector<80x128xi1> to vector<80x128xi32>
    %convert_element_type3A_431 = arith.sitofp %convert_element_type3A_430 : vector<80x128xi32> to vector<80x128xf32>
    %reduce_sum3A_432 = vector.shape_cast %convert_element_type3A_431 : vector<80x128xf32> to vector<1x80x128xf32>
    %reduce_sum3A_433 = arith.constant dense<0.000000e+00> : vector<1xf32>
    %reduce_sum3A_434 = vector.multi_reduction <add>, %reduce_sum3A_432, %reduce_sum3A_433 [1, 2] : vector<1x80x128xf32> to vector<1xf32>
    %reduce_sum3A_435 = vector.shape_cast %reduce_sum3A_434 : vector<1xf32> to vector<1x1x1xf32>
    %reduce_sum3A_436 = vector.extract %reduce_sum3A_435[0, 0, 0] : f32 from vector<1x1x1xf32>
    %ge3A_437 = arith.constant 5.000000e+03 : f32
    %ge3A_438 = arith.cmpf oge, %reduce_sum3A_436, %ge3A_437 : f32
    %select_n3A_439 = arith.select %ge3A_438, %or3A_427, %select_n3A_425 : i32
    %or3A_440 = arith.constant 1 : i32
    %or3A_441 = arith.ori %select_n3A_439, %or3A_440 : i32
    %ge3A_442 = vector.broadcast %or3A_441 : i32 to vector<80x128xi32>
    %ge3A_443 = arith.cmpi uge, %select_n3A, %ge3A_442 : vector<80x128xi32>
    %convert_element_type3A_444 = arith.extui %ge3A_443 : vector<80x128xi1> to vector<80x128xi32>
    %convert_element_type3A_445 = arith.sitofp %convert_element_type3A_444 : vector<80x128xi32> to vector<80x128xf32>
    %reduce_sum3A_446 = vector.shape_cast %convert_element_type3A_445 : vector<80x128xf32> to vector<1x80x128xf32>
    %reduce_sum3A_447 = arith.constant dense<0.000000e+00> : vector<1xf32>
    %reduce_sum3A_448 = vector.multi_reduction <add>, %reduce_sum3A_446, %reduce_sum3A_447 [1, 2] : vector<1x80x128xf32> to vector<1xf32>
    %reduce_sum3A_449 = vector.shape_cast %reduce_sum3A_448 : vector<1xf32> to vector<1x1x1xf32>
    %reduce_sum3A_450 = vector.extract %reduce_sum3A_449[0, 0, 0] : f32 from vector<1x1x1xf32>
    %ge3A_451 = arith.constant 5.000000e+03 : f32
    %ge3A_452 = arith.cmpf oge, %reduce_sum3A_450, %ge3A_451 : f32
    %select_n3A_453 = arith.select %ge3A_452, %or3A_441, %select_n3A_439 : i32
    %gt3A = vector.broadcast %select_n3A_453 : i32 to vector<80x128xi32>
    %gt3A_454 = arith.cmpi ugt, %select_n3A, %gt3A : vector<80x128xi32>
    %convert_element_type3A_455 = arith.extui %gt3A_454 : vector<80x128xi1> to vector<80x128xi32>
    %convert_element_type3A_456 = arith.sitofp %convert_element_type3A_455 : vector<80x128xi32> to vector<80x128xf32>
    %reduce_sum3A_457 = vector.shape_cast %convert_element_type3A_456 : vector<80x128xf32> to vector<1x80x128xf32>
    %reduce_sum3A_458 = arith.constant dense<0.000000e+00> : vector<1xf32>
    %reduce_sum3A_459 = vector.multi_reduction <add>, %reduce_sum3A_457, %reduce_sum3A_458 [1, 2] : vector<1x80x128xf32> to vector<1xf32>
    %reduce_sum3A_460 = vector.shape_cast %reduce_sum3A_459 : vector<1xf32> to vector<1x1x1xf32>
    %reduce_sum3A_461 = vector.extract %reduce_sum3A_460[0, 0, 0] : f32 from vector<1x1x1xf32>
    %sub3A = arith.constant 5.000000e+03 : f32
    %sub3A_462 = arith.subf %sub3A, %reduce_sum3A_461 : f32
    %eq3A = vector.broadcast %select_n3A_453 : i32 to vector<80x128xi32>
    %eq3A_463 = arith.cmpi eq, %select_n3A, %eq3A : vector<80x128xi32>
    %iota3A = tpu.iota {dimensions = array<i32: 0>} : vector<80x128xi32>
    %mul3A = arith.constant 128 : i32
    %mul3A_464 = vector.broadcast %mul3A : i32 to vector<80x128xi32>
    %mul3A_465 = arith.muli %iota3A, %mul3A_464 : vector<80x128xi32>
    %iota3A_466 = tpu.iota {dimensions = array<i32: 1>} : vector<80x128xi32>
    %add3A = arith.addi %mul3A_465, %iota3A_466 : vector<80x128xi32>
    %or3A_467 = arith.constant 0 : i32
    %or3A_468 = arith.constant 16384 : i32
    %or3A_469 = arith.ori %or3A_467, %or3A_468 : i32
    %lt3A_470 = vector.broadcast %or3A_469 : i32 to vector<80x128xi32>
    %lt3A_471 = arith.cmpi slt, %add3A, %lt3A_470 : vector<80x128xi32>
    %and3A = arith.andi %eq3A_463, %lt3A_471 : vector<80x128xi1>
    %convert_element_type3A_472 = arith.extui %and3A : vector<80x128xi1> to vector<80x128xi32>
    %convert_element_type3A_473 = arith.sitofp %convert_element_type3A_472 : vector<80x128xi32> to vector<80x128xf32>
    %reduce_sum3A_474 = vector.shape_cast %convert_element_type3A_473 : vector<80x128xf32> to vector<1x80x128xf32>
    %reduce_sum3A_475 = arith.constant dense<0.000000e+00> : vector<1xf32>
    %reduce_sum3A_476 = vector.multi_reduction <add>, %reduce_sum3A_474, %reduce_sum3A_475 [1, 2] : vector<1x80x128xf32> to vector<1xf32>
    %reduce_sum3A_477 = vector.shape_cast %reduce_sum3A_476 : vector<1xf32> to vector<1x1x1xf32>
    %reduce_sum3A_478 = vector.extract %reduce_sum3A_477[0, 0, 0] : f32 from vector<1x1x1xf32>
    %lt3A_479 = arith.cmpf olt, %reduce_sum3A_478, %sub3A_462 : f32
    %jit3A_480 = arith.constant 0 : i32
    %select_n3A_481 = arith.select %lt3A_479, %or3A_469, %jit3A_480 : i32
    %or3A_482 = arith.constant 8192 : i32
    %or3A_483 = arith.ori %select_n3A_481, %or3A_482 : i32
    %lt3A_484 = vector.broadcast %or3A_483 : i32 to vector<80x128xi32>
    %lt3A_485 = arith.cmpi slt, %add3A, %lt3A_484 : vector<80x128xi32>
    %and3A_486 = arith.andi %eq3A_463, %lt3A_485 : vector<80x128xi1>
    %convert_element_type3A_487 = arith.extui %and3A_486 : vector<80x128xi1> to vector<80x128xi32>
    %convert_element_type3A_488 = arith.sitofp %convert_element_type3A_487 : vector<80x128xi32> to vector<80x128xf32>
    %reduce_sum3A_489 = vector.shape_cast %convert_element_type3A_488 : vector<80x128xf32> to vector<1x80x128xf32>
    %reduce_sum3A_490 = arith.constant dense<0.000000e+00> : vector<1xf32>
    %reduce_sum3A_491 = vector.multi_reduction <add>, %reduce_sum3A_489, %reduce_sum3A_490 [1, 2] : vector<1x80x128xf32> to vector<1xf32>
    %reduce_sum3A_492 = vector.shape_cast %reduce_sum3A_491 : vector<1xf32> to vector<1x1x1xf32>
    %reduce_sum3A_493 = vector.extract %reduce_sum3A_492[0, 0, 0] : f32 from vector<1x1x1xf32>
    %lt3A_494 = arith.cmpf olt, %reduce_sum3A_493, %sub3A_462 : f32
    %select_n3A_495 = arith.select %lt3A_494, %or3A_483, %select_n3A_481 : i32
    %or3A_496 = arith.constant 4096 : i32
    %or3A_497 = arith.ori %select_n3A_495, %or3A_496 : i32
    %lt3A_498 = vector.broadcast %or3A_497 : i32 to vector<80x128xi32>
    %lt3A_499 = arith.cmpi slt, %add3A, %lt3A_498 : vector<80x128xi32>
    %and3A_500 = arith.andi %eq3A_463, %lt3A_499 : vector<80x128xi1>
    %convert_element_type3A_501 = arith.extui %and3A_500 : vector<80x128xi1> to vector<80x128xi32>
    %convert_element_type3A_502 = arith.sitofp %convert_element_type3A_501 : vector<80x128xi32> to vector<80x128xf32>
    %reduce_sum3A_503 = vector.shape_cast %convert_element_type3A_502 : vector<80x128xf32> to vector<1x80x128xf32>
    %reduce_sum3A_504 = arith.constant dense<0.000000e+00> : vector<1xf32>
    %reduce_sum3A_505 = vector.multi_reduction <add>, %reduce_sum3A_503, %reduce_sum3A_504 [1, 2] : vector<1x80x128xf32> to vector<1xf32>
    %reduce_sum3A_506 = vector.shape_cast %reduce_sum3A_505 : vector<1xf32> to vector<1x1x1xf32>
    %reduce_sum3A_507 = vector.extract %reduce_sum3A_506[0, 0, 0] : f32 from vector<1x1x1xf32>
    %lt3A_508 = arith.cmpf olt, %reduce_sum3A_507, %sub3A_462 : f32
    %select_n3A_509 = arith.select %lt3A_508, %or3A_497, %select_n3A_495 : i32
    %or3A_510 = arith.constant 2048 : i32
    %or3A_511 = arith.ori %select_n3A_509, %or3A_510 : i32
    %lt3A_512 = vector.broadcast %or3A_511 : i32 to vector<80x128xi32>
    %lt3A_513 = arith.cmpi slt, %add3A, %lt3A_512 : vector<80x128xi32>
    %and3A_514 = arith.andi %eq3A_463, %lt3A_513 : vector<80x128xi1>
    %convert_element_type3A_515 = arith.extui %and3A_514 : vector<80x128xi1> to vector<80x128xi32>
    %convert_element_type3A_516 = arith.sitofp %convert_element_type3A_515 : vector<80x128xi32> to vector<80x128xf32>
    %reduce_sum3A_517 = vector.shape_cast %convert_element_type3A_516 : vector<80x128xf32> to vector<1x80x128xf32>
    %reduce_sum3A_518 = arith.constant dense<0.000000e+00> : vector<1xf32>
    %reduce_sum3A_519 = vector.multi_reduction <add>, %reduce_sum3A_517, %reduce_sum3A_518 [1, 2] : vector<1x80x128xf32> to vector<1xf32>
    %reduce_sum3A_520 = vector.shape_cast %reduce_sum3A_519 : vector<1xf32> to vector<1x1x1xf32>
    %reduce_sum3A_521 = vector.extract %reduce_sum3A_520[0, 0, 0] : f32 from vector<1x1x1xf32>
    %lt3A_522 = arith.cmpf olt, %reduce_sum3A_521, %sub3A_462 : f32
    %select_n3A_523 = arith.select %lt3A_522, %or3A_511, %select_n3A_509 : i32
    %or3A_524 = arith.constant 1024 : i32
    %or3A_525 = arith.ori %select_n3A_523, %or3A_524 : i32
    %lt3A_526 = vector.broadcast %or3A_525 : i32 to vector<80x128xi32>
    %lt3A_527 = arith.cmpi slt, %add3A, %lt3A_526 : vector<80x128xi32>
    %and3A_528 = arith.andi %eq3A_463, %lt3A_527 : vector<80x128xi1>
    %convert_element_type3A_529 = arith.extui %and3A_528 : vector<80x128xi1> to vector<80x128xi32>
    %convert_element_type3A_530 = arith.sitofp %convert_element_type3A_529 : vector<80x128xi32> to vector<80x128xf32>
    %reduce_sum3A_531 = vector.shape_cast %convert_element_type3A_530 : vector<80x128xf32> to vector<1x80x128xf32>
    %reduce_sum3A_532 = arith.constant dense<0.000000e+00> : vector<1xf32>
    %reduce_sum3A_533 = vector.multi_reduction <add>, %reduce_sum3A_531, %reduce_sum3A_532 [1, 2] : vector<1x80x128xf32> to vector<1xf32>
    %reduce_sum3A_534 = vector.shape_cast %reduce_sum3A_533 : vector<1xf32> to vector<1x1x1xf32>
    %reduce_sum3A_535 = vector.extract %reduce_sum3A_534[0, 0, 0] : f32 from vector<1x1x1xf32>
    %lt3A_536 = arith.cmpf olt, %reduce_sum3A_535, %sub3A_462 : f32
    %select_n3A_537 = arith.select %lt3A_536, %or3A_525, %select_n3A_523 : i32
    %or3A_538 = arith.constant 512 : i32
    %or3A_539 = arith.ori %select_n3A_537, %or3A_538 : i32
    %lt3A_540 = vector.broadcast %or3A_539 : i32 to vector<80x128xi32>
    %lt3A_541 = arith.cmpi slt, %add3A, %lt3A_540 : vector<80x128xi32>
    %and3A_542 = arith.andi %eq3A_463, %lt3A_541 : vector<80x128xi1>
    %convert_element_type3A_543 = arith.extui %and3A_542 : vector<80x128xi1> to vector<80x128xi32>
    %convert_element_type3A_544 = arith.sitofp %convert_element_type3A_543 : vector<80x128xi32> to vector<80x128xf32>
    %reduce_sum3A_545 = vector.shape_cast %convert_element_type3A_544 : vector<80x128xf32> to vector<1x80x128xf32>
    %reduce_sum3A_546 = arith.constant dense<0.000000e+00> : vector<1xf32>
    %reduce_sum3A_547 = vector.multi_reduction <add>, %reduce_sum3A_545, %reduce_sum3A_546 [1, 2] : vector<1x80x128xf32> to vector<1xf32>
    %reduce_sum3A_548 = vector.shape_cast %reduce_sum3A_547 : vector<1xf32> to vector<1x1x1xf32>
    %reduce_sum3A_549 = vector.extract %reduce_sum3A_548[0, 0, 0] : f32 from vector<1x1x1xf32>
    %lt3A_550 = arith.cmpf olt, %reduce_sum3A_549, %sub3A_462 : f32
    %select_n3A_551 = arith.select %lt3A_550, %or3A_539, %select_n3A_537 : i32
    %or3A_552 = arith.constant 256 : i32
    %or3A_553 = arith.ori %select_n3A_551, %or3A_552 : i32
    %lt3A_554 = vector.broadcast %or3A_553 : i32 to vector<80x128xi32>
    %lt3A_555 = arith.cmpi slt, %add3A, %lt3A_554 : vector<80x128xi32>
    %and3A_556 = arith.andi %eq3A_463, %lt3A_555 : vector<80x128xi1>
    %convert_element_type3A_557 = arith.extui %and3A_556 : vector<80x128xi1> to vector<80x128xi32>
    %convert_element_type3A_558 = arith.sitofp %convert_element_type3A_557 : vector<80x128xi32> to vector<80x128xf32>
    %reduce_sum3A_559 = vector.shape_cast %convert_element_type3A_558 : vector<80x128xf32> to vector<1x80x128xf32>
    %reduce_sum3A_560 = arith.constant dense<0.000000e+00> : vector<1xf32>
    %reduce_sum3A_561 = vector.multi_reduction <add>, %reduce_sum3A_559, %reduce_sum3A_560 [1, 2] : vector<1x80x128xf32> to vector<1xf32>
    %reduce_sum3A_562 = vector.shape_cast %reduce_sum3A_561 : vector<1xf32> to vector<1x1x1xf32>
    %reduce_sum3A_563 = vector.extract %reduce_sum3A_562[0, 0, 0] : f32 from vector<1x1x1xf32>
    %lt3A_564 = arith.cmpf olt, %reduce_sum3A_563, %sub3A_462 : f32
    %select_n3A_565 = arith.select %lt3A_564, %or3A_553, %select_n3A_551 : i32
    %or3A_566 = arith.constant 128 : i32
    %or3A_567 = arith.ori %select_n3A_565, %or3A_566 : i32
    %lt3A_568 = vector.broadcast %or3A_567 : i32 to vector<80x128xi32>
    %lt3A_569 = arith.cmpi slt, %add3A, %lt3A_568 : vector<80x128xi32>
    %and3A_570 = arith.andi %eq3A_463, %lt3A_569 : vector<80x128xi1>
    %convert_element_type3A_571 = arith.extui %and3A_570 : vector<80x128xi1> to vector<80x128xi32>
    %convert_element_type3A_572 = arith.sitofp %convert_element_type3A_571 : vector<80x128xi32> to vector<80x128xf32>
    %reduce_sum3A_573 = vector.shape_cast %convert_element_type3A_572 : vector<80x128xf32> to vector<1x80x128xf32>
    %reduce_sum3A_574 = arith.constant dense<0.000000e+00> : vector<1xf32>
    %reduce_sum3A_575 = vector.multi_reduction <add>, %reduce_sum3A_573, %reduce_sum3A_574 [1, 2] : vector<1x80x128xf32> to vector<1xf32>
    %reduce_sum3A_576 = vector.shape_cast %reduce_sum3A_575 : vector<1xf32> to vector<1x1x1xf32>
    %reduce_sum3A_577 = vector.extract %reduce_sum3A_576[0, 0, 0] : f32 from vector<1x1x1xf32>
    %lt3A_578 = arith.cmpf olt, %reduce_sum3A_577, %sub3A_462 : f32
    %select_n3A_579 = arith.select %lt3A_578, %or3A_567, %select_n3A_565 : i32
    %or3A_580 = arith.constant 64 : i32
    %or3A_581 = arith.ori %select_n3A_579, %or3A_580 : i32
    %lt3A_582 = vector.broadcast %or3A_581 : i32 to vector<80x128xi32>
    %lt3A_583 = arith.cmpi slt, %add3A, %lt3A_582 : vector<80x128xi32>
    %and3A_584 = arith.andi %eq3A_463, %lt3A_583 : vector<80x128xi1>
    %convert_element_type3A_585 = arith.extui %and3A_584 : vector<80x128xi1> to vector<80x128xi32>
    %convert_element_type3A_586 = arith.sitofp %convert_element_type3A_585 : vector<80x128xi32> to vector<80x128xf32>
    %reduce_sum3A_587 = vector.shape_cast %convert_element_type3A_586 : vector<80x128xf32> to vector<1x80x128xf32>
    %reduce_sum3A_588 = arith.constant dense<0.000000e+00> : vector<1xf32>
    %reduce_sum3A_589 = vector.multi_reduction <add>, %reduce_sum3A_587, %reduce_sum3A_588 [1, 2] : vector<1x80x128xf32> to vector<1xf32>
    %reduce_sum3A_590 = vector.shape_cast %reduce_sum3A_589 : vector<1xf32> to vector<1x1x1xf32>
    %reduce_sum3A_591 = vector.extract %reduce_sum3A_590[0, 0, 0] : f32 from vector<1x1x1xf32>
    %lt3A_592 = arith.cmpf olt, %reduce_sum3A_591, %sub3A_462 : f32
    %select_n3A_593 = arith.select %lt3A_592, %or3A_581, %select_n3A_579 : i32
    %or3A_594 = arith.constant 32 : i32
    %or3A_595 = arith.ori %select_n3A_593, %or3A_594 : i32
    %lt3A_596 = vector.broadcast %or3A_595 : i32 to vector<80x128xi32>
    %lt3A_597 = arith.cmpi slt, %add3A, %lt3A_596 : vector<80x128xi32>
    %and3A_598 = arith.andi %eq3A_463, %lt3A_597 : vector<80x128xi1>
    %convert_element_type3A_599 = arith.extui %and3A_598 : vector<80x128xi1> to vector<80x128xi32>
    %convert_element_type3A_600 = arith.sitofp %convert_element_type3A_599 : vector<80x128xi32> to vector<80x128xf32>
    %reduce_sum3A_601 = vector.shape_cast %convert_element_type3A_600 : vector<80x128xf32> to vector<1x80x128xf32>
    %reduce_sum3A_602 = arith.constant dense<0.000000e+00> : vector<1xf32>
    %reduce_sum3A_603 = vector.multi_reduction <add>, %reduce_sum3A_601, %reduce_sum3A_602 [1, 2] : vector<1x80x128xf32> to vector<1xf32>
    %reduce_sum3A_604 = vector.shape_cast %reduce_sum3A_603 : vector<1xf32> to vector<1x1x1xf32>
    %reduce_sum3A_605 = vector.extract %reduce_sum3A_604[0, 0, 0] : f32 from vector<1x1x1xf32>
    %lt3A_606 = arith.cmpf olt, %reduce_sum3A_605, %sub3A_462 : f32
    %select_n3A_607 = arith.select %lt3A_606, %or3A_595, %select_n3A_593 : i32
    %or3A_608 = arith.constant 16 : i32
    %or3A_609 = arith.ori %select_n3A_607, %or3A_608 : i32
    %lt3A_610 = vector.broadcast %or3A_609 : i32 to vector<80x128xi32>
    %lt3A_611 = arith.cmpi slt, %add3A, %lt3A_610 : vector<80x128xi32>
    %and3A_612 = arith.andi %eq3A_463, %lt3A_611 : vector<80x128xi1>
    %convert_element_type3A_613 = arith.extui %and3A_612 : vector<80x128xi1> to vector<80x128xi32>
    %convert_element_type3A_614 = arith.sitofp %convert_element_type3A_613 : vector<80x128xi32> to vector<80x128xf32>
    %reduce_sum3A_615 = vector.shape_cast %convert_element_type3A_614 : vector<80x128xf32> to vector<1x80x128xf32>
    %reduce_sum3A_616 = arith.constant dense<0.000000e+00> : vector<1xf32>
    %reduce_sum3A_617 = vector.multi_reduction <add>, %reduce_sum3A_615, %reduce_sum3A_616 [1, 2] : vector<1x80x128xf32> to vector<1xf32>
    %reduce_sum3A_618 = vector.shape_cast %reduce_sum3A_617 : vector<1xf32> to vector<1x1x1xf32>
    %reduce_sum3A_619 = vector.extract %reduce_sum3A_618[0, 0, 0] : f32 from vector<1x1x1xf32>
    %lt3A_620 = arith.cmpf olt, %reduce_sum3A_619, %sub3A_462 : f32
    %select_n3A_621 = arith.select %lt3A_620, %or3A_609, %select_n3A_607 : i32
    %or3A_622 = arith.constant 8 : i32
    %or3A_623 = arith.ori %select_n3A_621, %or3A_622 : i32
    %lt3A_624 = vector.broadcast %or3A_623 : i32 to vector<80x128xi32>
    %lt3A_625 = arith.cmpi slt, %add3A, %lt3A_624 : vector<80x128xi32>
    %and3A_626 = arith.andi %eq3A_463, %lt3A_625 : vector<80x128xi1>
    %convert_element_type3A_627 = arith.extui %and3A_626 : vector<80x128xi1> to vector<80x128xi32>
    %convert_element_type3A_628 = arith.sitofp %convert_element_type3A_627 : vector<80x128xi32> to vector<80x128xf32>
    %reduce_sum3A_629 = vector.shape_cast %convert_element_type3A_628 : vector<80x128xf32> to vector<1x80x128xf32>
    %reduce_sum3A_630 = arith.constant dense<0.000000e+00> : vector<1xf32>
    %reduce_sum3A_631 = vector.multi_reduction <add>, %reduce_sum3A_629, %reduce_sum3A_630 [1, 2] : vector<1x80x128xf32> to vector<1xf32>
    %reduce_sum3A_632 = vector.shape_cast %reduce_sum3A_631 : vector<1xf32> to vector<1x1x1xf32>
    %reduce_sum3A_633 = vector.extract %reduce_sum3A_632[0, 0, 0] : f32 from vector<1x1x1xf32>
    %lt3A_634 = arith.cmpf olt, %reduce_sum3A_633, %sub3A_462 : f32
    %select_n3A_635 = arith.select %lt3A_634, %or3A_623, %select_n3A_621 : i32
    %or3A_636 = arith.constant 4 : i32
    %or3A_637 = arith.ori %select_n3A_635, %or3A_636 : i32
    %lt3A_638 = vector.broadcast %or3A_637 : i32 to vector<80x128xi32>
    %lt3A_639 = arith.cmpi slt, %add3A, %lt3A_638 : vector<80x128xi32>
    %and3A_640 = arith.andi %eq3A_463, %lt3A_639 : vector<80x128xi1>
    %convert_element_type3A_641 = arith.extui %and3A_640 : vector<80x128xi1> to vector<80x128xi32>
    %convert_element_type3A_642 = arith.sitofp %convert_element_type3A_641 : vector<80x128xi32> to vector<80x128xf32>
    %reduce_sum3A_643 = vector.shape_cast %convert_element_type3A_642 : vector<80x128xf32> to vector<1x80x128xf32>
    %reduce_sum3A_644 = arith.constant dense<0.000000e+00> : vector<1xf32>
    %reduce_sum3A_645 = vector.multi_reduction <add>, %reduce_sum3A_643, %reduce_sum3A_644 [1, 2] : vector<1x80x128xf32> to vector<1xf32>
    %reduce_sum3A_646 = vector.shape_cast %reduce_sum3A_645 : vector<1xf32> to vector<1x1x1xf32>
    %reduce_sum3A_647 = vector.extract %reduce_sum3A_646[0, 0, 0] : f32 from vector<1x1x1xf32>
    %lt3A_648 = arith.cmpf olt, %reduce_sum3A_647, %sub3A_462 : f32
    %select_n3A_649 = arith.select %lt3A_648, %or3A_637, %select_n3A_635 : i32
    %or3A_650 = arith.constant 2 : i32
    %or3A_651 = arith.ori %select_n3A_649, %or3A_650 : i32
    %lt3A_652 = vector.broadcast %or3A_651 : i32 to vector<80x128xi32>
    %lt3A_653 = arith.cmpi slt, %add3A, %lt3A_652 : vector<80x128xi32>
    %and3A_654 = arith.andi %eq3A_463, %lt3A_653 : vector<80x128xi1>
    %convert_element_type3A_655 = arith.extui %and3A_654 : vector<80x128xi1> to vector<80x128xi32>
    %convert_element_type3A_656 = arith.sitofp %convert_element_type3A_655 : vector<80x128xi32> to vector<80x128xf32>
    %reduce_sum3A_657 = vector.shape_cast %convert_element_type3A_656 : vector<80x128xf32> to vector<1x80x128xf32>
    %reduce_sum3A_658 = arith.constant dense<0.000000e+00> : vector<1xf32>
    %reduce_sum3A_659 = vector.multi_reduction <add>, %reduce_sum3A_657, %reduce_sum3A_658 [1, 2] : vector<1x80x128xf32> to vector<1xf32>
    %reduce_sum3A_660 = vector.shape_cast %reduce_sum3A_659 : vector<1xf32> to vector<1x1x1xf32>
    %reduce_sum3A_661 = vector.extract %reduce_sum3A_660[0, 0, 0] : f32 from vector<1x1x1xf32>
    %lt3A_662 = arith.cmpf olt, %reduce_sum3A_661, %sub3A_462 : f32
    %select_n3A_663 = arith.select %lt3A_662, %or3A_651, %select_n3A_649 : i32
    %or3A_664 = arith.constant 1 : i32
    %or3A_665 = arith.ori %select_n3A_663, %or3A_664 : i32
    %lt3A_666 = vector.broadcast %or3A_665 : i32 to vector<80x128xi32>
    %lt3A_667 = arith.cmpi slt, %add3A, %lt3A_666 : vector<80x128xi32>
    %and3A_668 = arith.andi %eq3A_463, %lt3A_667 : vector<80x128xi1>
    %convert_element_type3A_669 = arith.extui %and3A_668 : vector<80x128xi1> to vector<80x128xi32>
    %convert_element_type3A_670 = arith.sitofp %convert_element_type3A_669 : vector<80x128xi32> to vector<80x128xf32>
    %reduce_sum3A_671 = vector.shape_cast %convert_element_type3A_670 : vector<80x128xf32> to vector<1x80x128xf32>
    %reduce_sum3A_672 = arith.constant dense<0.000000e+00> : vector<1xf32>
    %reduce_sum3A_673 = vector.multi_reduction <add>, %reduce_sum3A_671, %reduce_sum3A_672 [1, 2] : vector<1x80x128xf32> to vector<1xf32>
    %reduce_sum3A_674 = vector.shape_cast %reduce_sum3A_673 : vector<1xf32> to vector<1x1x1xf32>
    %reduce_sum3A_675 = vector.extract %reduce_sum3A_674[0, 0, 0] : f32 from vector<1x1x1xf32>
    %lt3A_676 = arith.cmpf olt, %reduce_sum3A_675, %sub3A_462 : f32
    %select_n3A_677 = arith.select %lt3A_676, %or3A_665, %select_n3A_663 : i32
    %gt3A_678 = vector.broadcast %select_n3A_453 : i32 to vector<80x128xi32>
    %gt3A_679 = arith.cmpi ugt, %select_n3A, %gt3A_678 : vector<80x128xi32>
    %le3A = vector.broadcast %select_n3A_677 : i32 to vector<80x128xi32>
    %le3A_680 = arith.cmpi sle, %add3A, %le3A : vector<80x128xi32>
    %and3A_681 = arith.andi %eq3A_463, %le3A_680 : vector<80x128xi1>
    %gt3A_682 = arith.constant 0.000000e+00 : f32
    %gt3A_683 = arith.cmpf ogt, %sub3A_462, %gt3A_682 : f32
    %and3A_684 = vector.broadcast %gt3A_683 : i1 to vector<80x128xi1>
    %and3A_685 = arith.andi %and3A_681, %and3A_684 : vector<80x128xi1>
    %or3A_686 = arith.ori %gt3A_679, %and3A_685 : vector<80x128xi1>
    %convert_element_type3A_687 = arith.extui %or3A_686 : vector<80x128xi1> to vector<80x128xi32>
    %convert_element_type3A_688 = arith.sitofp %convert_element_type3A_687 : vector<80x128xi32> to vector<80x128xf32>
    %swap3A = arith.constant 0 : index
    %swap3A_689 = arith.constant 0 : index
    %swap3A_690 = vector.load %arg1[%swap3A, %swap3A_689] : memref<80x128xf32, #tpu.memory_space<vmem>>, vector<80x128xf32>
    tpu.vector_store %arg1[%swap3A, %swap3A_689], %convert_element_type3A_688 {strides = array<i32>} : memref<80x128xf32, #tpu.memory_space<vmem>>, vector<80x128xf32>,
    return
  }
}

module attributes {stable_mosaic.version = 14 : i64} {
  func.func @fn(%arg0: memref<10112x64xf32, #tpu.memory_space<vmem>>, %arg1: memref<10112x1xf32, #tpu.memory_space<vmem>>, %arg2: memref<10112x1xf32, #tpu.memory_space<vmem>>, %arg3: memref<64x64xf32, #tpu.memory_space<vmem>>, %arg4: memref<10112x64xf32, #tpu.memory_space<vmem>>, %arg5: memref<10112x8xf32, #tpu.memory_space<vmem>>) attributes {dimension_semantics = [], scalar_prefetch = 0 : i64, scratch_operands = 0 : i64, tpu.core_type = #tpu.core_type<tc>} {
    %get3A = arith.constant 0 : index
    %get3A_0 = arith.constant 0 : index
    %get3A_1 = vector.load %arg0[%get3A, %get3A_0] : memref<10112x64xf32, #tpu.memory_space<vmem>>, vector<10112x64xf32>
    %get3A_2 = arith.constant 0 : index
    %get3A_3 = arith.constant 0 : index
    %get3A_4 = vector.load %arg1[%get3A_2, %get3A_3] : memref<10112x1xf32, #tpu.memory_space<vmem>>, vector<10112x1xf32>
    %get3A_5 = arith.constant 0 : index
    %get3A_6 = arith.constant 0 : index
    %get3A_7 = vector.load %arg2[%get3A_5, %get3A_6] : memref<10112x1xf32, #tpu.memory_space<vmem>>, vector<10112x1xf32>
    %mul3A = arith.mulf %get3A_4, %get3A_7 : vector<10112x1xf32>
    %mul3A_8 = vector.broadcast %mul3A : vector<10112x1xf32> to vector<10112x64xf32>
    %mul3A_9 = arith.mulf %get3A_1, %mul3A_8 : vector<10112x64xf32>
    %get3A_10 = arith.constant 0 : index
    %get3A_11 = arith.constant 0 : index
    %get3A_12 = vector.load %arg3[%get3A_10, %get3A_11] : memref<64x64xf32, #tpu.memory_space<vmem>>, vector<64x64xf32>
    %dot_general3A = arith.constant dense<0.000000e+00> : vector<10112x64xf32>
    %dot_general3A_13 = tpu.matmul %mul3A_9, %get3A_12, %dot_general3A {dimension_numbers = #tpu.dot_dimension_numbers<[1], [0], [0], [1], [0, 0, 1, 1], [], []>, transpose_lhs_hint = false} : vector<10112x64xf32>, vector<64x64xf32>, vector<10112x64xf32> -> vector<10112x64xf32>
    %swap3A = arith.constant 0 : index
    %swap3A_14 = arith.constant 0 : index
    %swap3A_15 = vector.load %arg4[%swap3A, %swap3A_14] : memref<10112x64xf32, #tpu.memory_space<vmem>>, vector<10112x64xf32>
    tpu.vector_store %arg4[%swap3A, %swap3A_14], %dot_general3A_13 {strides = array<i32>} : memref<10112x64xf32, #tpu.memory_space<vmem>>, vector<10112x64xf32>,
    %get3A_16 = arith.constant 0 : index
    %get3A_17 = arith.constant 0 : index
    %get3A_18 = vector.load %arg2[%get3A_16, %get3A_17] : memref<10112x1xf32, #tpu.memory_space<vmem>>, vector<10112x1xf32>
    %broadcast_in_dim3A = arith.constant 0.000000e+00 : f32
    %broadcast_in_dim3A_19 = vector.broadcast %broadcast_in_dim3A : f32 to vector<10112x7xf32>
    %concatenate3A = tpu.concatenate %get3A_18, %broadcast_in_dim3A_19 in 1 : vector<10112x1xf32>, vector<10112x7xf32> -> vector<10112x8xf32>
    %swap3A_20 = arith.constant 0 : index
    %swap3A_21 = arith.constant 0 : index
    %swap3A_22 = vector.load %arg5[%swap3A_20, %swap3A_21] : memref<10112x8xf32, #tpu.memory_space<vmem>>, vector<10112x8xf32>
    tpu.vector_store %arg5[%swap3A_20, %swap3A_21], %concatenate3A {strides = array<i32>} : memref<10112x8xf32, #tpu.memory_space<vmem>>, vector<10112x8xf32>,
    return
  }
}

module attributes {stable_mosaic.version = 14 : i64} {
  func.func @fn(%arg0: memref<10112x1xf32, #tpu.memory_space<vmem>>, %arg1: memref<2x10112x8xf32, #tpu.memory_space<vmem>>, %arg2: memref<10112x8xf32, #tpu.memory_space<vmem>>) attributes {dimension_semantics = [], scalar_prefetch = 0 : i64, scratch_operands = 0 : i64, tpu.core_type = #tpu.core_type<tc>} {
    %get3A = arith.constant 0 : index
    %get3A_0 = arith.constant 0 : index
    %get3A_1 = vector.load %arg0[%get3A, %get3A_0] : memref<10112x1xf32, #tpu.memory_space<vmem>>, vector<10112x1xf32>
    %get3A_2 = arith.constant 0 : index
    %get3A_3 = arith.constant 0 : index
    %get3A_4 = arith.constant 0 : index
    %get3A_5 = vector.load %arg1[%get3A_2, %get3A_3, %get3A_4] : memref<2x10112x8xf32, #tpu.memory_space<vmem>>, vector<1x10112x1xf32>
    %get3A_6 = vector.shape_cast %get3A_5 : vector<1x10112x1xf32> to vector<10112x1xf32>
    %add3A = arith.addf %get3A_1, %get3A_6 : vector<10112x1xf32>
    %get3A_7 = arith.constant 1 : index
    %get3A_8 = arith.constant 0 : index
    %get3A_9 = arith.constant 0 : index
    %get3A_10 = vector.load %arg1[%get3A_7, %get3A_8, %get3A_9] : memref<2x10112x8xf32, #tpu.memory_space<vmem>>, vector<1x10112x1xf32>
    %get3A_11 = vector.shape_cast %get3A_10 : vector<1x10112x1xf32> to vector<10112x1xf32>
    %add3A_12 = arith.addf %add3A, %get3A_11 : vector<10112x1xf32>
    %iota3A = tpu.iota {dimensions = array<i32: 0>} : vector<10112x1xi32>
    %lt3A = arith.constant 10000 : i32
    %lt3A_13 = vector.broadcast %lt3A : i32 to vector<10112x1xi32>
    %lt3A_14 = arith.cmpi slt, %iota3A, %lt3A_13 : vector<10112x1xi32>
    %jit3A = arith.constant 0.000000e+00 : f32
    %broadcast_in_dim3A = vector.broadcast %jit3A : f32 to vector<10112x1xf32>
    %select_n3A = arith.select %lt3A_14, %add3A_12, %broadcast_in_dim3A : vector<10112x1xi1>, vector<10112x1xf32>
    %broadcast_in_dim3A_15 = arith.constant 0.000000e+00 : f32
    %broadcast_in_dim3A_16 = vector.broadcast %broadcast_in_dim3A_15 : f32 to vector<10112x7xf32>
    %concatenate3A = tpu.concatenate %select_n3A, %broadcast_in_dim3A_16 in 1 : vector<10112x1xf32>, vector<10112x7xf32> -> vector<10112x8xf32>
    %swap3A = arith.constant 0 : index
    %swap3A_17 = arith.constant 0 : index
    %swap3A_18 = vector.load %arg2[%swap3A, %swap3A_17] : memref<10112x8xf32, #tpu.memory_space<vmem>>, vector<10112x8xf32>
    tpu.vector_store %arg2[%swap3A, %swap3A_17], %concatenate3A {strides = array<i32>} : memref<10112x8xf32, #tpu.memory_space<vmem>>, vector<10112x8xf32>,
    return
  }
}

module attributes {stable_mosaic.version = 14 : i64} {
  func.func @fn(%arg0: memref<10112x8xf32, #tpu.memory_space<vmem>>, %arg1: memref<2x10112x8xf32, #tpu.memory_space<vmem>>, %arg2: memref<10112x8xf32, #tpu.memory_space<vmem>>, %arg3: memref<10112x1xf32, #tpu.memory_space<vmem>>, %arg4: memref<10112x64xf32, #tpu.memory_space<vmem>>, %arg5: memref<10112x64xf32, #tpu.memory_space<vmem>>, %arg6: memref<10112x8xf32, #tpu.memory_space<vmem>>) attributes {dimension_semantics = [], scalar_prefetch = 0 : i64, scratch_operands = 0 : i64, tpu.core_type = #tpu.core_type<tc>} {
    %get3A = arith.constant 0 : index
    %get3A_0 = arith.constant 0 : index
    %get3A_1 = vector.load %arg0[%get3A, %get3A_0] : memref<10112x8xf32, #tpu.memory_space<vmem>>, vector<10112x1xf32>
    %get3A_2 = arith.constant 0 : index
    %get3A_3 = arith.constant 0 : index
    %get3A_4 = arith.constant 0 : index
    %get3A_5 = vector.load %arg1[%get3A_2, %get3A_3, %get3A_4] : memref<2x10112x8xf32, #tpu.memory_space<vmem>>, vector<1x10112x1xf32>
    %get3A_6 = vector.shape_cast %get3A_5 : vector<1x10112x1xf32> to vector<10112x1xf32>
    %add3A = arith.addf %get3A_1, %get3A_6 : vector<10112x1xf32>
    %get3A_7 = arith.constant 1 : index
    %get3A_8 = arith.constant 0 : index
    %get3A_9 = arith.constant 0 : index
    %get3A_10 = vector.load %arg1[%get3A_7, %get3A_8, %get3A_9] : memref<2x10112x8xf32, #tpu.memory_space<vmem>>, vector<1x10112x1xf32>
    %get3A_11 = vector.shape_cast %get3A_10 : vector<1x10112x1xf32> to vector<10112x1xf32>
    %add3A_12 = arith.addf %add3A, %get3A_11 : vector<10112x1xf32>
    %get3A_13 = arith.constant 0 : index
    %get3A_14 = arith.constant 0 : index
    %get3A_15 = vector.load %arg3[%get3A_13, %get3A_14] : memref<10112x1xf32, #tpu.memory_space<vmem>>, vector<10112x1xf32>
    %get3A_16 = arith.constant 0 : index
    %get3A_17 = arith.constant 1 : index
    %get3A_18 = vector.load %arg2[%get3A_16, %get3A_17] : memref<10112x8xf32, #tpu.memory_space<vmem>>, vector<10112x1xf32>
    %add3A_19 = arith.constant 1.000000e+00 : f32
    %add3A_20 = vector.broadcast %add3A_19 : f32 to vector<10112x1xf32>
    %add3A_21 = arith.addf %add3A_20, %get3A_18 : vector<10112x1xf32>
    %mul3A = arith.mulf %add3A_21, %get3A_15 : vector<10112x1xf32>
    %sub3A = arith.subf %add3A_12, %mul3A : vector<10112x1xf32>
    %add3A_22 = arith.constant 2.000000e+00 : f32
    %add3A_23 = vector.broadcast %add3A_22 : f32 to vector<10112x1xf32>
    %add3A_24 = arith.addf %sub3A, %add3A_23 : vector<10112x1xf32>
    %rsqrt3A = math.rsqrt %add3A_24 : vector<10112x1xf32>
    %mul3A_25 = arith.mulf %get3A_15, %rsqrt3A : vector<10112x1xf32>
    %get3A_26 = arith.constant 0 : index
    %get3A_27 = arith.constant 0 : index
    %get3A_28 = vector.load %arg4[%get3A_26, %get3A_27] : memref<10112x64xf32, #tpu.memory_space<vmem>>, vector<10112x64xf32>
    %mul3A_29 = vector.broadcast %mul3A_25 : vector<10112x1xf32> to vector<10112x64xf32>
    %mul3A_30 = arith.mulf %mul3A_29, %get3A_28 : vector<10112x64xf32>
    %swap3A = arith.constant 0 : index
    %swap3A_31 = arith.constant 0 : index
    %swap3A_32 = vector.load %arg5[%swap3A, %swap3A_31] : memref<10112x64xf32, #tpu.memory_space<vmem>>, vector<10112x64xf32>
    tpu.vector_store %arg5[%swap3A, %swap3A_31], %mul3A_30 {strides = array<i32>} : memref<10112x64xf32, #tpu.memory_space<vmem>>, vector<10112x64xf32>,
    %broadcast_in_dim3A = arith.constant 0.000000e+00 : f32
    %broadcast_in_dim3A_33 = vector.broadcast %broadcast_in_dim3A : f32 to vector<10112x6xf32>
    %concatenate3A = tpu.concatenate %rsqrt3A, %get3A_15, %broadcast_in_dim3A_33 in 1 : vector<10112x1xf32>, vector<10112x1xf32>, vector<10112x6xf32> -> vector<10112x8xf32>
    %swap3A_34 = arith.constant 0 : index
    %swap3A_35 = arith.constant 0 : index
    %swap3A_36 = vector.load %arg6[%swap3A_34, %swap3A_35] : memref<10112x8xf32, #tpu.memory_space<vmem>>, vector<10112x8xf32>
    tpu.vector_store %arg6[%swap3A_34, %swap3A_35], %concatenate3A {strides = array<i32>} : memref<10112x8xf32, #tpu.memory_space<vmem>>, vector<10112x8xf32>,
    return
  }
}

module attributes {stable_mosaic.version = 14 : i64} {
  func.func @fn(%arg0: memref<10112x64xf32, #tpu.memory_space<vmem>>, %arg1: memref<2x10112x64xf32, #tpu.memory_space<vmem>>, %arg2: memref<10112x64xf32, #tpu.memory_space<vmem>>) attributes {dimension_semantics = [], scalar_prefetch = 0 : i64, scratch_operands = 0 : i64, tpu.core_type = #tpu.core_type<tc>} {
    %get3A = arith.constant 0 : index
    %get3A_0 = arith.constant 0 : index
    %get3A_1 = vector.load %arg0[%get3A, %get3A_0] : memref<10112x64xf32, #tpu.memory_space<vmem>>, vector<10112x64xf32>
    %get3A_2 = arith.constant 0 : index
    %get3A_3 = arith.constant 0 : index
    %get3A_4 = arith.constant 0 : index
    %get3A_5 = vector.load %arg1[%get3A_2, %get3A_3, %get3A_4] : memref<2x10112x64xf32, #tpu.memory_space<vmem>>, vector<1x10112x64xf32>
    %get3A_6 = vector.shape_cast %get3A_5 : vector<1x10112x64xf32> to vector<10112x64xf32>
    %add3A = arith.addf %get3A_1, %get3A_6 : vector<10112x64xf32>
    %get3A_7 = arith.constant 1 : index
    %get3A_8 = arith.constant 0 : index
    %get3A_9 = arith.constant 0 : index
    %get3A_10 = vector.load %arg1[%get3A_7, %get3A_8, %get3A_9] : memref<2x10112x64xf32, #tpu.memory_space<vmem>>, vector<1x10112x64xf32>
    %get3A_11 = vector.shape_cast %get3A_10 : vector<1x10112x64xf32> to vector<10112x64xf32>
    %add3A_12 = arith.addf %add3A, %get3A_11 : vector<10112x64xf32>
    %iota3A = tpu.iota {dimensions = array<i32: 0>} : vector<10112x64xi32>
    %lt3A = arith.constant 10000 : i32
    %lt3A_13 = vector.broadcast %lt3A : i32 to vector<10112x64xi32>
    %lt3A_14 = arith.cmpi slt, %iota3A, %lt3A_13 : vector<10112x64xi32>
    %jit3A = arith.constant 0.000000e+00 : f32
    %broadcast_in_dim3A = vector.broadcast %jit3A : f32 to vector<10112x64xf32>
    %select_n3A = arith.select %lt3A_14, %add3A_12, %broadcast_in_dim3A : vector<10112x64xi1>, vector<10112x64xf32>
    %swap3A = arith.constant 0 : index
    %swap3A_15 = arith.constant 0 : index
    %swap3A_16 = vector.load %arg2[%swap3A, %swap3A_15] : memref<10112x64xf32, #tpu.memory_space<vmem>>, vector<10112x64xf32>
    tpu.vector_store %arg2[%swap3A, %swap3A_15], %select_n3A {strides = array<i32>} : memref<10112x64xf32, #tpu.memory_space<vmem>>, vector<10112x64xf32>,
    return
  }
}

module attributes {stable_mosaic.version = 14 : i64} {
  func.func @fn(%arg0: memref<10112x64xf32, #tpu.memory_space<vmem>>, %arg1: memref<2x10112x64xf32, #tpu.memory_space<vmem>>, %arg2: memref<10112x64xf32, #tpu.memory_space<vmem>>, %arg3: memref<10112x8xf32, #tpu.memory_space<vmem>>, %arg4: memref<10112x64xf32, #tpu.memory_space<vmem>>) attributes {dimension_semantics = [], scalar_prefetch = 0 : i64, scratch_operands = 0 : i64, tpu.core_type = #tpu.core_type<tc>} {
    %get3A = arith.constant 0 : index
    %get3A_0 = arith.constant 0 : index
    %get3A_1 = vector.load %arg0[%get3A, %get3A_0] : memref<10112x64xf32, #tpu.memory_space<vmem>>, vector<10112x64xf32>
    %get3A_2 = arith.constant 0 : index
    %get3A_3 = arith.constant 0 : index
    %get3A_4 = arith.constant 0 : index
    %get3A_5 = vector.load %arg1[%get3A_2, %get3A_3, %get3A_4] : memref<2x10112x64xf32, #tpu.memory_space<vmem>>, vector<1x10112x64xf32>
    %get3A_6 = vector.shape_cast %get3A_5 : vector<1x10112x64xf32> to vector<10112x64xf32>
    %add3A = arith.addf %get3A_1, %get3A_6 : vector<10112x64xf32>
    %get3A_7 = arith.constant 1 : index
    %get3A_8 = arith.constant 0 : index
    %get3A_9 = arith.constant 0 : index
    %get3A_10 = vector.load %arg1[%get3A_7, %get3A_8, %get3A_9] : memref<2x10112x64xf32, #tpu.memory_space<vmem>>, vector<1x10112x64xf32>
    %get3A_11 = vector.shape_cast %get3A_10 : vector<1x10112x64xf32> to vector<10112x64xf32>
    %add3A_12 = arith.addf %add3A, %get3A_11 : vector<10112x64xf32>
    %get3A_13 = arith.constant 0 : index
    %get3A_14 = arith.constant 1 : index
    %get3A_15 = vector.load %arg3[%get3A_13, %get3A_14] : memref<10112x8xf32, #tpu.memory_space<vmem>>, vector<10112x1xf32>
    %add3A_16 = arith.constant 1.000000e+00 : f32
    %add3A_17 = vector.broadcast %add3A_16 : f32 to vector<10112x1xf32>
    %add3A_18 = arith.addf %add3A_17, %get3A_15 : vector<10112x1xf32>
    %get3A_19 = arith.constant 0 : index
    %get3A_20 = arith.constant 0 : index
    %get3A_21 = vector.load %arg2[%get3A_19, %get3A_20] : memref<10112x64xf32, #tpu.memory_space<vmem>>, vector<10112x64xf32>
    %mul3A = vector.broadcast %add3A_18 : vector<10112x1xf32> to vector<10112x64xf32>
    %mul3A_22 = arith.mulf %mul3A, %get3A_21 : vector<10112x64xf32>
    %sub3A = arith.subf %add3A_12, %mul3A_22 : vector<10112x64xf32>
    %swap3A = arith.constant 0 : index
    %swap3A_23 = arith.constant 0 : index
    %swap3A_24 = vector.load %arg4[%swap3A, %swap3A_23] : memref<10112x64xf32, #tpu.memory_space<vmem>>, vector<10112x64xf32>
    tpu.vector_store %arg4[%swap3A, %swap3A_23], %sub3A {strides = array<i32>} : memref<10112x64xf32, #tpu.memory_space<vmem>>, vector<10112x64xf32>,
    return
  }
}

module attributes {stable_mosaic.version = 14 : i64} {
  func.func @fn(%arg0: memref<10112x64xf32, #tpu.memory_space<vmem>>, %arg1: memref<10112x8xf32, #tpu.memory_space<vmem>>, %arg2: memref<10112x64xf32, #tpu.memory_space<vmem>>, %arg3: memref<10112x64xf32, #tpu.memory_space<vmem>>, %arg4: memref<1x64xf32, #tpu.memory_space<vmem>>, %arg5: memref<10112x64xf32, #tpu.memory_space<vmem>>) attributes {dimension_semantics = [], scalar_prefetch = 0 : i64, scratch_operands = 0 : i64, tpu.core_type = #tpu.core_type<tc>} {
    %get3A = arith.constant 0 : index
    %get3A_0 = arith.constant 0 : index
    %get3A_1 = vector.load %arg1[%get3A, %get3A_0] : memref<10112x8xf32, #tpu.memory_space<vmem>>, vector<10112x1xf32>
    %get3A_2 = arith.constant 0 : index
    %get3A_3 = arith.constant 1 : index
    %get3A_4 = vector.load %arg1[%get3A_2, %get3A_3] : memref<10112x8xf32, #tpu.memory_space<vmem>>, vector<10112x1xf32>
    %get3A_5 = arith.constant 0 : index
    %get3A_6 = arith.constant 0 : index
    %get3A_7 = vector.load %arg2[%get3A_5, %get3A_6] : memref<10112x64xf32, #tpu.memory_space<vmem>>, vector<10112x64xf32>
    %get3A_8 = arith.constant 0 : index
    %get3A_9 = arith.constant 0 : index
    %get3A_10 = vector.load %arg0[%get3A_8, %get3A_9] : memref<10112x64xf32, #tpu.memory_space<vmem>>, vector<10112x64xf32>
    %mul3A = vector.broadcast %get3A_1 : vector<10112x1xf32> to vector<10112x64xf32>
    %mul3A_11 = arith.mulf %mul3A, %get3A_10 : vector<10112x64xf32>
    %mul3A_12 = arith.constant 2.000000e+00 : f32
    %mul3A_13 = vector.broadcast %mul3A_12 : f32 to vector<10112x1xf32>
    %mul3A_14 = arith.mulf %mul3A_13, %get3A_1 : vector<10112x1xf32>
    %mul3A_15 = arith.mulf %mul3A_14, %get3A_1 : vector<10112x1xf32>
    %mul3A_16 = vector.broadcast %mul3A_15 : vector<10112x1xf32> to vector<10112x64xf32>
    %mul3A_17 = arith.mulf %mul3A_16, %get3A_7 : vector<10112x64xf32>
    %add3A = arith.addf %mul3A_11, %mul3A_17 : vector<10112x64xf32>
    %get3A_18 = arith.constant 0 : index
    %get3A_19 = arith.constant 0 : index
    %get3A_20 = vector.load %arg4[%get3A_18, %get3A_19] : memref<1x64xf32, #tpu.memory_space<vmem>>, vector<1x64xf32>
    %add3A_21 = vector.broadcast %get3A_20 : vector<1x64xf32> to vector<10112x64xf32>
    %add3A_22 = arith.addf %add3A, %add3A_21 : vector<10112x64xf32>
    %max3A = arith.constant 0.000000e+00 : f32
    %max3A_23 = vector.broadcast %max3A : f32 to vector<10112x64xf32>
    %max3A_24 = arith.maximumf %add3A_22, %max3A_23 : vector<10112x64xf32>
    %get3A_25 = arith.constant 0 : index
    %get3A_26 = arith.constant 0 : index
    %get3A_27 = vector.load %arg3[%get3A_25, %get3A_26] : memref<10112x64xf32, #tpu.memory_space<vmem>>, vector<10112x64xf32>
    %mul3A_28 = vector.broadcast %get3A_4 : vector<10112x1xf32> to vector<10112x64xf32>
    %mul3A_29 = arith.mulf %mul3A_28, %max3A_24 : vector<10112x64xf32>
    %add3A_30 = arith.addf %get3A_27, %mul3A_29 : vector<10112x64xf32>
    %swap3A = arith.constant 0 : index
    %swap3A_31 = arith.constant 0 : index
    %swap3A_32 = vector.load %arg5[%swap3A, %swap3A_31] : memref<10112x64xf32, #tpu.memory_space<vmem>>, vector<10112x64xf32>
    tpu.vector_store %arg5[%swap3A, %swap3A_31], %add3A_30 {strides = array<i32>} : memref<10112x64xf32, #tpu.memory_space<vmem>>, vector<10112x64xf32>,
    return
  }
}

module attributes {stable_mosaic.version = 14 : i64} {
  func.func @fn(%arg0: memref<10112x64xf32, #tpu.memory_space<vmem>>, %arg1: memref<64x16xf32, #tpu.memory_space<vmem>>, %arg2: memref<10112x8xf32, #tpu.memory_space<vmem>>, %arg3: memref<10112x16xf32, #tpu.memory_space<vmem>>, %arg4: memref<10112x16xf32, #tpu.memory_space<vmem>>) attributes {dimension_semantics = [], scalar_prefetch = 0 : i64, scratch_operands = 0 : i64, tpu.core_type = #tpu.core_type<tc>} {
    %get3A = arith.constant 0 : index
    %get3A_0 = arith.constant 0 : index
    %get3A_1 = vector.load %arg0[%get3A, %get3A_0] : memref<10112x64xf32, #tpu.memory_space<vmem>>, vector<10112x64xf32>
    %get3A_2 = arith.constant 0 : index
    %get3A_3 = arith.constant 0 : index
    %get3A_4 = vector.load %arg1[%get3A_2, %get3A_3] : memref<64x16xf32, #tpu.memory_space<vmem>>, vector<64x16xf32>
    %dot_general3A = arith.constant dense<0.000000e+00> : vector<10112x16xf32>
    %dot_general3A_5 = tpu.matmul %get3A_1, %get3A_4, %dot_general3A {dimension_numbers = #tpu.dot_dimension_numbers<[1], [0], [0], [1], [0, 0, 1, 1], [], []>, transpose_lhs_hint = false} : vector<10112x64xf32>, vector<64x16xf32>, vector<10112x16xf32> -> vector<10112x16xf32>
    %swap3A = arith.constant 0 : index
    %swap3A_6 = arith.constant 0 : index
    %swap3A_7 = vector.load %arg3[%swap3A, %swap3A_6] : memref<10112x16xf32, #tpu.memory_space<vmem>>, vector<10112x16xf32>
    tpu.vector_store %arg3[%swap3A, %swap3A_6], %dot_general3A_5 {strides = array<i32>} : memref<10112x16xf32, #tpu.memory_space<vmem>>, vector<10112x16xf32>,
    %get3A_8 = arith.constant 0 : index
    %get3A_9 = arith.constant 0 : index
    %get3A_10 = vector.load %arg2[%get3A_8, %get3A_9] : memref<10112x8xf32, #tpu.memory_space<vmem>>, vector<10112x1xf32>
    %mul3A = vector.broadcast %get3A_10 : vector<10112x1xf32> to vector<10112x16xf32>
    %mul3A_11 = arith.mulf %dot_general3A_5, %mul3A : vector<10112x16xf32>
    %swap3A_12 = arith.constant 0 : index
    %swap3A_13 = arith.constant 0 : index
    %swap3A_14 = vector.load %arg4[%swap3A_12, %swap3A_13] : memref<10112x16xf32, #tpu.memory_space<vmem>>, vector<10112x16xf32>
    tpu.vector_store %arg4[%swap3A_12, %swap3A_13], %mul3A_11 {strides = array<i32>} : memref<10112x16xf32, #tpu.memory_space<vmem>>, vector<10112x16xf32>,
    return
  }
}

module attributes {stable_mosaic.version = 14 : i64} {
  func.func @fn(%arg0: memref<2x10112x16xf32, #tpu.memory_space<vmem>>, %arg1: memref<10112x16xf32, #tpu.memory_space<vmem>>, %arg2: memref<10112x8xf32, #tpu.memory_space<vmem>>, %arg3: memref<1x16xf32, #tpu.memory_space<vmem>>, %arg4: memref<10112x16xf32, #tpu.memory_space<vmem>>) attributes {dimension_semantics = [], scalar_prefetch = 0 : i64, scratch_operands = 0 : i64, tpu.core_type = #tpu.core_type<tc>} {
    %get3A = arith.constant 0 : index
    %get3A_0 = arith.constant 0 : index
    %get3A_1 = arith.constant 0 : index
    %get3A_2 = vector.load %arg0[%get3A, %get3A_0, %get3A_1] : memref<2x10112x16xf32, #tpu.memory_space<vmem>>, vector<1x10112x16xf32>
    %get3A_3 = vector.shape_cast %get3A_2 : vector<1x10112x16xf32> to vector<10112x16xf32>
    %get3A_4 = arith.constant 1 : index
    %get3A_5 = arith.constant 0 : index
    %get3A_6 = arith.constant 0 : index
    %get3A_7 = vector.load %arg0[%get3A_4, %get3A_5, %get3A_6] : memref<2x10112x16xf32, #tpu.memory_space<vmem>>, vector<1x10112x16xf32>
    %get3A_8 = vector.shape_cast %get3A_7 : vector<1x10112x16xf32> to vector<10112x16xf32>
    %add3A = arith.addf %get3A_3, %get3A_8 : vector<10112x16xf32>
    %get3A_9 = arith.constant 0 : index
    %get3A_10 = arith.constant 0 : index
    %get3A_11 = vector.load %arg2[%get3A_9, %get3A_10] : memref<10112x8xf32, #tpu.memory_space<vmem>>, vector<10112x1xf32>
    %mul3A = vector.broadcast %get3A_11 : vector<10112x1xf32> to vector<10112x16xf32>
    %mul3A_12 = arith.mulf %mul3A, %add3A : vector<10112x16xf32>
    %mul3A_13 = arith.constant 2.000000e+00 : f32
    %mul3A_14 = vector.broadcast %mul3A_13 : f32 to vector<10112x1xf32>
    %mul3A_15 = arith.mulf %mul3A_14, %get3A_11 : vector<10112x1xf32>
    %mul3A_16 = arith.mulf %mul3A_15, %get3A_11 : vector<10112x1xf32>
    %get3A_17 = arith.constant 0 : index
    %get3A_18 = arith.constant 0 : index
    %get3A_19 = vector.load %arg1[%get3A_17, %get3A_18] : memref<10112x16xf32, #tpu.memory_space<vmem>>, vector<10112x16xf32>
    %mul3A_20 = vector.broadcast %mul3A_16 : vector<10112x1xf32> to vector<10112x16xf32>
    %mul3A_21 = arith.mulf %mul3A_20, %get3A_19 : vector<10112x16xf32>
    %add3A_22 = arith.addf %mul3A_12, %mul3A_21 : vector<10112x16xf32>
    %get3A_23 = arith.constant 0 : index
    %get3A_24 = arith.constant 0 : index
    %get3A_25 = vector.load %arg3[%get3A_23, %get3A_24] : memref<1x16xf32, #tpu.memory_space<vmem>>, vector<1x16xf32>
    %add3A_26 = vector.broadcast %get3A_25 : vector<1x16xf32> to vector<10112x16xf32>
    %add3A_27 = arith.addf %add3A_22, %add3A_26 : vector<10112x16xf32>
    %swap3A = arith.constant 0 : index
    %swap3A_28 = arith.constant 0 : index
    %swap3A_29 = vector.load %arg4[%swap3A, %swap3A_28] : memref<10112x16xf32, #tpu.memory_space<vmem>>, vector<10112x16xf32>
    tpu.vector_store %arg4[%swap3A, %swap3A_28], %add3A_27 {strides = array<i32>} : memref<10112x16xf32, #tpu.memory_space<vmem>>, vector<10112x16xf32>,
    return
  }
}

</mosaic_0001>

<sc_bundles>
// kernel: gather_offload_async_start.1
scs
__scs_entry_jumppad:
0x0: {  	(pc) =	sbr.rel $0x88, $3  }
0x1: {  	(tag) =	ssettag $0x0;
	lr =	simm.s32 $0x1  }
0x2: {  	[smem:$0x3F98] =	sst lr;
	_ =	strace $0xD0000000  }
0x3: {  	_ = 	snop  }
0x4: {  	_ = 	snop  }
0x5: {  	_ = 	snop  }
0x6: {  	_ = 	snop  }
0x7: {  	_ = 	snop  }
__scs_overlays_trampoline_lowered:
0x8: {  	[smem:$0x3FA7] =	sst s0  }
0x9: {  	[smem:$0x3FA8] =	sst s1  }
0xa: {  	[smem:$0x3FA9] =	sst s2  }
0xb: {  	[smem:$0x3FAA] =	sst s3  }
0xc: {  	[smem:$0x3FAB] =	sst s4  }
0xd: {  	[smem:$0x3FAC] =	sst s5  }
0xe: {  	[smem:$0x3FAD] =	sst s6  }
0xf: {  	[smem:$0x3FAE] =	sst s7  }
0x10: {  	[smem:$0x3FAF] =	sst s8  }
0x11: {  	[smem:$0x3FB0] =	sst s9;
	s0 =	simm.s32 @!p0 $0x0  }
0x12: {  	s1 =	sld [smem:$0x3F96];
	s0 =	simm.s32 @p0 $0x1  }
0x13: {  	[smem:$0x3FB1] =	sst s0;
	s0 =	simm.s32 @!p1 $0x0  }
0x14: {  	s2 =	sld [smem:$0x3F95];
	s0 =	simm.s32 @p1 $0x1  }
0x15: {  	[smem:$0x3FB2] =	sst s0;
	s0 =	simm.s32 @!p2 $0x0  }
0x16: {  	s3 =	sld [smem:$0x3FDB];
	s0 =	simm.s32 @p2 $0x1  }
0x17: {  	s4 =	simm.s32 $0x1BF5;
	[smem:$0x3FB4] =	sst s0  }
0x18: {  	s0 =	sld [smem:$0x3F97];
	_ =	swait.ge [sflag:s4], $0x0  }
0x19: {  	s7 =	sld [smem:$0x3F98]  }
0x1a: {  	s8 =	sadd.s32 $0xFFFFE003, lr  }
0x1b: {  	s9 =	sadd.s32 $0xFFFFFEF7, lr;
	s5 =	simm.s32 $0xFFFFFFFF;
	p2 =	slt.u32 s8, $0xFFFFF086  }
0x1c: {  	p1 =	slt.u32 s9, $0xF7A;
	s5 =	simm.s32 @!p2 $0x0  }
0x1d: {  	s5 =	simm.s32 @p1 $0x1;
	p0 =	seq.s32 s7, s2  }
0x1e: {  	s7 =	smul.u32 @!p0 $0xF7A, s2;
	p2 =	seq.s32 @!p0 s5, $0x0  }
0x1f: {  	s9 =	smul.u32 $0xF7A, s1;
	s8 =	simm.s32 @!p0 $0x1BF5;
	p2 =	por !p2, p0  }
0x20: {  	[sflag:s8] =	ssyncset.s32 @!p0 $0xFFFFF086;
	s6 =	sadd.s32 @!p0 s3, s7;
	s7 =	simm.s32 @!p0 $0x108  }
0x21: {  	s3 =	sadd.s32 s3, s9;
	s6 =	sadd.s32 @!p0 $0x88, s6;
	s7 =	simm.s32 @p2 $0x1082  }
0x22: {  	[simem:s7], [sflag:s8] =	dma.local @!p0 [hbm:s6], $0xF7A  }
0x23: {  	s9 =	sor.u32 $0xD0000000, s2;
	s6 =	simm.s32 $0x108;
	_ =	swait.ge @!p0 [sflag:s8], $0x0  }
0x24: {  	s3 =	sadd.s32 $0x88, s3;
	s6 =	simm.s32 @!p1 $0x1082;
	[sflag:s4] =	ssyncset.s32 $0xFFFFF086  }
0x25: {  	[simem:s6], [sflag:s4] =	dma.local [hbm:s3], $0xF7A  }
0x26: {  	[smem:$0x3F98] =	sst s1;
	(tag) =	ssettag s2;
	_ =	strace s9  }
0x27: {  	s1 =	sld [smem:$0x3FA8]  }
0x28: {  	s2 =	sld [smem:$0x3FA9]  }
0x29: {  	s4 =	sld [smem:$0x3FAB]  }
0x2a: {  	p0 =	seq.s32 s5, $0x0;
	s5 =	sld [smem:$0x3FAC]  }
0x2b: {  	s6 =	sld [smem:$0x3FAD]  }
0x2c: {  	s7 =	sld [smem:$0x3FAE]  }
0x2d: {  	s3 =	simm.s32 $0x108;
	s8 =	sld [smem:$0x3FAF]  }
0x2e: {  	s3 =	simm.s32 @!p0 $0x1082;
	s9 =	sld [smem:$0x3FB0]  }
0x2f: {  	lr =	sadd.s32 s0, s3;
	s0 =	sld [smem:$0x3FA7]  }
0x30: {  	s3 =	sld [smem:$0x3FAA]  }
0x31: {  	[smem:$0x3FB3] =	sst s10  }
0x32: {  	s10 =	sld [smem:$0x3FB1];
	_ =	sdelay $0x3  }
0x33: {  	p0 =	seq.s32 s10, $0x1;
	s10 =	sld [smem:$0x3FB3];
	_ =	sdelay $0x3  }
0x34: {  	[smem:$0x3FB3] =	sst s10  }
0x35: {  	s10 =	sld [smem:$0x3FB2];
	_ =	sdelay $0x3  }
0x36: {  	p1 =	seq.s32 s10, $0x1;
	s10 =	sld [smem:$0x3FB3];
	_ =	sdelay $0x3  }
0x37: {  	[smem:$0x3FB3] =	sst s10  }
0x38: {  	s10 =	sld [smem:$0x3FB4]  }
0x39: {  	_ = 	snop;
	(pc) =	sbr.ind lr, $3  }
0x3a: {  	_ = 	snop  }
0x3b: {  	_ = 	snop  }
0x3c: {  	p2 =	seq.s32 s10, $0x1;
	s10 =	sld [smem:$0x3FB3]  }
0x3d: {  	_ =	shalt  }
0x3e: {  	_ =	shalt  }
0x3f: {  	_ =	shalt  }
0x40: {  	_ =	shalt  }
0x41: {  	_ =	shalt  }
0x42: {  	_ =	shalt  }
0x43: {  	_ =	shalt  }
0x44: {  	_ =	shalt  }
0x45: {  	_ =	shalt  }
0x46: {  	_ =	shalt  }
0x47: {  	_ =	shalt  }
0x48: {  	_ =	shalt  }
0x49: {  	_ =	shalt  }
0x4a: {  	_ =	shalt  }
0x4b: {  	_ =	shalt  }
0x4c: {  	_ =	shalt  }
0x4d: {  	_ =	shalt  }
0x4e: {  	_ =	shalt  }
0x4f: {  	_ =	shalt  }
0x50: {  	_ =	shalt  }
0x51: {  	_ =	shalt  }
0x52: {  	_ =	shalt  }
0x53: {  	_ =	shalt  }
0x54: {  	_ =	shalt  }
0x55: {  	_ =	shalt  }
0x56: {  	_ =	shalt  }
0x57: {  	_ =	shalt  }
0x58: {  	_ =	shalt  }
0x59: {  	_ =	shalt  }
0x5a: {  	_ =	shalt  }
0x5b: {  	_ =	shalt  }
0x5c: {  	_ =	shalt  }
0x5d: {  	_ =	shalt  }
0x5e: {  	_ =	shalt  }
0x5f: {  	_ =	shalt  }
0x60: {  	_ =	shalt  }
0x61: {  	_ =	shalt  }
0x62: {  	_ =	shalt  }
0x63: {  	_ =	shalt  }
0x64: {  	_ =	shalt  }
0x65: {  	_ =	shalt  }
0x66: {  	_ =	shalt  }
0x67: {  	_ =	shalt  }
0x68: {  	_ =	shalt  }
0x69: {  	_ =	shalt  }
0x6a: {  	_ =	shalt  }
0x6b: {  	_ =	shalt  }
0x6c: {  	_ =	shalt  }
0x6d: {  	_ =	shalt  }
0x6e: {  	_ =	shalt  }
0x6f: {  	_ =	shalt  }
0x70: {  	_ =	shalt  }
0x71: {  	_ =	shalt  }
0x72: {  	_ =	shalt  }
0x73: {  	_ =	shalt  }
0x74: {  	_ =	shalt  }
0x75: {  	_ =	shalt  }
0x76: {  	_ =	shalt  }
0x77: {  	_ =	shalt  }
0x78: {  	_ =	shalt  }
0x79: {  	_ =	shalt  }
0x7a: {  	_ =	shalt  }
0x7b: {  	_ =	shalt  }
0x7c: {  	_ =	shalt  }
0x7d: {  	_ =	shalt  }
0x7e: {  	_ =	shalt  }
0x7f: {  	_ =	shalt  }
0x80: {  	_ =	shalt  }
0x81: {  	_ =	shalt  }
0x82: {  	_ =	shalt  }
0x83: {  	_ =	shalt  }
0x84: {  	_ =	shalt  }
0x85: {  	_ =	shalt  }
0x86: {  	_ =	shalt  }
0x87: {  	_ =	shalt  }
.Lfunc_end0:
.L_simem_size_0:
called_computation.1_lowered:
.L_overlay_start_0:
0x88: {  	s2 =	sld [smem:$0x3FD9]  }
0x89: {  	s3 =	sld [smem:$0x3FFE];
	_ =	sdelay $0x1  }
0x8a: {  	s1 =	srdreg.scid  }
0x8b: {  	s0 =	sand.u32 $0x1, s1  }
0x8c: {  	s16 =	sshll.u32 s0, $0xA;
	s2 =	sadd.s32 s3, s2  }
0x8d: {  	s2 =	sadd.s32 s2, s16  }
0x8e: {  	[smem:$0x3FBF] =	sst s2  }
0x8f: {  	_ = 	snop  }
0x90: {  	(tm) =	ssettm $0x1  }
0x91: {  	s17 =	sld [smem:$0x3FFB];
	_ =	sdelay $0x3  }
0x92: {  	_ =	strace s17  }
0x93: {  	s2 =	sld [smem:$0x3FFC];
	_ =	sdelay $0x3  }
0x94: {  	_ =	strace s2  }
0x95: {  	s2 =	sld [smem:$0x3FFD];
	_ =	sdelay $0x3  }
0x96: {  	_ =	strace s2  }
0x97: {  	_ =	strace $0x8FFFFFFF  }
0x98: {  	s18 =	sld [smem:$0x3FDB];
	_ =	sdelay $0x1  }
0x99: {  	s19 =	simm.s32 $_scs_section_size  }
0x9a: {  	s4 =	simm.s32 $_size__tile_overlayer_lowered;
	s5 =	simm.s32 $_tile_overlayer_lowered  }
0x9b: {  	s22 =	simm.s32 $0x1BFF;
	s21 =	sshll.u32 s5, $0x1;
	s2 =	sadd.s32 s19, s18  }
0x9c: {  	s6 =	simm.s32 $0x0;
	s20 =	sshll.u32 s4, $0x1;
	s4 =	sadd.s32 s21, s2  }
0x9d: {  	[timem:s6], [sflag:s22] =	dma.local [hbm:s4], s20  }
0x9e: {  	_ =	swait.ge [sflag:s22], s20  }
0x9f: {  	s3 =	ssub.s32 $0x0, s20;
	[sflag:s22] =	ssyncset.done $0x0  }
0xa0: {  	[sflag:s22] =	ssyncadd.s32 s3;
	_ =	sdelay $0x1  }
0xa1: {  	s23 =	simm.s32 $0x1B8B  }
0xa2: {  	_ =	swait.ge [sflag:s23], $0x1  }
0xa3: {  	[sflag:s23] =	ssyncset.done $0x0  }
0xa4: {  	s25 =	simm.s32 $0x1B8E;
	s24 =	sld [smem:$0x3FFE];
	[sflag:s23] =	ssyncadd.s32 $0xFFFFFFFF  }
0xa5: {  	s26 =	simm.s32 $execute0_lowered;
	[smem:$0x3FD2] =	sst s25  }
0xa6: {  	s4 =	sshll.u32 s26, $0x1;
	_ =	strace $0x8000005E;
	[dreg:$0x1] =	wrdreg $0xFFFFFFFF  }
0xa7: {  	s28 =	simm.s32 $_size_execute0_lowered;
	s2 =	sadd.s32 s2, s4;
	[dreg:$0x0] =	wrdreg $0x0  }
0xa8: {  	s4 =	sshll.u32 s28, $0x1;
	[dreg:$0x2] =	wrdreg s2  }
0xa9: {  	[dreg:$0x3] =	wrdreg s4  }
0xaa: {  	[dreg:$0x4] =	wrdreg $0xC0  }
0xab: {  	_ =	task [dreg:s6], $0x5FFFF  }
0xac: {  	[dreg:$0x1] =	wrdreg $0xFFFFFFFF  }
0xad: {  	[dreg:$0x0] =	wrdreg $0x60  }
0xae: {  	[dreg:$0x2] =	wrdreg s24  }
0xaf: {  	[dreg:$0x3] =	wrdreg $0x9  }
0xb0: {  	_ =	task.clear_ibuf [dreg:s6], $0x4FFFF;
	_ =	strace $0x9000005E  }
0xb1: {  	s29 =	simm.s32 $0x9;
	_ =	strace $0x80000060  }
0xb2: {  	_ =	swait.ge [sflag:s29], $0x1  }
0xb3: {  	[sflag:s29] =	ssyncadd.s32 $0xFFFFFFFF  }
0xb4: {  	_ =	strace $0x90000060  }
0xb5: {  	_ =	sfence  }
0xb6: {  	s30 =	sld [smem:$0x0];
	_ =	sdelay $0x2  }
0xb7: {  	s31 =	sshll.u32 s1, $0xD;
	s1 =	sshrl.u32 s1, $0x2  }
0xb8: {  	s3 =	sand.u32 $0x4000, s31;
	s1 =	sadd.s32 s1, s30  }
0xb9: {  	s0 =	sor.u32 s3, s0;
	s1 =	sshll.u32 s1, $0x11  }
0xba: {  	s0 =	sor.u32 s1, s0  }
0xbb: {  	s0 =	sadd.s32 $0x8F2B, s0  }
0xbc: {  	[sflag:s0] =	ssyncadd.remote.s32 $0x1  }
0xbd: {  	_ =	sfence.sel $0xFFFF  }
0xbe: {  	[dreg:$0x0] =	wrdreg $0xFFFFFFFF;
	(pc) =	sbr.abs _section_cstart, $3  }
0xbf: {  	[dreg:$0x1] =	wrdreg $0xFFFFFFFF  }
0xc0: {  	_ =	task.clear_ibuf [dreg:s6], $0x2FFFF;
	_ =	strace $0x9FFFFFFF  }
0xc1: {  	(tm) =	ssettm $0x7FFFFFFF  }
tec
execute0_lowered:
.L_overlay_start_1:
0x0: {  	(tag) =	ssettag $0x1  }
0x1: {  	s8 =	rddreg [dreg:$0x0]  }
0x2: {  	s0 =	rddreg [dreg:$0x1];
	_ =	strace $0x8000005F;
	s1 =	stileid.u32  }
0x3: {  	s3 =	srdreg.scid;
	s4 =	simm.s32 $0x1;
	s7 =	simm.s32 $0x1  }
0x4: {  	s9 =	simm.s32 $0x1;
	s10 =	simm.s32 $0x3;
	s13 =	simm.s32 $0x0  }
0x5: {  	s12 =	simm.s32 $0x0;
	s5 =	sand.u32 $0x1, s3;
	s6 =	sshll.u32 s1, $0x1  }
0x6: {  	s2 =	sadd.s32 $0x29200, s8;
	s3 =	sadd.s32 $0xFE00, s8;
	s5 =	sor.u32 s6, s5  }
.Ltmp0:
0x7: {  	[sflag:s4] =	ssyncpa.u1 $0x0;
	p0 =	slt.u32 s5, $0x9;
	(pc) =	sbr.rel .LBB2_1-.Ltmp0, $4  }
0x8: {  	s6 =	simm.s32 $0x2;
	s7 =	simm.s32 @!p0 $0x0;
	p0 =	sne.s32 s5, $0x8  }
0x9: {  	[sflag:s6] =	ssyncpa.u1 $0x0;
	s5 =	smul.u32 $0xFA0, s5;
	s9 =	simm.s32 @!p0 $0x0  }
0xa: {  	s8 =	sadd.s32 $0x2E200, s8;
	[sflag:s10] =	ssyncpa.u1 $0x0;
	s7 =	sadd.s32 s9, s7  }
0xb: {  	vm0 =	vmmov $0xffff;
	s10 =	simm.s32 $0x0;
	s11 =	smov.u32 s5;
	s9 =	sadd.s32 $0x1, s7  }
.LBB2_4:
0xc: {  	v2 =	vnsel vm1, $0x0, v2  }
0xd: {  	vm1 =	vgt.s32 v0, $0x0;
	v2 =	vmin.u32 v2, $0x270FF  }
0xe: {  	v0 =	vnsel vm1, $0x0, v0  }
0xf: {  	v0 =	vmin.u32 v0, $0x270FF  }
0x10: {  	[tilespmem:s18], [sflag:$0x1] =	stream.indirect_vreg.gather [hbm4b:s2+s10], $0x1, v1, vm0, $0x4038;
	[tilespmem:$0x3E80] =	vst v63  }
0x11: {  	(ifvalue) =	ssetifvalue $0x7FFFFFFF  }
0x12: {  	[tilespmem:s15], [sflag:$0x1] =	stream.indirect_vreg.gather [hbm4b:s2+s10], $0x1, v2, vm0, $0x4038;
	[tilespmem:$0x3E80] =	vst v63  }
0x13: {  	s29 =	sadd.s32 $0x10, s15;
	(ifvalue) =	ssetifvalue $0x7FFFFFFF  }
0x14: {  	[tilespmem:s29], [sflag:$0x1] =	stream.indirect_vreg.gather [hbm4b:s2+s10], $0x1, v0, vm0, $0x4038;
	[tilespmem:$0x3E80] =	vst v63  }
0x15: {  	_ =	swait.ge [sflag:s4], $0xFA0  }
0x16: {  	s30 =	sshrl.u32 s13, $0x3;
	[sflag:s4] =	ssyncset.done $0x0  }
0x17: {  	s31 =	sand.u32 $0x7, s13;
	s15 =	sadd.s32 s8, s30;
	[sflag:s4] =	ssyncadd.s32 $0xFFFFF060  }
0x18: {  	[hbm4b:s15+s31] =	stream.linear.scatter [tilespmem:s14], [sflag:$0x3], $0xFA0, $0x38;
	[tilespmem:$0x3E80] =	vst v63  }
.LBB2_5:
0x19: {  	s15 =	sadd.s32 $0x1F400, s11  }
0x1a: {  	p1 =	sgt.s32 s15, $0x270FF  }
0x1b: {  	s15 =	smov.u32 @p1 s5;
	p1 =	sne.s32 s12, s9  }
.Ltmp1:
0x1c: {  	p0 =	slt.u32 s12, $0x2;
	(pc) =	sbr.rel @!p1 .LBB2_6-.Ltmp1, $4  }
0x1d: {  	s14 =	simm.s32 @!p0 $0x3  }
0x1e: {  	_ =	swait.ge @!p0 [sflag:s14], $0xFA0  }
0x1f: {  	s16 =	sadd.s32 $0x1, s12;
	s13 =	smov.u32 s11;
	[sflag:s14] =	ssyncset.done @!p0 $0x0  }
0x20: {  	s12 =	smov.u32 s16;
	s11 =	smov.u32 s15;
	[sflag:s14] =	ssyncadd.s32 @!p0 $0xFFFFF060  }
.LBB2_1:
0x21: {  	p0 =	sge.u32 s12, s7  }
0x22: {  	s14 =	sxor.u32 @!p0 $0x1, s12  }
0x23: {  	s14 =	smul.u32 @!p0 $0x3E80, s14  }
0x24: {  	s31 =	sadd.s32 $0xFFFFFFFF, s12;
	s15 =	sshrl.u32 @!p0 s11, $0x3  }
0x25: {  	s16 =	sand.u32 @!p0 $0x7, s11;
	s15 =	sadd.s32 @!p0 s3, s15;
	s14 =	sshra.s32 @!p0 s14, $0x2  }
0x26: {  	[tilespmem:s14], [sflag:$0x2] =	stream.linear.gather @!p0 [hbm4b:s15+s16], $0xFA0, $0x38;
	[tilespmem:$0x3E80] =	vst v63  }
0x27: {  	p0 =	sge.u32 s31, s7  }
.Ltmp2:
0x28: {  	_ = 	snop;
	(pc) =	sbr.rel @p0 .LBB2_5-.Ltmp2, $1  }
0x29: {  	_ =	sdelay $0x3  }
0x2a: {  	s14 =	sand.u32 $0x1, s12  }
0x2b: {  	_ =	swait.ge [sflag:s6], $0xFA0;
	p0 =	seq.s32 s14, $0x1;
	s14 =	simm.s32 $0xFA0  }
0x2c: {  	[sflag:s6] =	ssyncset.done $0x0;
	s14 =	simm.s32 @!p0 $0x0  }
0x2d: {  	[sflag:s6] =	ssyncadd.s32 $0xFFFFF060;
	(ifvalue) =	ssetifvalue $0x7FFFFFFF;
	v0 =	vld.msk [tilespmem:s14+$0x0 ss:$0x1], $0xffff;
	_ =	sdelay $0x4  }
0x2e: {  	s15 =	sadd.s32 $0x10, s14;
	vm1 =	vgt.s32 v0, $0x0  }
0x2f: {  	v2 =	vld.msk [tilespmem:s15+$0x0 ss:$0x1], $0xffff;
	v1 =	vnsel vm1, $0x0, v0  }
0x30: {  	v1 =	vmin.u32 v1, $0x270FF;
	_ =	sdelay $0x2  }
0x31: {  	s17 =	simm.s32 $0x20;
	s14 =	sadd.s32 $0x1F40, s14;
	s16 =	sadd.s32 $0x10, s15  }
0x32: {  	s15 =	sadd.s32 $0x10, s14;
	s18 =	smov.u32 s14;
	v0 =	vld.msk [tilespmem:s16+$0x0 ss:$0x1], $0xffff;
	vm1 =	vgt.s32 v2, $0x0;
	(ifvalue) =	ssetifvalue $0x7FFFFFFF  }
.LBB2_3:
0x33: {  	[tilespmem:s18], [sflag:$0x1] =	stream.indirect_vreg.gather [hbm4b:s2+s10], $0x1, v1, vm0, $0x4038;
	[tilespmem:$0x3E80] =	vst v63  }
0x34: {  	s17 =	sadd.s32 $0x10, s17  }
0x35: {  	v2 =	vnsel vm1, $0x0, v2;
	p0 =	slt.u32 s17, $0xF90  }
.Ltmp3:
0x36: {  	s18 =	smov.u32 s15;
	v1 =	vmin.u32 v2, $0x270FF;
	(pc) =	sbr.rel @p0 .LBB2_3-.Ltmp3, $3  }
0x37: {  	_ =	sdelay $0x1  }
0x38: {  	s16 =	sadd.s32 $0x10, s16  }
0x39: {  	vm1 =	vgt.s32 v0, $0x0;
	s15 =	sadd.s32 $0x10, s15;
	v2 =	vmov v0;
	(ifvalue) =	ssetifvalue $0x7FFFFFFF;
	v0 =	vld.msk [tilespmem:s16+$0x0 ss:$0x1], $0xffff  }
.Ltmp4:
0x3a: {  	_ = 	snop;
	(pc) =	sbr.rel .LBB2_4-.Ltmp4, $1  }
0x3b: {  	_ =	sdelay $0x3  }
.LBB2_6:
0x3c: {  	_ =	sfence.sel $0x180000  }
0x3d: {  	s2 =	simm.s32 $0x2;
	[bflag:$0x0] =	sbarrier.arrive $0xFFFF  }
0x3e: {  	s30 =	simm.s32 $0x3;
	[sflag:s2] =	ssyncpa.u1 $0x1  }
0x3f: {  	s31 =	simm.s32 $0x1;
	[sflag:s30] =	ssyncpa.u1 $0x1  }
0x40: {  	[sflag:s31] =	ssyncpa.u1 $0x1  }
0x41: {  	p0 =	sne.s32 s1, $0x0;
	_ =	strace $0x9000005F  }
0x42: {  	s0 =	sadd.s32 @!p0 $0x100000, s0;
	[bflag:$0x2] =	sbarrier.arrive $0xFFFF  }
0x43: {  	[sflag:s0] =	ssyncadd.tile.s32 @!p0 $0x1;
	_ =	shalt  }
.Lfunc_end2:
_tile_overlayer_lowered:
.L_overlay_start_2:
0x44: {  	(tag) =	ssettag $0x2  }
0x45: {  	s0 =	rddreg [dreg:$0x0];
	s2 =	stileid.u32  }
0x46: {  	s1 =	rddreg [dreg:$0x1];
	p0 =	sne.s32 s2, $0x0  }
0x47: {  	s3 =	rddreg [dreg:$0x2];
	[bflag:$0x3] =	sbarrier.arrive $0xFFFF;
	s2 =	simm.s32 @!p0 $0x1C01  }
0x48: {  	[timem:s3], [sflag:s2] =	dma.local @!p0 [hbm:s0], s1  }
0x49: {  	s0 =	simm.s32 @!p0 $0x1  }
0x4a: {  	_ =	swait.ge @!p0 [sflag:s0], s1  }
0x4b: {  	s1 =	ssub.s32 @!p0 $0x0, s1;
	[sflag:s0] =	ssyncset.done @!p0 $0x0  }
0x4c: {  	[sflag:s0] =	ssyncadd.s32 @!p0 s1  }
0x4d: {  	[bflag:$0x3] =	sbarrier.arrive $0xFFFF  }
0x4e: {  	_ =	shalt  }

// kernel: gather_offload_async_start
scs
__scs_entry_jumppad:
0x0: {  	(pc) =	sbr.rel $0x88, $3  }
0x1: {  	(tag) =	ssettag $0x0;
	lr =	simm.s32 $0x1  }
0x2: {  	[smem:$0x3F98] =	sst lr;
	_ =	strace $0xD0000000  }
0x3: {  	_ = 	snop  }
0x4: {  	_ = 	snop  }
0x5: {  	_ = 	snop  }
0x6: {  	_ = 	snop  }
0x7: {  	_ = 	snop  }
__scs_overlays_trampoline_lowered:
0x8: {  	[smem:$0x3FA7] =	sst s0  }
0x9: {  	[smem:$0x3FA8] =	sst s1  }
0xa: {  	[smem:$0x3FA9] =	sst s2  }
0xb: {  	[smem:$0x3FAA] =	sst s3  }
0xc: {  	[smem:$0x3FAB] =	sst s4  }
0xd: {  	[smem:$0x3FAC] =	sst s5  }
0xe: {  	[smem:$0x3FAD] =	sst s6  }
0xf: {  	[smem:$0x3FAE] =	sst s7  }
0x10: {  	[smem:$0x3FAF] =	sst s8  }
0x11: {  	[smem:$0x3FB0] =	sst s9;
	s0 =	simm.s32 @!p0 $0x0  }
0x12: {  	s1 =	sld [smem:$0x3F96];
	s0 =	simm.s32 @p0 $0x1  }
0x13: {  	[smem:$0x3FB1] =	sst s0;
	s0 =	simm.s32 @!p1 $0x0  }
0x14: {  	s2 =	sld [smem:$0x3F95];
	s0 =	simm.s32 @p1 $0x1  }
0x15: {  	[smem:$0x3FB2] =	sst s0;
	s0 =	simm.s32 @!p2 $0x0  }
0x16: {  	s3 =	sld [smem:$0x3FDB];
	s0 =	simm.s32 @p2 $0x1  }
0x17: {  	s4 =	simm.s32 $0x1BF5;
	[smem:$0x3FB4] =	sst s0  }
0x18: {  	s0 =	sld [smem:$0x3F97];
	_ =	swait.ge [sflag:s4], $0x0  }
0x19: {  	s7 =	sld [smem:$0x3F98]  }
0x1a: {  	s8 =	sadd.s32 $0xFFFFE003, lr  }
0x1b: {  	s9 =	sadd.s32 $0xFFFFFEF7, lr;
	s5 =	simm.s32 $0xFFFFFFFF;
	p2 =	slt.u32 s8, $0xFFFFF086  }
0x1c: {  	p1 =	slt.u32 s9, $0xF7A;
	s5 =	simm.s32 @!p2 $0x0  }
0x1d: {  	s5 =	simm.s32 @p1 $0x1;
	p0 =	seq.s32 s7, s2  }
0x1e: {  	s7 =	smul.u32 @!p0 $0xF7A, s2;
	p2 =	seq.s32 @!p0 s5, $0x0  }
0x1f: {  	s9 =	smul.u32 $0xF7A, s1;
	s8 =	simm.s32 @!p0 $0x1BF5;
	p2 =	por !p2, p0  }
0x20: {  	[sflag:s8] =	ssyncset.s32 @!p0 $0xFFFFF086;
	s6 =	sadd.s32 @!p0 s3, s7;
	s7 =	simm.s32 @!p0 $0x108  }
0x21: {  	s3 =	sadd.s32 s3, s9;
	s6 =	sadd.s32 @!p0 $0x88, s6;
	s7 =	simm.s32 @p2 $0x1082  }
0x22: {  	[simem:s7], [sflag:s8] =	dma.local @!p0 [hbm:s6], $0xF7A  }
0x23: {  	s9 =	sor.u32 $0xD0000000, s2;
	s6 =	simm.s32 $0x108;
	_ =	swait.ge @!p0 [sflag:s8], $0x0  }
0x24: {  	s3 =	sadd.s32 $0x88, s3;
	s6 =	simm.s32 @!p1 $0x1082;
	[sflag:s4] =	ssyncset.s32 $0xFFFFF086  }
0x25: {  	[simem:s6], [sflag:s4] =	dma.local [hbm:s3], $0xF7A  }
0x26: {  	[smem:$0x3F98] =	sst s1;
	(tag) =	ssettag s2;
	_ =	strace s9  }
0x27: {  	s1 =	sld [smem:$0x3FA8]  }
0x28: {  	s2 =	sld [smem:$0x3FA9]  }
0x29: {  	s4 =	sld [smem:$0x3FAB]  }
0x2a: {  	p0 =	seq.s32 s5, $0x0;
	s5 =	sld [smem:$0x3FAC]  }
0x2b: {  	s6 =	sld [smem:$0x3FAD]  }
0x2c: {  	s7 =	sld [smem:$0x3FAE]  }
0x2d: {  	s3 =	simm.s32 $0x108;
	s8 =	sld [smem:$0x3FAF]  }
0x2e: {  	s3 =	simm.s32 @!p0 $0x1082;
	s9 =	sld [smem:$0x3FB0]  }
0x2f: {  	lr =	sadd.s32 s0, s3;
	s0 =	sld [smem:$0x3FA7]  }
0x30: {  	s3 =	sld [smem:$0x3FAA]  }
0x31: {  	[smem:$0x3FB3] =	sst s10  }
0x32: {  	s10 =	sld [smem:$0x3FB1];
	_ =	sdelay $0x3  }
0x33: {  	p0 =	seq.s32 s10, $0x1;
	s10 =	sld [smem:$0x3FB3];
	_ =	sdelay $0x3  }
0x34: {  	[smem:$0x3FB3] =	sst s10  }
0x35: {  	s10 =	sld [smem:$0x3FB2];
	_ =	sdelay $0x3  }
0x36: {  	p1 =	seq.s32 s10, $0x1;
	s10 =	sld [smem:$0x3FB3];
	_ =	sdelay $0x3  }
0x37: {  	[smem:$0x3FB3] =	sst s10  }
0x38: {  	s10 =	sld [smem:$0x3FB4]  }
0x39: {  	_ = 	snop;
	(pc) =	sbr.ind lr, $3  }
0x3a: {  	_ = 	snop  }
0x3b: {  	_ = 	snop  }
0x3c: {  	p2 =	seq.s32 s10, $0x1;
	s10 =	sld [smem:$0x3FB3]  }
0x3d: {  	_ =	shalt  }
0x3e: {  	_ =	shalt  }
0x3f: {  	_ =	shalt  }
0x40: {  	_ =	shalt  }
0x41: {  	_ =	shalt  }
0x42: {  	_ =	shalt  }
0x43: {  	_ =	shalt  }
0x44: {  	_ =	shalt  }
0x45: {  	_ =	shalt  }
0x46: {  	_ =	shalt  }
0x47: {  	_ =	shalt  }
0x48: {  	_ =	shalt  }
0x49: {  	_ =	shalt  }
0x4a: {  	_ =	shalt  }
0x4b: {  	_ =	shalt  }
0x4c: {  	_ =	shalt  }
0x4d: {  	_ =	shalt  }
0x4e: {  	_ =	shalt  }
0x4f: {  	_ =	shalt  }
0x50: {  	_ =	shalt  }
0x51: {  	_ =	shalt  }
0x52: {  	_ =	shalt  }
0x53: {  	_ =	shalt  }
0x54: {  	_ =	shalt  }
0x55: {  	_ =	shalt  }
0x56: {  	_ =	shalt  }
0x57: {  	_ =	shalt  }
0x58: {  	_ =	shalt  }
0x59: {  	_ =	shalt  }
0x5a: {  	_ =	shalt  }
0x5b: {  	_ =	shalt  }
0x5c: {  	_ =	shalt  }
0x5d: {  	_ =	shalt  }
0x5e: {  	_ =	shalt  }
0x5f: {  	_ =	shalt  }
0x60: {  	_ =	shalt  }
0x61: {  	_ =	shalt  }
0x62: {  	_ =	shalt  }
0x63: {  	_ =	shalt  }
0x64: {  	_ =	shalt  }
0x65: {  	_ =	shalt  }
0x66: {  	_ =	shalt  }
0x67: {  	_ =	shalt  }
0x68: {  	_ =	shalt  }
0x69: {  	_ =	shalt  }
0x6a: {  	_ =	shalt  }
0x6b: {  	_ =	shalt  }
0x6c: {  	_ =	shalt  }
0x6d: {  	_ =	shalt  }
0x6e: {  	_ =	shalt  }
0x6f: {  	_ =	shalt  }
0x70: {  	_ =	shalt  }
0x71: {  	_ =	shalt  }
0x72: {  	_ =	shalt  }
0x73: {  	_ =	shalt  }
0x74: {  	_ =	shalt  }
0x75: {  	_ =	shalt  }
0x76: {  	_ =	shalt  }
0x77: {  	_ =	shalt  }
0x78: {  	_ =	shalt  }
0x79: {  	_ =	shalt  }
0x7a: {  	_ =	shalt  }
0x7b: {  	_ =	shalt  }
0x7c: {  	_ =	shalt  }
0x7d: {  	_ =	shalt  }
0x7e: {  	_ =	shalt  }
0x7f: {  	_ =	shalt  }
0x80: {  	_ =	shalt  }
0x81: {  	_ =	shalt  }
0x82: {  	_ =	shalt  }
0x83: {  	_ =	shalt  }
0x84: {  	_ =	shalt  }
0x85: {  	_ =	shalt  }
0x86: {  	_ =	shalt  }
0x87: {  	_ =	shalt  }
.Lfunc_end0:
.L_simem_size_0:
called_computation_lowered:
.L_overlay_start_0:
0x88: {  	s2 =	sld [smem:$0x3FD9]  }
0x89: {  	s3 =	sld [smem:$0x3FFE];
	_ =	sdelay $0x1  }
0x8a: {  	s1 =	srdreg.scid  }
0x8b: {  	s0 =	sand.u32 $0x1, s1  }
0x8c: {  	s16 =	sshll.u32 s0, $0xA;
	s2 =	sadd.s32 s3, s2  }
0x8d: {  	s2 =	sadd.s32 s2, s16  }
0x8e: {  	[smem:$0x3FBF] =	sst s2  }
0x8f: {  	_ = 	snop  }
0x90: {  	(tm) =	ssettm $0x1  }
0x91: {  	s17 =	sld [smem:$0x3FFB];
	_ =	sdelay $0x3  }
0x92: {  	_ =	strace s17  }
0x93: {  	s2 =	sld [smem:$0x3FFC];
	_ =	sdelay $0x3  }
0x94: {  	_ =	strace s2  }
0x95: {  	s2 =	sld [smem:$0x3FFD];
	_ =	sdelay $0x3  }
0x96: {  	_ =	strace s2  }
0x97: {  	_ =	strace $0x8FFFFFFF  }
0x98: {  	s18 =	sld [smem:$0x3FDB];
	_ =	sdelay $0x1  }
0x99: {  	s19 =	simm.s32 $_scs_section_size  }
0x9a: {  	s4 =	simm.s32 $_size__tile_overlayer_lowered;
	s5 =	simm.s32 $_tile_overlayer_lowered  }
0x9b: {  	s22 =	simm.s32 $0x1BFF;
	s21 =	sshll.u32 s5, $0x1;
	s2 =	sadd.s32 s19, s18  }
0x9c: {  	s6 =	simm.s32 $0x0;
	s20 =	sshll.u32 s4, $0x1;
	s4 =	sadd.s32 s21, s2  }
0x9d: {  	[timem:s6], [sflag:s22] =	dma.local [hbm:s4], s20  }
0x9e: {  	_ =	swait.ge [sflag:s22], s20  }
0x9f: {  	s3 =	ssub.s32 $0x0, s20;
	[sflag:s22] =	ssyncset.done $0x0  }
0xa0: {  	[sflag:s22] =	ssyncadd.s32 s3;
	_ =	sdelay $0x1  }
0xa1: {  	s23 =	simm.s32 $0x1B8B  }
0xa2: {  	_ =	swait.ge [sflag:s23], $0x1  }
0xa3: {  	[sflag:s23] =	ssyncset.done $0x0  }
0xa4: {  	s25 =	simm.s32 $0x1B8E;
	s24 =	sld [smem:$0x3FFE];
	[sflag:s23] =	ssyncadd.s32 $0xFFFFFFFF  }
0xa5: {  	s26 =	simm.s32 $execute0_lowered;
	[smem:$0x3FD2] =	sst s25  }
0xa6: {  	s4 =	sshll.u32 s26, $0x1;
	_ =	strace $0x8000005B;
	[dreg:$0x1] =	wrdreg $0xFFFFFFFF  }
0xa7: {  	s28 =	simm.s32 $_size_execute0_lowered;
	s2 =	sadd.s32 s2, s4;
	[dreg:$0x0] =	wrdreg $0x0  }
0xa8: {  	s4 =	sshll.u32 s28, $0x1;
	[dreg:$0x2] =	wrdreg s2  }
0xa9: {  	[dreg:$0x3] =	wrdreg s4  }
0xaa: {  	[dreg:$0x4] =	wrdreg $0xC0  }
0xab: {  	_ =	task [dreg:s6], $0x5FFFF  }
0xac: {  	[dreg:$0x1] =	wrdreg $0xFFFFFFFF  }
0xad: {  	[dreg:$0x0] =	wrdreg $0x60  }
0xae: {  	[dreg:$0x2] =	wrdreg s24  }
0xaf: {  	[dreg:$0x3] =	wrdreg $0x9  }
0xb0: {  	_ =	task.clear_ibuf [dreg:s6], $0x4FFFF;
	_ =	strace $0x9000005B  }
0xb1: {  	s29 =	simm.s32 $0x9;
	_ =	strace $0x8000005D  }
0xb2: {  	_ =	swait.ge [sflag:s29], $0x1  }
0xb3: {  	[sflag:s29] =	ssyncadd.s32 $0xFFFFFFFF  }
0xb4: {  	_ =	strace $0x9000005D  }
0xb5: {  	_ =	sfence  }
0xb6: {  	s30 =	sld [smem:$0x0];
	_ =	sdelay $0x2  }
0xb7: {  	s31 =	sshll.u32 s1, $0xD;
	s1 =	sshrl.u32 s1, $0x2  }
0xb8: {  	s3 =	sand.u32 $0x4000, s31;
	s1 =	sadd.s32 s1, s30  }
0xb9: {  	s0 =	sor.u32 s3, s0;
	s1 =	sshll.u32 s1, $0x11  }
0xba: {  	s0 =	sor.u32 s1, s0  }
0xbb: {  	s0 =	sadd.s32 $0x8F2B, s0  }
0xbc: {  	[sflag:s0] =	ssyncadd.remote.s32 $0x1  }
0xbd: {  	_ =	sfence.sel $0xFFFF  }
0xbe: {  	[dreg:$0x0] =	wrdreg $0xFFFFFFFF;
	(pc) =	sbr.abs _section_cstart, $3  }
0xbf: {  	[dreg:$0x1] =	wrdreg $0xFFFFFFFF  }
0xc0: {  	_ =	task.clear_ibuf [dreg:s6], $0x2FFFF;
	_ =	strace $0x9FFFFFFF  }
0xc1: {  	(tm) =	ssettm $0x7FFFFFFF  }
tec
execute0_lowered:
.L_overlay_start_1:
0x0: {  	(tag) =	ssettag $0x1  }
0x1: {  	s8 =	rddreg [dreg:$0x0]  }
0x2: {  	s0 =	rddreg [dreg:$0x1];
	_ =	strace $0x8000005C;
	s1 =	stileid.u32  }
0x3: {  	s3 =	srdreg.scid;
	s4 =	simm.s32 $0x1;
	s7 =	simm.s32 $0x1  }
0x4: {  	s9 =	simm.s32 $0x1;
	s10 =	simm.s32 $0x3;
	s13 =	simm.s32 $0x0  }
0x5: {  	s12 =	simm.s32 $0x0;
	s5 =	sand.u32 $0x1, s3;
	s6 =	sshll.u32 s1, $0x1  }
0x6: {  	s2 =	sadd.s32 $0x29200, s8;
	s3 =	sadd.s32 $0x2E200, s8;
	s5 =	sor.u32 s6, s5  }
.Ltmp0:
0x7: {  	[sflag:s4] =	ssyncpa.u1 $0x0;
	p0 =	slt.u32 s5, $0x9;
	(pc) =	sbr.rel .LBB2_1-.Ltmp0, $4  }
0x8: {  	s6 =	simm.s32 $0x2;
	s7 =	simm.s32 @!p0 $0x0;
	p0 =	sne.s32 s5, $0x8  }
0x9: {  	[sflag:s6] =	ssyncpa.u1 $0x0;
	s5 =	smul.u32 $0xFA0, s5;
	s9 =	simm.s32 @!p0 $0x0  }
0xa: {  	s8 =	sadd.s32 $0x33200, s8;
	[sflag:s10] =	ssyncpa.u1 $0x0;
	s7 =	sadd.s32 s9, s7  }
0xb: {  	vm0 =	vmmov $0xffff;
	s10 =	simm.s32 $0x0;
	s11 =	smov.u32 s5;
	s9 =	sadd.s32 $0x1, s7  }
.LBB2_4:
0xc: {  	v2 =	vnsel vm1, $0x0, v2  }
0xd: {  	vm1 =	vgt.s32 v0, $0x0;
	v2 =	vmin.u32 v2, $0x270FF  }
0xe: {  	v0 =	vnsel vm1, $0x0, v0  }
0xf: {  	v0 =	vmin.u32 v0, $0x270FF  }
0x10: {  	[tilespmem:s18], [sflag:$0x1] =	stream.indirect_vreg.gather [hbm4b:s2+s10], $0x1, v1, vm0, $0x4038;
	[tilespmem:$0x3E80] =	vst v63  }
0x11: {  	(ifvalue) =	ssetifvalue $0x7FFFFFFF  }
0x12: {  	[tilespmem:s15], [sflag:$0x1] =	stream.indirect_vreg.gather [hbm4b:s2+s10], $0x1, v2, vm0, $0x4038;
	[tilespmem:$0x3E80] =	vst v63  }
0x13: {  	s29 =	sadd.s32 $0x10, s15;
	(ifvalue) =	ssetifvalue $0x7FFFFFFF  }
0x14: {  	[tilespmem:s29], [sflag:$0x1] =	stream.indirect_vreg.gather [hbm4b:s2+s10], $0x1, v0, vm0, $0x4038;
	[tilespmem:$0x3E80] =	vst v63  }
0x15: {  	_ =	swait.ge [sflag:s4], $0xFA0  }
0x16: {  	s30 =	sshrl.u32 s13, $0x3;
	[sflag:s4] =	ssyncset.done $0x0  }
0x17: {  	s31 =	sand.u32 $0x7, s13;
	s15 =	sadd.s32 s8, s30;
	[sflag:s4] =	ssyncadd.s32 $0xFFFFF060  }
0x18: {  	[hbm4b:s15+s31] =	stream.linear.scatter [tilespmem:s14], [sflag:$0x3], $0xFA0, $0x38;
	[tilespmem:$0x3E80] =	vst v63  }
.LBB2_5:
0x19: {  	s15 =	sadd.s32 $0x1F400, s11  }
0x1a: {  	p1 =	sgt.s32 s15, $0x270FF  }
0x1b: {  	s15 =	smov.u32 @p1 s5;
	p1 =	sne.s32 s12, s9  }
.Ltmp1:
0x1c: {  	p0 =	slt.u32 s12, $0x2;
	(pc) =	sbr.rel @!p1 .LBB2_6-.Ltmp1, $4  }
0x1d: {  	s14 =	simm.s32 @!p0 $0x3  }
0x1e: {  	_ =	swait.ge @!p0 [sflag:s14], $0xFA0  }
0x1f: {  	s16 =	sadd.s32 $0x1, s12;
	s13 =	smov.u32 s11;
	[sflag:s14] =	ssyncset.done @!p0 $0x0  }
0x20: {  	s12 =	smov.u32 s16;
	s11 =	smov.u32 s15;
	[sflag:s14] =	ssyncadd.s32 @!p0 $0xFFFFF060  }
.LBB2_1:
0x21: {  	p0 =	sge.u32 s12, s7  }
0x22: {  	s14 =	sxor.u32 @!p0 $0x1, s12  }
0x23: {  	s14 =	smul.u32 @!p0 $0x3E80, s14  }
0x24: {  	s31 =	sadd.s32 $0xFFFFFFFF, s12;
	s15 =	sshrl.u32 @!p0 s11, $0x3  }
0x25: {  	s16 =	sand.u32 @!p0 $0x7, s11;
	s15 =	sadd.s32 @!p0 s3, s15;
	s14 =	sshra.s32 @!p0 s14, $0x2  }
0x26: {  	[tilespmem:s14], [sflag:$0x2] =	stream.linear.gather @!p0 [hbm4b:s15+s16], $0xFA0, $0x38;
	[tilespmem:$0x3E80] =	vst v63  }
0x27: {  	p0 =	sge.u32 s31, s7  }
.Ltmp2:
0x28: {  	_ = 	snop;
	(pc) =	sbr.rel @p0 .LBB2_5-.Ltmp2, $1  }
0x29: {  	_ =	sdelay $0x3  }
0x2a: {  	s14 =	sand.u32 $0x1, s12  }
0x2b: {  	_ =	swait.ge [sflag:s6], $0xFA0;
	p0 =	seq.s32 s14, $0x1;
	s14 =	simm.s32 $0xFA0  }
0x2c: {  	[sflag:s6] =	ssyncset.done $0x0;
	s14 =	simm.s32 @!p0 $0x0  }
0x2d: {  	[sflag:s6] =	ssyncadd.s32 $0xFFFFF060;
	(ifvalue) =	ssetifvalue $0x7FFFFFFF;
	v0 =	vld.msk [tilespmem:s14+$0x0 ss:$0x1], $0xffff;
	_ =	sdelay $0x4  }
0x2e: {  	s15 =	sadd.s32 $0x10, s14;
	vm1 =	vgt.s32 v0, $0x0  }
0x2f: {  	v2 =	vld.msk [tilespmem:s15+$0x0 ss:$0x1], $0xffff;
	v1 =	vnsel vm1, $0x0, v0  }
0x30: {  	v1 =	vmin.u32 v1, $0x270FF;
	_ =	sdelay $0x2  }
0x31: {  	s17 =	simm.s32 $0x20;
	s14 =	sadd.s32 $0x1F40, s14;
	s16 =	sadd.s32 $0x10, s15  }
0x32: {  	s15 =	sadd.s32 $0x10, s14;
	s18 =	smov.u32 s14;
	v0 =	vld.msk [tilespmem:s16+$0x0 ss:$0x1], $0xffff;
	vm1 =	vgt.s32 v2, $0x0;
	(ifvalue) =	ssetifvalue $0x7FFFFFFF  }
.LBB2_3:
0x33: {  	[tilespmem:s18], [sflag:$0x1] =	stream.indirect_vreg.gather [hbm4b:s2+s10], $0x1, v1, vm0, $0x4038;
	[tilespmem:$0x3E80] =	vst v63  }
0x34: {  	s17 =	sadd.s32 $0x10, s17  }
0x35: {  	v2 =	vnsel vm1, $0x0, v2;
	p0 =	slt.u32 s17, $0xF90  }
.Ltmp3:
0x36: {  	s18 =	smov.u32 s15;
	v1 =	vmin.u32 v2, $0x270FF;
	(pc) =	sbr.rel @p0 .LBB2_3-.Ltmp3, $3  }
0x37: {  	_ =	sdelay $0x1  }
0x38: {  	s16 =	sadd.s32 $0x10, s16  }
0x39: {  	vm1 =	vgt.s32 v0, $0x0;
	s15 =	sadd.s32 $0x10, s15;
	v2 =	vmov v0;
	(ifvalue) =	ssetifvalue $0x7FFFFFFF;
	v0 =	vld.msk [tilespmem:s16+$0x0 ss:$0x1], $0xffff  }
.Ltmp4:
0x3a: {  	_ = 	snop;
	(pc) =	sbr.rel .LBB2_4-.Ltmp4, $1  }
0x3b: {  	_ =	sdelay $0x3  }
.LBB2_6:
0x3c: {  	_ =	sfence.sel $0x180000  }
0x3d: {  	s2 =	simm.s32 $0x2;
	[bflag:$0x0] =	sbarrier.arrive $0xFFFF  }
0x3e: {  	s30 =	simm.s32 $0x3;
	[sflag:s2] =	ssyncpa.u1 $0x1  }
0x3f: {  	s31 =	simm.s32 $0x1;
	[sflag:s30] =	ssyncpa.u1 $0x1  }
0x40: {  	[sflag:s31] =	ssyncpa.u1 $0x1  }
0x41: {  	p0 =	sne.s32 s1, $0x0;
	_ =	strace $0x9000005C  }
0x42: {  	s0 =	sadd.s32 @!p0 $0x100000, s0;
	[bflag:$0x2] =	sbarrier.arrive $0xFFFF  }
0x43: {  	[sflag:s0] =	ssyncadd.tile.s32 @!p0 $0x1;
	_ =	shalt  }
.Lfunc_end2:
_tile_overlayer_lowered:
.L_overlay_start_2:
0x44: {  	(tag) =	ssettag $0x2  }
0x45: {  	s0 =	rddreg [dreg:$0x0];
	s2 =	stileid.u32  }
0x46: {  	s1 =	rddreg [dreg:$0x1];
	p0 =	sne.s32 s2, $0x0  }
0x47: {  	s3 =	rddreg [dreg:$0x2];
	[bflag:$0x3] =	sbarrier.arrive $0xFFFF;
	s2 =	simm.s32 @!p0 $0x1C01  }
0x48: {  	[timem:s3], [sflag:s2] =	dma.local @!p0 [hbm:s0], s1  }
0x49: {  	s0 =	simm.s32 @!p0 $0x1  }
0x4a: {  	_ =	swait.ge @!p0 [sflag:s0], s1  }
0x4b: {  	s1 =	ssub.s32 @!p0 $0x0, s1;
	[sflag:s0] =	ssyncset.done @!p0 $0x0  }
0x4c: {  	[sflag:s0] =	ssyncadd.s32 @!p0 s1  }
0x4d: {  	[bflag:$0x3] =	sbarrier.arrive $0xFFFF  }
0x4e: {  	_ =	shalt  }

// kernel: kernel.20.cloned.1.call-start
scs
__scs_entry_jumppad:
0x0: {  	(pc) =	sbr.rel $0x88, $3  }
0x1: {  	(tag) =	ssettag $0x0;
	lr =	simm.s32 $0x1  }
0x2: {  	[smem:$0x3F98] =	sst lr;
	_ =	strace $0xD0000000  }
0x3: {  	_ = 	snop  }
0x4: {  	_ = 	snop  }
0x5: {  	_ = 	snop  }
0x6: {  	_ = 	snop  }
0x7: {  	_ = 	snop  }
__scs_overlays_trampoline_lowered:
0x8: {  	[smem:$0x3FA7] =	sst s0  }
0x9: {  	[smem:$0x3FA8] =	sst s1  }
0xa: {  	[smem:$0x3FA9] =	sst s2  }
0xb: {  	[smem:$0x3FAA] =	sst s3  }
0xc: {  	[smem:$0x3FAB] =	sst s4  }
0xd: {  	[smem:$0x3FAC] =	sst s5  }
0xe: {  	[smem:$0x3FAD] =	sst s6  }
0xf: {  	[smem:$0x3FAE] =	sst s7  }
0x10: {  	[smem:$0x3FAF] =	sst s8  }
0x11: {  	[smem:$0x3FB0] =	sst s9;
	s0 =	simm.s32 @!p0 $0x0  }
0x12: {  	s1 =	sld [smem:$0x3F96];
	s0 =	simm.s32 @p0 $0x1  }
0x13: {  	[smem:$0x3FB1] =	sst s0;
	s0 =	simm.s32 @!p1 $0x0  }
0x14: {  	s2 =	sld [smem:$0x3F95];
	s0 =	simm.s32 @p1 $0x1  }
0x15: {  	[smem:$0x3FB2] =	sst s0;
	s0 =	simm.s32 @!p2 $0x0  }
0x16: {  	s3 =	sld [smem:$0x3FDB];
	s0 =	simm.s32 @p2 $0x1  }
0x17: {  	s4 =	simm.s32 $0x1BF5;
	[smem:$0x3FB4] =	sst s0  }
0x18: {  	s0 =	sld [smem:$0x3F97];
	_ =	swait.ge [sflag:s4], $0x0  }
0x19: {  	s7 =	sld [smem:$0x3F98]  }
0x1a: {  	s8 =	sadd.s32 $0xFFFFE003, lr  }
0x1b: {  	s9 =	sadd.s32 $0xFFFFFEF7, lr;
	s5 =	simm.s32 $0xFFFFFFFF;
	p2 =	slt.u32 s8, $0xFFFFF086  }
0x1c: {  	p1 =	slt.u32 s9, $0xF7A;
	s5 =	simm.s32 @!p2 $0x0  }
0x1d: {  	s5 =	simm.s32 @p1 $0x1;
	p0 =	seq.s32 s7, s2  }
0x1e: {  	s7 =	smul.u32 @!p0 $0xF7A, s2;
	p2 =	seq.s32 @!p0 s5, $0x0  }
0x1f: {  	s9 =	smul.u32 $0xF7A, s1;
	s8 =	simm.s32 @!p0 $0x1BF5;
	p2 =	por !p2, p0  }
0x20: {  	[sflag:s8] =	ssyncset.s32 @!p0 $0xFFFFF086;
	s6 =	sadd.s32 @!p0 s3, s7;
	s7 =	simm.s32 @!p0 $0x108  }
0x21: {  	s3 =	sadd.s32 s3, s9;
	s6 =	sadd.s32 @!p0 $0x88, s6;
	s7 =	simm.s32 @p2 $0x1082  }
0x22: {  	[simem:s7], [sflag:s8] =	dma.local @!p0 [hbm:s6], $0xF7A  }
0x23: {  	s9 =	sor.u32 $0xD0000000, s2;
	s6 =	simm.s32 $0x108;
	_ =	swait.ge @!p0 [sflag:s8], $0x0  }
0x24: {  	s3 =	sadd.s32 $0x88, s3;
	s6 =	simm.s32 @!p1 $0x1082;
	[sflag:s4] =	ssyncset.s32 $0xFFFFF086  }
0x25: {  	[simem:s6], [sflag:s4] =	dma.local [hbm:s3], $0xF7A  }
0x26: {  	[smem:$0x3F98] =	sst s1;
	(tag) =	ssettag s2;
	_ =	strace s9  }
0x27: {  	s1 =	sld [smem:$0x3FA8]  }
0x28: {  	s2 =	sld [smem:$0x3FA9]  }
0x29: {  	s4 =	sld [smem:$0x3FAB]  }
0x2a: {  	p0 =	seq.s32 s5, $0x0;
	s5 =	sld [smem:$0x3FAC]  }
0x2b: {  	s6 =	sld [smem:$0x3FAD]  }
0x2c: {  	s7 =	sld [smem:$0x3FAE]  }
0x2d: {  	s3 =	simm.s32 $0x108;
	s8 =	sld [smem:$0x3FAF]  }
0x2e: {  	s3 =	simm.s32 @!p0 $0x1082;
	s9 =	sld [smem:$0x3FB0]  }
0x2f: {  	lr =	sadd.s32 s0, s3;
	s0 =	sld [smem:$0x3FA7]  }
0x30: {  	s3 =	sld [smem:$0x3FAA]  }
0x31: {  	[smem:$0x3FB3] =	sst s10  }
0x32: {  	s10 =	sld [smem:$0x3FB1];
	_ =	sdelay $0x3  }
0x33: {  	p0 =	seq.s32 s10, $0x1;
	s10 =	sld [smem:$0x3FB3];
	_ =	sdelay $0x3  }
0x34: {  	[smem:$0x3FB3] =	sst s10  }
0x35: {  	s10 =	sld [smem:$0x3FB2];
	_ =	sdelay $0x3  }
0x36: {  	p1 =	seq.s32 s10, $0x1;
	s10 =	sld [smem:$0x3FB3];
	_ =	sdelay $0x3  }
0x37: {  	[smem:$0x3FB3] =	sst s10  }
0x38: {  	s10 =	sld [smem:$0x3FB4]  }
0x39: {  	_ = 	snop;
	(pc) =	sbr.ind lr, $3  }
0x3a: {  	_ = 	snop  }
0x3b: {  	_ = 	snop  }
0x3c: {  	p2 =	seq.s32 s10, $0x1;
	s10 =	sld [smem:$0x3FB3]  }
0x3d: {  	_ =	shalt  }
0x3e: {  	_ =	shalt  }
0x3f: {  	_ =	shalt  }
0x40: {  	_ =	shalt  }
0x41: {  	_ =	shalt  }
0x42: {  	_ =	shalt  }
0x43: {  	_ =	shalt  }
0x44: {  	_ =	shalt  }
0x45: {  	_ =	shalt  }
0x46: {  	_ =	shalt  }
0x47: {  	_ =	shalt  }
0x48: {  	_ =	shalt  }
0x49: {  	_ =	shalt  }
0x4a: {  	_ =	shalt  }
0x4b: {  	_ =	shalt  }
0x4c: {  	_ =	shalt  }
0x4d: {  	_ =	shalt  }
0x4e: {  	_ =	shalt  }
0x4f: {  	_ =	shalt  }
0x50: {  	_ =	shalt  }
0x51: {  	_ =	shalt  }
0x52: {  	_ =	shalt  }
0x53: {  	_ =	shalt  }
0x54: {  	_ =	shalt  }
0x55: {  	_ =	shalt  }
0x56: {  	_ =	shalt  }
0x57: {  	_ =	shalt  }
0x58: {  	_ =	shalt  }
0x59: {  	_ =	shalt  }
0x5a: {  	_ =	shalt  }
0x5b: {  	_ =	shalt  }
0x5c: {  	_ =	shalt  }
0x5d: {  	_ =	shalt  }
0x5e: {  	_ =	shalt  }
0x5f: {  	_ =	shalt  }
0x60: {  	_ =	shalt  }
0x61: {  	_ =	shalt  }
0x62: {  	_ =	shalt  }
0x63: {  	_ =	shalt  }
0x64: {  	_ =	shalt  }
0x65: {  	_ =	shalt  }
0x66: {  	_ =	shalt  }
0x67: {  	_ =	shalt  }
0x68: {  	_ =	shalt  }
0x69: {  	_ =	shalt  }
0x6a: {  	_ =	shalt  }
0x6b: {  	_ =	shalt  }
0x6c: {  	_ =	shalt  }
0x6d: {  	_ =	shalt  }
0x6e: {  	_ =	shalt  }
0x6f: {  	_ =	shalt  }
0x70: {  	_ =	shalt  }
0x71: {  	_ =	shalt  }
0x72: {  	_ =	shalt  }
0x73: {  	_ =	shalt  }
0x74: {  	_ =	shalt  }
0x75: {  	_ =	shalt  }
0x76: {  	_ =	shalt  }
0x77: {  	_ =	shalt  }
0x78: {  	_ =	shalt  }
0x79: {  	_ =	shalt  }
0x7a: {  	_ =	shalt  }
0x7b: {  	_ =	shalt  }
0x7c: {  	_ =	shalt  }
0x7d: {  	_ =	shalt  }
0x7e: {  	_ =	shalt  }
0x7f: {  	_ =	shalt  }
0x80: {  	_ =	shalt  }
0x81: {  	_ =	shalt  }
0x82: {  	_ =	shalt  }
0x83: {  	_ =	shalt  }
0x84: {  	_ =	shalt  }
0x85: {  	_ =	shalt  }
0x86: {  	_ =	shalt  }
0x87: {  	_ =	shalt  }
.Lfunc_end0:
.L_simem_size_0:
called_computation.2_lowered:
.L_overlay_start_0:
0x88: {  	s2 =	sld [smem:$0x3FD9]  }
0x89: {  	s3 =	sld [smem:$0x3FFE];
	_ =	sdelay $0x1  }
0x8a: {  	s1 =	srdreg.scid  }
0x8b: {  	s0 =	sand.u32 $0x1, s1  }
0x8c: {  	s17 =	sshll.u32 s0, $0xA;
	s2 =	sadd.s32 s3, s2  }
0x8d: {  	s2 =	sadd.s32 s2, s17  }
0x8e: {  	[smem:$0x3FBF] =	sst s2  }
0x8f: {  	_ = 	snop  }
0x90: {  	s2 =	sld [smem:$0x3FD0];
	(tm) =	ssettm $0x1  }
0x91: {  	s18 =	sld [smem:$0x3FFB];
	_ =	sdelay $0x3  }
0x92: {  	_ =	strace s18  }
0x93: {  	s3 =	sld [smem:$0x3FFC];
	_ =	sdelay $0x3  }
0x94: {  	_ =	strace s3  }
0x95: {  	s3 =	sld [smem:$0x3FFD];
	_ =	sdelay $0x3  }
0x96: {  	_ =	strace s3  }
0x97: {  	_ =	strace $0x8FFFFFFF  }
0x98: {  	s19 =	sld [smem:$0x3FDB];
	_ =	sdelay $0x1  }
0x99: {  	s4 =	simm.s32 $_scs_section_size  }
0x9a: {  	s5 =	simm.s32 $_size__tile_overlayer_lowered;
	s6 =	simm.s32 $_tile_overlayer_lowered  }
0x9b: {  	s22 =	simm.s32 $0x1BFF;
	s21 =	sshll.u32 s6, $0x1;
	s3 =	sadd.s32 s4, s19  }
0x9c: {  	s7 =	simm.s32 $0x0;
	s20 =	sshll.u32 s5, $0x1;
	s5 =	sadd.s32 s21, s3  }
0x9d: {  	[timem:s7], [sflag:s22] =	dma.local [hbm:s5], s20  }
0x9e: {  	_ =	swait.ge [sflag:s22], s20  }
0x9f: {  	s4 =	ssub.s32 $0x0, s20;
	[sflag:s22] =	ssyncset.done $0x0  }
0xa0: {  	[sflag:s22] =	ssyncadd.s32 s4;
	_ =	sdelay $0x1  }
0xa1: {  	s23 =	simm.s32 $0x1B8B  }
0xa2: {  	_ =	swait.ge [sflag:s23], $0x1  }
0xa3: {  	[sflag:s23] =	ssyncset.done $0x0  }
0xa4: {  	s25 =	simm.s32 $0x1B8E;
	s24 =	sld [smem:$0x3FFE];
	[sflag:s23] =	ssyncadd.s32 $0xFFFFFFFF  }
0xa5: {  	s26 =	simm.s32 $execute0_lowered;
	[smem:$0x3FD2] =	sst s25  }
0xa6: {  	s5 =	sshll.u32 s26, $0x1;
	_ =	strace $0x80000046;
	[dreg:$0x1] =	wrdreg $0xFFFFFFFF  }
0xa7: {  	s28 =	simm.s32 $_size_execute0_lowered;
	s3 =	sadd.s32 s3, s5;
	[dreg:$0x0] =	wrdreg $0x0  }
0xa8: {  	s5 =	sshll.u32 s28, $0x1;
	[dreg:$0x2] =	wrdreg s3  }
0xa9: {  	[dreg:$0x3] =	wrdreg s5  }
0xaa: {  	[dreg:$0x4] =	wrdreg $0xC0  }
0xab: {  	_ =	task [dreg:s7], $0x5FFFF  }
0xac: {  	[dreg:$0x1] =	wrdreg $0xFFFFFFFF  }
0xad: {  	[dreg:$0x0] =	wrdreg $0x60  }
0xae: {  	[dreg:$0x2] =	wrdreg s24  }
0xaf: {  	[dreg:$0x3] =	wrdreg s2  }
0xb0: {  	[dreg:$0x4] =	wrdreg $0xDFC00  }
0xb1: {  	[dreg:$0x5] =	wrdreg $0x9  }
0xb2: {  	_ =	task.clear_ibuf [dreg:s7], $0x6FFFF;
	_ =	strace $0x90000046  }
0xb3: {  	s29 =	simm.s32 $0x9;
	_ =	strace $0x80000048  }
0xb4: {  	_ =	swait.ge [sflag:s29], $0x1  }
0xb5: {  	[sflag:s29] =	ssyncadd.s32 $0xFFFFFFFF  }
0xb6: {  	_ =	strace $0x90000048  }
0xb7: {  	_ =	sfence  }
0xb8: {  	s30 =	sld [smem:$0x0];
	_ =	sdelay $0x2  }
0xb9: {  	s31 =	sshll.u32 s1, $0xD;
	s1 =	sshrl.u32 s1, $0x2  }
0xba: {  	s3 =	sand.u32 $0x4000, s31;
	s1 =	sadd.s32 s1, s30  }
0xbb: {  	s0 =	sor.u32 s3, s0;
	s1 =	sshll.u32 s1, $0x11  }
0xbc: {  	s0 =	sor.u32 s1, s0  }
0xbd: {  	s0 =	sadd.s32 $0x8F2B, s0  }
0xbe: {  	[sflag:s0] =	ssyncadd.remote.s32 $0x1  }
0xbf: {  	_ =	sfence.sel $0xFFFF  }
0xc0: {  	[dreg:$0x0] =	wrdreg $0xFFFFFFFF;
	(pc) =	sbr.abs _section_cstart, $3  }
0xc1: {  	[dreg:$0x1] =	wrdreg $0xFFFFFFFF  }
0xc2: {  	_ =	task.clear_ibuf [dreg:s7], $0x2FFFF;
	_ =	strace $0x9FFFFFFF  }
0xc3: {  	(tm) =	ssettm $0x7FFFFFFF  }
tec
execute0_lowered:
.L_overlay_start_1:
0x0: {  	(tag) =	ssettag $0x1  }
0x1: {  	s5 =	rddreg [dreg:$0x0]  }
0x2: {  	s0 =	srdreg.scid;
	s7 =	rddreg [dreg:$0x1]  }
0x3: {  	s2 =	rddreg [dreg:$0x2];
	s3 =	simm.s32 $0x0;
	s14 =	simm.s32 $0x1  }
0x4: {  	s15 =	simm.s32 $0x1400;
	s16 =	simm.s32 $0xC800;
	s17 =	simm.s32 $0x80  }
0x5: {  	s18 =	simm.s32 $0xCC00;
	s4 =	sand.u32 $0x1, s0;
	s0 =	stileid.u32  }
0x6: {  	s19 =	simm.s32 $0x0;
	[smem:$0x7FF] =	sst s3;
	s9 =	smul.u32 $0x13C0, s0  }
0x7: {  	s1 =	sshll.u32 s4, $0x4;
	s10 =	smul.u32 $0x13C00, s4;
	s28 =	ssub.s32 $0x2, s4  }
0x8: {  	s4 =	sadd.s32 $0xFE00, s5;
	s31 =	sshll.u32 s0, $0x6;
	s6 =	sor.u32 s0, s1  }
0x9: {  	s1 =	rddreg [dreg:$0x3];
	_ =	strace $0x80000047;
	s8 =	smul.u32 $0x280, s6  }
0xa: {  	s29 =	sshrl.u32 s28, $0x1;
	s6 =	smul.u32 $0x1400, s6;
	s24 =	sadd.s32 s9, s10  }
0xb: {  	s13 =	ssub.s32 s28, s29;
	s30 =	sshrl.u32 s9, $0x3;
	s26 =	sshrl.u32 s24, $0x3  }
0xc: {  	s11 =	sadd.s32 s8, s5;
	s25 =	sadd.s32 s6, s5;
	s12 =	sadd.s32 s26, s5  }
0xd: {  	s5 =	sadd.s32 s9, s2;
	s6 =	sadd.s32 s7, s30;
	s7 =	sor.u32 $0x1C01, s31  }
0xe: {  	s8 =	sadd.s32 $0xAE00, s11;
	s9 =	sadd.s32 $0x5E00, s11;
	s10 =	sadd.s32 $0x24200, s25  }
0xf: {  	s11 =	sadd.s32 $0x10000, s12;
	s12 =	smax.u32 s13, $0x1;
	s13 =	sshrl.u32 s5, $0x3  }
.LBB2_1:
0x10: {  	[spmem:s13], [sflag:s7] =	dma.local [hbm:s6], $0x278  }
0x11: {  	_ =	swait.ge [sflag:s14], $0x278  }
0x12: {  	[sflag:s14] =	ssyncset.done $0x0  }
0x13: {  	[sflag:s14] =	ssyncadd.s32 $0xFFFFFD88  }
0x14: {  	[tilespmem:s3], [sflag:$0x1] =	stream.linear.gather [hbm4b:s8+s3], $0x1400, $0x38;
	[tilespmem:$0xF380] =	vst v63  }
0x15: {  	_ =	swait.ge [sflag:s14], $0x1400  }
0x16: {  	[sflag:s14] =	ssyncset.done $0x0  }
0x17: {  	[sflag:s14] =	ssyncadd.s32 $0xFFFFEC00  }
0x18: {  	[tilespmem:s15], [sflag:$0x1] =	stream.linear.gather [hbm4b:s9+s3], $0x1400, $0x38;
	[tilespmem:$0xF380] =	vst v63  }
0x19: {  	_ =	swait.ge [sflag:s14], $0x1400  }
0x1a: {  	[sflag:s14] =	ssyncset.done $0x0  }
0x1b: {  	s20 =	simm.s32 $0x2800;
	[sflag:s14] =	ssyncadd.s32 $0xFFFFEC00  }
0x1c: {  	[tilespmem:s20], [sflag:$0x1] =	stream.linear.gather [hbm4b:s10+s3], $0xA000, $0x38;
	[tilespmem:$0xF380] =	vst v63  }
0x1d: {  	_ =	swait.ge [sflag:s14], $0xA000  }
0x1e: {  	[sflag:s14] =	ssyncset.done $0x0  }
0x1f: {  	[sflag:s14] =	ssyncadd.s32 $0xFFFF6000  }
0x20: {  	[tilespmem:s16], [sflag:$0x1] =	stream.linear.gather [hbm4b:s4+s3], $0x400, $0x38;
	[tilespmem:$0xF380] =	vst v63  }
0x21: {  	_ =	swait.ge [sflag:s14], $0x400  }
0x22: {  	[sflag:s14] =	ssyncset.done $0x0  }
0x23: {  	[sflag:s14] =	ssyncadd.s32 $0xFFFFFC00  }
0x24: {  	s21 =	simm.s32 $0x0;
	[bflag:$0x0] =	sbarrier.arrive $0xFFFF  }
0x25: {  	[spmem:s2] =	stream.indirect.scatter.add.f32 [tilespmem:s16], [sflag:$0x1], $0x8, s21, s17, $0xb8;
	[tilespmem:$0xF380] =	vst v63  }
0x26: {  	_ =	swait.ge [sflag:s14], $0x400  }
0x27: {  	[sflag:s14] =	ssyncset.done $0x0  }
0x28: {  	s31 =	simm.s32 $0x1400;
	[sflag:s14] =	ssyncadd.s32 $0xFFFFFC00  }
0x29: {  	[spmem:s2] =	stream.indirect.scatter.add.f32 [tilespmem:s20], [sflag:$0x1], $0x8, s31, s17, $0xb8;
	[tilespmem:$0xF380] =	vst v63  }
0x2a: {  	s22 =	simm.s32 $0x400;
	_ =	swait.ge [sflag:s14], $0x400  }
0x2b: {  	s21 =	simm.s32 $0x200;
	s20 =	simm.s32 $0x2C00;
	[sflag:s14] =	ssyncset.done $0x0  }
.LBB2_2:
0x2c: {  	s23 =	sshra.s32 s21, $0x2  }
0x2d: {  	[sflag:s14] =	ssyncadd.s32 $0xFFFFFC00;
	s21 =	smov.u32 s22;
	s24 =	sadd.s32 $0x200, s22  }
0x2e: {  	[spmem:s2] =	stream.indirect.scatter.add.f32 [tilespmem:s16], [sflag:$0x1], $0x8, s23, s17, $0xb8;
	[tilespmem:$0xF380] =	vst v63  }
0x2f: {  	p0 =	sne.s32 s22, $0x4E00;
	_ =	swait.ge [sflag:s14], $0x400  }
.Ltmp0:
0x30: {  	[sflag:s14] =	ssyncset.done $0x0;
	(pc) =	sbr.rel @p0 .LBB2_2-.Ltmp0, $4  }
0x31: {  	s22 =	sadd.s32 $0x1400, s23;
	[sflag:s14] =	ssyncadd.s32 $0xFFFFFC00  }
0x32: {  	[spmem:s2] =	stream.indirect.scatter.add.f32 [tilespmem:s20], [sflag:$0x1], $0x8, s22, s17, $0xb8;
	[tilespmem:$0xF380] =	vst v63  }
0x33: {  	_ =	swait.ge [sflag:s14], $0x400  }
0x34: {  	s20 =	sadd.s32 $0x400, s20;
	s22 =	smov.u32 s24;
	[sflag:s14] =	ssyncset.done $0x0  }
0x35: {  	s21 =	sshra.s32 s21, $0x2;
	[sflag:s14] =	ssyncadd.s32 $0xFFFFFC00  }
0x36: {  	[spmem:s2] =	stream.indirect.scatter.add.f32 [tilespmem:s16], [sflag:$0x1], $0x8, s21, s17, $0xb8;
	[tilespmem:$0xF380] =	vst v63  }
0x37: {  	_ =	swait.ge [sflag:s14], $0x400  }
0x38: {  	[sflag:s14] =	ssyncset.done $0x0  }
0x39: {  	s21 =	sadd.s32 $0x1400, s21;
	[sflag:s14] =	ssyncadd.s32 $0xFFFFFC00  }
0x3a: {  	[spmem:s2] =	stream.indirect.scatter.add.f32 [tilespmem:s20], [sflag:$0x1], $0x8, s21, s17, $0xb8;
	[tilespmem:$0xF380] =	vst v63  }
0x3b: {  	_ =	swait.ge [sflag:s14], $0x400  }
0x3c: {  	[sflag:s14] =	ssyncset.done $0x0  }
0x3d: {  	[sflag:s14] =	ssyncadd.s32 $0xFFFFFC00  }
0x3e: {  	[bflag:$0x0] =	sbarrier.arrive $0xFFFF  }
0x3f: {  	[tilespmem:s18], [sflag:$0x1] =	stream.linear.gather [spmem:s5], $0x13C0, $0x38;
	[tilespmem:$0xF380] =	vst v63  }
0x40: {  	s19 =	sadd.s32 $0x1, s19;
	_ =	swait.ge [sflag:s14], $0x13C0  }
0x41: {  	p0 =	sne.s32 s19, s12;
	[sflag:s14] =	ssyncset.done $0x0  }
.Ltmp1:
0x42: {  	[sflag:s14] =	ssyncadd.s32 $0xFFFFEC40;
	(pc) =	sbr.rel @p0 .LBB2_1-.Ltmp1, $4  }
0x43: {  	[hbm4b:s11+s3] =	stream.linear.scatter [tilespmem:s18], [sflag:$0x1], $0x13C0, $0x38;
	[tilespmem:$0xF380] =	vst v63  }
0x44: {  	_ =	swait.ge [sflag:s14], $0x13C0  }
0x45: {  	[sflag:s14] =	ssyncset.done $0x0  }
0x46: {  	[sflag:s14] =	ssyncadd.s32 $0xFFFFEC40  }
0x47: {  	_ =	sfence.sel $0x180000  }
0x48: {  	[bflag:$0x0] =	sbarrier.arrive $0xFFFF  }
0x49: {  	p0 =	sne.s32 s0, $0x0;
	_ =	strace $0x90000047  }
0x4a: {  	s0 =	sadd.s32 @!p0 $0x100000, s1;
	[bflag:$0x2] =	sbarrier.arrive $0xFFFF  }
0x4b: {  	[sflag:s0] =	ssyncadd.tile.s32 @!p0 $0x1;
	_ =	shalt  }
.Lfunc_end2:
_tile_overlayer_lowered:
.L_overlay_start_2:
0x4c: {  	(tag) =	ssettag $0x2  }
0x4d: {  	s0 =	rddreg [dreg:$0x0];
	s2 =	stileid.u32  }
0x4e: {  	s1 =	rddreg [dreg:$0x1];
	p0 =	sne.s32 s2, $0x0  }
0x4f: {  	s3 =	rddreg [dreg:$0x2];
	[bflag:$0x3] =	sbarrier.arrive $0xFFFF;
	s2 =	simm.s32 @!p0 $0x1C01  }
0x50: {  	[timem:s3], [sflag:s2] =	dma.local @!p0 [hbm:s0], s1  }
0x51: {  	s0 =	simm.s32 @!p0 $0x1  }
0x52: {  	_ =	swait.ge @!p0 [sflag:s0], s1  }
0x53: {  	s1 =	ssub.s32 @!p0 $0x0, s1;
	[sflag:s0] =	ssyncset.done @!p0 $0x0  }
0x54: {  	[sflag:s0] =	ssyncadd.s32 @!p0 s1  }
0x55: {  	[bflag:$0x3] =	sbarrier.arrive $0xFFFF  }
0x56: {  	_ =	shalt  }

// kernel: kernel.23.cloned.1.call-start
scs
__scs_entry_jumppad:
0x0: {  	(pc) =	sbr.rel $0x88, $3  }
0x1: {  	(tag) =	ssettag $0x0;
	lr =	simm.s32 $0x1  }
0x2: {  	[smem:$0x3F98] =	sst lr;
	_ =	strace $0xD0000000  }
0x3: {  	_ = 	snop  }
0x4: {  	_ = 	snop  }
0x5: {  	_ = 	snop  }
0x6: {  	_ = 	snop  }
0x7: {  	_ = 	snop  }
__scs_overlays_trampoline_lowered:
0x8: {  	[smem:$0x3FA7] =	sst s0  }
0x9: {  	[smem:$0x3FA8] =	sst s1  }
0xa: {  	[smem:$0x3FA9] =	sst s2  }
0xb: {  	[smem:$0x3FAA] =	sst s3  }
0xc: {  	[smem:$0x3FAB] =	sst s4  }
0xd: {  	[smem:$0x3FAC] =	sst s5  }
0xe: {  	[smem:$0x3FAD] =	sst s6  }
0xf: {  	[smem:$0x3FAE] =	sst s7  }
0x10: {  	[smem:$0x3FAF] =	sst s8  }
0x11: {  	[smem:$0x3FB0] =	sst s9;
	s0 =	simm.s32 @!p0 $0x0  }
0x12: {  	s1 =	sld [smem:$0x3F96];
	s0 =	simm.s32 @p0 $0x1  }
0x13: {  	[smem:$0x3FB1] =	sst s0;
	s0 =	simm.s32 @!p1 $0x0  }
0x14: {  	s2 =	sld [smem:$0x3F95];
	s0 =	simm.s32 @p1 $0x1  }
0x15: {  	[smem:$0x3FB2] =	sst s0;
	s0 =	simm.s32 @!p2 $0x0  }
0x16: {  	s3 =	sld [smem:$0x3FDB];
	s0 =	simm.s32 @p2 $0x1  }
0x17: {  	s4 =	simm.s32 $0x1BF5;
	[smem:$0x3FB4] =	sst s0  }
0x18: {  	s0 =	sld [smem:$0x3F97];
	_ =	swait.ge [sflag:s4], $0x0  }
0x19: {  	s7 =	sld [smem:$0x3F98]  }
0x1a: {  	s8 =	sadd.s32 $0xFFFFE003, lr  }
0x1b: {  	s9 =	sadd.s32 $0xFFFFFEF7, lr;
	s5 =	simm.s32 $0xFFFFFFFF;
	p2 =	slt.u32 s8, $0xFFFFF086  }
0x1c: {  	p1 =	slt.u32 s9, $0xF7A;
	s5 =	simm.s32 @!p2 $0x0  }
0x1d: {  	s5 =	simm.s32 @p1 $0x1;
	p0 =	seq.s32 s7, s2  }
0x1e: {  	s7 =	smul.u32 @!p0 $0xF7A, s2;
	p2 =	seq.s32 @!p0 s5, $0x0  }
0x1f: {  	s9 =	smul.u32 $0xF7A, s1;
	s8 =	simm.s32 @!p0 $0x1BF5;
	p2 =	por !p2, p0  }
0x20: {  	[sflag:s8] =	ssyncset.s32 @!p0 $0xFFFFF086;
	s6 =	sadd.s32 @!p0 s3, s7;
	s7 =	simm.s32 @!p0 $0x108  }
0x21: {  	s3 =	sadd.s32 s3, s9;
	s6 =	sadd.s32 @!p0 $0x88, s6;
	s7 =	simm.s32 @p2 $0x1082  }
0x22: {  	[simem:s7], [sflag:s8] =	dma.local @!p0 [hbm:s6], $0xF7A  }
0x23: {  	s9 =	sor.u32 $0xD0000000, s2;
	s6 =	simm.s32 $0x108;
	_ =	swait.ge @!p0 [sflag:s8], $0x0  }
0x24: {  	s3 =	sadd.s32 $0x88, s3;
	s6 =	simm.s32 @!p1 $0x1082;
	[sflag:s4] =	ssyncset.s32 $0xFFFFF086  }
0x25: {  	[simem:s6], [sflag:s4] =	dma.local [hbm:s3], $0xF7A  }
0x26: {  	[smem:$0x3F98] =	sst s1;
	(tag) =	ssettag s2;
	_ =	strace s9  }
0x27: {  	s1 =	sld [smem:$0x3FA8]  }
0x28: {  	s2 =	sld [smem:$0x3FA9]  }
0x29: {  	s4 =	sld [smem:$0x3FAB]  }
0x2a: {  	p0 =	seq.s32 s5, $0x0;
	s5 =	sld [smem:$0x3FAC]  }
0x2b: {  	s6 =	sld [smem:$0x3FAD]  }
0x2c: {  	s7 =	sld [smem:$0x3FAE]  }
0x2d: {  	s3 =	simm.s32 $0x108;
	s8 =	sld [smem:$0x3FAF]  }
0x2e: {  	s3 =	simm.s32 @!p0 $0x1082;
	s9 =	sld [smem:$0x3FB0]  }
0x2f: {  	lr =	sadd.s32 s0, s3;
	s0 =	sld [smem:$0x3FA7]  }
0x30: {  	s3 =	sld [smem:$0x3FAA]  }
0x31: {  	[smem:$0x3FB3] =	sst s10  }
0x32: {  	s10 =	sld [smem:$0x3FB1];
	_ =	sdelay $0x3  }
0x33: {  	p0 =	seq.s32 s10, $0x1;
	s10 =	sld [smem:$0x3FB3];
	_ =	sdelay $0x3  }
0x34: {  	[smem:$0x3FB3] =	sst s10  }
0x35: {  	s10 =	sld [smem:$0x3FB2];
	_ =	sdelay $0x3  }
0x36: {  	p1 =	seq.s32 s10, $0x1;
	s10 =	sld [smem:$0x3FB3];
	_ =	sdelay $0x3  }
0x37: {  	[smem:$0x3FB3] =	sst s10  }
0x38: {  	s10 =	sld [smem:$0x3FB4]  }
0x39: {  	_ = 	snop;
	(pc) =	sbr.ind lr, $3  }
0x3a: {  	_ = 	snop  }
0x3b: {  	_ = 	snop  }
0x3c: {  	p2 =	seq.s32 s10, $0x1;
	s10 =	sld [smem:$0x3FB3]  }
0x3d: {  	_ =	shalt  }
0x3e: {  	_ =	shalt  }
0x3f: {  	_ =	shalt  }
0x40: {  	_ =	shalt  }
0x41: {  	_ =	shalt  }
0x42: {  	_ =	shalt  }
0x43: {  	_ =	shalt  }
0x44: {  	_ =	shalt  }
0x45: {  	_ =	shalt  }
0x46: {  	_ =	shalt  }
0x47: {  	_ =	shalt  }
0x48: {  	_ =	shalt  }
0x49: {  	_ =	shalt  }
0x4a: {  	_ =	shalt  }
0x4b: {  	_ =	shalt  }
0x4c: {  	_ =	shalt  }
0x4d: {  	_ =	shalt  }
0x4e: {  	_ =	shalt  }
0x4f: {  	_ =	shalt  }
0x50: {  	_ =	shalt  }
0x51: {  	_ =	shalt  }
0x52: {  	_ =	shalt  }
0x53: {  	_ =	shalt  }
0x54: {  	_ =	shalt  }
0x55: {  	_ =	shalt  }
0x56: {  	_ =	shalt  }
0x57: {  	_ =	shalt  }
0x58: {  	_ =	shalt  }
0x59: {  	_ =	shalt  }
0x5a: {  	_ =	shalt  }
0x5b: {  	_ =	shalt  }
0x5c: {  	_ =	shalt  }
0x5d: {  	_ =	shalt  }
0x5e: {  	_ =	shalt  }
0x5f: {  	_ =	shalt  }
0x60: {  	_ =	shalt  }
0x61: {  	_ =	shalt  }
0x62: {  	_ =	shalt  }
0x63: {  	_ =	shalt  }
0x64: {  	_ =	shalt  }
0x65: {  	_ =	shalt  }
0x66: {  	_ =	shalt  }
0x67: {  	_ =	shalt  }
0x68: {  	_ =	shalt  }
0x69: {  	_ =	shalt  }
0x6a: {  	_ =	shalt  }
0x6b: {  	_ =	shalt  }
0x6c: {  	_ =	shalt  }
0x6d: {  	_ =	shalt  }
0x6e: {  	_ =	shalt  }
0x6f: {  	_ =	shalt  }
0x70: {  	_ =	shalt  }
0x71: {  	_ =	shalt  }
0x72: {  	_ =	shalt  }
0x73: {  	_ =	shalt  }
0x74: {  	_ =	shalt  }
0x75: {  	_ =	shalt  }
0x76: {  	_ =	shalt  }
0x77: {  	_ =	shalt  }
0x78: {  	_ =	shalt  }
0x79: {  	_ =	shalt  }
0x7a: {  	_ =	shalt  }
0x7b: {  	_ =	shalt  }
0x7c: {  	_ =	shalt  }
0x7d: {  	_ =	shalt  }
0x7e: {  	_ =	shalt  }
0x7f: {  	_ =	shalt  }
0x80: {  	_ =	shalt  }
0x81: {  	_ =	shalt  }
0x82: {  	_ =	shalt  }
0x83: {  	_ =	shalt  }
0x84: {  	_ =	shalt  }
0x85: {  	_ =	shalt  }
0x86: {  	_ =	shalt  }
0x87: {  	_ =	shalt  }
.Lfunc_end0:
.L_simem_size_0:
called_computation.3_lowered:
.L_overlay_start_0:
0x88: {  	s2 =	sld [smem:$0x3FD9]  }
0x89: {  	s3 =	sld [smem:$0x3FFE];
	_ =	sdelay $0x1  }
0x8a: {  	s1 =	srdreg.scid  }
0x8b: {  	s0 =	sand.u32 $0x1, s1  }
0x8c: {  	s16 =	sshll.u32 s0, $0xA;
	s2 =	sadd.s32 s3, s2  }
0x8d: {  	s2 =	sadd.s32 s2, s16  }
0x8e: {  	[smem:$0x3FBF] =	sst s2  }
0x8f: {  	_ = 	snop  }
0x90: {  	(tm) =	ssettm $0x1  }
0x91: {  	s17 =	sld [smem:$0x3FFB];
	_ =	sdelay $0x3  }
0x92: {  	_ =	strace s17  }
0x93: {  	s2 =	sld [smem:$0x3FFC];
	_ =	sdelay $0x3  }
0x94: {  	_ =	strace s2  }
0x95: {  	s2 =	sld [smem:$0x3FFD];
	_ =	sdelay $0x3  }
0x96: {  	_ =	strace s2  }
0x97: {  	_ =	strace $0x8FFFFFFF  }
0x98: {  	s18 =	sld [smem:$0x3FDB];
	_ =	sdelay $0x1  }
0x99: {  	s19 =	simm.s32 $_scs_section_size  }
0x9a: {  	s4 =	simm.s32 $_size__tile_overlayer_lowered;
	s5 =	simm.s32 $_tile_overlayer_lowered  }
0x9b: {  	s22 =	simm.s32 $0x1BFF;
	s21 =	sshll.u32 s5, $0x1;
	s2 =	sadd.s32 s19, s18  }
0x9c: {  	s6 =	simm.s32 $0x0;
	s20 =	sshll.u32 s4, $0x1;
	s4 =	sadd.s32 s21, s2  }
0x9d: {  	[timem:s6], [sflag:s22] =	dma.local [hbm:s4], s20  }
0x9e: {  	_ =	swait.ge [sflag:s22], s20  }
0x9f: {  	s3 =	ssub.s32 $0x0, s20;
	[sflag:s22] =	ssyncset.done $0x0  }
0xa0: {  	[sflag:s22] =	ssyncadd.s32 s3;
	_ =	sdelay $0x1  }
0xa1: {  	s23 =	simm.s32 $0x1B8B  }
0xa2: {  	_ =	swait.ge [sflag:s23], $0x1  }
0xa3: {  	[sflag:s23] =	ssyncset.done $0x0  }
0xa4: {  	s25 =	simm.s32 $0x1B8E;
	s24 =	sld [smem:$0x3FFE];
	[sflag:s23] =	ssyncadd.s32 $0xFFFFFFFF  }
0xa5: {  	s26 =	simm.s32 $execute0_lowered;
	[smem:$0x3FD2] =	sst s25  }
0xa6: {  	s4 =	sshll.u32 s26, $0x1;
	_ =	strace $0x80000049;
	[dreg:$0x1] =	wrdreg $0xFFFFFFFF  }
0xa7: {  	s28 =	simm.s32 $_size_execute0_lowered;
	s2 =	sadd.s32 s2, s4;
	[dreg:$0x0] =	wrdreg $0x0  }
0xa8: {  	s4 =	sshll.u32 s28, $0x1;
	[dreg:$0x2] =	wrdreg s2  }
0xa9: {  	[dreg:$0x3] =	wrdreg s4  }
0xaa: {  	[dreg:$0x4] =	wrdreg $0xC0  }
0xab: {  	_ =	task [dreg:s6], $0x5FFFF  }
0xac: {  	[dreg:$0x1] =	wrdreg $0xFFFFFFFF  }
0xad: {  	[dreg:$0x0] =	wrdreg $0x60  }
0xae: {  	[dreg:$0x2] =	wrdreg s24  }
0xaf: {  	[dreg:$0x3] =	wrdreg $0x106000  }
0xb0: {  	[dreg:$0x4] =	wrdreg $0x9  }
0xb1: {  	_ =	task.clear_ibuf [dreg:s6], $0x5FFFF;
	_ =	strace $0x90000049  }
0xb2: {  	s29 =	simm.s32 $0x9;
	_ =	strace $0x8000004B  }
0xb3: {  	_ =	swait.ge [sflag:s29], $0x1  }
0xb4: {  	[sflag:s29] =	ssyncadd.s32 $0xFFFFFFFF  }
0xb5: {  	_ =	strace $0x9000004B  }
0xb6: {  	_ =	sfence  }
0xb7: {  	s30 =	sld [smem:$0x0];
	_ =	sdelay $0x2  }
0xb8: {  	s31 =	sshll.u32 s1, $0xD;
	s1 =	sshrl.u32 s1, $0x2  }
0xb9: {  	s3 =	sand.u32 $0x4000, s31;
	s1 =	sadd.s32 s1, s30  }
0xba: {  	s0 =	sor.u32 s3, s0;
	s1 =	sshll.u32 s1, $0x11  }
0xbb: {  	s0 =	sor.u32 s1, s0  }
0xbc: {  	s0 =	sadd.s32 $0x8F2B, s0  }
0xbd: {  	[sflag:s0] =	ssyncadd.remote.s32 $0x1  }
0xbe: {  	_ =	sfence.sel $0xFFFF  }
0xbf: {  	[dreg:$0x0] =	wrdreg $0xFFFFFFFF;
	(pc) =	sbr.abs _section_cstart, $3  }
0xc0: {  	[dreg:$0x1] =	wrdreg $0xFFFFFFFF  }
0xc1: {  	_ =	task.clear_ibuf [dreg:s6], $0x2FFFF;
	_ =	strace $0x9FFFFFFF  }
0xc2: {  	(tm) =	ssettm $0x7FFFFFFF  }
0xc3: {  	_ =	shalt  }
tec
execute0_lowered:
.L_overlay_start_1:
0x0: {  	(tag) =	ssettag $0x1  }
0x1: {  	s5 =	rddreg [dreg:$0x0]  }
0x2: {  	s0 =	srdreg.scid;
	s6 =	rddreg [dreg:$0x1];
	s2 =	simm.s32 $0x0  }
0x3: {  	s13 =	simm.s32 $0x1400;
	s14 =	simm.s32 $0x80;
	s15 =	simm.s32 $0x2800  }
0x4: {  	s16 =	simm.s32 $0x1;
	s17 =	simm.s32 $0x4800;
	s18 =	simm.s32 $0x2  }
0x5: {  	s19 =	simm.s32 $0x1380;
	s20 =	simm.s32 $0x6800;
	s21 =	simm.s32 $0x0  }
0x6: {  	s4 =	sand.u32 $0x1, s0;
	s0 =	stileid.u32;
	[smem:$0x7FF] =	sst s2  }
0x7: {  	s3 =	sadd.s32 $0x37600, s5;
	s1 =	sshll.u32 s4, $0x4;
	s8 =	smul.u32 $0x9E00, s0  }
0x8: {  	s9 =	smul.u32 $0x9E000, s4;
	s4 =	ssub.s32 $0x2, s4;
	s1 =	sor.u32 s0, s1  }
0x9: {  	s12 =	sshll.u32 s0, $0x6;
	s11 =	sshrl.u32 s4, $0x1;
	s7 =	smul.u32 $0x280, s1  }
0xa: {  	s1 =	rddreg [dreg:$0x2];
	_ =	strace $0x8000004A;
	s31 =	sshrl.u32 s8, $0x3  }
0xb: {  	s9 =	sadd.s32 s8, s9;
	s11 =	ssub.s32 s4, s11;
	s4 =	sadd.s32 s8, s6  }
0xc: {  	s6 =	sor.u32 $0x1C03, s12;
	s12 =	simm.s32 $0x3;
	s9 =	sshrl.u32 s9, $0x3  }
0xd: {  	s10 =	sadd.s32 s7, s5;
	s7 =	sadd.s32 s31, s5;
	s9 =	sadd.s32 s9, s5  }
0xe: {  	s5 =	sadd.s32 $0x4B200, s7;
	s7 =	sadd.s32 $0x5E00, s10;
	s8 =	sadd.s32 $0xAE00, s10  }
0xf: {  	s9 =	sadd.s32 $0x5EE00, s9;
	s10 =	smax.u32 s11, $0x1;
	s11 =	sshrl.u32 s4, $0x3  }
.LBB2_1:
0x10: {  	[spmem:s11], [sflag:s6] =	dma.local [hbm:s5], $0x13C0  }
0x11: {  	_ =	swait.ge [sflag:s12], $0x13C0  }
0x12: {  	[sflag:s12] =	ssyncset.done $0x0  }
0x13: {  	[sflag:s12] =	ssyncadd.s32 $0xFFFFEC40  }
0x14: {  	[tilespmem:s2], [sflag:$0x3] =	stream.linear.gather [hbm4b:s7+s2], $0x1400, $0x38;
	[tilespmem:$0x1A400] =	vst v63  }
0x15: {  	_ =	swait.ge [sflag:s12], $0x1400  }
0x16: {  	[sflag:s12] =	ssyncset.done $0x0  }
0x17: {  	[sflag:s12] =	ssyncadd.s32 $0xFFFFEC00  }
0x18: {  	[tilespmem:s13], [sflag:$0x3] =	stream.linear.gather [hbm4b:s8+s2], $0x1400, $0x38;
	[tilespmem:$0x1A400] =	vst v63  }
0x19: {  	_ =	swait.ge [sflag:s12], $0x1400  }
0x1a: {  	[sflag:s12] =	ssyncset.done $0x0  }
0x1b: {  	[sflag:s12] =	ssyncadd.s32 $0xFFFFEC00  }
0x1c: {  	[bflag:$0x0] =	sbarrier.arrive $0xFFFF  }
0x1d: {  	[tilespmem:s15], [sflag:$0x1] =	stream.indirect.gather [hbm4b:s3+s14], $0x40, s2, s14, $0xb8;
	[tilespmem:$0x1A400] =	vst v63  }
0x1e: {  	_ =	swait.ge [sflag:s16], $0x2000  }
0x1f: {  	[sflag:s16] =	ssyncset.done $0x0  }
0x20: {  	s22 =	simm.s32 $0x80;
	[sflag:s16] =	ssyncadd.s32 $0xFFFFE000  }
0x21: {  	[tilespmem:s17], [sflag:$0x2] =	stream.indirect.gather [hbm4b:s3+s14], $0x40, s22, s14, $0xb8;
	[tilespmem:$0x1A400] =	vst v63  }
0x22: {  	_ =	swait.ge [sflag:s18], $0x2000  }
0x23: {  	[sflag:s18] =	ssyncset.done $0x0  }
0x24: {  	s23 =	simm.s32 $0x100;
	s22 =	simm.s32 $0xFFFFB800;
	[sflag:s18] =	ssyncadd.s32 $0xFFFFE000  }
.LBB2_2:
0x25: {  	[tilespmem:s15], [sflag:$0x1] =	stream.indirect.gather [hbm4b:s3+s14], $0x40, s23, s14, $0xb8;
	[tilespmem:$0x1A400] =	vst v63  }
0x26: {  	s23 =	smov.u32 s22  }
0x27: {  	p0 =	sne.s32 s22, $0xFFFFFC00;
	s22 =	sadd.s32 $0x400, s22;
	_ =	swait.ge [sflag:s16], $0x2000  }
0x28: {  	s23 =	sshra.s32 s23, $0x2;
	[sflag:s16] =	ssyncset.done $0x0  }
.Ltmp0:
0x29: {  	s24 =	sadd.s32 $0x1380, s23;
	[sflag:s16] =	ssyncadd.s32 $0xFFFFE000;
	(pc) =	sbr.rel @p0 .LBB2_2-.Ltmp0, $4  }
0x2a: {  	[tilespmem:s17], [sflag:$0x2] =	stream.indirect.gather [hbm4b:s3+s14], $0x40, s24, s14, $0xb8;
	[tilespmem:$0x1A400] =	vst v63  }
0x2b: {  	_ =	swait.ge [sflag:s18], $0x2000  }
0x2c: {  	[sflag:s18] =	ssyncset.done $0x0  }
0x2d: {  	s23 =	sadd.s32 $0x1400, s23;
	[sflag:s18] =	ssyncadd.s32 $0xFFFFE000  }
0x2e: {  	[tilespmem:s15], [sflag:$0x1] =	stream.indirect.gather [hbm4b:s3+s14], $0x40, s23, s14, $0xb8;
	[tilespmem:$0x1A400] =	vst v63  }
0x2f: {  	_ =	swait.ge [sflag:s16], $0x2000  }
0x30: {  	[sflag:s16] =	ssyncset.done $0x0  }
0x31: {  	[sflag:s16] =	ssyncadd.s32 $0xFFFFE000  }
0x32: {  	[tilespmem:s17], [sflag:$0x2] =	stream.indirect.gather [hbm4b:s3+s14], $0x40, s19, s14, $0xb8;
	[tilespmem:$0x1A400] =	vst v63  }
0x33: {  	_ =	swait.ge [sflag:s18], $0x2000  }
0x34: {  	[sflag:s18] =	ssyncset.done $0x0  }
0x35: {  	[sflag:s18] =	ssyncadd.s32 $0xFFFFE000  }
0x36: {  	[bflag:$0x0] =	sbarrier.arrive $0xFFFF  }
0x37: {  	[tilespmem:s20], [sflag:$0x3] =	stream.linear.gather [spmem:s4], $0x9E00, $0x38;
	[tilespmem:$0x1A400] =	vst v63  }
0x38: {  	s21 =	sadd.s32 $0x1, s21;
	_ =	swait.ge [sflag:s12], $0x9E00  }
0x39: {  	p0 =	sne.s32 s21, s10;
	[sflag:s12] =	ssyncset.done $0x0  }
.Ltmp1:
0x3a: {  	[sflag:s12] =	ssyncadd.s32 $0xFFFF6200;
	(pc) =	sbr.rel @p0 .LBB2_1-.Ltmp1, $4  }
0x3b: {  	[hbm4b:s9+s2] =	stream.linear.scatter [tilespmem:s20], [sflag:$0x3], $0x9E00, $0x38;
	[tilespmem:$0x1A400] =	vst v63  }
0x3c: {  	_ =	swait.ge [sflag:s12], $0x9E00  }
0x3d: {  	[sflag:s12] =	ssyncset.done $0x0  }
0x3e: {  	[sflag:s12] =	ssyncadd.s32 $0xFFFF6200  }
0x3f: {  	_ =	sfence.sel $0x180000  }
0x40: {  	[bflag:$0x0] =	sbarrier.arrive $0xFFFF  }
0x41: {  	p0 =	sne.s32 s0, $0x0;
	_ =	strace $0x9000004A  }
0x42: {  	s0 =	sadd.s32 @!p0 $0x100000, s1;
	[bflag:$0x2] =	sbarrier.arrive $0xFFFF  }
0x43: {  	[sflag:s0] =	ssyncadd.tile.s32 @!p0 $0x1;
	_ =	shalt  }
.Lfunc_end2:
_tile_overlayer_lowered:
.L_overlay_start_2:
0x44: {  	(tag) =	ssettag $0x2  }
0x45: {  	s0 =	rddreg [dreg:$0x0];
	s2 =	stileid.u32  }
0x46: {  	s1 =	rddreg [dreg:$0x1];
	p0 =	sne.s32 s2, $0x0  }
0x47: {  	s3 =	rddreg [dreg:$0x2];
	[bflag:$0x3] =	sbarrier.arrive $0xFFFF;
	s2 =	simm.s32 @!p0 $0x1C03  }
0x48: {  	[timem:s3], [sflag:s2] =	dma.local @!p0 [hbm:s0], s1  }
0x49: {  	s0 =	simm.s32 @!p0 $0x3  }
0x4a: {  	_ =	swait.ge @!p0 [sflag:s0], s1  }
0x4b: {  	s1 =	ssub.s32 @!p0 $0x0, s1;
	[sflag:s0] =	ssyncset.done @!p0 $0x0  }
0x4c: {  	[sflag:s0] =	ssyncadd.s32 @!p0 s1  }
0x4d: {  	[bflag:$0x3] =	sbarrier.arrive $0xFFFF  }
0x4e: {  	_ =	shalt  }

// kernel: kernel.26.cloned.1.call-start
scs
__scs_entry_jumppad:
0x0: {  	(pc) =	sbr.rel $0x88, $3  }
0x1: {  	(tag) =	ssettag $0x0;
	lr =	simm.s32 $0x1  }
0x2: {  	[smem:$0x3F98] =	sst lr;
	_ =	strace $0xD0000000  }
0x3: {  	_ = 	snop  }
0x4: {  	_ = 	snop  }
0x5: {  	_ = 	snop  }
0x6: {  	_ = 	snop  }
0x7: {  	_ = 	snop  }
__scs_overlays_trampoline_lowered:
0x8: {  	[smem:$0x3FA7] =	sst s0  }
0x9: {  	[smem:$0x3FA8] =	sst s1  }
0xa: {  	[smem:$0x3FA9] =	sst s2  }
0xb: {  	[smem:$0x3FAA] =	sst s3  }
0xc: {  	[smem:$0x3FAB] =	sst s4  }
0xd: {  	[smem:$0x3FAC] =	sst s5  }
0xe: {  	[smem:$0x3FAD] =	sst s6  }
0xf: {  	[smem:$0x3FAE] =	sst s7  }
0x10: {  	[smem:$0x3FAF] =	sst s8  }
0x11: {  	[smem:$0x3FB0] =	sst s9;
	s0 =	simm.s32 @!p0 $0x0  }
0x12: {  	s1 =	sld [smem:$0x3F96];
	s0 =	simm.s32 @p0 $0x1  }
0x13: {  	[smem:$0x3FB1] =	sst s0;
	s0 =	simm.s32 @!p1 $0x0  }
0x14: {  	s2 =	sld [smem:$0x3F95];
	s0 =	simm.s32 @p1 $0x1  }
0x15: {  	[smem:$0x3FB2] =	sst s0;
	s0 =	simm.s32 @!p2 $0x0  }
0x16: {  	s3 =	sld [smem:$0x3FDB];
	s0 =	simm.s32 @p2 $0x1  }
0x17: {  	s4 =	simm.s32 $0x1BF5;
	[smem:$0x3FB4] =	sst s0  }
0x18: {  	s0 =	sld [smem:$0x3F97];
	_ =	swait.ge [sflag:s4], $0x0  }
0x19: {  	s7 =	sld [smem:$0x3F98]  }
0x1a: {  	s8 =	sadd.s32 $0xFFFFE003, lr  }
0x1b: {  	s9 =	sadd.s32 $0xFFFFFEF7, lr;
	s5 =	simm.s32 $0xFFFFFFFF;
	p2 =	slt.u32 s8, $0xFFFFF086  }
0x1c: {  	p1 =	slt.u32 s9, $0xF7A;
	s5 =	simm.s32 @!p2 $0x0  }
0x1d: {  	s5 =	simm.s32 @p1 $0x1;
	p0 =	seq.s32 s7, s2  }
0x1e: {  	s7 =	smul.u32 @!p0 $0xF7A, s2;
	p2 =	seq.s32 @!p0 s5, $0x0  }
0x1f: {  	s9 =	smul.u32 $0xF7A, s1;
	s8 =	simm.s32 @!p0 $0x1BF5;
	p2 =	por !p2, p0  }
0x20: {  	[sflag:s8] =	ssyncset.s32 @!p0 $0xFFFFF086;
	s6 =	sadd.s32 @!p0 s3, s7;
	s7 =	simm.s32 @!p0 $0x108  }
0x21: {  	s3 =	sadd.s32 s3, s9;
	s6 =	sadd.s32 @!p0 $0x88, s6;
	s7 =	simm.s32 @p2 $0x1082  }
0x22: {  	[simem:s7], [sflag:s8] =	dma.local @!p0 [hbm:s6], $0xF7A  }
0x23: {  	s9 =	sor.u32 $0xD0000000, s2;
	s6 =	simm.s32 $0x108;
	_ =	swait.ge @!p0 [sflag:s8], $0x0  }
0x24: {  	s3 =	sadd.s32 $0x88, s3;
	s6 =	simm.s32 @!p1 $0x1082;
	[sflag:s4] =	ssyncset.s32 $0xFFFFF086  }
0x25: {  	[simem:s6], [sflag:s4] =	dma.local [hbm:s3], $0xF7A  }
0x26: {  	[smem:$0x3F98] =	sst s1;
	(tag) =	ssettag s2;
	_ =	strace s9  }
0x27: {  	s1 =	sld [smem:$0x3FA8]  }
0x28: {  	s2 =	sld [smem:$0x3FA9]  }
0x29: {  	s4 =	sld [smem:$0x3FAB]  }
0x2a: {  	p0 =	seq.s32 s5, $0x0;
	s5 =	sld [smem:$0x3FAC]  }
0x2b: {  	s6 =	sld [smem:$0x3FAD]  }
0x2c: {  	s7 =	sld [smem:$0x3FAE]  }
0x2d: {  	s3 =	simm.s32 $0x108;
	s8 =	sld [smem:$0x3FAF]  }
0x2e: {  	s3 =	simm.s32 @!p0 $0x1082;
	s9 =	sld [smem:$0x3FB0]  }
0x2f: {  	lr =	sadd.s32 s0, s3;
	s0 =	sld [smem:$0x3FA7]  }
0x30: {  	s3 =	sld [smem:$0x3FAA]  }
0x31: {  	[smem:$0x3FB3] =	sst s10  }
0x32: {  	s10 =	sld [smem:$0x3FB1];
	_ =	sdelay $0x3  }
0x33: {  	p0 =	seq.s32 s10, $0x1;
	s10 =	sld [smem:$0x3FB3];
	_ =	sdelay $0x3  }
0x34: {  	[smem:$0x3FB3] =	sst s10  }
0x35: {  	s10 =	sld [smem:$0x3FB2];
	_ =	sdelay $0x3  }
0x36: {  	p1 =	seq.s32 s10, $0x1;
	s10 =	sld [smem:$0x3FB3];
	_ =	sdelay $0x3  }
0x37: {  	[smem:$0x3FB3] =	sst s10  }
0x38: {  	s10 =	sld [smem:$0x3FB4]  }
0x39: {  	_ = 	snop;
	(pc) =	sbr.ind lr, $3  }
0x3a: {  	_ = 	snop  }
0x3b: {  	_ = 	snop  }
0x3c: {  	p2 =	seq.s32 s10, $0x1;
	s10 =	sld [smem:$0x3FB3]  }
0x3d: {  	_ =	shalt  }
0x3e: {  	_ =	shalt  }
0x3f: {  	_ =	shalt  }
0x40: {  	_ =	shalt  }
0x41: {  	_ =	shalt  }
0x42: {  	_ =	shalt  }
0x43: {  	_ =	shalt  }
0x44: {  	_ =	shalt  }
0x45: {  	_ =	shalt  }
0x46: {  	_ =	shalt  }
0x47: {  	_ =	shalt  }
0x48: {  	_ =	shalt  }
0x49: {  	_ =	shalt  }
0x4a: {  	_ =	shalt  }
0x4b: {  	_ =	shalt  }
0x4c: {  	_ =	shalt  }
0x4d: {  	_ =	shalt  }
0x4e: {  	_ =	shalt  }
0x4f: {  	_ =	shalt  }
0x50: {  	_ =	shalt  }
0x51: {  	_ =	shalt  }
0x52: {  	_ =	shalt  }
0x53: {  	_ =	shalt  }
0x54: {  	_ =	shalt  }
0x55: {  	_ =	shalt  }
0x56: {  	_ =	shalt  }
0x57: {  	_ =	shalt  }
0x58: {  	_ =	shalt  }
0x59: {  	_ =	shalt  }
0x5a: {  	_ =	shalt  }
0x5b: {  	_ =	shalt  }
0x5c: {  	_ =	shalt  }
0x5d: {  	_ =	shalt  }
0x5e: {  	_ =	shalt  }
0x5f: {  	_ =	shalt  }
0x60: {  	_ =	shalt  }
0x61: {  	_ =	shalt  }
0x62: {  	_ =	shalt  }
0x63: {  	_ =	shalt  }
0x64: {  	_ =	shalt  }
0x65: {  	_ =	shalt  }
0x66: {  	_ =	shalt  }
0x67: {  	_ =	shalt  }
0x68: {  	_ =	shalt  }
0x69: {  	_ =	shalt  }
0x6a: {  	_ =	shalt  }
0x6b: {  	_ =	shalt  }
0x6c: {  	_ =	shalt  }
0x6d: {  	_ =	shalt  }
0x6e: {  	_ =	shalt  }
0x6f: {  	_ =	shalt  }
0x70: {  	_ =	shalt  }
0x71: {  	_ =	shalt  }
0x72: {  	_ =	shalt  }
0x73: {  	_ =	shalt  }
0x74: {  	_ =	shalt  }
0x75: {  	_ =	shalt  }
0x76: {  	_ =	shalt  }
0x77: {  	_ =	shalt  }
0x78: {  	_ =	shalt  }
0x79: {  	_ =	shalt  }
0x7a: {  	_ =	shalt  }
0x7b: {  	_ =	shalt  }
0x7c: {  	_ =	shalt  }
0x7d: {  	_ =	shalt  }
0x7e: {  	_ =	shalt  }
0x7f: {  	_ =	shalt  }
0x80: {  	_ =	shalt  }
0x81: {  	_ =	shalt  }
0x82: {  	_ =	shalt  }
0x83: {  	_ =	shalt  }
0x84: {  	_ =	shalt  }
0x85: {  	_ =	shalt  }
0x86: {  	_ =	shalt  }
0x87: {  	_ =	shalt  }
.Lfunc_end0:
.L_simem_size_0:
called_computation.4_lowered:
.L_overlay_start_0:
0x88: {  	s2 =	sld [smem:$0x3FD9]  }
0x89: {  	s3 =	sld [smem:$0x3FFE];
	_ =	sdelay $0x1  }
0x8a: {  	s1 =	srdreg.scid  }
0x8b: {  	s0 =	sand.u32 $0x1, s1  }
0x8c: {  	s17 =	sshll.u32 s0, $0xA;
	s2 =	sadd.s32 s3, s2  }
0x8d: {  	s2 =	sadd.s32 s2, s17  }
0x8e: {  	[smem:$0x3FBF] =	sst s2  }
0x8f: {  	_ = 	snop  }
0x90: {  	s2 =	sld [smem:$0x3FD0];
	(tm) =	ssettm $0x1  }
0x91: {  	s18 =	sld [smem:$0x3FFB];
	_ =	sdelay $0x3  }
0x92: {  	_ =	strace s18  }
0x93: {  	s3 =	sld [smem:$0x3FFC];
	_ =	sdelay $0x3  }
0x94: {  	_ =	strace s3  }
0x95: {  	s3 =	sld [smem:$0x3FFD];
	_ =	sdelay $0x3  }
0x96: {  	_ =	strace s3  }
0x97: {  	_ =	strace $0x8FFFFFFF  }
0x98: {  	s19 =	sld [smem:$0x3FDB];
	_ =	sdelay $0x1  }
0x99: {  	s4 =	simm.s32 $_scs_section_size  }
0x9a: {  	s5 =	simm.s32 $_size__tile_overlayer_lowered;
	s6 =	simm.s32 $_tile_overlayer_lowered  }
0x9b: {  	s22 =	simm.s32 $0x1BFF;
	s21 =	sshll.u32 s6, $0x1;
	s3 =	sadd.s32 s4, s19  }
0x9c: {  	s7 =	simm.s32 $0x0;
	s20 =	sshll.u32 s5, $0x1;
	s5 =	sadd.s32 s21, s3  }
0x9d: {  	[timem:s7], [sflag:s22] =	dma.local [hbm:s5], s20  }
0x9e: {  	_ =	swait.ge [sflag:s22], s20  }
0x9f: {  	s4 =	ssub.s32 $0x0, s20;
	[sflag:s22] =	ssyncset.done $0x0  }
0xa0: {  	[sflag:s22] =	ssyncadd.s32 s4;
	_ =	sdelay $0x1  }
0xa1: {  	s23 =	simm.s32 $0x1B8B  }
0xa2: {  	_ =	swait.ge [sflag:s23], $0x1  }
0xa3: {  	[sflag:s23] =	ssyncset.done $0x0  }
0xa4: {  	s25 =	simm.s32 $0x1B8E;
	s24 =	sld [smem:$0x3FFE];
	[sflag:s23] =	ssyncadd.s32 $0xFFFFFFFF  }
0xa5: {  	s26 =	simm.s32 $execute0_lowered;
	[smem:$0x3FD2] =	sst s25  }
0xa6: {  	s5 =	sshll.u32 s26, $0x1;
	_ =	strace $0x8000004C;
	[dreg:$0x1] =	wrdreg $0xFFFFFFFF  }
0xa7: {  	s28 =	simm.s32 $_size_execute0_lowered;
	s3 =	sadd.s32 s3, s5;
	[dreg:$0x0] =	wrdreg $0x0  }
0xa8: {  	s5 =	sshll.u32 s28, $0x1;
	[dreg:$0x2] =	wrdreg s3  }
0xa9: {  	[dreg:$0x3] =	wrdreg s5  }
0xaa: {  	[dreg:$0x4] =	wrdreg $0xC0  }
0xab: {  	_ =	task [dreg:s7], $0x5FFFF  }
0xac: {  	[dreg:$0x1] =	wrdreg $0xFFFFFFFF  }
0xad: {  	[dreg:$0x0] =	wrdreg $0x60  }
0xae: {  	[dreg:$0x2] =	wrdreg s24  }
0xaf: {  	[dreg:$0x3] =	wrdreg s2  }
0xb0: {  	[dreg:$0x4] =	wrdreg $0x43C00  }
0xb1: {  	[dreg:$0x5] =	wrdreg $0x9  }
0xb2: {  	_ =	task.clear_ibuf [dreg:s7], $0x6FFFF;
	_ =	strace $0x9000004C  }
0xb3: {  	s29 =	simm.s32 $0x9;
	_ =	strace $0x8000004E  }
0xb4: {  	_ =	swait.ge [sflag:s29], $0x1  }
0xb5: {  	[sflag:s29] =	ssyncadd.s32 $0xFFFFFFFF  }
0xb6: {  	_ =	strace $0x9000004E  }
0xb7: {  	_ =	sfence  }
0xb8: {  	s30 =	sld [smem:$0x0];
	_ =	sdelay $0x2  }
0xb9: {  	s31 =	sshll.u32 s1, $0xD;
	s1 =	sshrl.u32 s1, $0x2  }
0xba: {  	s3 =	sand.u32 $0x4000, s31;
	s1 =	sadd.s32 s1, s30  }
0xbb: {  	s0 =	sor.u32 s3, s0;
	s1 =	sshll.u32 s1, $0x11  }
0xbc: {  	s0 =	sor.u32 s1, s0  }
0xbd: {  	s0 =	sadd.s32 $0x8F2B, s0  }
0xbe: {  	[sflag:s0] =	ssyncadd.remote.s32 $0x1  }
0xbf: {  	_ =	sfence.sel $0xFFFF  }
0xc0: {  	[dreg:$0x0] =	wrdreg $0xFFFFFFFF;
	(pc) =	sbr.abs _section_cstart, $3  }
0xc1: {  	[dreg:$0x1] =	wrdreg $0xFFFFFFFF  }
0xc2: {  	_ =	task.clear_ibuf [dreg:s7], $0x2FFFF;
	_ =	strace $0x9FFFFFFF  }
0xc3: {  	(tm) =	ssettm $0x7FFFFFFF  }
tec
execute0_lowered:
.L_overlay_start_1:
0x0: {  	(tag) =	ssettag $0x1  }
0x1: {  	s4 =	rddreg [dreg:$0x0]  }
0x2: {  	s5 =	rddreg [dreg:$0x1]  }
0x3: {  	s6 =	rddreg [dreg:$0x2];
	s2 =	srdreg.scid  }
0x4: {  	s1 =	stileid.u32;
	s0 =	rddreg [dreg:$0x3];
	s13 =	simm.s32 $0x1400  }
0x5: {  	s14 =	simm.s32 $0x80;
	s15 =	simm.s32 $0x2800;
	s16 =	simm.s32 $0x1  }
0x6: {  	s17 =	simm.s32 $0x2C00;
	s18 =	simm.s32 $0x2;
	s19 =	simm.s32 $0x1380  }
0x7: {  	s20 =	simm.s32 $0x3000;
	s21 =	simm.s32 $0x0;
	s7 =	sand.u32 $0x1, s2  }
0x8: {  	s8 =	smul.u32 $0x13C0, s1;
	s2 =	simm.s32 $0x0;
	s12 =	sshll.u32 s1, $0x6  }
0x9: {  	s3 =	sshll.u32 s7, $0x4;
	s9 =	smul.u32 $0x13C00, s7;
	[smem:$0x7FF] =	sst s2  }
0xa: {  	s7 =	ssub.s32 $0x2, s7;
	s3 =	sor.u32 s1, s3;
	_ =	strace $0x8000004D  }
0xb: {  	s30 =	sshrl.u32 s7, $0x1;
	s31 =	sshrl.u32 s8, $0x3;
	s10 =	smul.u32 $0x280, s3  }
0xc: {  	s9 =	sadd.s32 s8, s9;
	s3 =	sadd.s32 $0x37600, s4;
	s11 =	ssub.s32 s7, s30  }
0xd: {  	s5 =	sadd.s32 s5, s31;
	s9 =	sshrl.u32 s9, $0x3;
	s10 =	sadd.s32 s10, s4  }
0xe: {  	s9 =	sadd.s32 s9, s4;
	s4 =	sadd.s32 s8, s6;
	s6 =	sor.u32 $0x1C03, s12  }
0xf: {  	s12 =	simm.s32 $0x3;
	s7 =	sadd.s32 $0x5E00, s10;
	s8 =	sadd.s32 $0xAE00, s10  }
0x10: {  	s9 =	sadd.s32 $0x39E00, s9;
	s10 =	smax.u32 s11, $0x1;
	s11 =	sshrl.u32 s4, $0x3  }
.LBB2_1:
0x11: {  	[spmem:s11], [sflag:s6] =	dma.local [hbm:s5], $0x278  }
0x12: {  	_ =	swait.ge [sflag:s12], $0x278  }
0x13: {  	[sflag:s12] =	ssyncset.done $0x0  }
0x14: {  	[sflag:s12] =	ssyncadd.s32 $0xFFFFFD88  }
0x15: {  	[tilespmem:s2], [sflag:$0x3] =	stream.linear.gather [hbm4b:s7+s2], $0x1400, $0x38;
	[tilespmem:$0x5780] =	vst v63  }
0x16: {  	_ =	swait.ge [sflag:s12], $0x1400  }
0x17: {  	[sflag:s12] =	ssyncset.done $0x0  }
0x18: {  	[sflag:s12] =	ssyncadd.s32 $0xFFFFEC00  }
0x19: {  	[tilespmem:s13], [sflag:$0x3] =	stream.linear.gather [hbm4b:s8+s2], $0x1400, $0x38;
	[tilespmem:$0x5780] =	vst v63  }
0x1a: {  	_ =	swait.ge [sflag:s12], $0x1400  }
0x1b: {  	[sflag:s12] =	ssyncset.done $0x0  }
0x1c: {  	[sflag:s12] =	ssyncadd.s32 $0xFFFFEC00  }
0x1d: {  	[bflag:$0x0] =	sbarrier.arrive $0xFFFF  }
0x1e: {  	[tilespmem:s15], [sflag:$0x1] =	stream.indirect.gather [hbm4b:s3+s14], $0x8, s2, s14, $0xb8;
	[tilespmem:$0x5780] =	vst v63  }
0x1f: {  	_ =	swait.ge [sflag:s16], $0x400  }
0x20: {  	[sflag:s16] =	ssyncset.done $0x0  }
0x21: {  	s22 =	simm.s32 $0x80;
	[sflag:s16] =	ssyncadd.s32 $0xFFFFFC00  }
0x22: {  	[tilespmem:s17], [sflag:$0x2] =	stream.indirect.gather [hbm4b:s3+s14], $0x8, s22, s14, $0xb8;
	[tilespmem:$0x5780] =	vst v63  }
0x23: {  	_ =	swait.ge [sflag:s18], $0x400  }
0x24: {  	[sflag:s18] =	ssyncset.done $0x0  }
0x25: {  	s23 =	simm.s32 $0x100;
	s22 =	simm.s32 $0xFFFFB800;
	[sflag:s18] =	ssyncadd.s32 $0xFFFFFC00  }
.LBB2_2:
0x26: {  	[tilespmem:s15], [sflag:$0x1] =	stream.indirect.gather [hbm4b:s3+s14], $0x8, s23, s14, $0xb8;
	[tilespmem:$0x5780] =	vst v63  }
0x27: {  	s23 =	smov.u32 s22  }
0x28: {  	p0 =	sne.s32 s22, $0xFFFFFC00;
	s22 =	sadd.s32 $0x400, s22;
	_ =	swait.ge [sflag:s16], $0x400  }
0x29: {  	s23 =	sshra.s32 s23, $0x2;
	[sflag:s16] =	ssyncset.done $0x0  }
.Ltmp0:
0x2a: {  	s24 =	sadd.s32 $0x1380, s23;
	[sflag:s16] =	ssyncadd.s32 $0xFFFFFC00;
	(pc) =	sbr.rel @p0 .LBB2_2-.Ltmp0, $4  }
0x2b: {  	[tilespmem:s17], [sflag:$0x2] =	stream.indirect.gather [hbm4b:s3+s14], $0x8, s24, s14, $0xb8;
	[tilespmem:$0x5780] =	vst v63  }
0x2c: {  	_ =	swait.ge [sflag:s18], $0x400  }
0x2d: {  	[sflag:s18] =	ssyncset.done $0x0  }
0x2e: {  	s23 =	sadd.s32 $0x1400, s23;
	[sflag:s18] =	ssyncadd.s32 $0xFFFFFC00  }
0x2f: {  	[tilespmem:s15], [sflag:$0x1] =	stream.indirect.gather [hbm4b:s3+s14], $0x8, s23, s14, $0xb8;
	[tilespmem:$0x5780] =	vst v63  }
0x30: {  	_ =	swait.ge [sflag:s16], $0x400  }
0x31: {  	[sflag:s16] =	ssyncset.done $0x0  }
0x32: {  	[sflag:s16] =	ssyncadd.s32 $0xFFFFFC00  }
0x33: {  	[tilespmem:s17], [sflag:$0x2] =	stream.indirect.gather [hbm4b:s3+s14], $0x8, s19, s14, $0xb8;
	[tilespmem:$0x5780] =	vst v63  }
0x34: {  	_ =	swait.ge [sflag:s18], $0x400  }
0x35: {  	[sflag:s18] =	ssyncset.done $0x0  }
0x36: {  	[sflag:s18] =	ssyncadd.s32 $0xFFFFFC00  }
0x37: {  	[bflag:$0x0] =	sbarrier.arrive $0xFFFF  }
0x38: {  	[tilespmem:s20], [sflag:$0x3] =	stream.linear.gather [spmem:s4], $0x13C0, $0x38;
	[tilespmem:$0x5780] =	vst v63  }
0x39: {  	s21 =	sadd.s32 $0x1, s21;
	_ =	swait.ge [sflag:s12], $0x13C0  }
0x3a: {  	p0 =	sne.s32 s21, s10;
	[sflag:s12] =	ssyncset.done $0x0  }
.Ltmp1:
0x3b: {  	[sflag:s12] =	ssyncadd.s32 $0xFFFFEC40;
	(pc) =	sbr.rel @p0 .LBB2_1-.Ltmp1, $4  }
0x3c: {  	[hbm4b:s9+s2] =	stream.linear.scatter [tilespmem:s20], [sflag:$0x3], $0x13C0, $0x38;
	[tilespmem:$0x5780] =	vst v63  }
0x3d: {  	_ =	swait.ge [sflag:s12], $0x13C0  }
0x3e: {  	[sflag:s12] =	ssyncset.done $0x0  }
0x3f: {  	[sflag:s12] =	ssyncadd.s32 $0xFFFFEC40  }
0x40: {  	_ =	sfence.sel $0x180000  }
0x41: {  	[bflag:$0x0] =	sbarrier.arrive $0xFFFF  }
0x42: {  	p0 =	sne.s32 s1, $0x0;
	_ =	strace $0x9000004D  }
0x43: {  	s0 =	sadd.s32 @!p0 $0x100000, s0;
	[bflag:$0x2] =	sbarrier.arrive $0xFFFF  }
0x44: {  	[sflag:s0] =	ssyncadd.tile.s32 @!p0 $0x1;
	_ =	shalt  }
.Lfunc_end2:
_tile_overlayer_lowered:
.L_overlay_start_2:
0x45: {  	(tag) =	ssettag $0x2  }
0x46: {  	s0 =	rddreg [dreg:$0x0];
	s2 =	stileid.u32  }
0x47: {  	s1 =	rddreg [dreg:$0x1];
	p0 =	sne.s32 s2, $0x0  }
0x48: {  	s3 =	rddreg [dreg:$0x2];
	[bflag:$0x3] =	sbarrier.arrive $0xFFFF;
	s2 =	simm.s32 @!p0 $0x1C03  }
0x49: {  	[timem:s3], [sflag:s2] =	dma.local @!p0 [hbm:s0], s1  }
0x4a: {  	s0 =	simm.s32 @!p0 $0x3  }
0x4b: {  	_ =	swait.ge @!p0 [sflag:s0], s1  }
0x4c: {  	s1 =	ssub.s32 @!p0 $0x0, s1;
	[sflag:s0] =	ssyncset.done @!p0 $0x0  }
0x4d: {  	[sflag:s0] =	ssyncadd.s32 @!p0 s1  }
0x4e: {  	[bflag:$0x3] =	sbarrier.arrive $0xFFFF  }
0x4f: {  	_ =	shalt  }

// kernel: kernel.29.cloned.1.call-start
scs
__scs_entry_jumppad:
0x0: {  	(pc) =	sbr.rel $0x88, $3  }
0x1: {  	(tag) =	ssettag $0x0;
	lr =	simm.s32 $0x1  }
0x2: {  	[smem:$0x3F98] =	sst lr;
	_ =	strace $0xD0000000  }
0x3: {  	_ = 	snop  }
0x4: {  	_ = 	snop  }
0x5: {  	_ = 	snop  }
0x6: {  	_ = 	snop  }
0x7: {  	_ = 	snop  }
__scs_overlays_trampoline_lowered:
0x8: {  	[smem:$0x3FA7] =	sst s0  }
0x9: {  	[smem:$0x3FA8] =	sst s1  }
0xa: {  	[smem:$0x3FA9] =	sst s2  }
0xb: {  	[smem:$0x3FAA] =	sst s3  }
0xc: {  	[smem:$0x3FAB] =	sst s4  }
0xd: {  	[smem:$0x3FAC] =	sst s5  }
0xe: {  	[smem:$0x3FAD] =	sst s6  }
0xf: {  	[smem:$0x3FAE] =	sst s7  }
0x10: {  	[smem:$0x3FAF] =	sst s8  }
0x11: {  	[smem:$0x3FB0] =	sst s9;
	s0 =	simm.s32 @!p0 $0x0  }
0x12: {  	s1 =	sld [smem:$0x3F96];
	s0 =	simm.s32 @p0 $0x1  }
0x13: {  	[smem:$0x3FB1] =	sst s0;
	s0 =	simm.s32 @!p1 $0x0  }
0x14: {  	s2 =	sld [smem:$0x3F95];
	s0 =	simm.s32 @p1 $0x1  }
0x15: {  	[smem:$0x3FB2] =	sst s0;
	s0 =	simm.s32 @!p2 $0x0  }
0x16: {  	s3 =	sld [smem:$0x3FDB];
	s0 =	simm.s32 @p2 $0x1  }
0x17: {  	s4 =	simm.s32 $0x1BF5;
	[smem:$0x3FB4] =	sst s0  }
0x18: {  	s0 =	sld [smem:$0x3F97];
	_ =	swait.ge [sflag:s4], $0x0  }
0x19: {  	s7 =	sld [smem:$0x3F98]  }
0x1a: {  	s8 =	sadd.s32 $0xFFFFE003, lr  }
0x1b: {  	s9 =	sadd.s32 $0xFFFFFEF7, lr;
	s5 =	simm.s32 $0xFFFFFFFF;
	p2 =	slt.u32 s8, $0xFFFFF086  }
0x1c: {  	p1 =	slt.u32 s9, $0xF7A;
	s5 =	simm.s32 @!p2 $0x0  }
0x1d: {  	s5 =	simm.s32 @p1 $0x1;
	p0 =	seq.s32 s7, s2  }
0x1e: {  	s7 =	smul.u32 @!p0 $0xF7A, s2;
	p2 =	seq.s32 @!p0 s5, $0x0  }
0x1f: {  	s9 =	smul.u32 $0xF7A, s1;
	s8 =	simm.s32 @!p0 $0x1BF5;
	p2 =	por !p2, p0  }
0x20: {  	[sflag:s8] =	ssyncset.s32 @!p0 $0xFFFFF086;
	s6 =	sadd.s32 @!p0 s3, s7;
	s7 =	simm.s32 @!p0 $0x108  }
0x21: {  	s3 =	sadd.s32 s3, s9;
	s6 =	sadd.s32 @!p0 $0x88, s6;
	s7 =	simm.s32 @p2 $0x1082  }
0x22: {  	[simem:s7], [sflag:s8] =	dma.local @!p0 [hbm:s6], $0xF7A  }
0x23: {  	s9 =	sor.u32 $0xD0000000, s2;
	s6 =	simm.s32 $0x108;
	_ =	swait.ge @!p0 [sflag:s8], $0x0  }
0x24: {  	s3 =	sadd.s32 $0x88, s3;
	s6 =	simm.s32 @!p1 $0x1082;
	[sflag:s4] =	ssyncset.s32 $0xFFFFF086  }
0x25: {  	[simem:s6], [sflag:s4] =	dma.local [hbm:s3], $0xF7A  }
0x26: {  	[smem:$0x3F98] =	sst s1;
	(tag) =	ssettag s2;
	_ =	strace s9  }
0x27: {  	s1 =	sld [smem:$0x3FA8]  }
0x28: {  	s2 =	sld [smem:$0x3FA9]  }
0x29: {  	s4 =	sld [smem:$0x3FAB]  }
0x2a: {  	p0 =	seq.s32 s5, $0x0;
	s5 =	sld [smem:$0x3FAC]  }
0x2b: {  	s6 =	sld [smem:$0x3FAD]  }
0x2c: {  	s7 =	sld [smem:$0x3FAE]  }
0x2d: {  	s3 =	simm.s32 $0x108;
	s8 =	sld [smem:$0x3FAF]  }
0x2e: {  	s3 =	simm.s32 @!p0 $0x1082;
	s9 =	sld [smem:$0x3FB0]  }
0x2f: {  	lr =	sadd.s32 s0, s3;
	s0 =	sld [smem:$0x3FA7]  }
0x30: {  	s3 =	sld [smem:$0x3FAA]  }
0x31: {  	[smem:$0x3FB3] =	sst s10  }
0x32: {  	s10 =	sld [smem:$0x3FB1];
	_ =	sdelay $0x3  }
0x33: {  	p0 =	seq.s32 s10, $0x1;
	s10 =	sld [smem:$0x3FB3];
	_ =	sdelay $0x3  }
0x34: {  	[smem:$0x3FB3] =	sst s10  }
0x35: {  	s10 =	sld [smem:$0x3FB2];
	_ =	sdelay $0x3  }
0x36: {  	p1 =	seq.s32 s10, $0x1;
	s10 =	sld [smem:$0x3FB3];
	_ =	sdelay $0x3  }
0x37: {  	[smem:$0x3FB3] =	sst s10  }
0x38: {  	s10 =	sld [smem:$0x3FB4]  }
0x39: {  	_ = 	snop;
	(pc) =	sbr.ind lr, $3  }
0x3a: {  	_ = 	snop  }
0x3b: {  	_ = 	snop  }
0x3c: {  	p2 =	seq.s32 s10, $0x1;
	s10 =	sld [smem:$0x3FB3]  }
0x3d: {  	_ =	shalt  }
0x3e: {  	_ =	shalt  }
0x3f: {  	_ =	shalt  }
0x40: {  	_ =	shalt  }
0x41: {  	_ =	shalt  }
0x42: {  	_ =	shalt  }
0x43: {  	_ =	shalt  }
0x44: {  	_ =	shalt  }
0x45: {  	_ =	shalt  }
0x46: {  	_ =	shalt  }
0x47: {  	_ =	shalt  }
0x48: {  	_ =	shalt  }
0x49: {  	_ =	shalt  }
0x4a: {  	_ =	shalt  }
0x4b: {  	_ =	shalt  }
0x4c: {  	_ =	shalt  }
0x4d: {  	_ =	shalt  }
0x4e: {  	_ =	shalt  }
0x4f: {  	_ =	shalt  }
0x50: {  	_ =	shalt  }
0x51: {  	_ =	shalt  }
0x52: {  	_ =	shalt  }
0x53: {  	_ =	shalt  }
0x54: {  	_ =	shalt  }
0x55: {  	_ =	shalt  }
0x56: {  	_ =	shalt  }
0x57: {  	_ =	shalt  }
0x58: {  	_ =	shalt  }
0x59: {  	_ =	shalt  }
0x5a: {  	_ =	shalt  }
0x5b: {  	_ =	shalt  }
0x5c: {  	_ =	shalt  }
0x5d: {  	_ =	shalt  }
0x5e: {  	_ =	shalt  }
0x5f: {  	_ =	shalt  }
0x60: {  	_ =	shalt  }
0x61: {  	_ =	shalt  }
0x62: {  	_ =	shalt  }
0x63: {  	_ =	shalt  }
0x64: {  	_ =	shalt  }
0x65: {  	_ =	shalt  }
0x66: {  	_ =	shalt  }
0x67: {  	_ =	shalt  }
0x68: {  	_ =	shalt  }
0x69: {  	_ =	shalt  }
0x6a: {  	_ =	shalt  }
0x6b: {  	_ =	shalt  }
0x6c: {  	_ =	shalt  }
0x6d: {  	_ =	shalt  }
0x6e: {  	_ =	shalt  }
0x6f: {  	_ =	shalt  }
0x70: {  	_ =	shalt  }
0x71: {  	_ =	shalt  }
0x72: {  	_ =	shalt  }
0x73: {  	_ =	shalt  }
0x74: {  	_ =	shalt  }
0x75: {  	_ =	shalt  }
0x76: {  	_ =	shalt  }
0x77: {  	_ =	shalt  }
0x78: {  	_ =	shalt  }
0x79: {  	_ =	shalt  }
0x7a: {  	_ =	shalt  }
0x7b: {  	_ =	shalt  }
0x7c: {  	_ =	shalt  }
0x7d: {  	_ =	shalt  }
0x7e: {  	_ =	shalt  }
0x7f: {  	_ =	shalt  }
0x80: {  	_ =	shalt  }
0x81: {  	_ =	shalt  }
0x82: {  	_ =	shalt  }
0x83: {  	_ =	shalt  }
0x84: {  	_ =	shalt  }
0x85: {  	_ =	shalt  }
0x86: {  	_ =	shalt  }
0x87: {  	_ =	shalt  }
.Lfunc_end0:
.L_simem_size_0:
called_computation.5_lowered:
.L_overlay_start_0:
0x88: {  	s2 =	sld [smem:$0x3FD9]  }
0x89: {  	s3 =	sld [smem:$0x3FFE];
	_ =	sdelay $0x1  }
0x8a: {  	s1 =	srdreg.scid  }
0x8b: {  	s0 =	sand.u32 $0x1, s1  }
0x8c: {  	s17 =	sshll.u32 s0, $0xA;
	s2 =	sadd.s32 s3, s2  }
0x8d: {  	s2 =	sadd.s32 s2, s17  }
0x8e: {  	[smem:$0x3FBF] =	sst s2  }
0x8f: {  	_ = 	snop  }
0x90: {  	s2 =	sld [smem:$0x3FD0];
	(tm) =	ssettm $0x1  }
0x91: {  	s18 =	sld [smem:$0x3FFB];
	_ =	sdelay $0x3  }
0x92: {  	_ =	strace s18  }
0x93: {  	s3 =	sld [smem:$0x3FFC];
	_ =	sdelay $0x3  }
0x94: {  	_ =	strace s3  }
0x95: {  	s3 =	sld [smem:$0x3FFD];
	_ =	sdelay $0x3  }
0x96: {  	_ =	strace s3  }
0x97: {  	_ =	strace $0x8FFFFFFF  }
0x98: {  	s19 =	sld [smem:$0x3FDB];
	_ =	sdelay $0x1  }
0x99: {  	s4 =	simm.s32 $_scs_section_size  }
0x9a: {  	s5 =	simm.s32 $_size__tile_overlayer_lowered;
	s6 =	simm.s32 $_tile_overlayer_lowered  }
0x9b: {  	s22 =	simm.s32 $0x1BFF;
	s21 =	sshll.u32 s6, $0x1;
	s3 =	sadd.s32 s4, s19  }
0x9c: {  	s7 =	simm.s32 $0x0;
	s20 =	sshll.u32 s5, $0x1;
	s5 =	sadd.s32 s21, s3  }
0x9d: {  	[timem:s7], [sflag:s22] =	dma.local [hbm:s5], s20  }
0x9e: {  	_ =	swait.ge [sflag:s22], s20  }
0x9f: {  	s4 =	ssub.s32 $0x0, s20;
	[sflag:s22] =	ssyncset.done $0x0  }
0xa0: {  	[sflag:s22] =	ssyncadd.s32 s4;
	_ =	sdelay $0x1  }
0xa1: {  	s23 =	simm.s32 $0x1B8B  }
0xa2: {  	_ =	swait.ge [sflag:s23], $0x1  }
0xa3: {  	[sflag:s23] =	ssyncset.done $0x0  }
0xa4: {  	s25 =	simm.s32 $0x1B8E;
	s24 =	sld [smem:$0x3FFE];
	[sflag:s23] =	ssyncadd.s32 $0xFFFFFFFF  }
0xa5: {  	s26 =	simm.s32 $execute0_lowered;
	[smem:$0x3FD2] =	sst s25  }
0xa6: {  	s5 =	sshll.u32 s26, $0x1;
	_ =	strace $0x8000004F;
	[dreg:$0x1] =	wrdreg $0xFFFFFFFF  }
0xa7: {  	s28 =	simm.s32 $_size_execute0_lowered;
	s3 =	sadd.s32 s3, s5;
	[dreg:$0x0] =	wrdreg $0x0  }
0xa8: {  	s5 =	sshll.u32 s28, $0x1;
	[dreg:$0x2] =	wrdreg s3  }
0xa9: {  	[dreg:$0x3] =	wrdreg s5  }
0xaa: {  	[dreg:$0x4] =	wrdreg $0xC0  }
0xab: {  	_ =	task [dreg:s7], $0x5FFFF  }
0xac: {  	[dreg:$0x1] =	wrdreg $0xFFFFFFFF  }
0xad: {  	[dreg:$0x0] =	wrdreg $0x60  }
0xae: {  	[dreg:$0x2] =	wrdreg s24  }
0xaf: {  	[dreg:$0x3] =	wrdreg s2  }
0xb0: {  	[dreg:$0x4] =	wrdreg $0x43C00  }
0xb1: {  	[dreg:$0x5] =	wrdreg $0x9  }
0xb2: {  	_ =	task.clear_ibuf [dreg:s7], $0x6FFFF;
	_ =	strace $0x9000004F  }
0xb3: {  	s29 =	simm.s32 $0x9;
	_ =	strace $0x80000051  }
0xb4: {  	_ =	swait.ge [sflag:s29], $0x1  }
0xb5: {  	[sflag:s29] =	ssyncadd.s32 $0xFFFFFFFF  }
0xb6: {  	_ =	strace $0x90000051  }
0xb7: {  	_ =	sfence  }
0xb8: {  	s30 =	sld [smem:$0x0];
	_ =	sdelay $0x2  }
0xb9: {  	s31 =	sshll.u32 s1, $0xD;
	s1 =	sshrl.u32 s1, $0x2  }
0xba: {  	s3 =	sand.u32 $0x4000, s31;
	s1 =	sadd.s32 s1, s30  }
0xbb: {  	s0 =	sor.u32 s3, s0;
	s1 =	sshll.u32 s1, $0x11  }
0xbc: {  	s0 =	sor.u32 s1, s0  }
0xbd: {  	s0 =	sadd.s32 $0x8F2B, s0  }
0xbe: {  	[sflag:s0] =	ssyncadd.remote.s32 $0x1  }
0xbf: {  	_ =	sfence.sel $0xFFFF  }
0xc0: {  	[dreg:$0x0] =	wrdreg $0xFFFFFFFF;
	(pc) =	sbr.abs _section_cstart, $3  }
0xc1: {  	[dreg:$0x1] =	wrdreg $0xFFFFFFFF  }
0xc2: {  	_ =	task.clear_ibuf [dreg:s7], $0x2FFFF;
	_ =	strace $0x9FFFFFFF  }
0xc3: {  	(tm) =	ssettm $0x7FFFFFFF  }
tec
execute0_lowered:
.L_overlay_start_1:
0x0: {  	(tag) =	ssettag $0x1  }
0x1: {  	s4 =	rddreg [dreg:$0x0]  }
0x2: {  	s5 =	rddreg [dreg:$0x1]  }
0x3: {  	s6 =	rddreg [dreg:$0x2];
	s2 =	srdreg.scid  }
0x4: {  	s1 =	stileid.u32;
	s0 =	rddreg [dreg:$0x3];
	s13 =	simm.s32 $0x1400  }
0x5: {  	s14 =	simm.s32 $0x80;
	s15 =	simm.s32 $0x2800;
	s16 =	simm.s32 $0x1  }
0x6: {  	s17 =	simm.s32 $0x2C00;
	s18 =	simm.s32 $0x2;
	s19 =	simm.s32 $0x1380  }
0x7: {  	s20 =	simm.s32 $0x3000;
	s21 =	simm.s32 $0x0;
	s7 =	sand.u32 $0x1, s2  }
0x8: {  	s8 =	smul.u32 $0x13C0, s1;
	s2 =	simm.s32 $0x0;
	s12 =	sshll.u32 s1, $0x6  }
0x9: {  	s3 =	sshll.u32 s7, $0x4;
	s9 =	smul.u32 $0x13C00, s7;
	[smem:$0x7FF] =	sst s2  }
0xa: {  	s7 =	ssub.s32 $0x2, s7;
	s3 =	sor.u32 s1, s3;
	_ =	strace $0x80000050  }
0xb: {  	s30 =	sshrl.u32 s7, $0x1;
	s31 =	sshrl.u32 s8, $0x3;
	s10 =	smul.u32 $0x280, s3  }
0xc: {  	s9 =	sadd.s32 s8, s9;
	s3 =	sadd.s32 $0x37600, s4;
	s11 =	ssub.s32 s7, s30  }
0xd: {  	s5 =	sadd.s32 s5, s31;
	s9 =	sshrl.u32 s9, $0x3;
	s10 =	sadd.s32 s10, s4  }
0xe: {  	s9 =	sadd.s32 s9, s4;
	s4 =	sadd.s32 s8, s6;
	s6 =	sor.u32 $0x1C03, s12  }
0xf: {  	s12 =	simm.s32 $0x3;
	s7 =	sadd.s32 $0x5E00, s10;
	s8 =	sadd.s32 $0xAE00, s10  }
0x10: {  	s9 =	sadd.s32 $0x39E00, s9;
	s10 =	smax.u32 s11, $0x1;
	s11 =	sshrl.u32 s4, $0x3  }
.LBB2_1:
0x11: {  	[spmem:s11], [sflag:s6] =	dma.local [hbm:s5], $0x278  }
0x12: {  	_ =	swait.ge [sflag:s12], $0x278  }
0x13: {  	[sflag:s12] =	ssyncset.done $0x0  }
0x14: {  	[sflag:s12] =	ssyncadd.s32 $0xFFFFFD88  }
0x15: {  	[tilespmem:s2], [sflag:$0x3] =	stream.linear.gather [hbm4b:s7+s2], $0x1400, $0x38;
	[tilespmem:$0x5780] =	vst v63  }
0x16: {  	_ =	swait.ge [sflag:s12], $0x1400  }
0x17: {  	[sflag:s12] =	ssyncset.done $0x0  }
0x18: {  	[sflag:s12] =	ssyncadd.s32 $0xFFFFEC00  }
0x19: {  	[tilespmem:s13], [sflag:$0x3] =	stream.linear.gather [hbm4b:s8+s2], $0x1400, $0x38;
	[tilespmem:$0x5780] =	vst v63  }
0x1a: {  	_ =	swait.ge [sflag:s12], $0x1400  }
0x1b: {  	[sflag:s12] =	ssyncset.done $0x0  }
0x1c: {  	[sflag:s12] =	ssyncadd.s32 $0xFFFFEC00  }
0x1d: {  	[bflag:$0x0] =	sbarrier.arrive $0xFFFF  }
0x1e: {  	[tilespmem:s15], [sflag:$0x1] =	stream.indirect.gather [hbm4b:s3+s14], $0x8, s2, s14, $0xb8;
	[tilespmem:$0x5780] =	vst v63  }
0x1f: {  	_ =	swait.ge [sflag:s16], $0x400  }
0x20: {  	[sflag:s16] =	ssyncset.done $0x0  }
0x21: {  	s22 =	simm.s32 $0x80;
	[sflag:s16] =	ssyncadd.s32 $0xFFFFFC00  }
0x22: {  	[tilespmem:s17], [sflag:$0x2] =	stream.indirect.gather [hbm4b:s3+s14], $0x8, s22, s14, $0xb8;
	[tilespmem:$0x5780] =	vst v63  }
0x23: {  	_ =	swait.ge [sflag:s18], $0x400  }
0x24: {  	[sflag:s18] =	ssyncset.done $0x0  }
0x25: {  	s23 =	simm.s32 $0x100;
	s22 =	simm.s32 $0xFFFFB800;
	[sflag:s18] =	ssyncadd.s32 $0xFFFFFC00  }
.LBB2_2:
0x26: {  	[tilespmem:s15], [sflag:$0x1] =	stream.indirect.gather [hbm4b:s3+s14], $0x8, s23, s14, $0xb8;
	[tilespmem:$0x5780] =	vst v63  }
0x27: {  	s23 =	smov.u32 s22  }
0x28: {  	p0 =	sne.s32 s22, $0xFFFFFC00;
	s22 =	sadd.s32 $0x400, s22;
	_ =	swait.ge [sflag:s16], $0x400  }
0x29: {  	s23 =	sshra.s32 s23, $0x2;
	[sflag:s16] =	ssyncset.done $0x0  }
.Ltmp0:
0x2a: {  	s24 =	sadd.s32 $0x1380, s23;
	[sflag:s16] =	ssyncadd.s32 $0xFFFFFC00;
	(pc) =	sbr.rel @p0 .LBB2_2-.Ltmp0, $4  }
0x2b: {  	[tilespmem:s17], [sflag:$0x2] =	stream.indirect.gather [hbm4b:s3+s14], $0x8, s24, s14, $0xb8;
	[tilespmem:$0x5780] =	vst v63  }
0x2c: {  	_ =	swait.ge [sflag:s18], $0x400  }
0x2d: {  	[sflag:s18] =	ssyncset.done $0x0  }
0x2e: {  	s23 =	sadd.s32 $0x1400, s23;
	[sflag:s18] =	ssyncadd.s32 $0xFFFFFC00  }
0x2f: {  	[tilespmem:s15], [sflag:$0x1] =	stream.indirect.gather [hbm4b:s3+s14], $0x8, s23, s14, $0xb8;
	[tilespmem:$0x5780] =	vst v63  }
0x30: {  	_ =	swait.ge [sflag:s16], $0x400  }
0x31: {  	[sflag:s16] =	ssyncset.done $0x0  }
0x32: {  	[sflag:s16] =	ssyncadd.s32 $0xFFFFFC00  }
0x33: {  	[tilespmem:s17], [sflag:$0x2] =	stream.indirect.gather [hbm4b:s3+s14], $0x8, s19, s14, $0xb8;
	[tilespmem:$0x5780] =	vst v63  }
0x34: {  	_ =	swait.ge [sflag:s18], $0x400  }
0x35: {  	[sflag:s18] =	ssyncset.done $0x0  }
0x36: {  	[sflag:s18] =	ssyncadd.s32 $0xFFFFFC00  }
0x37: {  	[bflag:$0x0] =	sbarrier.arrive $0xFFFF  }
0x38: {  	[tilespmem:s20], [sflag:$0x3] =	stream.linear.gather [spmem:s4], $0x13C0, $0x38;
	[tilespmem:$0x5780] =	vst v63  }
0x39: {  	s21 =	sadd.s32 $0x1, s21;
	_ =	swait.ge [sflag:s12], $0x13C0  }
0x3a: {  	p0 =	sne.s32 s21, s10;
	[sflag:s12] =	ssyncset.done $0x0  }
.Ltmp1:
0x3b: {  	[sflag:s12] =	ssyncadd.s32 $0xFFFFEC40;
	(pc) =	sbr.rel @p0 .LBB2_1-.Ltmp1, $4  }
0x3c: {  	[hbm4b:s9+s2] =	stream.linear.scatter [tilespmem:s20], [sflag:$0x3], $0x13C0, $0x38;
	[tilespmem:$0x5780] =	vst v63  }
0x3d: {  	_ =	swait.ge [sflag:s12], $0x13C0  }
0x3e: {  	[sflag:s12] =	ssyncset.done $0x0  }
0x3f: {  	[sflag:s12] =	ssyncadd.s32 $0xFFFFEC40  }
0x40: {  	_ =	sfence.sel $0x180000  }
0x41: {  	[bflag:$0x0] =	sbarrier.arrive $0xFFFF  }
0x42: {  	p0 =	sne.s32 s1, $0x0;
	_ =	strace $0x90000050  }
0x43: {  	s0 =	sadd.s32 @!p0 $0x100000, s0;
	[bflag:$0x2] =	sbarrier.arrive $0xFFFF  }
0x44: {  	[sflag:s0] =	ssyncadd.tile.s32 @!p0 $0x1;
	_ =	shalt  }
.Lfunc_end2:
_tile_overlayer_lowered:
.L_overlay_start_2:
0x45: {  	(tag) =	ssettag $0x2  }
0x46: {  	s0 =	rddreg [dreg:$0x0];
	s2 =	stileid.u32  }
0x47: {  	s1 =	rddreg [dreg:$0x1];
	p0 =	sne.s32 s2, $0x0  }
0x48: {  	s3 =	rddreg [dreg:$0x2];
	[bflag:$0x3] =	sbarrier.arrive $0xFFFF;
	s2 =	simm.s32 @!p0 $0x1C03  }
0x49: {  	[timem:s3], [sflag:s2] =	dma.local @!p0 [hbm:s0], s1  }
0x4a: {  	s0 =	simm.s32 @!p0 $0x3  }
0x4b: {  	_ =	swait.ge @!p0 [sflag:s0], s1  }
0x4c: {  	s1 =	ssub.s32 @!p0 $0x0, s1;
	[sflag:s0] =	ssyncset.done @!p0 $0x0  }
0x4d: {  	[sflag:s0] =	ssyncadd.s32 @!p0 s1  }
0x4e: {  	[bflag:$0x3] =	sbarrier.arrive $0xFFFF  }
0x4f: {  	_ =	shalt  }

// kernel: kernel.32.cloned.1.call-start
scs
__scs_entry_jumppad:
0x0: {  	(pc) =	sbr.rel $0x88, $3  }
0x1: {  	(tag) =	ssettag $0x0;
	lr =	simm.s32 $0x1  }
0x2: {  	[smem:$0x3F98] =	sst lr;
	_ =	strace $0xD0000000  }
0x3: {  	_ = 	snop  }
0x4: {  	_ = 	snop  }
0x5: {  	_ = 	snop  }
0x6: {  	_ = 	snop  }
0x7: {  	_ = 	snop  }
__scs_overlays_trampoline_lowered:
0x8: {  	[smem:$0x3FA7] =	sst s0  }
0x9: {  	[smem:$0x3FA8] =	sst s1  }
0xa: {  	[smem:$0x3FA9] =	sst s2  }
0xb: {  	[smem:$0x3FAA] =	sst s3  }
0xc: {  	[smem:$0x3FAB] =	sst s4  }
0xd: {  	[smem:$0x3FAC] =	sst s5  }
0xe: {  	[smem:$0x3FAD] =	sst s6  }
0xf: {  	[smem:$0x3FAE] =	sst s7  }
0x10: {  	[smem:$0x3FAF] =	sst s8  }
0x11: {  	[smem:$0x3FB0] =	sst s9;
	s0 =	simm.s32 @!p0 $0x0  }
0x12: {  	s1 =	sld [smem:$0x3F96];
	s0 =	simm.s32 @p0 $0x1  }
0x13: {  	[smem:$0x3FB1] =	sst s0;
	s0 =	simm.s32 @!p1 $0x0  }
0x14: {  	s2 =	sld [smem:$0x3F95];
	s0 =	simm.s32 @p1 $0x1  }
0x15: {  	[smem:$0x3FB2] =	sst s0;
	s0 =	simm.s32 @!p2 $0x0  }
0x16: {  	s3 =	sld [smem:$0x3FDB];
	s0 =	simm.s32 @p2 $0x1  }
0x17: {  	s4 =	simm.s32 $0x1BF5;
	[smem:$0x3FB4] =	sst s0  }
0x18: {  	s0 =	sld [smem:$0x3F97];
	_ =	swait.ge [sflag:s4], $0x0  }
0x19: {  	s7 =	sld [smem:$0x3F98]  }
0x1a: {  	s8 =	sadd.s32 $0xFFFFE003, lr  }
0x1b: {  	s9 =	sadd.s32 $0xFFFFFEF7, lr;
	s5 =	simm.s32 $0xFFFFFFFF;
	p2 =	slt.u32 s8, $0xFFFFF086  }
0x1c: {  	p1 =	slt.u32 s9, $0xF7A;
	s5 =	simm.s32 @!p2 $0x0  }
0x1d: {  	s5 =	simm.s32 @p1 $0x1;
	p0 =	seq.s32 s7, s2  }
0x1e: {  	s7 =	smul.u32 @!p0 $0xF7A, s2;
	p2 =	seq.s32 @!p0 s5, $0x0  }
0x1f: {  	s9 =	smul.u32 $0xF7A, s1;
	s8 =	simm.s32 @!p0 $0x1BF5;
	p2 =	por !p2, p0  }
0x20: {  	[sflag:s8] =	ssyncset.s32 @!p0 $0xFFFFF086;
	s6 =	sadd.s32 @!p0 s3, s7;
	s7 =	simm.s32 @!p0 $0x108  }
0x21: {  	s3 =	sadd.s32 s3, s9;
	s6 =	sadd.s32 @!p0 $0x88, s6;
	s7 =	simm.s32 @p2 $0x1082  }
0x22: {  	[simem:s7], [sflag:s8] =	dma.local @!p0 [hbm:s6], $0xF7A  }
0x23: {  	s9 =	sor.u32 $0xD0000000, s2;
	s6 =	simm.s32 $0x108;
	_ =	swait.ge @!p0 [sflag:s8], $0x0  }
0x24: {  	s3 =	sadd.s32 $0x88, s3;
	s6 =	simm.s32 @!p1 $0x1082;
	[sflag:s4] =	ssyncset.s32 $0xFFFFF086  }
0x25: {  	[simem:s6], [sflag:s4] =	dma.local [hbm:s3], $0xF7A  }
0x26: {  	[smem:$0x3F98] =	sst s1;
	(tag) =	ssettag s2;
	_ =	strace s9  }
0x27: {  	s1 =	sld [smem:$0x3FA8]  }
0x28: {  	s2 =	sld [smem:$0x3FA9]  }
0x29: {  	s4 =	sld [smem:$0x3FAB]  }
0x2a: {  	p0 =	seq.s32 s5, $0x0;
	s5 =	sld [smem:$0x3FAC]  }
0x2b: {  	s6 =	sld [smem:$0x3FAD]  }
0x2c: {  	s7 =	sld [smem:$0x3FAE]  }
0x2d: {  	s3 =	simm.s32 $0x108;
	s8 =	sld [smem:$0x3FAF]  }
0x2e: {  	s3 =	simm.s32 @!p0 $0x1082;
	s9 =	sld [smem:$0x3FB0]  }
0x2f: {  	lr =	sadd.s32 s0, s3;
	s0 =	sld [smem:$0x3FA7]  }
0x30: {  	s3 =	sld [smem:$0x3FAA]  }
0x31: {  	[smem:$0x3FB3] =	sst s10  }
0x32: {  	s10 =	sld [smem:$0x3FB1];
	_ =	sdelay $0x3  }
0x33: {  	p0 =	seq.s32 s10, $0x1;
	s10 =	sld [smem:$0x3FB3];
	_ =	sdelay $0x3  }
0x34: {  	[smem:$0x3FB3] =	sst s10  }
0x35: {  	s10 =	sld [smem:$0x3FB2];
	_ =	sdelay $0x3  }
0x36: {  	p1 =	seq.s32 s10, $0x1;
	s10 =	sld [smem:$0x3FB3];
	_ =	sdelay $0x3  }
0x37: {  	[smem:$0x3FB3] =	sst s10  }
0x38: {  	s10 =	sld [smem:$0x3FB4]  }
0x39: {  	_ = 	snop;
	(pc) =	sbr.ind lr, $3  }
0x3a: {  	_ = 	snop  }
0x3b: {  	_ = 	snop  }
0x3c: {  	p2 =	seq.s32 s10, $0x1;
	s10 =	sld [smem:$0x3FB3]  }
0x3d: {  	_ =	shalt  }
0x3e: {  	_ =	shalt  }
0x3f: {  	_ =	shalt  }
0x40: {  	_ =	shalt  }
0x41: {  	_ =	shalt  }
0x42: {  	_ =	shalt  }
0x43: {  	_ =	shalt  }
0x44: {  	_ =	shalt  }
0x45: {  	_ =	shalt  }
0x46: {  	_ =	shalt  }
0x47: {  	_ =	shalt  }
0x48: {  	_ =	shalt  }
0x49: {  	_ =	shalt  }
0x4a: {  	_ =	shalt  }
0x4b: {  	_ =	shalt  }
0x4c: {  	_ =	shalt  }
0x4d: {  	_ =	shalt  }
0x4e: {  	_ =	shalt  }
0x4f: {  	_ =	shalt  }
0x50: {  	_ =	shalt  }
0x51: {  	_ =	shalt  }
0x52: {  	_ =	shalt  }
0x53: {  	_ =	shalt  }
0x54: {  	_ =	shalt  }
0x55: {  	_ =	shalt  }
0x56: {  	_ =	shalt  }
0x57: {  	_ =	shalt  }
0x58: {  	_ =	shalt  }
0x59: {  	_ =	shalt  }
0x5a: {  	_ =	shalt  }
0x5b: {  	_ =	shalt  }
0x5c: {  	_ =	shalt  }
0x5d: {  	_ =	shalt  }
0x5e: {  	_ =	shalt  }
0x5f: {  	_ =	shalt  }
0x60: {  	_ =	shalt  }
0x61: {  	_ =	shalt  }
0x62: {  	_ =	shalt  }
0x63: {  	_ =	shalt  }
0x64: {  	_ =	shalt  }
0x65: {  	_ =	shalt  }
0x66: {  	_ =	shalt  }
0x67: {  	_ =	shalt  }
0x68: {  	_ =	shalt  }
0x69: {  	_ =	shalt  }
0x6a: {  	_ =	shalt  }
0x6b: {  	_ =	shalt  }
0x6c: {  	_ =	shalt  }
0x6d: {  	_ =	shalt  }
0x6e: {  	_ =	shalt  }
0x6f: {  	_ =	shalt  }
0x70: {  	_ =	shalt  }
0x71: {  	_ =	shalt  }
0x72: {  	_ =	shalt  }
0x73: {  	_ =	shalt  }
0x74: {  	_ =	shalt  }
0x75: {  	_ =	shalt  }
0x76: {  	_ =	shalt  }
0x77: {  	_ =	shalt  }
0x78: {  	_ =	shalt  }
0x79: {  	_ =	shalt  }
0x7a: {  	_ =	shalt  }
0x7b: {  	_ =	shalt  }
0x7c: {  	_ =	shalt  }
0x7d: {  	_ =	shalt  }
0x7e: {  	_ =	shalt  }
0x7f: {  	_ =	shalt  }
0x80: {  	_ =	shalt  }
0x81: {  	_ =	shalt  }
0x82: {  	_ =	shalt  }
0x83: {  	_ =	shalt  }
0x84: {  	_ =	shalt  }
0x85: {  	_ =	shalt  }
0x86: {  	_ =	shalt  }
0x87: {  	_ =	shalt  }
.Lfunc_end0:
.L_simem_size_0:
called_computation.6_lowered:
.L_overlay_start_0:
0x88: {  	s2 =	sld [smem:$0x3FD9]  }
0x89: {  	s3 =	sld [smem:$0x3FFE];
	_ =	sdelay $0x1  }
0x8a: {  	s1 =	srdreg.scid  }
0x8b: {  	s0 =	sand.u32 $0x1, s1  }
0x8c: {  	s16 =	sshll.u32 s0, $0xA;
	s2 =	sadd.s32 s3, s2  }
0x8d: {  	s2 =	sadd.s32 s2, s16  }
0x8e: {  	[smem:$0x3FBF] =	sst s2  }
0x8f: {  	_ = 	snop  }
0x90: {  	(tm) =	ssettm $0x1  }
0x91: {  	s17 =	sld [smem:$0x3FFB];
	_ =	sdelay $0x3  }
0x92: {  	_ =	strace s17  }
0x93: {  	s2 =	sld [smem:$0x3FFC];
	_ =	sdelay $0x3  }
0x94: {  	_ =	strace s2  }
0x95: {  	s2 =	sld [smem:$0x3FFD];
	_ =	sdelay $0x3  }
0x96: {  	_ =	strace s2  }
0x97: {  	_ =	strace $0x8FFFFFFF  }
0x98: {  	s18 =	sld [smem:$0x3FDB];
	_ =	sdelay $0x1  }
0x99: {  	s19 =	simm.s32 $_scs_section_size  }
0x9a: {  	s4 =	simm.s32 $_size__tile_overlayer_lowered;
	s5 =	simm.s32 $_tile_overlayer_lowered  }
0x9b: {  	s22 =	simm.s32 $0x1BFF;
	s21 =	sshll.u32 s5, $0x1;
	s2 =	sadd.s32 s19, s18  }
0x9c: {  	s6 =	simm.s32 $0x0;
	s20 =	sshll.u32 s4, $0x1;
	s4 =	sadd.s32 s21, s2  }
0x9d: {  	[timem:s6], [sflag:s22] =	dma.local [hbm:s4], s20  }
0x9e: {  	_ =	swait.ge [sflag:s22], s20  }
0x9f: {  	s3 =	ssub.s32 $0x0, s20;
	[sflag:s22] =	ssyncset.done $0x0  }
0xa0: {  	[sflag:s22] =	ssyncadd.s32 s3;
	_ =	sdelay $0x1  }
0xa1: {  	s23 =	simm.s32 $0x1B8B  }
0xa2: {  	_ =	swait.ge [sflag:s23], $0x1  }
0xa3: {  	[sflag:s23] =	ssyncset.done $0x0  }
0xa4: {  	s25 =	simm.s32 $0x1B8E;
	s24 =	sld [smem:$0x3FFE];
	[sflag:s23] =	ssyncadd.s32 $0xFFFFFFFF  }
0xa5: {  	s26 =	simm.s32 $execute0_lowered;
	[smem:$0x3FD2] =	sst s25  }
0xa6: {  	s4 =	sshll.u32 s26, $0x1;
	_ =	strace $0x80000052;
	[dreg:$0x1] =	wrdreg $0xFFFFFFFF  }
0xa7: {  	s28 =	simm.s32 $_size_execute0_lowered;
	s2 =	sadd.s32 s2, s4;
	[dreg:$0x0] =	wrdreg $0x0  }
0xa8: {  	s4 =	sshll.u32 s28, $0x1;
	[dreg:$0x2] =	wrdreg s2  }
0xa9: {  	[dreg:$0x3] =	wrdreg s4  }
0xaa: {  	[dreg:$0x4] =	wrdreg $0xC0  }
0xab: {  	_ =	task [dreg:s6], $0x5FFFF  }
0xac: {  	[dreg:$0x1] =	wrdreg $0xFFFFFFFF  }
0xad: {  	[dreg:$0x0] =	wrdreg $0x60  }
0xae: {  	[dreg:$0x2] =	wrdreg s24  }
0xaf: {  	[dreg:$0x3] =	wrdreg $0x106000  }
0xb0: {  	[dreg:$0x4] =	wrdreg $0x9  }
0xb1: {  	_ =	task.clear_ibuf [dreg:s6], $0x5FFFF;
	_ =	strace $0x90000052  }
0xb2: {  	s29 =	simm.s32 $0x9;
	_ =	strace $0x80000054  }
0xb3: {  	_ =	swait.ge [sflag:s29], $0x1  }
0xb4: {  	[sflag:s29] =	ssyncadd.s32 $0xFFFFFFFF  }
0xb5: {  	_ =	strace $0x90000054  }
0xb6: {  	_ =	sfence  }
0xb7: {  	s30 =	sld [smem:$0x0];
	_ =	sdelay $0x2  }
0xb8: {  	s31 =	sshll.u32 s1, $0xD;
	s1 =	sshrl.u32 s1, $0x2  }
0xb9: {  	s3 =	sand.u32 $0x4000, s31;
	s1 =	sadd.s32 s1, s30  }
0xba: {  	s0 =	sor.u32 s3, s0;
	s1 =	sshll.u32 s1, $0x11  }
0xbb: {  	s0 =	sor.u32 s1, s0  }
0xbc: {  	s0 =	sadd.s32 $0x8F2B, s0  }
0xbd: {  	[sflag:s0] =	ssyncadd.remote.s32 $0x1  }
0xbe: {  	_ =	sfence.sel $0xFFFF  }
0xbf: {  	[dreg:$0x0] =	wrdreg $0xFFFFFFFF;
	(pc) =	sbr.abs _section_cstart, $3  }
0xc0: {  	[dreg:$0x1] =	wrdreg $0xFFFFFFFF  }
0xc1: {  	_ =	task.clear_ibuf [dreg:s6], $0x2FFFF;
	_ =	strace $0x9FFFFFFF  }
0xc2: {  	(tm) =	ssettm $0x7FFFFFFF  }
0xc3: {  	_ =	shalt  }
tec
execute0_lowered:
.L_overlay_start_1:
0x0: {  	(tag) =	ssettag $0x1  }
0x1: {  	s5 =	rddreg [dreg:$0x0]  }
0x2: {  	s0 =	srdreg.scid;
	s6 =	rddreg [dreg:$0x1];
	s2 =	simm.s32 $0x0  }
0x3: {  	s13 =	simm.s32 $0x1400;
	s14 =	simm.s32 $0x80;
	s15 =	simm.s32 $0x2800  }
0x4: {  	s16 =	simm.s32 $0x1;
	s17 =	simm.s32 $0x4800;
	s18 =	simm.s32 $0x2  }
0x5: {  	s19 =	simm.s32 $0x1380;
	s20 =	simm.s32 $0x6800;
	s21 =	simm.s32 $0x0  }
0x6: {  	s4 =	sand.u32 $0x1, s0;
	s0 =	stileid.u32;
	[smem:$0x7FF] =	sst s2  }
0x7: {  	s3 =	sadd.s32 $0x37600, s5;
	s1 =	sshll.u32 s4, $0x4;
	s8 =	smul.u32 $0x9E00, s0  }
0x8: {  	s9 =	smul.u32 $0x9E000, s4;
	s4 =	ssub.s32 $0x2, s4;
	s1 =	sor.u32 s0, s1  }
0x9: {  	s12 =	sshll.u32 s0, $0x6;
	s11 =	sshrl.u32 s4, $0x1;
	s7 =	smul.u32 $0x280, s1  }
0xa: {  	s1 =	rddreg [dreg:$0x2];
	_ =	strace $0x80000053;
	s31 =	sshrl.u32 s8, $0x3  }
0xb: {  	s9 =	sadd.s32 s8, s9;
	s11 =	ssub.s32 s4, s11;
	s4 =	sadd.s32 s8, s6  }
0xc: {  	s6 =	sor.u32 $0x1C03, s12;
	s12 =	simm.s32 $0x3;
	s9 =	sshrl.u32 s9, $0x3  }
0xd: {  	s10 =	sadd.s32 s7, s5;
	s7 =	sadd.s32 s31, s5;
	s9 =	sadd.s32 s9, s5  }
0xe: {  	s5 =	sadd.s32 $0x4B200, s7;
	s7 =	sadd.s32 $0x5E00, s10;
	s8 =	sadd.s32 $0xAE00, s10  }
0xf: {  	s9 =	sadd.s32 $0x5EE00, s9;
	s10 =	smax.u32 s11, $0x1;
	s11 =	sshrl.u32 s4, $0x3  }
.LBB2_1:
0x10: {  	[spmem:s11], [sflag:s6] =	dma.local [hbm:s5], $0x13C0  }
0x11: {  	_ =	swait.ge [sflag:s12], $0x13C0  }
0x12: {  	[sflag:s12] =	ssyncset.done $0x0  }
0x13: {  	[sflag:s12] =	ssyncadd.s32 $0xFFFFEC40  }
0x14: {  	[tilespmem:s2], [sflag:$0x3] =	stream.linear.gather [hbm4b:s7+s2], $0x1400, $0x38;
	[tilespmem:$0x1A400] =	vst v63  }
0x15: {  	_ =	swait.ge [sflag:s12], $0x1400  }
0x16: {  	[sflag:s12] =	ssyncset.done $0x0  }
0x17: {  	[sflag:s12] =	ssyncadd.s32 $0xFFFFEC00  }
0x18: {  	[tilespmem:s13], [sflag:$0x3] =	stream.linear.gather [hbm4b:s8+s2], $0x1400, $0x38;
	[tilespmem:$0x1A400] =	vst v63  }
0x19: {  	_ =	swait.ge [sflag:s12], $0x1400  }
0x1a: {  	[sflag:s12] =	ssyncset.done $0x0  }
0x1b: {  	[sflag:s12] =	ssyncadd.s32 $0xFFFFEC00  }
0x1c: {  	[bflag:$0x0] =	sbarrier.arrive $0xFFFF  }
0x1d: {  	[tilespmem:s15], [sflag:$0x1] =	stream.indirect.gather [hbm4b:s3+s14], $0x40, s2, s14, $0xb8;
	[tilespmem:$0x1A400] =	vst v63  }
0x1e: {  	_ =	swait.ge [sflag:s16], $0x2000  }
0x1f: {  	[sflag:s16] =	ssyncset.done $0x0  }
0x20: {  	s22 =	simm.s32 $0x80;
	[sflag:s16] =	ssyncadd.s32 $0xFFFFE000  }
0x21: {  	[tilespmem:s17], [sflag:$0x2] =	stream.indirect.gather [hbm4b:s3+s14], $0x40, s22, s14, $0xb8;
	[tilespmem:$0x1A400] =	vst v63  }
0x22: {  	_ =	swait.ge [sflag:s18], $0x2000  }
0x23: {  	[sflag:s18] =	ssyncset.done $0x0  }
0x24: {  	s23 =	simm.s32 $0x100;
	s22 =	simm.s32 $0xFFFFB800;
	[sflag:s18] =	ssyncadd.s32 $0xFFFFE000  }
.LBB2_2:
0x25: {  	[tilespmem:s15], [sflag:$0x1] =	stream.indirect.gather [hbm4b:s3+s14], $0x40, s23, s14, $0xb8;
	[tilespmem:$0x1A400] =	vst v63  }
0x26: {  	s23 =	smov.u32 s22  }
0x27: {  	p0 =	sne.s32 s22, $0xFFFFFC00;
	s22 =	sadd.s32 $0x400, s22;
	_ =	swait.ge [sflag:s16], $0x2000  }
0x28: {  	s23 =	sshra.s32 s23, $0x2;
	[sflag:s16] =	ssyncset.done $0x0  }
.Ltmp0:
0x29: {  	s24 =	sadd.s32 $0x1380, s23;
	[sflag:s16] =	ssyncadd.s32 $0xFFFFE000;
	(pc) =	sbr.rel @p0 .LBB2_2-.Ltmp0, $4  }
0x2a: {  	[tilespmem:s17], [sflag:$0x2] =	stream.indirect.gather [hbm4b:s3+s14], $0x40, s24, s14, $0xb8;
	[tilespmem:$0x1A400] =	vst v63  }
0x2b: {  	_ =	swait.ge [sflag:s18], $0x2000  }
0x2c: {  	[sflag:s18] =	ssyncset.done $0x0  }
0x2d: {  	s23 =	sadd.s32 $0x1400, s23;
	[sflag:s18] =	ssyncadd.s32 $0xFFFFE000  }
0x2e: {  	[tilespmem:s15], [sflag:$0x1] =	stream.indirect.gather [hbm4b:s3+s14], $0x40, s23, s14, $0xb8;
	[tilespmem:$0x1A400] =	vst v63  }
0x2f: {  	_ =	swait.ge [sflag:s16], $0x2000  }
0x30: {  	[sflag:s16] =	ssyncset.done $0x0  }
0x31: {  	[sflag:s16] =	ssyncadd.s32 $0xFFFFE000  }
0x32: {  	[tilespmem:s17], [sflag:$0x2] =	stream.indirect.gather [hbm4b:s3+s14], $0x40, s19, s14, $0xb8;
	[tilespmem:$0x1A400] =	vst v63  }
0x33: {  	_ =	swait.ge [sflag:s18], $0x2000  }
0x34: {  	[sflag:s18] =	ssyncset.done $0x0  }
0x35: {  	[sflag:s18] =	ssyncadd.s32 $0xFFFFE000  }
0x36: {  	[bflag:$0x0] =	sbarrier.arrive $0xFFFF  }
0x37: {  	[tilespmem:s20], [sflag:$0x3] =	stream.linear.gather [spmem:s4], $0x9E00, $0x38;
	[tilespmem:$0x1A400] =	vst v63  }
0x38: {  	s21 =	sadd.s32 $0x1, s21;
	_ =	swait.ge [sflag:s12], $0x9E00  }
0x39: {  	p0 =	sne.s32 s21, s10;
	[sflag:s12] =	ssyncset.done $0x0  }
.Ltmp1:
0x3a: {  	[sflag:s12] =	ssyncadd.s32 $0xFFFF6200;
	(pc) =	sbr.rel @p0 .LBB2_1-.Ltmp1, $4  }
0x3b: {  	[hbm4b:s9+s2] =	stream.linear.scatter [tilespmem:s20], [sflag:$0x3], $0x9E00, $0x38;
	[tilespmem:$0x1A400] =	vst v63  }
0x3c: {  	_ =	swait.ge [sflag:s12], $0x9E00  }
0x3d: {  	[sflag:s12] =	ssyncset.done $0x0  }
0x3e: {  	[sflag:s12] =	ssyncadd.s32 $0xFFFF6200  }
0x3f: {  	_ =	sfence.sel $0x180000  }
0x40: {  	[bflag:$0x0] =	sbarrier.arrive $0xFFFF  }
0x41: {  	p0 =	sne.s32 s0, $0x0;
	_ =	strace $0x90000053  }
0x42: {  	s0 =	sadd.s32 @!p0 $0x100000, s1;
	[bflag:$0x2] =	sbarrier.arrive $0xFFFF  }
0x43: {  	[sflag:s0] =	ssyncadd.tile.s32 @!p0 $0x1;
	_ =	shalt  }
.Lfunc_end2:
_tile_overlayer_lowered:
.L_overlay_start_2:
0x44: {  	(tag) =	ssettag $0x2  }
0x45: {  	s0 =	rddreg [dreg:$0x0];
	s2 =	stileid.u32  }
0x46: {  	s1 =	rddreg [dreg:$0x1];
	p0 =	sne.s32 s2, $0x0  }
0x47: {  	s3 =	rddreg [dreg:$0x2];
	[bflag:$0x3] =	sbarrier.arrive $0xFFFF;
	s2 =	simm.s32 @!p0 $0x1C03  }
0x48: {  	[timem:s3], [sflag:s2] =	dma.local @!p0 [hbm:s0], s1  }
0x49: {  	s0 =	simm.s32 @!p0 $0x3  }
0x4a: {  	_ =	swait.ge @!p0 [sflag:s0], s1  }
0x4b: {  	s1 =	ssub.s32 @!p0 $0x0, s1;
	[sflag:s0] =	ssyncset.done @!p0 $0x0  }
0x4c: {  	[sflag:s0] =	ssyncadd.s32 @!p0 s1  }
0x4d: {  	[bflag:$0x3] =	sbarrier.arrive $0xFFFF  }
0x4e: {  	_ =	shalt  }

// kernel: kernel.35.cloned.1.call-start
scs
__scs_entry_jumppad:
0x0: {  	(pc) =	sbr.rel $0x88, $3  }
0x1: {  	(tag) =	ssettag $0x0;
	lr =	simm.s32 $0x1  }
0x2: {  	[smem:$0x3F98] =	sst lr;
	_ =	strace $0xD0000000  }
0x3: {  	_ = 	snop  }
0x4: {  	_ = 	snop  }
0x5: {  	_ = 	snop  }
0x6: {  	_ = 	snop  }
0x7: {  	_ = 	snop  }
__scs_overlays_trampoline_lowered:
0x8: {  	[smem:$0x3FA7] =	sst s0  }
0x9: {  	[smem:$0x3FA8] =	sst s1  }
0xa: {  	[smem:$0x3FA9] =	sst s2  }
0xb: {  	[smem:$0x3FAA] =	sst s3  }
0xc: {  	[smem:$0x3FAB] =	sst s4  }
0xd: {  	[smem:$0x3FAC] =	sst s5  }
0xe: {  	[smem:$0x3FAD] =	sst s6  }
0xf: {  	[smem:$0x3FAE] =	sst s7  }
0x10: {  	[smem:$0x3FAF] =	sst s8  }
0x11: {  	[smem:$0x3FB0] =	sst s9;
	s0 =	simm.s32 @!p0 $0x0  }
0x12: {  	s1 =	sld [smem:$0x3F96];
	s0 =	simm.s32 @p0 $0x1  }
0x13: {  	[smem:$0x3FB1] =	sst s0;
	s0 =	simm.s32 @!p1 $0x0  }
0x14: {  	s2 =	sld [smem:$0x3F95];
	s0 =	simm.s32 @p1 $0x1  }
0x15: {  	[smem:$0x3FB2] =	sst s0;
	s0 =	simm.s32 @!p2 $0x0  }
0x16: {  	s3 =	sld [smem:$0x3FDB];
	s0 =	simm.s32 @p2 $0x1  }
0x17: {  	s4 =	simm.s32 $0x1BF5;
	[smem:$0x3FB4] =	sst s0  }
0x18: {  	s0 =	sld [smem:$0x3F97];
	_ =	swait.ge [sflag:s4], $0x0  }
0x19: {  	s7 =	sld [smem:$0x3F98]  }
0x1a: {  	s8 =	sadd.s32 $0xFFFFE003, lr  }
0x1b: {  	s9 =	sadd.s32 $0xFFFFFEF7, lr;
	s5 =	simm.s32 $0xFFFFFFFF;
	p2 =	slt.u32 s8, $0xFFFFF086  }
0x1c: {  	p1 =	slt.u32 s9, $0xF7A;
	s5 =	simm.s32 @!p2 $0x0  }
0x1d: {  	s5 =	simm.s32 @p1 $0x1;
	p0 =	seq.s32 s7, s2  }
0x1e: {  	s7 =	smul.u32 @!p0 $0xF7A, s2;
	p2 =	seq.s32 @!p0 s5, $0x0  }
0x1f: {  	s9 =	smul.u32 $0xF7A, s1;
	s8 =	simm.s32 @!p0 $0x1BF5;
	p2 =	por !p2, p0  }
0x20: {  	[sflag:s8] =	ssyncset.s32 @!p0 $0xFFFFF086;
	s6 =	sadd.s32 @!p0 s3, s7;
	s7 =	simm.s32 @!p0 $0x108  }
0x21: {  	s3 =	sadd.s32 s3, s9;
	s6 =	sadd.s32 @!p0 $0x88, s6;
	s7 =	simm.s32 @p2 $0x1082  }
0x22: {  	[simem:s7], [sflag:s8] =	dma.local @!p0 [hbm:s6], $0xF7A  }
0x23: {  	s9 =	sor.u32 $0xD0000000, s2;
	s6 =	simm.s32 $0x108;
	_ =	swait.ge @!p0 [sflag:s8], $0x0  }
0x24: {  	s3 =	sadd.s32 $0x88, s3;
	s6 =	simm.s32 @!p1 $0x1082;
	[sflag:s4] =	ssyncset.s32 $0xFFFFF086  }
0x25: {  	[simem:s6], [sflag:s4] =	dma.local [hbm:s3], $0xF7A  }
0x26: {  	[smem:$0x3F98] =	sst s1;
	(tag) =	ssettag s2;
	_ =	strace s9  }
0x27: {  	s1 =	sld [smem:$0x3FA8]  }
0x28: {  	s2 =	sld [smem:$0x3FA9]  }
0x29: {  	s4 =	sld [smem:$0x3FAB]  }
0x2a: {  	p0 =	seq.s32 s5, $0x0;
	s5 =	sld [smem:$0x3FAC]  }
0x2b: {  	s6 =	sld [smem:$0x3FAD]  }
0x2c: {  	s7 =	sld [smem:$0x3FAE]  }
0x2d: {  	s3 =	simm.s32 $0x108;
	s8 =	sld [smem:$0x3FAF]  }
0x2e: {  	s3 =	simm.s32 @!p0 $0x1082;
	s9 =	sld [smem:$0x3FB0]  }
0x2f: {  	lr =	sadd.s32 s0, s3;
	s0 =	sld [smem:$0x3FA7]  }
0x30: {  	s3 =	sld [smem:$0x3FAA]  }
0x31: {  	[smem:$0x3FB3] =	sst s10  }
0x32: {  	s10 =	sld [smem:$0x3FB1];
	_ =	sdelay $0x3  }
0x33: {  	p0 =	seq.s32 s10, $0x1;
	s10 =	sld [smem:$0x3FB3];
	_ =	sdelay $0x3  }
0x34: {  	[smem:$0x3FB3] =	sst s10  }
0x35: {  	s10 =	sld [smem:$0x3FB2];
	_ =	sdelay $0x3  }
0x36: {  	p1 =	seq.s32 s10, $0x1;
	s10 =	sld [smem:$0x3FB3];
	_ =	sdelay $0x3  }
0x37: {  	[smem:$0x3FB3] =	sst s10  }
0x38: {  	s10 =	sld [smem:$0x3FB4]  }
0x39: {  	_ = 	snop;
	(pc) =	sbr.ind lr, $3  }
0x3a: {  	_ = 	snop  }
0x3b: {  	_ = 	snop  }
0x3c: {  	p2 =	seq.s32 s10, $0x1;
	s10 =	sld [smem:$0x3FB3]  }
0x3d: {  	_ =	shalt  }
0x3e: {  	_ =	shalt  }
0x3f: {  	_ =	shalt  }
0x40: {  	_ =	shalt  }
0x41: {  	_ =	shalt  }
0x42: {  	_ =	shalt  }
0x43: {  	_ =	shalt  }
0x44: {  	_ =	shalt  }
0x45: {  	_ =	shalt  }
0x46: {  	_ =	shalt  }
0x47: {  	_ =	shalt  }
0x48: {  	_ =	shalt  }
0x49: {  	_ =	shalt  }
0x4a: {  	_ =	shalt  }
0x4b: {  	_ =	shalt  }
0x4c: {  	_ =	shalt  }
0x4d: {  	_ =	shalt  }
0x4e: {  	_ =	shalt  }
0x4f: {  	_ =	shalt  }
0x50: {  	_ =	shalt  }
0x51: {  	_ =	shalt  }
0x52: {  	_ =	shalt  }
0x53: {  	_ =	shalt  }
0x54: {  	_ =	shalt  }
0x55: {  	_ =	shalt  }
0x56: {  	_ =	shalt  }
0x57: {  	_ =	shalt  }
0x58: {  	_ =	shalt  }
0x59: {  	_ =	shalt  }
0x5a: {  	_ =	shalt  }
0x5b: {  	_ =	shalt  }
0x5c: {  	_ =	shalt  }
0x5d: {  	_ =	shalt  }
0x5e: {  	_ =	shalt  }
0x5f: {  	_ =	shalt  }
0x60: {  	_ =	shalt  }
0x61: {  	_ =	shalt  }
0x62: {  	_ =	shalt  }
0x63: {  	_ =	shalt  }
0x64: {  	_ =	shalt  }
0x65: {  	_ =	shalt  }
0x66: {  	_ =	shalt  }
0x67: {  	_ =	shalt  }
0x68: {  	_ =	shalt  }
0x69: {  	_ =	shalt  }
0x6a: {  	_ =	shalt  }
0x6b: {  	_ =	shalt  }
0x6c: {  	_ =	shalt  }
0x6d: {  	_ =	shalt  }
0x6e: {  	_ =	shalt  }
0x6f: {  	_ =	shalt  }
0x70: {  	_ =	shalt  }
0x71: {  	_ =	shalt  }
0x72: {  	_ =	shalt  }
0x73: {  	_ =	shalt  }
0x74: {  	_ =	shalt  }
0x75: {  	_ =	shalt  }
0x76: {  	_ =	shalt  }
0x77: {  	_ =	shalt  }
0x78: {  	_ =	shalt  }
0x79: {  	_ =	shalt  }
0x7a: {  	_ =	shalt  }
0x7b: {  	_ =	shalt  }
0x7c: {  	_ =	shalt  }
0x7d: {  	_ =	shalt  }
0x7e: {  	_ =	shalt  }
0x7f: {  	_ =	shalt  }
0x80: {  	_ =	shalt  }
0x81: {  	_ =	shalt  }
0x82: {  	_ =	shalt  }
0x83: {  	_ =	shalt  }
0x84: {  	_ =	shalt  }
0x85: {  	_ =	shalt  }
0x86: {  	_ =	shalt  }
0x87: {  	_ =	shalt  }
.Lfunc_end0:
.L_simem_size_0:
called_computation.7_lowered:
.L_overlay_start_0:
0x88: {  	s2 =	sld [smem:$0x3FD9]  }
0x89: {  	s3 =	sld [smem:$0x3FFE];
	_ =	sdelay $0x1  }
0x8a: {  	s1 =	srdreg.scid  }
0x8b: {  	s0 =	sand.u32 $0x1, s1  }
0x8c: {  	s16 =	sshll.u32 s0, $0xA;
	s2 =	sadd.s32 s3, s2  }
0x8d: {  	s2 =	sadd.s32 s2, s16  }
0x8e: {  	[smem:$0x3FBF] =	sst s2  }
0x8f: {  	_ = 	snop  }
0x90: {  	(tm) =	ssettm $0x1  }
0x91: {  	s17 =	sld [smem:$0x3FFB];
	_ =	sdelay $0x3  }
0x92: {  	_ =	strace s17  }
0x93: {  	s2 =	sld [smem:$0x3FFC];
	_ =	sdelay $0x3  }
0x94: {  	_ =	strace s2  }
0x95: {  	s2 =	sld [smem:$0x3FFD];
	_ =	sdelay $0x3  }
0x96: {  	_ =	strace s2  }
0x97: {  	_ =	strace $0x8FFFFFFF  }
0x98: {  	s18 =	sld [smem:$0x3FDB];
	_ =	sdelay $0x1  }
0x99: {  	s19 =	simm.s32 $_scs_section_size  }
0x9a: {  	s4 =	simm.s32 $_size__tile_overlayer_lowered;
	s5 =	simm.s32 $_tile_overlayer_lowered  }
0x9b: {  	s22 =	simm.s32 $0x1BFF;
	s21 =	sshll.u32 s5, $0x1;
	s2 =	sadd.s32 s19, s18  }
0x9c: {  	s6 =	simm.s32 $0x0;
	s20 =	sshll.u32 s4, $0x1;
	s4 =	sadd.s32 s21, s2  }
0x9d: {  	[timem:s6], [sflag:s22] =	dma.local [hbm:s4], s20  }
0x9e: {  	_ =	swait.ge [sflag:s22], s20  }
0x9f: {  	s3 =	ssub.s32 $0x0, s20;
	[sflag:s22] =	ssyncset.done $0x0  }
0xa0: {  	[sflag:s22] =	ssyncadd.s32 s3;
	_ =	sdelay $0x1  }
0xa1: {  	s23 =	simm.s32 $0x1B8B  }
0xa2: {  	_ =	swait.ge [sflag:s23], $0x1  }
0xa3: {  	[sflag:s23] =	ssyncset.done $0x0  }
0xa4: {  	s25 =	simm.s32 $0x1B8E;
	s24 =	sld [smem:$0x3FFE];
	[sflag:s23] =	ssyncadd.s32 $0xFFFFFFFF  }
0xa5: {  	s26 =	simm.s32 $execute0_lowered;
	[smem:$0x3FD2] =	sst s25  }
0xa6: {  	s4 =	sshll.u32 s26, $0x1;
	_ =	strace $0x80000055;
	[dreg:$0x1] =	wrdreg $0xFFFFFFFF  }
0xa7: {  	s28 =	simm.s32 $_size_execute0_lowered;
	s2 =	sadd.s32 s2, s4;
	[dreg:$0x0] =	wrdreg $0x0  }
0xa8: {  	s4 =	sshll.u32 s28, $0x1;
	[dreg:$0x2] =	wrdreg s2  }
0xa9: {  	[dreg:$0x3] =	wrdreg s4  }
0xaa: {  	[dreg:$0x4] =	wrdreg $0xC0  }
0xab: {  	_ =	task [dreg:s6], $0x5FFFF  }
0xac: {  	[dreg:$0x1] =	wrdreg $0xFFFFFFFF  }
0xad: {  	[dreg:$0x0] =	wrdreg $0x60  }
0xae: {  	[dreg:$0x2] =	wrdreg s24  }
0xaf: {  	[dreg:$0x3] =	wrdreg $0x106000  }
0xb0: {  	[dreg:$0x4] =	wrdreg $0x9  }
0xb1: {  	_ =	task.clear_ibuf [dreg:s6], $0x5FFFF;
	_ =	strace $0x90000055  }
0xb2: {  	s29 =	simm.s32 $0x9;
	_ =	strace $0x80000057  }
0xb3: {  	_ =	swait.ge [sflag:s29], $0x1  }
0xb4: {  	[sflag:s29] =	ssyncadd.s32 $0xFFFFFFFF  }
0xb5: {  	_ =	strace $0x90000057  }
0xb6: {  	_ =	sfence  }
0xb7: {  	s30 =	sld [smem:$0x0];
	_ =	sdelay $0x2  }
0xb8: {  	s31 =	sshll.u32 s1, $0xD;
	s1 =	sshrl.u32 s1, $0x2  }
0xb9: {  	s3 =	sand.u32 $0x4000, s31;
	s1 =	sadd.s32 s1, s30  }
0xba: {  	s0 =	sor.u32 s3, s0;
	s1 =	sshll.u32 s1, $0x11  }
0xbb: {  	s0 =	sor.u32 s1, s0  }
0xbc: {  	s0 =	sadd.s32 $0x8F2B, s0  }
0xbd: {  	[sflag:s0] =	ssyncadd.remote.s32 $0x1  }
0xbe: {  	_ =	sfence.sel $0xFFFF  }
0xbf: {  	[dreg:$0x0] =	wrdreg $0xFFFFFFFF;
	(pc) =	sbr.abs _section_cstart, $3  }
0xc0: {  	[dreg:$0x1] =	wrdreg $0xFFFFFFFF  }
0xc1: {  	_ =	task.clear_ibuf [dreg:s6], $0x2FFFF;
	_ =	strace $0x9FFFFFFF  }
0xc2: {  	(tm) =	ssettm $0x7FFFFFFF  }
0xc3: {  	_ =	shalt  }
tec
execute0_lowered:
.L_overlay_start_1:
0x0: {  	(tag) =	ssettag $0x1  }
0x1: {  	s5 =	rddreg [dreg:$0x0]  }
0x2: {  	s0 =	srdreg.scid;
	s6 =	rddreg [dreg:$0x1];
	s2 =	simm.s32 $0x0  }
0x3: {  	s13 =	simm.s32 $0x1400;
	s14 =	simm.s32 $0x80;
	s15 =	simm.s32 $0x2800  }
0x4: {  	s16 =	simm.s32 $0x1;
	s17 =	simm.s32 $0x4800;
	s18 =	simm.s32 $0x2  }
0x5: {  	s19 =	simm.s32 $0x1380;
	s20 =	simm.s32 $0x6800;
	s21 =	simm.s32 $0x0  }
0x6: {  	s4 =	sand.u32 $0x1, s0;
	s0 =	stileid.u32;
	[smem:$0x7FF] =	sst s2  }
0x7: {  	s3 =	sadd.s32 $0x37600, s5;
	s1 =	sshll.u32 s4, $0x4;
	s8 =	smul.u32 $0x9E00, s0  }
0x8: {  	s9 =	smul.u32 $0x9E000, s4;
	s4 =	ssub.s32 $0x2, s4;
	s1 =	sor.u32 s0, s1  }
0x9: {  	s12 =	sshll.u32 s0, $0x6;
	s11 =	sshrl.u32 s4, $0x1;
	s7 =	smul.u32 $0x280, s1  }
0xa: {  	s1 =	rddreg [dreg:$0x2];
	_ =	strace $0x80000056;
	s31 =	sshrl.u32 s8, $0x3  }
0xb: {  	s9 =	sadd.s32 s8, s9;
	s11 =	ssub.s32 s4, s11;
	s4 =	sadd.s32 s8, s6  }
0xc: {  	s6 =	sor.u32 $0x1C03, s12;
	s12 =	simm.s32 $0x3;
	s9 =	sshrl.u32 s9, $0x3  }
0xd: {  	s10 =	sadd.s32 s7, s5;
	s7 =	sadd.s32 s31, s5;
	s9 =	sadd.s32 s9, s5  }
0xe: {  	s5 =	sadd.s32 $0x4B200, s7;
	s7 =	sadd.s32 $0x5E00, s10;
	s8 =	sadd.s32 $0xAE00, s10  }
0xf: {  	s9 =	sadd.s32 $0x5EE00, s9;
	s10 =	smax.u32 s11, $0x1;
	s11 =	sshrl.u32 s4, $0x3  }
.LBB2_1:
0x10: {  	[spmem:s11], [sflag:s6] =	dma.local [hbm:s5], $0x13C0  }
0x11: {  	_ =	swait.ge [sflag:s12], $0x13C0  }
0x12: {  	[sflag:s12] =	ssyncset.done $0x0  }
0x13: {  	[sflag:s12] =	ssyncadd.s32 $0xFFFFEC40  }
0x14: {  	[tilespmem:s2], [sflag:$0x3] =	stream.linear.gather [hbm4b:s7+s2], $0x1400, $0x38;
	[tilespmem:$0x1A400] =	vst v63  }
0x15: {  	_ =	swait.ge [sflag:s12], $0x1400  }
0x16: {  	[sflag:s12] =	ssyncset.done $0x0  }
0x17: {  	[sflag:s12] =	ssyncadd.s32 $0xFFFFEC00  }
0x18: {  	[tilespmem:s13], [sflag:$0x3] =	stream.linear.gather [hbm4b:s8+s2], $0x1400, $0x38;
	[tilespmem:$0x1A400] =	vst v63  }
0x19: {  	_ =	swait.ge [sflag:s12], $0x1400  }
0x1a: {  	[sflag:s12] =	ssyncset.done $0x0  }
0x1b: {  	[sflag:s12] =	ssyncadd.s32 $0xFFFFEC00  }
0x1c: {  	[bflag:$0x0] =	sbarrier.arrive $0xFFFF  }
0x1d: {  	[tilespmem:s15], [sflag:$0x1] =	stream.indirect.gather [hbm4b:s3+s14], $0x40, s2, s14, $0xb8;
	[tilespmem:$0x1A400] =	vst v63  }
0x1e: {  	_ =	swait.ge [sflag:s16], $0x2000  }
0x1f: {  	[sflag:s16] =	ssyncset.done $0x0  }
0x20: {  	s22 =	simm.s32 $0x80;
	[sflag:s16] =	ssyncadd.s32 $0xFFFFE000  }
0x21: {  	[tilespmem:s17], [sflag:$0x2] =	stream.indirect.gather [hbm4b:s3+s14], $0x40, s22, s14, $0xb8;
	[tilespmem:$0x1A400] =	vst v63  }
0x22: {  	_ =	swait.ge [sflag:s18], $0x2000  }
0x23: {  	[sflag:s18] =	ssyncset.done $0x0  }
0x24: {  	s23 =	simm.s32 $0x100;
	s22 =	simm.s32 $0xFFFFB800;
	[sflag:s18] =	ssyncadd.s32 $0xFFFFE000  }
.LBB2_2:
0x25: {  	[tilespmem:s15], [sflag:$0x1] =	stream.indirect.gather [hbm4b:s3+s14], $0x40, s23, s14, $0xb8;
	[tilespmem:$0x1A400] =	vst v63  }
0x26: {  	s23 =	smov.u32 s22  }
0x27: {  	p0 =	sne.s32 s22, $0xFFFFFC00;
	s22 =	sadd.s32 $0x400, s22;
	_ =	swait.ge [sflag:s16], $0x2000  }
0x28: {  	s23 =	sshra.s32 s23, $0x2;
	[sflag:s16] =	ssyncset.done $0x0  }
.Ltmp0:
0x29: {  	s24 =	sadd.s32 $0x1380, s23;
	[sflag:s16] =	ssyncadd.s32 $0xFFFFE000;
	(pc) =	sbr.rel @p0 .LBB2_2-.Ltmp0, $4  }
0x2a: {  	[tilespmem:s17], [sflag:$0x2] =	stream.indirect.gather [hbm4b:s3+s14], $0x40, s24, s14, $0xb8;
	[tilespmem:$0x1A400] =	vst v63  }
0x2b: {  	_ =	swait.ge [sflag:s18], $0x2000  }
0x2c: {  	[sflag:s18] =	ssyncset.done $0x0  }
0x2d: {  	s23 =	sadd.s32 $0x1400, s23;
	[sflag:s18] =	ssyncadd.s32 $0xFFFFE000  }
0x2e: {  	[tilespmem:s15], [sflag:$0x1] =	stream.indirect.gather [hbm4b:s3+s14], $0x40, s23, s14, $0xb8;
	[tilespmem:$0x1A400] =	vst v63  }
0x2f: {  	_ =	swait.ge [sflag:s16], $0x2000  }
0x30: {  	[sflag:s16] =	ssyncset.done $0x0  }
0x31: {  	[sflag:s16] =	ssyncadd.s32 $0xFFFFE000  }
0x32: {  	[tilespmem:s17], [sflag:$0x2] =	stream.indirect.gather [hbm4b:s3+s14], $0x40, s19, s14, $0xb8;
	[tilespmem:$0x1A400] =	vst v63  }
0x33: {  	_ =	swait.ge [sflag:s18], $0x2000  }
0x34: {  	[sflag:s18] =	ssyncset.done $0x0  }
0x35: {  	[sflag:s18] =	ssyncadd.s32 $0xFFFFE000  }
0x36: {  	[bflag:$0x0] =	sbarrier.arrive $0xFFFF  }
0x37: {  	[tilespmem:s20], [sflag:$0x3] =	stream.linear.gather [spmem:s4], $0x9E00, $0x38;
	[tilespmem:$0x1A400] =	vst v63  }
0x38: {  	s21 =	sadd.s32 $0x1, s21;
	_ =	swait.ge [sflag:s12], $0x9E00  }
0x39: {  	p0 =	sne.s32 s21, s10;
	[sflag:s12] =	ssyncset.done $0x0  }
.Ltmp1:
0x3a: {  	[sflag:s12] =	ssyncadd.s32 $0xFFFF6200;
	(pc) =	sbr.rel @p0 .LBB2_1-.Ltmp1, $4  }
0x3b: {  	[hbm4b:s9+s2] =	stream.linear.scatter [tilespmem:s20], [sflag:$0x3], $0x9E00, $0x38;
	[tilespmem:$0x1A400] =	vst v63  }
0x3c: {  	_ =	swait.ge [sflag:s12], $0x9E00  }
0x3d: {  	[sflag:s12] =	ssyncset.done $0x0  }
0x3e: {  	[sflag:s12] =	ssyncadd.s32 $0xFFFF6200  }
0x3f: {  	_ =	sfence.sel $0x180000  }
0x40: {  	[bflag:$0x0] =	sbarrier.arrive $0xFFFF  }
0x41: {  	p0 =	sne.s32 s0, $0x0;
	_ =	strace $0x90000056  }
0x42: {  	s0 =	sadd.s32 @!p0 $0x100000, s1;
	[bflag:$0x2] =	sbarrier.arrive $0xFFFF  }
0x43: {  	[sflag:s0] =	ssyncadd.tile.s32 @!p0 $0x1;
	_ =	shalt  }
.Lfunc_end2:
_tile_overlayer_lowered:
.L_overlay_start_2:
0x44: {  	(tag) =	ssettag $0x2  }
0x45: {  	s0 =	rddreg [dreg:$0x0];
	s2 =	stileid.u32  }
0x46: {  	s1 =	rddreg [dreg:$0x1];
	p0 =	sne.s32 s2, $0x0  }
0x47: {  	s3 =	rddreg [dreg:$0x2];
	[bflag:$0x3] =	sbarrier.arrive $0xFFFF;
	s2 =	simm.s32 @!p0 $0x1C03  }
0x48: {  	[timem:s3], [sflag:s2] =	dma.local @!p0 [hbm:s0], s1  }
0x49: {  	s0 =	simm.s32 @!p0 $0x3  }
0x4a: {  	_ =	swait.ge @!p0 [sflag:s0], s1  }
0x4b: {  	s1 =	ssub.s32 @!p0 $0x0, s1;
	[sflag:s0] =	ssyncset.done @!p0 $0x0  }
0x4c: {  	[sflag:s0] =	ssyncadd.s32 @!p0 s1  }
0x4d: {  	[bflag:$0x3] =	sbarrier.arrive $0xFFFF  }
0x4e: {  	_ =	shalt  }

// kernel: kernel.38.cloned.1.call-start
scs
__scs_entry_jumppad:
0x0: {  	(pc) =	sbr.rel $0x88, $3  }
0x1: {  	(tag) =	ssettag $0x0;
	lr =	simm.s32 $0x1  }
0x2: {  	[smem:$0x3F98] =	sst lr;
	_ =	strace $0xD0000000  }
0x3: {  	_ = 	snop  }
0x4: {  	_ = 	snop  }
0x5: {  	_ = 	snop  }
0x6: {  	_ = 	snop  }
0x7: {  	_ = 	snop  }
__scs_overlays_trampoline_lowered:
0x8: {  	[smem:$0x3FA7] =	sst s0  }
0x9: {  	[smem:$0x3FA8] =	sst s1  }
0xa: {  	[smem:$0x3FA9] =	sst s2  }
0xb: {  	[smem:$0x3FAA] =	sst s3  }
0xc: {  	[smem:$0x3FAB] =	sst s4  }
0xd: {  	[smem:$0x3FAC] =	sst s5  }
0xe: {  	[smem:$0x3FAD] =	sst s6  }
0xf: {  	[smem:$0x3FAE] =	sst s7  }
0x10: {  	[smem:$0x3FAF] =	sst s8  }
0x11: {  	[smem:$0x3FB0] =	sst s9;
	s0 =	simm.s32 @!p0 $0x0  }
0x12: {  	s1 =	sld [smem:$0x3F96];
	s0 =	simm.s32 @p0 $0x1  }
0x13: {  	[smem:$0x3FB1] =	sst s0;
	s0 =	simm.s32 @!p1 $0x0  }
0x14: {  	s2 =	sld [smem:$0x3F95];
	s0 =	simm.s32 @p1 $0x1  }
0x15: {  	[smem:$0x3FB2] =	sst s0;
	s0 =	simm.s32 @!p2 $0x0  }
0x16: {  	s3 =	sld [smem:$0x3FDB];
	s0 =	simm.s32 @p2 $0x1  }
0x17: {  	s4 =	simm.s32 $0x1BF5;
	[smem:$0x3FB4] =	sst s0  }
0x18: {  	s0 =	sld [smem:$0x3F97];
	_ =	swait.ge [sflag:s4], $0x0  }
0x19: {  	s7 =	sld [smem:$0x3F98]  }
0x1a: {  	s8 =	sadd.s32 $0xFFFFE003, lr  }
0x1b: {  	s9 =	sadd.s32 $0xFFFFFEF7, lr;
	s5 =	simm.s32 $0xFFFFFFFF;
	p2 =	slt.u32 s8, $0xFFFFF086  }
0x1c: {  	p1 =	slt.u32 s9, $0xF7A;
	s5 =	simm.s32 @!p2 $0x0  }
0x1d: {  	s5 =	simm.s32 @p1 $0x1;
	p0 =	seq.s32 s7, s2  }
0x1e: {  	s7 =	smul.u32 @!p0 $0xF7A, s2;
	p2 =	seq.s32 @!p0 s5, $0x0  }
0x1f: {  	s9 =	smul.u32 $0xF7A, s1;
	s8 =	simm.s32 @!p0 $0x1BF5;
	p2 =	por !p2, p0  }
0x20: {  	[sflag:s8] =	ssyncset.s32 @!p0 $0xFFFFF086;
	s6 =	sadd.s32 @!p0 s3, s7;
	s7 =	simm.s32 @!p0 $0x108  }
0x21: {  	s3 =	sadd.s32 s3, s9;
	s6 =	sadd.s32 @!p0 $0x88, s6;
	s7 =	simm.s32 @p2 $0x1082  }
0x22: {  	[simem:s7], [sflag:s8] =	dma.local @!p0 [hbm:s6], $0xF7A  }
0x23: {  	s9 =	sor.u32 $0xD0000000, s2;
	s6 =	simm.s32 $0x108;
	_ =	swait.ge @!p0 [sflag:s8], $0x0  }
0x24: {  	s3 =	sadd.s32 $0x88, s3;
	s6 =	simm.s32 @!p1 $0x1082;
	[sflag:s4] =	ssyncset.s32 $0xFFFFF086  }
0x25: {  	[simem:s6], [sflag:s4] =	dma.local [hbm:s3], $0xF7A  }
0x26: {  	[smem:$0x3F98] =	sst s1;
	(tag) =	ssettag s2;
	_ =	strace s9  }
0x27: {  	s1 =	sld [smem:$0x3FA8]  }
0x28: {  	s2 =	sld [smem:$0x3FA9]  }
0x29: {  	s4 =	sld [smem:$0x3FAB]  }
0x2a: {  	p0 =	seq.s32 s5, $0x0;
	s5 =	sld [smem:$0x3FAC]  }
0x2b: {  	s6 =	sld [smem:$0x3FAD]  }
0x2c: {  	s7 =	sld [smem:$0x3FAE]  }
0x2d: {  	s3 =	simm.s32 $0x108;
	s8 =	sld [smem:$0x3FAF]  }
0x2e: {  	s3 =	simm.s32 @!p0 $0x1082;
	s9 =	sld [smem:$0x3FB0]  }
0x2f: {  	lr =	sadd.s32 s0, s3;
	s0 =	sld [smem:$0x3FA7]  }
0x30: {  	s3 =	sld [smem:$0x3FAA]  }
0x31: {  	[smem:$0x3FB3] =	sst s10  }
0x32: {  	s10 =	sld [smem:$0x3FB1];
	_ =	sdelay $0x3  }
0x33: {  	p0 =	seq.s32 s10, $0x1;
	s10 =	sld [smem:$0x3FB3];
	_ =	sdelay $0x3  }
0x34: {  	[smem:$0x3FB3] =	sst s10  }
0x35: {  	s10 =	sld [smem:$0x3FB2];
	_ =	sdelay $0x3  }
0x36: {  	p1 =	seq.s32 s10, $0x1;
	s10 =	sld [smem:$0x3FB3];
	_ =	sdelay $0x3  }
0x37: {  	[smem:$0x3FB3] =	sst s10  }
0x38: {  	s10 =	sld [smem:$0x3FB4]  }
0x39: {  	_ = 	snop;
	(pc) =	sbr.ind lr, $3  }
0x3a: {  	_ = 	snop  }
0x3b: {  	_ = 	snop  }
0x3c: {  	p2 =	seq.s32 s10, $0x1;
	s10 =	sld [smem:$0x3FB3]  }
0x3d: {  	_ =	shalt  }
0x3e: {  	_ =	shalt  }
0x3f: {  	_ =	shalt  }
0x40: {  	_ =	shalt  }
0x41: {  	_ =	shalt  }
0x42: {  	_ =	shalt  }
0x43: {  	_ =	shalt  }
0x44: {  	_ =	shalt  }
0x45: {  	_ =	shalt  }
0x46: {  	_ =	shalt  }
0x47: {  	_ =	shalt  }
0x48: {  	_ =	shalt  }
0x49: {  	_ =	shalt  }
0x4a: {  	_ =	shalt  }
0x4b: {  	_ =	shalt  }
0x4c: {  	_ =	shalt  }
0x4d: {  	_ =	shalt  }
0x4e: {  	_ =	shalt  }
0x4f: {  	_ =	shalt  }
0x50: {  	_ =	shalt  }
0x51: {  	_ =	shalt  }
0x52: {  	_ =	shalt  }
0x53: {  	_ =	shalt  }
0x54: {  	_ =	shalt  }
0x55: {  	_ =	shalt  }
0x56: {  	_ =	shalt  }
0x57: {  	_ =	shalt  }
0x58: {  	_ =	shalt  }
0x59: {  	_ =	shalt  }
0x5a: {  	_ =	shalt  }
0x5b: {  	_ =	shalt  }
0x5c: {  	_ =	shalt  }
0x5d: {  	_ =	shalt  }
0x5e: {  	_ =	shalt  }
0x5f: {  	_ =	shalt  }
0x60: {  	_ =	shalt  }
0x61: {  	_ =	shalt  }
0x62: {  	_ =	shalt  }
0x63: {  	_ =	shalt  }
0x64: {  	_ =	shalt  }
0x65: {  	_ =	shalt  }
0x66: {  	_ =	shalt  }
0x67: {  	_ =	shalt  }
0x68: {  	_ =	shalt  }
0x69: {  	_ =	shalt  }
0x6a: {  	_ =	shalt  }
0x6b: {  	_ =	shalt  }
0x6c: {  	_ =	shalt  }
0x6d: {  	_ =	shalt  }
0x6e: {  	_ =	shalt  }
0x6f: {  	_ =	shalt  }
0x70: {  	_ =	shalt  }
0x71: {  	_ =	shalt  }
0x72: {  	_ =	shalt  }
0x73: {  	_ =	shalt  }
0x74: {  	_ =	shalt  }
0x75: {  	_ =	shalt  }
0x76: {  	_ =	shalt  }
0x77: {  	_ =	shalt  }
0x78: {  	_ =	shalt  }
0x79: {  	_ =	shalt  }
0x7a: {  	_ =	shalt  }
0x7b: {  	_ =	shalt  }
0x7c: {  	_ =	shalt  }
0x7d: {  	_ =	shalt  }
0x7e: {  	_ =	shalt  }
0x7f: {  	_ =	shalt  }
0x80: {  	_ =	shalt  }
0x81: {  	_ =	shalt  }
0x82: {  	_ =	shalt  }
0x83: {  	_ =	shalt  }
0x84: {  	_ =	shalt  }
0x85: {  	_ =	shalt  }
0x86: {  	_ =	shalt  }
0x87: {  	_ =	shalt  }
.Lfunc_end0:
.L_simem_size_0:
called_computation.8_lowered:
.L_overlay_start_0:
0x88: {  	s2 =	sld [smem:$0x3FD9]  }
0x89: {  	s3 =	sld [smem:$0x3FFE];
	_ =	sdelay $0x1  }
0x8a: {  	s1 =	srdreg.scid  }
0x8b: {  	s0 =	sand.u32 $0x1, s1  }
0x8c: {  	s16 =	sshll.u32 s0, $0xA;
	s2 =	sadd.s32 s3, s2  }
0x8d: {  	s2 =	sadd.s32 s2, s16  }
0x8e: {  	[smem:$0x3FBF] =	sst s2  }
0x8f: {  	_ = 	snop  }
0x90: {  	(tm) =	ssettm $0x1  }
0x91: {  	s17 =	sld [smem:$0x3FFB];
	_ =	sdelay $0x3  }
0x92: {  	_ =	strace s17  }
0x93: {  	s2 =	sld [smem:$0x3FFC];
	_ =	sdelay $0x3  }
0x94: {  	_ =	strace s2  }
0x95: {  	s2 =	sld [smem:$0x3FFD];
	_ =	sdelay $0x3  }
0x96: {  	_ =	strace s2  }
0x97: {  	_ =	strace $0x8FFFFFFF  }
0x98: {  	s18 =	sld [smem:$0x3FDB];
	_ =	sdelay $0x1  }
0x99: {  	s19 =	simm.s32 $_scs_section_size  }
0x9a: {  	s4 =	simm.s32 $_size__tile_overlayer_lowered;
	s5 =	simm.s32 $_tile_overlayer_lowered  }
0x9b: {  	s22 =	simm.s32 $0x1BFF;
	s21 =	sshll.u32 s5, $0x1;
	s2 =	sadd.s32 s19, s18  }
0x9c: {  	s6 =	simm.s32 $0x0;
	s20 =	sshll.u32 s4, $0x1;
	s4 =	sadd.s32 s21, s2  }
0x9d: {  	[timem:s6], [sflag:s22] =	dma.local [hbm:s4], s20  }
0x9e: {  	_ =	swait.ge [sflag:s22], s20  }
0x9f: {  	s3 =	ssub.s32 $0x0, s20;
	[sflag:s22] =	ssyncset.done $0x0  }
0xa0: {  	[sflag:s22] =	ssyncadd.s32 s3;
	_ =	sdelay $0x1  }
0xa1: {  	s23 =	simm.s32 $0x1B8B  }
0xa2: {  	_ =	swait.ge [sflag:s23], $0x1  }
0xa3: {  	[sflag:s23] =	ssyncset.done $0x0  }
0xa4: {  	s25 =	simm.s32 $0x1B8E;
	s24 =	sld [smem:$0x3FFE];
	[sflag:s23] =	ssyncadd.s32 $0xFFFFFFFF  }
0xa5: {  	s26 =	simm.s32 $execute0_lowered;
	[smem:$0x3FD2] =	sst s25  }
0xa6: {  	s4 =	sshll.u32 s26, $0x1;
	_ =	strace $0x80000058;
	[dreg:$0x1] =	wrdreg $0xFFFFFFFF  }
0xa7: {  	s28 =	simm.s32 $_size_execute0_lowered;
	s2 =	sadd.s32 s2, s4;
	[dreg:$0x0] =	wrdreg $0x0  }
0xa8: {  	s4 =	sshll.u32 s28, $0x1;
	[dreg:$0x2] =	wrdreg s2  }
0xa9: {  	[dreg:$0x3] =	wrdreg s4  }
0xaa: {  	[dreg:$0x4] =	wrdreg $0xC0  }
0xab: {  	_ =	task [dreg:s6], $0x5FFFF  }
0xac: {  	[dreg:$0x1] =	wrdreg $0xFFFFFFFF  }
0xad: {  	[dreg:$0x0] =	wrdreg $0x60  }
0xae: {  	[dreg:$0x2] =	wrdreg s24  }
0xaf: {  	[dreg:$0x3] =	wrdreg $0x5F800  }
0xb0: {  	[dreg:$0x4] =	wrdreg $0x9  }
0xb1: {  	_ =	task.clear_ibuf [dreg:s6], $0x5FFFF;
	_ =	strace $0x90000058  }
0xb2: {  	s29 =	simm.s32 $0x9;
	_ =	strace $0x8000005A  }
0xb3: {  	_ =	swait.ge [sflag:s29], $0x1  }
0xb4: {  	[sflag:s29] =	ssyncadd.s32 $0xFFFFFFFF  }
0xb5: {  	_ =	strace $0x9000005A  }
0xb6: {  	_ =	sfence  }
0xb7: {  	s30 =	sld [smem:$0x0];
	_ =	sdelay $0x2  }
0xb8: {  	s31 =	sshll.u32 s1, $0xD;
	s1 =	sshrl.u32 s1, $0x2  }
0xb9: {  	s3 =	sand.u32 $0x4000, s31;
	s1 =	sadd.s32 s1, s30  }
0xba: {  	s0 =	sor.u32 s3, s0;
	s1 =	sshll.u32 s1, $0x11  }
0xbb: {  	s0 =	sor.u32 s1, s0  }
0xbc: {  	s0 =	sadd.s32 $0x8F2B, s0  }
0xbd: {  	[sflag:s0] =	ssyncadd.remote.s32 $0x1  }
0xbe: {  	_ =	sfence.sel $0xFFFF  }
0xbf: {  	[dreg:$0x0] =	wrdreg $0xFFFFFFFF;
	(pc) =	sbr.abs _section_cstart, $3  }
0xc0: {  	[dreg:$0x1] =	wrdreg $0xFFFFFFFF  }
0xc1: {  	_ =	task.clear_ibuf [dreg:s6], $0x2FFFF;
	_ =	strace $0x9FFFFFFF  }
0xc2: {  	(tm) =	ssettm $0x7FFFFFFF  }
0xc3: {  	_ =	shalt  }
tec
execute0_lowered:
.L_overlay_start_1:
0x0: {  	(tag) =	ssettag $0x1  }
0x1: {  	s5 =	rddreg [dreg:$0x0]  }
0x2: {  	s0 =	srdreg.scid;
	s6 =	rddreg [dreg:$0x1];
	s2 =	simm.s32 $0x0  }
0x3: {  	s13 =	simm.s32 $0x1400;
	s14 =	simm.s32 $0x80;
	s15 =	simm.s32 $0x2800  }
0x4: {  	s16 =	simm.s32 $0x1;
	s17 =	simm.s32 $0x3000;
	s18 =	simm.s32 $0x2  }
0x5: {  	s19 =	simm.s32 $0x1380;
	s20 =	simm.s32 $0x3800;
	s21 =	simm.s32 $0x0  }
0x6: {  	s4 =	sand.u32 $0x1, s0;
	s0 =	stileid.u32;
	[smem:$0x7FF] =	sst s2  }
0x7: {  	s3 =	sadd.s32 $0xFE00, s5;
	s1 =	sshll.u32 s4, $0x4;
	s8 =	smul.u32 $0x2780, s0  }
0x8: {  	s9 =	smul.u32 $0x27800, s4;
	s4 =	ssub.s32 $0x2, s4;
	s1 =	sor.u32 s0, s1  }
0x9: {  	s12 =	sshll.u32 s0, $0x6;
	s11 =	sshrl.u32 s4, $0x1;
	s7 =	smul.u32 $0x280, s1  }
0xa: {  	s1 =	rddreg [dreg:$0x2];
	_ =	strace $0x80000059;
	s31 =	sshrl.u32 s8, $0x3  }
0xb: {  	s9 =	sadd.s32 s8, s9;
	s11 =	ssub.s32 s4, s11;
	s4 =	sadd.s32 s8, s6  }
0xc: {  	s6 =	sor.u32 $0x1C03, s12;
	s12 =	simm.s32 $0x3;
	s9 =	sshrl.u32 s9, $0x3  }
0xd: {  	s10 =	sadd.s32 s7, s5;
	s7 =	sadd.s32 s31, s5;
	s9 =	sadd.s32 s9, s5  }
0xe: {  	s5 =	sadd.s32 $0x14E00, s7;
	s7 =	sadd.s32 $0x5E00, s10;
	s8 =	sadd.s32 $0xAE00, s10  }
0xf: {  	s9 =	sadd.s32 $0x19E00, s9;
	s10 =	smax.u32 s11, $0x1;
	s11 =	sshrl.u32 s4, $0x3  }
.LBB2_1:
0x10: {  	[spmem:s11], [sflag:s6] =	dma.local [hbm:s5], $0x4F0  }
0x11: {  	_ =	swait.ge [sflag:s12], $0x4F0  }
0x12: {  	[sflag:s12] =	ssyncset.done $0x0  }
0x13: {  	[sflag:s12] =	ssyncadd.s32 $0xFFFFFB10  }
0x14: {  	[tilespmem:s2], [sflag:$0x3] =	stream.linear.gather [hbm4b:s7+s2], $0x1400, $0x38;
	[tilespmem:$0x8700] =	vst v63  }
0x15: {  	_ =	swait.ge [sflag:s12], $0x1400  }
0x16: {  	[sflag:s12] =	ssyncset.done $0x0  }
0x17: {  	[sflag:s12] =	ssyncadd.s32 $0xFFFFEC00  }
0x18: {  	[tilespmem:s13], [sflag:$0x3] =	stream.linear.gather [hbm4b:s8+s2], $0x1400, $0x38;
	[tilespmem:$0x8700] =	vst v63  }
0x19: {  	_ =	swait.ge [sflag:s12], $0x1400  }
0x1a: {  	[sflag:s12] =	ssyncset.done $0x0  }
0x1b: {  	[sflag:s12] =	ssyncadd.s32 $0xFFFFEC00  }
0x1c: {  	[bflag:$0x0] =	sbarrier.arrive $0xFFFF  }
0x1d: {  	[tilespmem:s15], [sflag:$0x1] =	stream.indirect.gather [hbm4b:s3+s14], $0x10, s2, s14, $0xb8;
	[tilespmem:$0x8700] =	vst v63  }
0x1e: {  	_ =	swait.ge [sflag:s16], $0x800  }
0x1f: {  	[sflag:s16] =	ssyncset.done $0x0  }
0x20: {  	s22 =	simm.s32 $0x80;
	[sflag:s16] =	ssyncadd.s32 $0xFFFFF800  }
0x21: {  	[tilespmem:s17], [sflag:$0x2] =	stream.indirect.gather [hbm4b:s3+s14], $0x10, s22, s14, $0xb8;
	[tilespmem:$0x8700] =	vst v63  }
0x22: {  	_ =	swait.ge [sflag:s18], $0x800  }
0x23: {  	[sflag:s18] =	ssyncset.done $0x0  }
0x24: {  	s23 =	simm.s32 $0x100;
	s22 =	simm.s32 $0xFFFFB800;
	[sflag:s18] =	ssyncadd.s32 $0xFFFFF800  }
.LBB2_2:
0x25: {  	[tilespmem:s15], [sflag:$0x1] =	stream.indirect.gather [hbm4b:s3+s14], $0x10, s23, s14, $0xb8;
	[tilespmem:$0x8700] =	vst v63  }
0x26: {  	s23 =	smov.u32 s22  }
0x27: {  	p0 =	sne.s32 s22, $0xFFFFFC00;
	s22 =	sadd.s32 $0x400, s22;
	_ =	swait.ge [sflag:s16], $0x800  }
0x28: {  	s23 =	sshra.s32 s23, $0x2;
	[sflag:s16] =	ssyncset.done $0x0  }
.Ltmp0:
0x29: {  	s24 =	sadd.s32 $0x1380, s23;
	[sflag:s16] =	ssyncadd.s32 $0xFFFFF800;
	(pc) =	sbr.rel @p0 .LBB2_2-.Ltmp0, $4  }
0x2a: {  	[tilespmem:s17], [sflag:$0x2] =	stream.indirect.gather [hbm4b:s3+s14], $0x10, s24, s14, $0xb8;
	[tilespmem:$0x8700] =	vst v63  }
0x2b: {  	_ =	swait.ge [sflag:s18], $0x800  }
0x2c: {  	[sflag:s18] =	ssyncset.done $0x0  }
0x2d: {  	s23 =	sadd.s32 $0x1400, s23;
	[sflag:s18] =	ssyncadd.s32 $0xFFFFF800  }
0x2e: {  	[tilespmem:s15], [sflag:$0x1] =	stream.indirect.gather [hbm4b:s3+s14], $0x10, s23, s14, $0xb8;
	[tilespmem:$0x8700] =	vst v63  }
0x2f: {  	_ =	swait.ge [sflag:s16], $0x800  }
0x30: {  	[sflag:s16] =	ssyncset.done $0x0  }
0x31: {  	[sflag:s16] =	ssyncadd.s32 $0xFFFFF800  }
0x32: {  	[tilespmem:s17], [sflag:$0x2] =	stream.indirect.gather [hbm4b:s3+s14], $0x10, s19, s14, $0xb8;
	[tilespmem:$0x8700] =	vst v63  }
0x33: {  	_ =	swait.ge [sflag:s18], $0x800  }
0x34: {  	[sflag:s18] =	ssyncset.done $0x0  }
0x35: {  	[sflag:s18] =	ssyncadd.s32 $0xFFFFF800  }
0x36: {  	[bflag:$0x0] =	sbarrier.arrive $0xFFFF  }
0x37: {  	[tilespmem:s20], [sflag:$0x3] =	stream.linear.gather [spmem:s4], $0x2780, $0x38;
	[tilespmem:$0x8700] =	vst v63  }
0x38: {  	s21 =	sadd.s32 $0x1, s21;
	_ =	swait.ge [sflag:s12], $0x2780  }
0x39: {  	p0 =	sne.s32 s21, s10;
	[sflag:s12] =	ssyncset.done $0x0  }
.Ltmp1:
0x3a: {  	[sflag:s12] =	ssyncadd.s32 $0xFFFFD880;
	(pc) =	sbr.rel @p0 .LBB2_1-.Ltmp1, $4  }
0x3b: {  	[hbm4b:s9+s2] =	stream.linear.scatter [tilespmem:s20], [sflag:$0x3], $0x2780, $0x38;
	[tilespmem:$0x8700] =	vst v63  }
0x3c: {  	_ =	swait.ge [sflag:s12], $0x2780  }
0x3d: {  	[sflag:s12] =	ssyncset.done $0x0  }
0x3e: {  	[sflag:s12] =	ssyncadd.s32 $0xFFFFD880  }
0x3f: {  	_ =	sfence.sel $0x180000  }
0x40: {  	[bflag:$0x0] =	sbarrier.arrive $0xFFFF  }
0x41: {  	p0 =	sne.s32 s0, $0x0;
	_ =	strace $0x90000059  }
0x42: {  	s0 =	sadd.s32 @!p0 $0x100000, s1;
	[bflag:$0x2] =	sbarrier.arrive $0xFFFF  }
0x43: {  	[sflag:s0] =	ssyncadd.tile.s32 @!p0 $0x1;
	_ =	shalt  }
.Lfunc_end2:
_tile_overlayer_lowered:
.L_overlay_start_2:
0x44: {  	(tag) =	ssettag $0x2  }
0x45: {  	s0 =	rddreg [dreg:$0x0];
	s2 =	stileid.u32  }
0x46: {  	s1 =	rddreg [dreg:$0x1];
	p0 =	sne.s32 s2, $0x0  }
0x47: {  	s3 =	rddreg [dreg:$0x2];
	[bflag:$0x3] =	sbarrier.arrive $0xFFFF;
	s2 =	simm.s32 @!p0 $0x1C03  }
0x48: {  	[timem:s3], [sflag:s2] =	dma.local @!p0 [hbm:s0], s1  }
0x49: {  	s0 =	simm.s32 @!p0 $0x3  }
0x4a: {  	_ =	swait.ge @!p0 [sflag:s0], s1  }
0x4b: {  	s1 =	ssub.s32 @!p0 $0x0, s1;
	[sflag:s0] =	ssyncset.done @!p0 $0x0  }
0x4c: {  	[sflag:s0] =	ssyncadd.s32 @!p0 s1  }
0x4d: {  	[bflag:$0x3] =	sbarrier.arrive $0xFFFF  }
0x4e: {  	_ =	shalt  }

</sc_bundles>
